<compile_context>
chip_gen: v7x
topology: tpu7x:2x2x1
jax: 0.10.2.dev20260603
libtpu: 0.0.44.dev20260713+nightly
codegen_flags: <defaults>
</compile_context>

<pallas_src>
import jax
import jax.numpy as jnp
from jax import lax
from jax.experimental import pallas as pl
from jax.experimental.pallas import tpu as pltpu
from jax.experimental.pallas import tpu_sc as plsc

_F = 26
_V = 100000
_E = 32
_B = 16384
_TOT = _B * _F
_CC = 512
_NK = 196
_V0 = (_NK - 1) * _CC
_NBF = 151
_CAP = _NBF * 128
_SD = 4
_NW = 32
_PERW = _TOT // _NW
_NCH2 = _PERW // 128
_RINGS = 8


def _call1_body(tab_t, tab_edge, xe_p, vals_hbm, inv_hbm,
                xe_v, counts_v, cursor_v, inv_v, cols_v, strip2, outbuf2,
                ssem2, fsem):
    nc = 2
    wid = lax.axis_index("s") * nc + lax.axis_index("c")

    @pl.when(wid < _F)
    def _():
        f = wid
        iota = lax.iota(jnp.int32, 16)
        iota32 = iota * 32

        pltpu.sync_copy(xe_p.at[f], xe_v)

        zeros16 = jnp.zeros((16,), jnp.int32)
        for si in range(14):
            counts_v[pl.ds(si * 16, 16)] = zeros16

        def pass1(j, c):
            x16 = xe_v[j >> 3, pl.ds((j & 7) * 16, 16)]
            c16 = x16 >> 9
            cnt, last = plsc.scan_count(c16)
            plsc.addupdate_scatter(counts_v, [c16], cnt, mask=last)
            return c

        lax.fori_loop(0, _B // 16, pass1, 0)

        carry = jnp.int32(0)
        for si in range(13):
            c16 = counts_v[pl.ds(si * 16, 16)]
            p16 = jnp.bitwise_and(c16 + 15, jnp.int32(-16))
            cs = plsc.cumsum(p16)
            cursor_v[pl.ds(si * 16, 16)] = cs - p16 + carry
            carry = carry + jnp.max(cs)

        fcap = f * _CAP

        def pass2(j, c):
            x16 = xe_v[j >> 3, pl.ds((j & 7) * 16, 16)]
            c16 = x16 >> 9
            cnt, last = plsc.scan_count(c16)
            cur = plsc.load_gather(cursor_v, [c16])
            pos = cur + (cnt - 1)
            plsc.store_scatter(cols_v, [pos], x16)
            inv_v[j >> 3, pl.ds((j & 7) * 16, 16)] = pos + fcap
            plsc.addupdate_scatter(cursor_v, [c16], cnt, mask=last)
            return c

        lax.fori_loop(0, _B // 16, pass2, 0)

        pltpu.sync_copy(inv_v, inv_hbm.at[f])

        comp_rows = [jnp.full((16,), comp, jnp.int32) for comp in range(_E)]

        def bucket_count(kk):
            return counts_v[pl.ds(kk, 16)][0]

        def strip_load(src_slices, par):
            for e8 in range(4):
                pltpu.async_copy(src_slices[e8],
                                 strip2.at[par, pl.ds(e8 * 8, 8), :],
                                 ssem2.at[par])

        def strip_wait(par):
            for e8 in range(4):
                pltpu.make_async_copy(tab_edge.at[0, pl.ds(0, 8), :],
                                      strip2.at[par, pl.ds(e8 * 8, 8), :],
                                      ssem2.at[par]).wait()

        def main_slices(kk):
            return [tab_t.at[f, pl.ds(e8 * 8, 8), pl.ds(kk * _CC, _CC)]
                    for e8 in range(4)]

        def edge_slices():
            return [tab_edge.at[f, pl.ds(e8 * 8, 8), :] for e8 in range(4)]

        def strip_load_any(kk, buf):
            @pl.when(kk < _NK - 1)
            def _():
                strip_load(main_slices(kk), buf)

            @pl.when(kk == _NK - 1)
            def _():
                strip_load(edge_slices(), buf)

        def chunk_groups(kk, col0, par, off, nout):
            cntk = bucket_count(kk)
            ngk = (cntk + 15) >> 4

            def g(gi, c):
                eoff = off + gi * 16
                nout_g = nout + gi * 16
                q_cur = (nout_g >> 7) & 1
                cols16 = cols_v[pl.ds(eoff, 16)]
                lc16 = jnp.clip(cols16 - col0, 0, _CC - 1)
                eb16 = iota + (nout_g & 127)
                row16 = eb16 >> 2
                cb16 = (eb16 & 3) * 32
                ob = outbuf2.at[q_cur]
                sb = strip2.at[par]
                for comp in range(_E):
                    v = plsc.load_gather(sb, [comp_rows[comp], lc16])
                    plsc.store_scatter(ob, [row16, cb16 + comp], v)
                new_nout = nout_g + 16

                @pl.when((new_nout & 127) == 0)
                def _flush():
                    q = (new_nout >> 7) - 1
                    fpar = q & 1

                    @pl.when(q >= 1)
                    def _wait_other():
                        pltpu.make_async_copy(
                            outbuf2.at[1 - fpar],
                            vals_hbm.at[f, pl.ds(0, 32), :],
                            fsem.at[1 - fpar]).wait()

                    pltpu.async_copy(outbuf2.at[fpar],
                                     vals_hbm.at[f, pl.ds(q * 32, 32), :],
                                     fsem.at[fpar])

                return c

            lax.fori_loop(0, ngk, g, 0)
            return off + ngk * 16, nout + ngk * 16

        for i in range(_SD - 1):
            strip_load_any(jnp.int32(i), i)

        def kloop(kk, carry):
            off, nout = carry
            par = kk & (_SD - 1)
            strip_wait(par)
            nxt = kk + _SD - 1

            @pl.when(nxt < _NK)
            def _prefetch():
                strip_load_any(nxt, nxt & (_SD - 1))

            return chunk_groups(kk, kk * _CC, par, off, nout)

        off, nout = lax.fori_loop(0, _NK, kloop,
                                  (jnp.int32(0), jnp.int32(0)))

        qt = nout >> 7

        @pl.when(qt >= 1)
        def _drain_flush():
            pltpu.make_async_copy(outbuf2.at[(qt - 1) & 1],
                                  vals_hbm.at[f, pl.ds(0, 32), :],
                                  fsem.at[(qt - 1) & 1]).wait()

        @pl.when((nout & 127) != 0)
        def _final_flush():
            pltpu.sync_copy(outbuf2.at[qt & 1],
                            vals_hbm.at[f, pl.ds(qt * 32, 32), :])


def _call2_body(vals_hbm, inv_hbm, out_hbm, invb_v, idxs_v, buf_v,
                gsem, ssem):
    nc = 2
    wid = lax.axis_index("s") * nc + lax.axis_index("c")
    b0 = wid * (_B // _NW)
    row0 = wid * _NCH2

    pltpu.sync_copy(inv_hbm.at[:, pl.ds(b0, _B // _NW)], invb_v)

    iota = lax.iota(jnp.int32, 16)
    magic = jnp.int32(40330)

    def assemble(j, c):
        rl16 = iota + j * 16
        bl16 = jnp.int32((rl16 * magic) >> 20)
        f16 = rl16 - bl16 * _F
        pos16 = plsc.load_gather(invb_v, [f16, bl16])
        idxs_v[j >> 3, pl.ds((j & 7) * 16, 16)] = pos16
        return c

    lax.fori_loop(0, _PERW // 16, assemble, 0)

    def gather_start(j, b):
        pltpu.async_copy(vals_hbm.at[idxs_v.at[j]], buf_v.at[b], gsem.at[b])

    def gather_wait(b):
        pltpu.make_async_copy(vals_hbm.at[idxs_v.at[0]], buf_v.at[b],
                              gsem.at[b]).wait()

    def store_start(j, b):
        pltpu.async_copy(buf_v.at[b], out_hbm.at[pl.ds((row0 + j) * 128, 128)],
                         ssem.at[b])

    def store_wait(b):
        pltpu.make_async_copy(buf_v.at[b], out_hbm.at[pl.ds(0, 128)],
                              ssem.at[b]).wait()

    for b in range(_RINGS):
        gather_start(b, b)

    nrounds = _NCH2 // _RINGS

    def round_fn(r, c):
        j0 = r * _RINGS
        for b in range(_RINGS):
            gather_wait(b)
            store_start(j0 + b, b)
        for b in range(_RINGS):
            @pl.when(r < nrounds - 1)
            def _():
                store_wait(b)
                gather_start(j0 + _RINGS + b, b)
        return c

    lax.fori_loop(0, nrounds, round_fn, 0)

    for b in range(_RINGS):
        store_wait(b)


def kernel(xe, tables):
    mesh = plsc.VectorSubcoreMesh(core_axis_name="c", subcore_axis_name="s")

    tab_t = jnp.transpose(tables, (0, 2, 1))
    tab_edge = jnp.pad(tab_t[:, :, _V0:], ((0, 0), (0, 0), (0, _CC - (_V - _V0))))
    xe_p = xe.T.reshape(_F, 128, 128)

    call1 = pl.kernel(
        _call1_body,
        out_type=(jax.ShapeDtypeStruct((_F, _NBF * 32, 128), jnp.float32),
                  jax.ShapeDtypeStruct((_F, 128, 128), jnp.int32)),
        mesh=mesh,
        scratch_types=[
            pltpu.VMEM((128, 128), jnp.int32),
            pltpu.VMEM((224,), jnp.int32),
            pltpu.VMEM((224,), jnp.int32),
            pltpu.VMEM((128, 128), jnp.int32),
            pltpu.VMEM((_CAP,), jnp.int32),
            pltpu.VMEM((_SD, _E, _CC), jnp.float32),
            pltpu.VMEM((2, 32, 128), jnp.float32),
            pltpu.SemaphoreType.DMA((_SD,)),
            pltpu.SemaphoreType.DMA((2,)),
        ],
        compiler_params=pltpu.CompilerParams(use_tc_tiling_on_sc=True,
                                             needs_layout_passes=False),
    )
    vals, inv = call1(tab_t, tab_edge, xe_p)

    vflat = vals.reshape(_F * _NBF * 128, _E)
    iflat = inv.reshape(_F, _B)

    call2 = pl.kernel(
        _call2_body,
        out_type=jax.ShapeDtypeStruct((_TOT, _E), jnp.float32),
        mesh=mesh,
        scratch_types=[
            pltpu.VMEM((_F, _B // _NW), jnp.int32),
            pltpu.VMEM((_NCH2, 128), jnp.int32),
            pltpu.VMEM((_RINGS, 128, _E), jnp.float32),
            pltpu.SemaphoreType.DMA((_RINGS,)),
            pltpu.SemaphoreType.DMA((_RINGS,)),
        ],
        compiler_params=pltpu.CompilerParams(use_tc_tiling_on_sc=False,
                                             needs_layout_passes=False),
    )
    out = call2(vflat, iflat)
    return out.reshape(_B, _F * _E)

# --- scband reference (transcript-rebuilt; emitter-appended) ---
"""Pipeline reference for scband-emb-transform-33655363732119 (READ-ONLY COPY).

The authoritative reference and input builder live on the scoring server;
editing this copy changes nothing except your own understanding.
"""

import jax, jax.numpy as jnp
import numpy as np

NUM_FIELDS = 26
VOCAB = 100000
EMB = 32
BATCH = 16384


def setup_inputs(seed: int = 0) -> dict:
    key = jax.random.key(seed)
    k_idx, k_tab = jax.random.split(key)
    xe = jax.random.randint(k_idx, (BATCH, NUM_FIELDS), 0, VOCAB, dtype=jnp.int32)
    # 26 embedding tables, all [VOCAB, EMB]; stacked into one array for convenience.
    tables = jax.random.normal(k_tab, (NUM_FIELDS, VOCAB, EMB), dtype=jnp.float32)
    return {"xe": xe, "tables": tables}


def reference(xe, tables):
    # torch: cat([emb[i](xe[:, i]).view(B, -1) for i in range(len(emb))], dim=1)
    outs = [jnp.take(tables[i], xe[:, i], axis=0) for i in range(NUM_FIELDS)]
    return jnp.concatenate(outs, axis=1)

if __name__ == "__main__":
    import jax
    _d = setup_inputs()
    print(jax.jit(kernel)(*tuple(_d.values())))

</pallas_src>

<mosaic_0001>
#map = affine_map<(d0, d1) -> (0, 0, 0)>
module attributes {stable_mosaic.version = 14 : i64} {
  func.func @_call1_body(%arg0: i32, %arg1: i32, %arg2: memref<26x32x100000xf32, #tpu.memory_space<hbm>>, %arg3: memref<26x32x512xf32, #tpu.memory_space<hbm>>, %arg4: memref<26x128x128xi32, #tpu.memory_space<hbm>>, %arg5: memref<26x4832x128xf32, #tpu.memory_space<hbm>>, %arg6: memref<26x128x128xi32, #tpu.memory_space<hbm>>, %arg7: memref<128x128xi32, #tpu.memory_space<vmem>>, %arg8: memref<224xi32, #tpu.memory_space<vmem>>, %arg9: memref<224xi32, #tpu.memory_space<vmem>>, %arg10: memref<128x128xi32, #tpu.memory_space<vmem>>, %arg11: memref<19328xi32, #tpu.memory_space<vmem>>, %arg12: memref<4x32x512xf32, #tpu.memory_space<vmem>>, %arg13: memref<2x32x128xf32, #tpu.memory_space<vmem>>, %arg14: memref<4x!tpu.dma_semaphore, #tpu.memory_space<semaphore_mem>>, %arg15: memref<2x!tpu.dma_semaphore, #tpu.memory_space<semaphore_mem>>) attributes {dimension_semantics = [#tpu.dimension_semantics<core_parallel>, #tpu.dimension_semantics<subcore_parallel>], iteration_bounds = array<i64: 2, 16>, scalar_prefetch = 0 : i64, scratch_operands = 9 : i64, tpu.core_type = #tpu.core_type<sc_vector_subcore>, window_params = [{transform_indices = #map}, {transform_indices = #map}, {transform_indices = #map}, {transform_indices = #map}, {transform_indices = #map}]} {
    %mul3A = arith.constant 2 : i32
    %mul3A_0 = arith.muli %arg1, %mul3A : i32
    %add3A = arith.addi %mul3A_0, %arg0 : i32
    %lt3A = arith.constant 26 : i32
    %lt3A_1 = arith.cmpi slt, %add3A, %lt3A : i32
    %convert_element_type3A = arith.extui %lt3A_1 : i1 to i32
    %cond3A = arith.constant 0 : i32
    %cond3A_2 = arith.cmpi ne, %convert_element_type3A, %cond3A : i32
    scf.if %cond3A_2 {
      %iota3A = tpu.iota {dimensions = array<i32: 0>} : vector<16xi32>
      %mul3A_3 = arith.constant 32 : i32
      %mul3A_4 = vector.broadcast %mul3A_3 : i32 to vector<16xi32>
      %mul3A_5 = arith.muli %iota3A, %mul3A_4 : vector<16xi32>
      "tpu.region"() ({
        %run_scoped3A = tpu.sem_alloc : memref<!tpu.dma_semaphore, #tpu.memory_space<semaphore_mem>>
        %dma_start3A = arith.constant 0 : i32
        %dma_start3A_490 = arith.constant 0 : i32
        %dma_start3A_491 = tpu.memref_slice %arg4[%add3A, %dma_start3A, %dma_start3A_490] : memref<26x128x128xi32, #tpu.memory_space<hbm>> -> memref<1x128x128xi32, #tpu.memory_space<hbm>>
        %dma_start3A_492 = tpu.memref_squeeze %dma_start3A_491 : memref<1x128x128xi32, #tpu.memory_space<hbm>> -> memref<128x128xi32, #tpu.memory_space<hbm>>
        %dma_start3A_493 = arith.constant 0 : i32
        %dma_start3A_494 = arith.constant 0 : i32
        %dma_start3A_495 = tpu.memref_slice %arg4[%add3A, %dma_start3A_493, %dma_start3A_494] : memref<26x128x128xi32, #tpu.memory_space<hbm>> -> memref<1x128x128xi32, #tpu.memory_space<hbm>>
        %dma_start3A_496 = tpu.memref_squeeze %dma_start3A_495 : memref<1x128x128xi32, #tpu.memory_space<hbm>> -> memref<128x128xi32, #tpu.memory_space<hbm>>
        tpu.enqueue_dma source(%dma_start3A_496 : memref<128x128xi32, #tpu.memory_space<hbm>>) target(%arg7 : memref<128x128xi32, #tpu.memory_space<vmem>>) target_semaphore(%run_scoped3A : memref<!tpu.dma_semaphore, #tpu.memory_space<semaphore_mem>>)
        %dma_wait3A = arith.constant 0 : i32
        %dma_wait3A_497 = arith.constant 0 : i32
        %dma_wait3A_498 = tpu.memref_slice %arg4[%add3A, %dma_wait3A, %dma_wait3A_497] : memref<26x128x128xi32, #tpu.memory_space<hbm>> -> memref<1x128x128xi32, #tpu.memory_space<hbm>>
        %dma_wait3A_499 = tpu.memref_squeeze %dma_wait3A_498 : memref<1x128x128xi32, #tpu.memory_space<hbm>> -> memref<128x128xi32, #tpu.memory_space<hbm>>
        %dma_wait3A_500 = arith.constant 0 : i32
        %dma_wait3A_501 = arith.constant 0 : i32
        %dma_wait3A_502 = tpu.memref_slice %arg4[%add3A, %dma_wait3A_500, %dma_wait3A_501] : memref<26x128x128xi32, #tpu.memory_space<hbm>> -> memref<1x128x128xi32, #tpu.memory_space<hbm>>
        %dma_wait3A_503 = tpu.memref_squeeze %dma_wait3A_502 : memref<1x128x128xi32, #tpu.memory_space<hbm>> -> memref<128x128xi32, #tpu.memory_space<hbm>>
        tpu.wait_dma2 semaphore(%run_scoped3A : memref<!tpu.dma_semaphore, #tpu.memory_space<semaphore_mem>>) src(%dma_wait3A_503 : memref<128x128xi32, #tpu.memory_space<hbm>>) dst(%arg7 : memref<128x128xi32, #tpu.memory_space<vmem>>)
        tpu.yield
      }) : () -> ()
      %broadcast_in_dim3A = arith.constant 0 : i32
      %broadcast_in_dim3A_6 = vector.broadcast %broadcast_in_dim3A : i32 to vector<16xi32>
      %swap3A = arith.constant 0 : index
      %swap3A_7 = tpu.vector_load %arg8[%swap3A] {strides = array<i32>} : memref<224xi32, #tpu.memory_space<vmem>>, vector<16xi32>,
      tpu.vector_store %arg8[%swap3A], %broadcast_in_dim3A_6 {strides = array<i32>} : memref<224xi32, #tpu.memory_space<vmem>>, vector<16xi32>,
      %swap3A_8 = arith.constant 16 : index
      %swap3A_9 = tpu.vector_load %arg8[%swap3A_8] {strides = array<i32>} : memref<224xi32, #tpu.memory_space<vmem>>, vector<16xi32>,
      tpu.vector_store %arg8[%swap3A_8], %broadcast_in_dim3A_6 {strides = array<i32>} : memref<224xi32, #tpu.memory_space<vmem>>, vector<16xi32>,
      %swap3A_10 = arith.constant 32 : index
      %swap3A_11 = tpu.vector_load %arg8[%swap3A_10] {strides = array<i32>} : memref<224xi32, #tpu.memory_space<vmem>>, vector<16xi32>,
      tpu.vector_store %arg8[%swap3A_10], %broadcast_in_dim3A_6 {strides = array<i32>} : memref<224xi32, #tpu.memory_space<vmem>>, vector<16xi32>,
      %swap3A_12 = arith.constant 48 : index
      %swap3A_13 = tpu.vector_load %arg8[%swap3A_12] {strides = array<i32>} : memref<224xi32, #tpu.memory_space<vmem>>, vector<16xi32>,
      tpu.vector_store %arg8[%swap3A_12], %broadcast_in_dim3A_6 {strides = array<i32>} : memref<224xi32, #tpu.memory_space<vmem>>, vector<16xi32>,
      %swap3A_14 = arith.constant 64 : index
      %swap3A_15 = tpu.vector_load %arg8[%swap3A_14] {strides = array<i32>} : memref<224xi32, #tpu.memory_space<vmem>>, vector<16xi32>,
      tpu.vector_store %arg8[%swap3A_14], %broadcast_in_dim3A_6 {strides = array<i32>} : memref<224xi32, #tpu.memory_space<vmem>>, vector<16xi32>,
      %swap3A_16 = arith.constant 80 : index
      %swap3A_17 = tpu.vector_load %arg8[%swap3A_16] {strides = array<i32>} : memref<224xi32, #tpu.memory_space<vmem>>, vector<16xi32>,
      tpu.vector_store %arg8[%swap3A_16], %broadcast_in_dim3A_6 {strides = array<i32>} : memref<224xi32, #tpu.memory_space<vmem>>, vector<16xi32>,
      %swap3A_18 = arith.constant 96 : index
      %swap3A_19 = tpu.vector_load %arg8[%swap3A_18] {strides = array<i32>} : memref<224xi32, #tpu.memory_space<vmem>>, vector<16xi32>,
      tpu.vector_store %arg8[%swap3A_18], %broadcast_in_dim3A_6 {strides = array<i32>} : memref<224xi32, #tpu.memory_space<vmem>>, vector<16xi32>,
      %swap3A_20 = arith.constant 112 : index
      %swap3A_21 = tpu.vector_load %arg8[%swap3A_20] {strides = array<i32>} : memref<224xi32, #tpu.memory_space<vmem>>, vector<16xi32>,
      tpu.vector_store %arg8[%swap3A_20], %broadcast_in_dim3A_6 {strides = array<i32>} : memref<224xi32, #tpu.memory_space<vmem>>, vector<16xi32>,
      %swap3A_22 = arith.constant 128 : index
      %swap3A_23 = tpu.vector_load %arg8[%swap3A_22] {strides = array<i32>} : memref<224xi32, #tpu.memory_space<vmem>>, vector<16xi32>,
      tpu.vector_store %arg8[%swap3A_22], %broadcast_in_dim3A_6 {strides = array<i32>} : memref<224xi32, #tpu.memory_space<vmem>>, vector<16xi32>,
      %swap3A_24 = arith.constant 144 : index
      %swap3A_25 = tpu.vector_load %arg8[%swap3A_24] {strides = array<i32>} : memref<224xi32, #tpu.memory_space<vmem>>, vector<16xi32>,
      tpu.vector_store %arg8[%swap3A_24], %broadcast_in_dim3A_6 {strides = array<i32>} : memref<224xi32, #tpu.memory_space<vmem>>, vector<16xi32>,
      %swap3A_26 = arith.constant 160 : index
      %swap3A_27 = tpu.vector_load %arg8[%swap3A_26] {strides = array<i32>} : memref<224xi32, #tpu.memory_space<vmem>>, vector<16xi32>,
      tpu.vector_store %arg8[%swap3A_26], %broadcast_in_dim3A_6 {strides = array<i32>} : memref<224xi32, #tpu.memory_space<vmem>>, vector<16xi32>,
      %swap3A_28 = arith.constant 176 : index
      %swap3A_29 = tpu.vector_load %arg8[%swap3A_28] {strides = array<i32>} : memref<224xi32, #tpu.memory_space<vmem>>, vector<16xi32>,
      tpu.vector_store %arg8[%swap3A_28], %broadcast_in_dim3A_6 {strides = array<i32>} : memref<224xi32, #tpu.memory_space<vmem>>, vector<16xi32>,
      %swap3A_30 = arith.constant 192 : index
      %swap3A_31 = tpu.vector_load %arg8[%swap3A_30] {strides = array<i32>} : memref<224xi32, #tpu.memory_space<vmem>>, vector<16xi32>,
      tpu.vector_store %arg8[%swap3A_30], %broadcast_in_dim3A_6 {strides = array<i32>} : memref<224xi32, #tpu.memory_space<vmem>>, vector<16xi32>,
      %swap3A_32 = arith.constant 208 : index
      %swap3A_33 = tpu.vector_load %arg8[%swap3A_32] {strides = array<i32>} : memref<224xi32, #tpu.memory_space<vmem>>, vector<16xi32>,
      tpu.vector_store %arg8[%swap3A_32], %broadcast_in_dim3A_6 {strides = array<i32>} : memref<224xi32, #tpu.memory_space<vmem>>, vector<16xi32>,
      %scan3A = arith.constant 0 : i32
      %scan3A_34 = arith.constant 0 : i32
      %scan3A_35 = arith.constant 1024 : i32
      %scan3A_36 = arith.addi %scan3A_34, %scan3A_35 : i32
      %scan3A_37 = arith.constant 1 : i32
      scf.for %scan3A_490 = %scan3A_34 to %scan3A_36 step %scan3A_37  : i32 {
        %shift_right_arithmetic3A_491 = arith.constant 3 : i32
        %shift_right_arithmetic3A_492 = arith.shrsi %scan3A_490, %shift_right_arithmetic3A_491 : i32
        %and3A_493 = arith.constant 7 : i32
        %and3A_494 = arith.andi %scan3A_490, %and3A_493 : i32
        %mul3A_495 = arith.constant 16 : i32
        %mul3A_496 = arith.muli %and3A_494, %mul3A_495 : i32
        %get3A_497 = arith.index_cast %shift_right_arithmetic3A_492 : i32 to index
        %get3A_498 = arith.index_cast %mul3A_496 : i32 to index
        %get3A_499 = tpu.vector_load %arg7[%get3A_497, %get3A_498] {strides = array<i32>} : memref<128x128xi32, #tpu.memory_space<vmem>>, vector<16xi32>,
        %shift_right_arithmetic3A_500 = arith.constant 9 : i32
        %shift_right_arithmetic3A_501 = vector.broadcast %shift_right_arithmetic3A_500 : i32 to vector<16xi32>
        %shift_right_arithmetic3A_502 = arith.shrsi %get3A_499, %shift_right_arithmetic3A_501 : vector<16xi32>
        %broadcast_in_dim3A_503 = arith.constant true
        %broadcast_in_dim3A_504 = vector.broadcast %broadcast_in_dim3A_503 : i1 to vector<16xi1>
        %unique3A, %unique3A_505 = tpu.scan_count mask(%broadcast_in_dim3A_504 : vector<16xi1>) value(%shift_right_arithmetic3A_502 : vector<16xi32>) : vector<16xi1>, vector<16xi32>
        tpu.vector_store_idx %arg8[%shift_right_arithmetic3A_502], %unique3A_505 masked %unique3A {add = true} : memref<224xi32, #tpu.memory_space<vmem>>[vector<16xi32>], vector<16xi32>, vector<16xi1>
      }
      %scan3A_38 = arith.constant 1024 : i32
      %get3A = arith.constant 0 : index
      %get3A_39 = tpu.vector_load %arg8[%get3A] {strides = array<i32>} : memref<224xi32, #tpu.memory_space<vmem>>, vector<16xi32>,
      %add3A_40 = arith.constant 15 : i32
      %add3A_41 = vector.broadcast %add3A_40 : i32 to vector<16xi32>
      %add3A_42 = arith.addi %get3A_39, %add3A_41 : vector<16xi32>
      %and3A = arith.constant -16 : i32
      %and3A_43 = vector.broadcast %and3A : i32 to vector<16xi32>
      %and3A_44 = arith.andi %add3A_42, %and3A_43 : vector<16xi32>
      %broadcast_in_dim3A_45 = arith.constant true
      %broadcast_in_dim3A_46 = vector.broadcast %broadcast_in_dim3A_45 : i1 to vector<16xi1>
      %masked_cumsum3A = tpu.scan <sum>, %and3A_44 masked %broadcast_in_dim3A_46 : vector<16xi32>, vector<16xi1> -> vector<16xi32>
      %sub3A = arith.subi %masked_cumsum3A, %and3A_44 : vector<16xi32>
      %add3A_47 = arith.constant 0 : i32
      %add3A_48 = vector.broadcast %add3A_47 : i32 to vector<16xi32>
      %add3A_49 = arith.addi %sub3A, %add3A_48 : vector<16xi32>
      %swap3A_50 = arith.constant 0 : index
      %swap3A_51 = tpu.vector_load %arg9[%swap3A_50] {strides = array<i32>} : memref<224xi32, #tpu.memory_space<vmem>>, vector<16xi32>,
      tpu.vector_store %arg9[%swap3A_50], %add3A_49 {strides = array<i32>} : memref<224xi32, #tpu.memory_space<vmem>>, vector<16xi32>,
      %reduce_max3A = arith.constant true
      %reduce_max3A_52 = vector.broadcast %reduce_max3A : i1 to vector<16xi1>
      %reduce_max3A_53 = arith.constant -2147483648 : i32
      %reduce_max3A_54 = vector.broadcast %reduce_max3A_53 : i32 to vector<16xi32>
      %reduce_max3A_55 = arith.xori %masked_cumsum3A, %reduce_max3A_54 : vector<16xi32>
      %reduce_max3A_56 = tpu.scan <max>, %reduce_max3A_55 masked %reduce_max3A_52 : vector<16xi32>, vector<16xi1> -> vector<16xi32>
      %reduce_max3A_57 = arith.xori %reduce_max3A_56, %reduce_max3A_54 : vector<16xi32>
      %reduce_max3A_58 = vector.extract %reduce_max3A_57[15] : i32 from vector<16xi32>
      %add3A_59 = arith.constant 0 : i32
      %add3A_60 = arith.addi %add3A_59, %reduce_max3A_58 : i32
      %get3A_61 = arith.constant 16 : index
      %get3A_62 = tpu.vector_load %arg8[%get3A_61] {strides = array<i32>} : memref<224xi32, #tpu.memory_space<vmem>>, vector<16xi32>,
      %add3A_63 = arith.constant 15 : i32
      %add3A_64 = vector.broadcast %add3A_63 : i32 to vector<16xi32>
      %add3A_65 = arith.addi %get3A_62, %add3A_64 : vector<16xi32>
      %and3A_66 = arith.constant -16 : i32
      %and3A_67 = vector.broadcast %and3A_66 : i32 to vector<16xi32>
      %and3A_68 = arith.andi %add3A_65, %and3A_67 : vector<16xi32>
      %broadcast_in_dim3A_69 = arith.constant true
      %broadcast_in_dim3A_70 = vector.broadcast %broadcast_in_dim3A_69 : i1 to vector<16xi1>
      %masked_cumsum3A_71 = tpu.scan <sum>, %and3A_68 masked %broadcast_in_dim3A_70 : vector<16xi32>, vector<16xi1> -> vector<16xi32>
      %sub3A_72 = arith.subi %masked_cumsum3A_71, %and3A_68 : vector<16xi32>
      %add3A_73 = vector.broadcast %add3A_60 : i32 to vector<16xi32>
      %add3A_74 = arith.addi %sub3A_72, %add3A_73 : vector<16xi32>
      %swap3A_75 = arith.constant 16 : index
      %swap3A_76 = tpu.vector_load %arg9[%swap3A_75] {strides = array<i32>} : memref<224xi32, #tpu.memory_space<vmem>>, vector<16xi32>,
      tpu.vector_store %arg9[%swap3A_75], %add3A_74 {strides = array<i32>} : memref<224xi32, #tpu.memory_space<vmem>>, vector<16xi32>,
      %reduce_max3A_77 = arith.constant true
      %reduce_max3A_78 = vector.broadcast %reduce_max3A_77 : i1 to vector<16xi1>
      %reduce_max3A_79 = arith.constant -2147483648 : i32
      %reduce_max3A_80 = vector.broadcast %reduce_max3A_79 : i32 to vector<16xi32>
      %reduce_max3A_81 = arith.xori %masked_cumsum3A_71, %reduce_max3A_80 : vector<16xi32>
      %reduce_max3A_82 = tpu.scan <max>, %reduce_max3A_81 masked %reduce_max3A_78 : vector<16xi32>, vector<16xi1> -> vector<16xi32>
      %reduce_max3A_83 = arith.xori %reduce_max3A_82, %reduce_max3A_80 : vector<16xi32>
      %reduce_max3A_84 = vector.extract %reduce_max3A_83[15] : i32 from vector<16xi32>
      %add3A_85 = arith.addi %add3A_60, %reduce_max3A_84 : i32
      %get3A_86 = arith.constant 32 : index
      %get3A_87 = tpu.vector_load %arg8[%get3A_86] {strides = array<i32>} : memref<224xi32, #tpu.memory_space<vmem>>, vector<16xi32>,
      %add3A_88 = arith.constant 15 : i32
      %add3A_89 = vector.broadcast %add3A_88 : i32 to vector<16xi32>
      %add3A_90 = arith.addi %get3A_87, %add3A_89 : vector<16xi32>
      %and3A_91 = arith.constant -16 : i32
      %and3A_92 = vector.broadcast %and3A_91 : i32 to vector<16xi32>
      %and3A_93 = arith.andi %add3A_90, %and3A_92 : vector<16xi32>
      %broadcast_in_dim3A_94 = arith.constant true
      %broadcast_in_dim3A_95 = vector.broadcast %broadcast_in_dim3A_94 : i1 to vector<16xi1>
      %masked_cumsum3A_96 = tpu.scan <sum>, %and3A_93 masked %broadcast_in_dim3A_95 : vector<16xi32>, vector<16xi1> -> vector<16xi32>
      %sub3A_97 = arith.subi %masked_cumsum3A_96, %and3A_93 : vector<16xi32>
      %add3A_98 = vector.broadcast %add3A_85 : i32 to vector<16xi32>
      %add3A_99 = arith.addi %sub3A_97, %add3A_98 : vector<16xi32>
      %swap3A_100 = arith.constant 32 : index
      %swap3A_101 = tpu.vector_load %arg9[%swap3A_100] {strides = array<i32>} : memref<224xi32, #tpu.memory_space<vmem>>, vector<16xi32>,
      tpu.vector_store %arg9[%swap3A_100], %add3A_99 {strides = array<i32>} : memref<224xi32, #tpu.memory_space<vmem>>, vector<16xi32>,
      %reduce_max3A_102 = arith.constant true
      %reduce_max3A_103 = vector.broadcast %reduce_max3A_102 : i1 to vector<16xi1>
      %reduce_max3A_104 = arith.constant -2147483648 : i32
      %reduce_max3A_105 = vector.broadcast %reduce_max3A_104 : i32 to vector<16xi32>
      %reduce_max3A_106 = arith.xori %masked_cumsum3A_96, %reduce_max3A_105 : vector<16xi32>
      %reduce_max3A_107 = tpu.scan <max>, %reduce_max3A_106 masked %reduce_max3A_103 : vector<16xi32>, vector<16xi1> -> vector<16xi32>
      %reduce_max3A_108 = arith.xori %reduce_max3A_107, %reduce_max3A_105 : vector<16xi32>
      %reduce_max3A_109 = vector.extract %reduce_max3A_108[15] : i32 from vector<16xi32>
      %add3A_110 = arith.addi %add3A_85, %reduce_max3A_109 : i32
      %get3A_111 = arith.constant 48 : index
      %get3A_112 = tpu.vector_load %arg8[%get3A_111] {strides = array<i32>} : memref<224xi32, #tpu.memory_space<vmem>>, vector<16xi32>,
      %add3A_113 = arith.constant 15 : i32
      %add3A_114 = vector.broadcast %add3A_113 : i32 to vector<16xi32>
      %add3A_115 = arith.addi %get3A_112, %add3A_114 : vector<16xi32>
      %and3A_116 = arith.constant -16 : i32
      %and3A_117 = vector.broadcast %and3A_116 : i32 to vector<16xi32>
      %and3A_118 = arith.andi %add3A_115, %and3A_117 : vector<16xi32>
      %broadcast_in_dim3A_119 = arith.constant true
      %broadcast_in_dim3A_120 = vector.broadcast %broadcast_in_dim3A_119 : i1 to vector<16xi1>
      %masked_cumsum3A_121 = tpu.scan <sum>, %and3A_118 masked %broadcast_in_dim3A_120 : vector<16xi32>, vector<16xi1> -> vector<16xi32>
      %sub3A_122 = arith.subi %masked_cumsum3A_121, %and3A_118 : vector<16xi32>
      %add3A_123 = vector.broadcast %add3A_110 : i32 to vector<16xi32>
      %add3A_124 = arith.addi %sub3A_122, %add3A_123 : vector<16xi32>
      %swap3A_125 = arith.constant 48 : index
      %swap3A_126 = tpu.vector_load %arg9[%swap3A_125] {strides = array<i32>} : memref<224xi32, #tpu.memory_space<vmem>>, vector<16xi32>,
      tpu.vector_store %arg9[%swap3A_125], %add3A_124 {strides = array<i32>} : memref<224xi32, #tpu.memory_space<vmem>>, vector<16xi32>,
      %reduce_max3A_127 = arith.constant true
      %reduce_max3A_128 = vector.broadcast %reduce_max3A_127 : i1 to vector<16xi1>
      %reduce_max3A_129 = arith.constant -2147483648 : i32
      %reduce_max3A_130 = vector.broadcast %reduce_max3A_129 : i32 to vector<16xi32>
      %reduce_max3A_131 = arith.xori %masked_cumsum3A_121, %reduce_max3A_130 : vector<16xi32>
      %reduce_max3A_132 = tpu.scan <max>, %reduce_max3A_131 masked %reduce_max3A_128 : vector<16xi32>, vector<16xi1> -> vector<16xi32>
      %reduce_max3A_133 = arith.xori %reduce_max3A_132, %reduce_max3A_130 : vector<16xi32>
      %reduce_max3A_134 = vector.extract %reduce_max3A_133[15] : i32 from vector<16xi32>
      %add3A_135 = arith.addi %add3A_110, %reduce_max3A_134 : i32
      %get3A_136 = arith.constant 64 : index
      %get3A_137 = tpu.vector_load %arg8[%get3A_136] {strides = array<i32>} : memref<224xi32, #tpu.memory_space<vmem>>, vector<16xi32>,
      %add3A_138 = arith.constant 15 : i32
      %add3A_139 = vector.broadcast %add3A_138 : i32 to vector<16xi32>
      %add3A_140 = arith.addi %get3A_137, %add3A_139 : vector<16xi32>
      %and3A_141 = arith.constant -16 : i32
      %and3A_142 = vector.broadcast %and3A_141 : i32 to vector<16xi32>
      %and3A_143 = arith.andi %add3A_140, %and3A_142 : vector<16xi32>
      %broadcast_in_dim3A_144 = arith.constant true
      %broadcast_in_dim3A_145 = vector.broadcast %broadcast_in_dim3A_144 : i1 to vector<16xi1>
      %masked_cumsum3A_146 = tpu.scan <sum>, %and3A_143 masked %broadcast_in_dim3A_145 : vector<16xi32>, vector<16xi1> -> vector<16xi32>
      %sub3A_147 = arith.subi %masked_cumsum3A_146, %and3A_143 : vector<16xi32>
      %add3A_148 = vector.broadcast %add3A_135 : i32 to vector<16xi32>
      %add3A_149 = arith.addi %sub3A_147, %add3A_148 : vector<16xi32>
      %swap3A_150 = arith.constant 64 : index
      %swap3A_151 = tpu.vector_load %arg9[%swap3A_150] {strides = array<i32>} : memref<224xi32, #tpu.memory_space<vmem>>, vector<16xi32>,
      tpu.vector_store %arg9[%swap3A_150], %add3A_149 {strides = array<i32>} : memref<224xi32, #tpu.memory_space<vmem>>, vector<16xi32>,
      %reduce_max3A_152 = arith.constant true
      %reduce_max3A_153 = vector.broadcast %reduce_max3A_152 : i1 to vector<16xi1>
      %reduce_max3A_154 = arith.constant -2147483648 : i32
      %reduce_max3A_155 = vector.broadcast %reduce_max3A_154 : i32 to vector<16xi32>
      %reduce_max3A_156 = arith.xori %masked_cumsum3A_146, %reduce_max3A_155 : vector<16xi32>
      %reduce_max3A_157 = tpu.scan <max>, %reduce_max3A_156 masked %reduce_max3A_153 : vector<16xi32>, vector<16xi1> -> vector<16xi32>
      %reduce_max3A_158 = arith.xori %reduce_max3A_157, %reduce_max3A_155 : vector<16xi32>
      %reduce_max3A_159 = vector.extract %reduce_max3A_158[15] : i32 from vector<16xi32>
      %add3A_160 = arith.addi %add3A_135, %reduce_max3A_159 : i32
      %get3A_161 = arith.constant 80 : index
      %get3A_162 = tpu.vector_load %arg8[%get3A_161] {strides = array<i32>} : memref<224xi32, #tpu.memory_space<vmem>>, vector<16xi32>,
      %add3A_163 = arith.constant 15 : i32
      %add3A_164 = vector.broadcast %add3A_163 : i32 to vector<16xi32>
      %add3A_165 = arith.addi %get3A_162, %add3A_164 : vector<16xi32>
      %and3A_166 = arith.constant -16 : i32
      %and3A_167 = vector.broadcast %and3A_166 : i32 to vector<16xi32>
      %and3A_168 = arith.andi %add3A_165, %and3A_167 : vector<16xi32>
      %broadcast_in_dim3A_169 = arith.constant true
      %broadcast_in_dim3A_170 = vector.broadcast %broadcast_in_dim3A_169 : i1 to vector<16xi1>
      %masked_cumsum3A_171 = tpu.scan <sum>, %and3A_168 masked %broadcast_in_dim3A_170 : vector<16xi32>, vector<16xi1> -> vector<16xi32>
      %sub3A_172 = arith.subi %masked_cumsum3A_171, %and3A_168 : vector<16xi32>
      %add3A_173 = vector.broadcast %add3A_160 : i32 to vector<16xi32>
      %add3A_174 = arith.addi %sub3A_172, %add3A_173 : vector<16xi32>
      %swap3A_175 = arith.constant 80 : index
      %swap3A_176 = tpu.vector_load %arg9[%swap3A_175] {strides = array<i32>} : memref<224xi32, #tpu.memory_space<vmem>>, vector<16xi32>,
      tpu.vector_store %arg9[%swap3A_175], %add3A_174 {strides = array<i32>} : memref<224xi32, #tpu.memory_space<vmem>>, vector<16xi32>,
      %reduce_max3A_177 = arith.constant true
      %reduce_max3A_178 = vector.broadcast %reduce_max3A_177 : i1 to vector<16xi1>
      %reduce_max3A_179 = arith.constant -2147483648 : i32
      %reduce_max3A_180 = vector.broadcast %reduce_max3A_179 : i32 to vector<16xi32>
      %reduce_max3A_181 = arith.xori %masked_cumsum3A_171, %reduce_max3A_180 : vector<16xi32>
      %reduce_max3A_182 = tpu.scan <max>, %reduce_max3A_181 masked %reduce_max3A_178 : vector<16xi32>, vector<16xi1> -> vector<16xi32>
      %reduce_max3A_183 = arith.xori %reduce_max3A_182, %reduce_max3A_180 : vector<16xi32>
      %reduce_max3A_184 = vector.extract %reduce_max3A_183[15] : i32 from vector<16xi32>
      %add3A_185 = arith.addi %add3A_160, %reduce_max3A_184 : i32
      %get3A_186 = arith.constant 96 : index
      %get3A_187 = tpu.vector_load %arg8[%get3A_186] {strides = array<i32>} : memref<224xi32, #tpu.memory_space<vmem>>, vector<16xi32>,
      %add3A_188 = arith.constant 15 : i32
      %add3A_189 = vector.broadcast %add3A_188 : i32 to vector<16xi32>
      %add3A_190 = arith.addi %get3A_187, %add3A_189 : vector<16xi32>
      %and3A_191 = arith.constant -16 : i32
      %and3A_192 = vector.broadcast %and3A_191 : i32 to vector<16xi32>
      %and3A_193 = arith.andi %add3A_190, %and3A_192 : vector<16xi32>
      %broadcast_in_dim3A_194 = arith.constant true
      %broadcast_in_dim3A_195 = vector.broadcast %broadcast_in_dim3A_194 : i1 to vector<16xi1>
      %masked_cumsum3A_196 = tpu.scan <sum>, %and3A_193 masked %broadcast_in_dim3A_195 : vector<16xi32>, vector<16xi1> -> vector<16xi32>
      %sub3A_197 = arith.subi %masked_cumsum3A_196, %and3A_193 : vector<16xi32>
      %add3A_198 = vector.broadcast %add3A_185 : i32 to vector<16xi32>
      %add3A_199 = arith.addi %sub3A_197, %add3A_198 : vector<16xi32>
      %swap3A_200 = arith.constant 96 : index
      %swap3A_201 = tpu.vector_load %arg9[%swap3A_200] {strides = array<i32>} : memref<224xi32, #tpu.memory_space<vmem>>, vector<16xi32>,
      tpu.vector_store %arg9[%swap3A_200], %add3A_199 {strides = array<i32>} : memref<224xi32, #tpu.memory_space<vmem>>, vector<16xi32>,
      %reduce_max3A_202 = arith.constant true
      %reduce_max3A_203 = vector.broadcast %reduce_max3A_202 : i1 to vector<16xi1>
      %reduce_max3A_204 = arith.constant -2147483648 : i32
      %reduce_max3A_205 = vector.broadcast %reduce_max3A_204 : i32 to vector<16xi32>
      %reduce_max3A_206 = arith.xori %masked_cumsum3A_196, %reduce_max3A_205 : vector<16xi32>
      %reduce_max3A_207 = tpu.scan <max>, %reduce_max3A_206 masked %reduce_max3A_203 : vector<16xi32>, vector<16xi1> -> vector<16xi32>
      %reduce_max3A_208 = arith.xori %reduce_max3A_207, %reduce_max3A_205 : vector<16xi32>
      %reduce_max3A_209 = vector.extract %reduce_max3A_208[15] : i32 from vector<16xi32>
      %add3A_210 = arith.addi %add3A_185, %reduce_max3A_209 : i32
      %get3A_211 = arith.constant 112 : index
      %get3A_212 = tpu.vector_load %arg8[%get3A_211] {strides = array<i32>} : memref<224xi32, #tpu.memory_space<vmem>>, vector<16xi32>,
      %add3A_213 = arith.constant 15 : i32
      %add3A_214 = vector.broadcast %add3A_213 : i32 to vector<16xi32>
      %add3A_215 = arith.addi %get3A_212, %add3A_214 : vector<16xi32>
      %and3A_216 = arith.constant -16 : i32
      %and3A_217 = vector.broadcast %and3A_216 : i32 to vector<16xi32>
      %and3A_218 = arith.andi %add3A_215, %and3A_217 : vector<16xi32>
      %broadcast_in_dim3A_219 = arith.constant true
      %broadcast_in_dim3A_220 = vector.broadcast %broadcast_in_dim3A_219 : i1 to vector<16xi1>
      %masked_cumsum3A_221 = tpu.scan <sum>, %and3A_218 masked %broadcast_in_dim3A_220 : vector<16xi32>, vector<16xi1> -> vector<16xi32>
      %sub3A_222 = arith.subi %masked_cumsum3A_221, %and3A_218 : vector<16xi32>
      %add3A_223 = vector.broadcast %add3A_210 : i32 to vector<16xi32>
      %add3A_224 = arith.addi %sub3A_222, %add3A_223 : vector<16xi32>
      %swap3A_225 = arith.constant 112 : index
      %swap3A_226 = tpu.vector_load %arg9[%swap3A_225] {strides = array<i32>} : memref<224xi32, #tpu.memory_space<vmem>>, vector<16xi32>,
      tpu.vector_store %arg9[%swap3A_225], %add3A_224 {strides = array<i32>} : memref<224xi32, #tpu.memory_space<vmem>>, vector<16xi32>,
      %reduce_max3A_227 = arith.constant true
      %reduce_max3A_228 = vector.broadcast %reduce_max3A_227 : i1 to vector<16xi1>
      %reduce_max3A_229 = arith.constant -2147483648 : i32
      %reduce_max3A_230 = vector.broadcast %reduce_max3A_229 : i32 to vector<16xi32>
      %reduce_max3A_231 = arith.xori %masked_cumsum3A_221, %reduce_max3A_230 : vector<16xi32>
      %reduce_max3A_232 = tpu.scan <max>, %reduce_max3A_231 masked %reduce_max3A_228 : vector<16xi32>, vector<16xi1> -> vector<16xi32>
      %reduce_max3A_233 = arith.xori %reduce_max3A_232, %reduce_max3A_230 : vector<16xi32>
      %reduce_max3A_234 = vector.extract %reduce_max3A_233[15] : i32 from vector<16xi32>
      %add3A_235 = arith.addi %add3A_210, %reduce_max3A_234 : i32
      %get3A_236 = arith.constant 128 : index
      %get3A_237 = tpu.vector_load %arg8[%get3A_236] {strides = array<i32>} : memref<224xi32, #tpu.memory_space<vmem>>, vector<16xi32>,
      %add3A_238 = arith.constant 15 : i32
      %add3A_239 = vector.broadcast %add3A_238 : i32 to vector<16xi32>
      %add3A_240 = arith.addi %get3A_237, %add3A_239 : vector<16xi32>
      %and3A_241 = arith.constant -16 : i32
      %and3A_242 = vector.broadcast %and3A_241 : i32 to vector<16xi32>
      %and3A_243 = arith.andi %add3A_240, %and3A_242 : vector<16xi32>
      %broadcast_in_dim3A_244 = arith.constant true
      %broadcast_in_dim3A_245 = vector.broadcast %broadcast_in_dim3A_244 : i1 to vector<16xi1>
      %masked_cumsum3A_246 = tpu.scan <sum>, %and3A_243 masked %broadcast_in_dim3A_245 : vector<16xi32>, vector<16xi1> -> vector<16xi32>
      %sub3A_247 = arith.subi %masked_cumsum3A_246, %and3A_243 : vector<16xi32>
      %add3A_248 = vector.broadcast %add3A_235 : i32 to vector<16xi32>
      %add3A_249 = arith.addi %sub3A_247, %add3A_248 : vector<16xi32>
      %swap3A_250 = arith.constant 128 : index
      %swap3A_251 = tpu.vector_load %arg9[%swap3A_250] {strides = array<i32>} : memref<224xi32, #tpu.memory_space<vmem>>, vector<16xi32>,
      tpu.vector_store %arg9[%swap3A_250], %add3A_249 {strides = array<i32>} : memref<224xi32, #tpu.memory_space<vmem>>, vector<16xi32>,
      %reduce_max3A_252 = arith.constant true
      %reduce_max3A_253 = vector.broadcast %reduce_max3A_252 : i1 to vector<16xi1>
      %reduce_max3A_254 = arith.constant -2147483648 : i32
      %reduce_max3A_255 = vector.broadcast %reduce_max3A_254 : i32 to vector<16xi32>
      %reduce_max3A_256 = arith.xori %masked_cumsum3A_246, %reduce_max3A_255 : vector<16xi32>
      %reduce_max3A_257 = tpu.scan <max>, %reduce_max3A_256 masked %reduce_max3A_253 : vector<16xi32>, vector<16xi1> -> vector<16xi32>
      %reduce_max3A_258 = arith.xori %reduce_max3A_257, %reduce_max3A_255 : vector<16xi32>
      %reduce_max3A_259 = vector.extract %reduce_max3A_258[15] : i32 from vector<16xi32>
      %add3A_260 = arith.addi %add3A_235, %reduce_max3A_259 : i32
      %get3A_261 = arith.constant 144 : index
      %get3A_262 = tpu.vector_load %arg8[%get3A_261] {strides = array<i32>} : memref<224xi32, #tpu.memory_space<vmem>>, vector<16xi32>,
      %add3A_263 = arith.constant 15 : i32
      %add3A_264 = vector.broadcast %add3A_263 : i32 to vector<16xi32>
      %add3A_265 = arith.addi %get3A_262, %add3A_264 : vector<16xi32>
      %and3A_266 = arith.constant -16 : i32
      %and3A_267 = vector.broadcast %and3A_266 : i32 to vector<16xi32>
      %and3A_268 = arith.andi %add3A_265, %and3A_267 : vector<16xi32>
      %broadcast_in_dim3A_269 = arith.constant true
      %broadcast_in_dim3A_270 = vector.broadcast %broadcast_in_dim3A_269 : i1 to vector<16xi1>
      %masked_cumsum3A_271 = tpu.scan <sum>, %and3A_268 masked %broadcast_in_dim3A_270 : vector<16xi32>, vector<16xi1> -> vector<16xi32>
      %sub3A_272 = arith.subi %masked_cumsum3A_271, %and3A_268 : vector<16xi32>
      %add3A_273 = vector.broadcast %add3A_260 : i32 to vector<16xi32>
      %add3A_274 = arith.addi %sub3A_272, %add3A_273 : vector<16xi32>
      %swap3A_275 = arith.constant 144 : index
      %swap3A_276 = tpu.vector_load %arg9[%swap3A_275] {strides = array<i32>} : memref<224xi32, #tpu.memory_space<vmem>>, vector<16xi32>,
      tpu.vector_store %arg9[%swap3A_275], %add3A_274 {strides = array<i32>} : memref<224xi32, #tpu.memory_space<vmem>>, vector<16xi32>,
      %reduce_max3A_277 = arith.constant true
      %reduce_max3A_278 = vector.broadcast %reduce_max3A_277 : i1 to vector<16xi1>
      %reduce_max3A_279 = arith.constant -2147483648 : i32
      %reduce_max3A_280 = vector.broadcast %reduce_max3A_279 : i32 to vector<16xi32>
      %reduce_max3A_281 = arith.xori %masked_cumsum3A_271, %reduce_max3A_280 : vector<16xi32>
      %reduce_max3A_282 = tpu.scan <max>, %reduce_max3A_281 masked %reduce_max3A_278 : vector<16xi32>, vector<16xi1> -> vector<16xi32>
      %reduce_max3A_283 = arith.xori %reduce_max3A_282, %reduce_max3A_280 : vector<16xi32>
      %reduce_max3A_284 = vector.extract %reduce_max3A_283[15] : i32 from vector<16xi32>
      %add3A_285 = arith.addi %add3A_260, %reduce_max3A_284 : i32
      %get3A_286 = arith.constant 160 : index
      %get3A_287 = tpu.vector_load %arg8[%get3A_286] {strides = array<i32>} : memref<224xi32, #tpu.memory_space<vmem>>, vector<16xi32>,
      %add3A_288 = arith.constant 15 : i32
      %add3A_289 = vector.broadcast %add3A_288 : i32 to vector<16xi32>
      %add3A_290 = arith.addi %get3A_287, %add3A_289 : vector<16xi32>
      %and3A_291 = arith.constant -16 : i32
      %and3A_292 = vector.broadcast %and3A_291 : i32 to vector<16xi32>
      %and3A_293 = arith.andi %add3A_290, %and3A_292 : vector<16xi32>
      %broadcast_in_dim3A_294 = arith.constant true
      %broadcast_in_dim3A_295 = vector.broadcast %broadcast_in_dim3A_294 : i1 to vector<16xi1>
      %masked_cumsum3A_296 = tpu.scan <sum>, %and3A_293 masked %broadcast_in_dim3A_295 : vector<16xi32>, vector<16xi1> -> vector<16xi32>
      %sub3A_297 = arith.subi %masked_cumsum3A_296, %and3A_293 : vector<16xi32>
      %add3A_298 = vector.broadcast %add3A_285 : i32 to vector<16xi32>
      %add3A_299 = arith.addi %sub3A_297, %add3A_298 : vector<16xi32>
      %swap3A_300 = arith.constant 160 : index
      %swap3A_301 = tpu.vector_load %arg9[%swap3A_300] {strides = array<i32>} : memref<224xi32, #tpu.memory_space<vmem>>, vector<16xi32>,
      tpu.vector_store %arg9[%swap3A_300], %add3A_299 {strides = array<i32>} : memref<224xi32, #tpu.memory_space<vmem>>, vector<16xi32>,
      %reduce_max3A_302 = arith.constant true
      %reduce_max3A_303 = vector.broadcast %reduce_max3A_302 : i1 to vector<16xi1>
      %reduce_max3A_304 = arith.constant -2147483648 : i32
      %reduce_max3A_305 = vector.broadcast %reduce_max3A_304 : i32 to vector<16xi32>
      %reduce_max3A_306 = arith.xori %masked_cumsum3A_296, %reduce_max3A_305 : vector<16xi32>
      %reduce_max3A_307 = tpu.scan <max>, %reduce_max3A_306 masked %reduce_max3A_303 : vector<16xi32>, vector<16xi1> -> vector<16xi32>
      %reduce_max3A_308 = arith.xori %reduce_max3A_307, %reduce_max3A_305 : vector<16xi32>
      %reduce_max3A_309 = vector.extract %reduce_max3A_308[15] : i32 from vector<16xi32>
      %add3A_310 = arith.addi %add3A_285, %reduce_max3A_309 : i32
      %get3A_311 = arith.constant 176 : index
      %get3A_312 = tpu.vector_load %arg8[%get3A_311] {strides = array<i32>} : memref<224xi32, #tpu.memory_space<vmem>>, vector<16xi32>,
      %add3A_313 = arith.constant 15 : i32
      %add3A_314 = vector.broadcast %add3A_313 : i32 to vector<16xi32>
      %add3A_315 = arith.addi %get3A_312, %add3A_314 : vector<16xi32>
      %and3A_316 = arith.constant -16 : i32
      %and3A_317 = vector.broadcast %and3A_316 : i32 to vector<16xi32>
      %and3A_318 = arith.andi %add3A_315, %and3A_317 : vector<16xi32>
      %broadcast_in_dim3A_319 = arith.constant true
      %broadcast_in_dim3A_320 = vector.broadcast %broadcast_in_dim3A_319 : i1 to vector<16xi1>
      %masked_cumsum3A_321 = tpu.scan <sum>, %and3A_318 masked %broadcast_in_dim3A_320 : vector<16xi32>, vector<16xi1> -> vector<16xi32>
      %sub3A_322 = arith.subi %masked_cumsum3A_321, %and3A_318 : vector<16xi32>
      %add3A_323 = vector.broadcast %add3A_310 : i32 to vector<16xi32>
      %add3A_324 = arith.addi %sub3A_322, %add3A_323 : vector<16xi32>
      %swap3A_325 = arith.constant 176 : index
      %swap3A_326 = tpu.vector_load %arg9[%swap3A_325] {strides = array<i32>} : memref<224xi32, #tpu.memory_space<vmem>>, vector<16xi32>,
      tpu.vector_store %arg9[%swap3A_325], %add3A_324 {strides = array<i32>} : memref<224xi32, #tpu.memory_space<vmem>>, vector<16xi32>,
      %reduce_max3A_327 = arith.constant true
      %reduce_max3A_328 = vector.broadcast %reduce_max3A_327 : i1 to vector<16xi1>
      %reduce_max3A_329 = arith.constant -2147483648 : i32
      %reduce_max3A_330 = vector.broadcast %reduce_max3A_329 : i32 to vector<16xi32>
      %reduce_max3A_331 = arith.xori %masked_cumsum3A_321, %reduce_max3A_330 : vector<16xi32>
      %reduce_max3A_332 = tpu.scan <max>, %reduce_max3A_331 masked %reduce_max3A_328 : vector<16xi32>, vector<16xi1> -> vector<16xi32>
      %reduce_max3A_333 = arith.xori %reduce_max3A_332, %reduce_max3A_330 : vector<16xi32>
      %reduce_max3A_334 = vector.extract %reduce_max3A_333[15] : i32 from vector<16xi32>
      %add3A_335 = arith.addi %add3A_310, %reduce_max3A_334 : i32
      %get3A_336 = arith.constant 192 : index
      %get3A_337 = tpu.vector_load %arg8[%get3A_336] {strides = array<i32>} : memref<224xi32, #tpu.memory_space<vmem>>, vector<16xi32>,
      %add3A_338 = arith.constant 15 : i32
      %add3A_339 = vector.broadcast %add3A_338 : i32 to vector<16xi32>
      %add3A_340 = arith.addi %get3A_337, %add3A_339 : vector<16xi32>
      %and3A_341 = arith.constant -16 : i32
      %and3A_342 = vector.broadcast %and3A_341 : i32 to vector<16xi32>
      %and3A_343 = arith.andi %add3A_340, %and3A_342 : vector<16xi32>
      %broadcast_in_dim3A_344 = arith.constant true
      %broadcast_in_dim3A_345 = vector.broadcast %broadcast_in_dim3A_344 : i1 to vector<16xi1>
      %masked_cumsum3A_346 = tpu.scan <sum>, %and3A_343 masked %broadcast_in_dim3A_345 : vector<16xi32>, vector<16xi1> -> vector<16xi32>
      %sub3A_347 = arith.subi %masked_cumsum3A_346, %and3A_343 : vector<16xi32>
      %add3A_348 = vector.broadcast %add3A_335 : i32 to vector<16xi32>
      %add3A_349 = arith.addi %sub3A_347, %add3A_348 : vector<16xi32>
      %swap3A_350 = arith.constant 192 : index
      %swap3A_351 = tpu.vector_load %arg9[%swap3A_350] {strides = array<i32>} : memref<224xi32, #tpu.memory_space<vmem>>, vector<16xi32>,
      tpu.vector_store %arg9[%swap3A_350], %add3A_349 {strides = array<i32>} : memref<224xi32, #tpu.memory_space<vmem>>, vector<16xi32>,
      %reduce_max3A_352 = arith.constant true
      %reduce_max3A_353 = vector.broadcast %reduce_max3A_352 : i1 to vector<16xi1>
      %reduce_max3A_354 = arith.constant -2147483648 : i32
      %reduce_max3A_355 = vector.broadcast %reduce_max3A_354 : i32 to vector<16xi32>
      %reduce_max3A_356 = arith.xori %masked_cumsum3A_346, %reduce_max3A_355 : vector<16xi32>
      %reduce_max3A_357 = tpu.scan <max>, %reduce_max3A_356 masked %reduce_max3A_353 : vector<16xi32>, vector<16xi1> -> vector<16xi32>
      %reduce_max3A_358 = arith.xori %reduce_max3A_357, %reduce_max3A_355 : vector<16xi32>
      %reduce_max3A_359 = vector.extract %reduce_max3A_358[15] : i32 from vector<16xi32>
      %add3A_360 = arith.addi %add3A_335, %reduce_max3A_359 : i32
      %mul3A_361 = arith.constant 19328 : i32
      %mul3A_362 = arith.muli %add3A, %mul3A_361 : i32
      %scan3A_363 = arith.constant 0 : i32
      %scan3A_364 = arith.constant 0 : i32
      %scan3A_365 = arith.constant 1024 : i32
      %scan3A_366 = arith.addi %scan3A_364, %scan3A_365 : i32
      %scan3A_367 = arith.constant 1 : i32
      scf.for %scan3A_490 = %scan3A_364 to %scan3A_366 step %scan3A_367  : i32 {
        %shift_right_arithmetic3A_491 = arith.constant 3 : i32
        %shift_right_arithmetic3A_492 = arith.shrsi %scan3A_490, %shift_right_arithmetic3A_491 : i32
        %and3A_493 = arith.constant 7 : i32
        %and3A_494 = arith.andi %scan3A_490, %and3A_493 : i32
        %mul3A_495 = arith.constant 16 : i32
        %mul3A_496 = arith.muli %and3A_494, %mul3A_495 : i32
        %get3A_497 = arith.index_cast %shift_right_arithmetic3A_492 : i32 to index
        %get3A_498 = arith.index_cast %mul3A_496 : i32 to index
        %get3A_499 = tpu.vector_load %arg7[%get3A_497, %get3A_498] {strides = array<i32>} : memref<128x128xi32, #tpu.memory_space<vmem>>, vector<16xi32>,
        %shift_right_arithmetic3A_500 = arith.constant 9 : i32
        %shift_right_arithmetic3A_501 = vector.broadcast %shift_right_arithmetic3A_500 : i32 to vector<16xi32>
        %shift_right_arithmetic3A_502 = arith.shrsi %get3A_499, %shift_right_arithmetic3A_501 : vector<16xi32>
        %broadcast_in_dim3A_503 = arith.constant true
        %broadcast_in_dim3A_504 = vector.broadcast %broadcast_in_dim3A_503 : i1 to vector<16xi1>
        %unique3A, %unique3A_505 = tpu.scan_count mask(%broadcast_in_dim3A_504 : vector<16xi1>) value(%shift_right_arithmetic3A_502 : vector<16xi32>) : vector<16xi1>, vector<16xi32>
        %gather3A = tpu.vector_load_idx %arg9[%shift_right_arithmetic3A_502] : memref<224xi32, #tpu.memory_space<vmem>>[vector<16xi32>], vector<16xi32>,
        %sub3A_506 = arith.constant 1 : i32
        %sub3A_507 = vector.broadcast %sub3A_506 : i32 to vector<16xi32>
        %sub3A_508 = arith.subi %unique3A_505, %sub3A_507 : vector<16xi32>
        %add3A_509 = arith.addi %gather3A, %sub3A_508 : vector<16xi32>
        tpu.vector_store_idx %arg11[%add3A_509], %get3A_499 : memref<19328xi32, #tpu.memory_space<vmem>>[vector<16xi32>], vector<16xi32>,
        %add3A_510 = vector.broadcast %mul3A_362 : i32 to vector<16xi32>
        %add3A_511 = arith.addi %add3A_509, %add3A_510 : vector<16xi32>
        %shift_right_arithmetic3A_512 = arith.constant 3 : i32
        %shift_right_arithmetic3A_513 = arith.shrsi %scan3A_490, %shift_right_arithmetic3A_512 : i32
        %and3A_514 = arith.constant 7 : i32
        %and3A_515 = arith.andi %scan3A_490, %and3A_514 : i32
        %mul3A_516 = arith.constant 16 : i32
        %mul3A_517 = arith.muli %and3A_515, %mul3A_516 : i32
        %swap3A_518 = arith.index_cast %shift_right_arithmetic3A_513 : i32 to index
        %swap3A_519 = arith.index_cast %mul3A_517 : i32 to index
        %swap3A_520 = tpu.vector_load %arg10[%swap3A_518, %swap3A_519] {strides = array<i32>} : memref<128x128xi32, #tpu.memory_space<vmem>>, vector<16xi32>,
        tpu.vector_store %arg10[%swap3A_518, %swap3A_519], %add3A_511 {strides = array<i32>} : memref<128x128xi32, #tpu.memory_space<vmem>>, vector<16xi32>,
        tpu.vector_store_idx %arg9[%shift_right_arithmetic3A_502], %unique3A_505 masked %unique3A {add = true} : memref<224xi32, #tpu.memory_space<vmem>>[vector<16xi32>], vector<16xi32>, vector<16xi1>
      }
      %scan3A_368 = arith.constant 1024 : i32
      "tpu.region"() ({
        %run_scoped3A = tpu.sem_alloc : memref<!tpu.dma_semaphore, #tpu.memory_space<semaphore_mem>>
        %dma_start3A = arith.constant 0 : i32
        %dma_start3A_490 = arith.constant 0 : i32
        %dma_start3A_491 = tpu.memref_slice %arg6[%add3A, %dma_start3A, %dma_start3A_490] : memref<26x128x128xi32, #tpu.memory_space<hbm>> -> memref<1x128x128xi32, #tpu.memory_space<hbm>>
        %dma_start3A_492 = tpu.memref_squeeze %dma_start3A_491 : memref<1x128x128xi32, #tpu.memory_space<hbm>> -> memref<128x128xi32, #tpu.memory_space<hbm>>
        %dma_start3A_493 = arith.constant 0 : i32
        %dma_start3A_494 = arith.constant 0 : i32
        %dma_start3A_495 = tpu.memref_slice %arg6[%add3A, %dma_start3A_493, %dma_start3A_494] : memref<26x128x128xi32, #tpu.memory_space<hbm>> -> memref<1x128x128xi32, #tpu.memory_space<hbm>>
        %dma_start3A_496 = tpu.memref_squeeze %dma_start3A_495 : memref<1x128x128xi32, #tpu.memory_space<hbm>> -> memref<128x128xi32, #tpu.memory_space<hbm>>
        tpu.enqueue_dma source(%arg10 : memref<128x128xi32, #tpu.memory_space<vmem>>) target(%dma_start3A_496 : memref<128x128xi32, #tpu.memory_space<hbm>>) target_semaphore(%run_scoped3A : memref<!tpu.dma_semaphore, #tpu.memory_space<semaphore_mem>>)
        %dma_wait3A = arith.constant 0 : i32
        %dma_wait3A_497 = arith.constant 0 : i32
        %dma_wait3A_498 = tpu.memref_slice %arg6[%add3A, %dma_wait3A, %dma_wait3A_497] : memref<26x128x128xi32, #tpu.memory_space<hbm>> -> memref<1x128x128xi32, #tpu.memory_space<hbm>>
        %dma_wait3A_499 = tpu.memref_squeeze %dma_wait3A_498 : memref<1x128x128xi32, #tpu.memory_space<hbm>> -> memref<128x128xi32, #tpu.memory_space<hbm>>
        %dma_wait3A_500 = arith.constant 0 : i32
        %dma_wait3A_501 = arith.constant 0 : i32
        %dma_wait3A_502 = tpu.memref_slice %arg6[%add3A, %dma_wait3A_500, %dma_wait3A_501] : memref<26x128x128xi32, #tpu.memory_space<hbm>> -> memref<1x128x128xi32, #tpu.memory_space<hbm>>
        %dma_wait3A_503 = tpu.memref_squeeze %dma_wait3A_502 : memref<1x128x128xi32, #tpu.memory_space<hbm>> -> memref<128x128xi32, #tpu.memory_space<hbm>>
        tpu.wait_dma2 semaphore(%run_scoped3A : memref<!tpu.dma_semaphore, #tpu.memory_space<semaphore_mem>>) src(%arg10 : memref<128x128xi32, #tpu.memory_space<vmem>>) dst(%dma_wait3A_503 : memref<128x128xi32, #tpu.memory_space<hbm>>)
        tpu.yield
      }) : () -> ()
      %broadcast_in_dim3A_369 = arith.constant 0 : i32
      %broadcast_in_dim3A_370 = vector.broadcast %broadcast_in_dim3A_369 : i32 to vector<16xi32>
      %broadcast_in_dim3A_371 = arith.constant 1 : i32
      %broadcast_in_dim3A_372 = vector.broadcast %broadcast_in_dim3A_371 : i32 to vector<16xi32>
      %broadcast_in_dim3A_373 = arith.constant 2 : i32
      %broadcast_in_dim3A_374 = vector.broadcast %broadcast_in_dim3A_373 : i32 to vector<16xi32>
      %broadcast_in_dim3A_375 = arith.constant 3 : i32
      %broadcast_in_dim3A_376 = vector.broadcast %broadcast_in_dim3A_375 : i32 to vector<16xi32>
      %broadcast_in_dim3A_377 = arith.constant 4 : i32
      %broadcast_in_dim3A_378 = vector.broadcast %broadcast_in_dim3A_377 : i32 to vector<16xi32>
      %broadcast_in_dim3A_379 = arith.constant 5 : i32
      %broadcast_in_dim3A_380 = vector.broadcast %broadcast_in_dim3A_379 : i32 to vector<16xi32>
      %broadcast_in_dim3A_381 = arith.constant 6 : i32
      %broadcast_in_dim3A_382 = vector.broadcast %broadcast_in_dim3A_381 : i32 to vector<16xi32>
      %broadcast_in_dim3A_383 = arith.constant 7 : i32
      %broadcast_in_dim3A_384 = vector.broadcast %broadcast_in_dim3A_383 : i32 to vector<16xi32>
      %broadcast_in_dim3A_385 = arith.constant 8 : i32
      %broadcast_in_dim3A_386 = vector.broadcast %broadcast_in_dim3A_385 : i32 to vector<16xi32>
      %broadcast_in_dim3A_387 = arith.constant 9 : i32
      %broadcast_in_dim3A_388 = vector.broadcast %broadcast_in_dim3A_387 : i32 to vector<16xi32>
      %broadcast_in_dim3A_389 = arith.constant 10 : i32
      %broadcast_in_dim3A_390 = vector.broadcast %broadcast_in_dim3A_389 : i32 to vector<16xi32>
      %broadcast_in_dim3A_391 = arith.constant 11 : i32
      %broadcast_in_dim3A_392 = vector.broadcast %broadcast_in_dim3A_391 : i32 to vector<16xi32>
      %broadcast_in_dim3A_393 = arith.constant 12 : i32
      %broadcast_in_dim3A_394 = vector.broadcast %broadcast_in_dim3A_393 : i32 to vector<16xi32>
      %broadcast_in_dim3A_395 = arith.constant 13 : i32
      %broadcast_in_dim3A_396 = vector.broadcast %broadcast_in_dim3A_395 : i32 to vector<16xi32>
      %broadcast_in_dim3A_397 = arith.constant 14 : i32
      %broadcast_in_dim3A_398 = vector.broadcast %broadcast_in_dim3A_397 : i32 to vector<16xi32>
      %broadcast_in_dim3A_399 = arith.constant 15 : i32
      %broadcast_in_dim3A_400 = vector.broadcast %broadcast_in_dim3A_399 : i32 to vector<16xi32>
      %broadcast_in_dim3A_401 = arith.constant 16 : i32
      %broadcast_in_dim3A_402 = vector.broadcast %broadcast_in_dim3A_401 : i32 to vector<16xi32>
      %broadcast_in_dim3A_403 = arith.constant 17 : i32
      %broadcast_in_dim3A_404 = vector.broadcast %broadcast_in_dim3A_403 : i32 to vector<16xi32>
      %broadcast_in_dim3A_405 = arith.constant 18 : i32
      %broadcast_in_dim3A_406 = vector.broadcast %broadcast_in_dim3A_405 : i32 to vector<16xi32>
      %broadcast_in_dim3A_407 = arith.constant 19 : i32
      %broadcast_in_dim3A_408 = vector.broadcast %broadcast_in_dim3A_407 : i32 to vector<16xi32>
      %broadcast_in_dim3A_409 = arith.constant 20 : i32
      %broadcast_in_dim3A_410 = vector.broadcast %broadcast_in_dim3A_409 : i32 to vector<16xi32>
      %broadcast_in_dim3A_411 = arith.constant 21 : i32
      %broadcast_in_dim3A_412 = vector.broadcast %broadcast_in_dim3A_411 : i32 to vector<16xi32>
      %broadcast_in_dim3A_413 = arith.constant 22 : i32
      %broadcast_in_dim3A_414 = vector.broadcast %broadcast_in_dim3A_413 : i32 to vector<16xi32>
      %broadcast_in_dim3A_415 = arith.constant 23 : i32
      %broadcast_in_dim3A_416 = vector.broadcast %broadcast_in_dim3A_415 : i32 to vector<16xi32>
      %broadcast_in_dim3A_417 = arith.constant 24 : i32
      %broadcast_in_dim3A_418 = vector.broadcast %broadcast_in_dim3A_417 : i32 to vector<16xi32>
      %broadcast_in_dim3A_419 = arith.constant 25 : i32
      %broadcast_in_dim3A_420 = vector.broadcast %broadcast_in_dim3A_419 : i32 to vector<16xi32>
      %broadcast_in_dim3A_421 = arith.constant 26 : i32
      %broadcast_in_dim3A_422 = vector.broadcast %broadcast_in_dim3A_421 : i32 to vector<16xi32>
      %broadcast_in_dim3A_423 = arith.constant 27 : i32
      %broadcast_in_dim3A_424 = vector.broadcast %broadcast_in_dim3A_423 : i32 to vector<16xi32>
      %broadcast_in_dim3A_425 = arith.constant 28 : i32
      %broadcast_in_dim3A_426 = vector.broadcast %broadcast_in_dim3A_425 : i32 to vector<16xi32>
      %broadcast_in_dim3A_427 = arith.constant 29 : i32
      %broadcast_in_dim3A_428 = vector.broadcast %broadcast_in_dim3A_427 : i32 to vector<16xi32>
      %broadcast_in_dim3A_429 = arith.constant 30 : i32
      %broadcast_in_dim3A_430 = vector.broadcast %broadcast_in_dim3A_429 : i32 to vector<16xi32>
      %broadcast_in_dim3A_431 = arith.constant 31 : i32
      %broadcast_in_dim3A_432 = vector.broadcast %broadcast_in_dim3A_431 : i32 to vector<16xi32>
      %lt3A_433 = arith.constant 0 : i32
      %lt3A_434 = arith.constant 195 : i32
      %lt3A_435 = arith.cmpi slt, %lt3A_433, %lt3A_434 : i32
      %convert_element_type3A_436 = arith.extui %lt3A_435 : i1 to i32
      %cond3A_437 = arith.constant 0 : i32
      %cond3A_438 = arith.constant 0 : i32
      %cond3A_439 = arith.cmpi ne, %convert_element_type3A_436, %cond3A_438 : i32
      scf.if %cond3A_439 {
        %mul3A_490 = arith.constant 512 : i32
        %mul3A_491 = arith.muli %cond3A_437, %mul3A_490 : i32
        %mul3A_492 = arith.constant 512 : i32
        %mul3A_493 = arith.muli %cond3A_437, %mul3A_492 : i32
        %mul3A_494 = arith.constant 512 : i32
        %mul3A_495 = arith.muli %cond3A_437, %mul3A_494 : i32
        %mul3A_496 = arith.constant 512 : i32
        %mul3A_497 = arith.muli %cond3A_437, %mul3A_496 : i32
        %dma_start3A = arith.constant 0 : i32
        %dma_start3A_498 = arith.constant 0 : i32
        %dma_start3A_499 = arith.constant 0 : i32
        %dma_start3A_500 = arith.constant 0 : i32
        %dma_start3A_501 = tpu.memref_slice %arg12[%dma_start3A, %dma_start3A_499, %dma_start3A_500] : memref<4x32x512xf32, #tpu.memory_space<vmem>> -> memref<1x8x512xf32, #tpu.memory_space<vmem>>
        %dma_start3A_502 = tpu.memref_squeeze %dma_start3A_501 : memref<1x8x512xf32, #tpu.memory_space<vmem>> -> memref<8x512xf32, #tpu.memory_space<vmem>>
        %dma_start3A_503 = arith.constant 0 : i32
        %dma_start3A_504 = tpu.memref_slice %arg2[%add3A, %dma_start3A_503, %mul3A_491] : memref<26x32x100000xf32, #tpu.memory_space<hbm>> -> memref<1x8x512xf32, #tpu.memory_space<hbm>>
        %dma_start3A_505 = tpu.memref_squeeze %dma_start3A_504 : memref<1x8x512xf32, #tpu.memory_space<hbm>> -> memref<8x512xf32, #tpu.memory_space<hbm>>
        %dma_start3A_506 = tpu.memref_slice %arg14[%dma_start3A_498] : memref<4x!tpu.dma_semaphore, #tpu.memory_space<semaphore_mem>> -> memref<1x!tpu.dma_semaphore, #tpu.memory_space<semaphore_mem>>
        %dma_start3A_507 = tpu.memref_squeeze %dma_start3A_506 : memref<1x!tpu.dma_semaphore, #tpu.memory_space<semaphore_mem>> -> memref<!tpu.dma_semaphore, #tpu.memory_space<semaphore_mem>>
        %dma_start3A_508 = arith.constant 0 : i32
        %dma_start3A_509 = arith.constant 0 : i32
        %dma_start3A_510 = tpu.memref_slice %arg12[%dma_start3A, %dma_start3A_508, %dma_start3A_509] : memref<4x32x512xf32, #tpu.memory_space<vmem>> -> memref<1x8x512xf32, #tpu.memory_space<vmem>>
        %dma_start3A_511 = tpu.memref_squeeze %dma_start3A_510 : memref<1x8x512xf32, #tpu.memory_space<vmem>> -> memref<8x512xf32, #tpu.memory_space<vmem>>
        %dma_start3A_512 = arith.constant 0 : i32
        %dma_start3A_513 = tpu.memref_slice %arg2[%add3A, %dma_start3A_512, %mul3A_491] : memref<26x32x100000xf32, #tpu.memory_space<hbm>> -> memref<1x8x512xf32, #tpu.memory_space<hbm>>
        %dma_start3A_514 = tpu.memref_squeeze %dma_start3A_513 : memref<1x8x512xf32, #tpu.memory_space<hbm>> -> memref<8x512xf32, #tpu.memory_space<hbm>>
        tpu.enqueue_dma source(%dma_start3A_514 : memref<8x512xf32, #tpu.memory_space<hbm>>) target(%dma_start3A_511 : memref<8x512xf32, #tpu.memory_space<vmem>>) target_semaphore(%dma_start3A_507 : memref<!tpu.dma_semaphore, #tpu.memory_space<semaphore_mem>>)
        %dma_start3A_515 = arith.constant 0 : i32
        %dma_start3A_516 = arith.constant 0 : i32
        %dma_start3A_517 = arith.constant 8 : i32
        %dma_start3A_518 = arith.constant 0 : i32
        %dma_start3A_519 = tpu.memref_slice %arg12[%dma_start3A_515, %dma_start3A_517, %dma_start3A_518] : memref<4x32x512xf32, #tpu.memory_space<vmem>> -> memref<1x8x512xf32, #tpu.memory_space<vmem>>
        %dma_start3A_520 = tpu.memref_squeeze %dma_start3A_519 : memref<1x8x512xf32, #tpu.memory_space<vmem>> -> memref<8x512xf32, #tpu.memory_space<vmem>>
        %dma_start3A_521 = arith.constant 8 : i32
        %dma_start3A_522 = tpu.memref_slice %arg2[%add3A, %dma_start3A_521, %mul3A_493] : memref<26x32x100000xf32, #tpu.memory_space<hbm>> -> memref<1x8x512xf32, #tpu.memory_space<hbm>>
        %dma_start3A_523 = tpu.memref_squeeze %dma_start3A_522 : memref<1x8x512xf32, #tpu.memory_space<hbm>> -> memref<8x512xf32, #tpu.memory_space<hbm>>
        %dma_start3A_524 = tpu.memref_slice %arg14[%dma_start3A_516] : memref<4x!tpu.dma_semaphore, #tpu.memory_space<semaphore_mem>> -> memref<1x!tpu.dma_semaphore, #tpu.memory_space<semaphore_mem>>
        %dma_start3A_525 = tpu.memref_squeeze %dma_start3A_524 : memref<1x!tpu.dma_semaphore, #tpu.memory_space<semaphore_mem>> -> memref<!tpu.dma_semaphore, #tpu.memory_space<semaphore_mem>>
        %dma_start3A_526 = arith.constant 8 : i32
        %dma_start3A_527 = arith.constant 0 : i32
        %dma_start3A_528 = tpu.memref_slice %arg12[%dma_start3A_515, %dma_start3A_526, %dma_start3A_527] : memref<4x32x512xf32, #tpu.memory_space<vmem>> -> memref<1x8x512xf32, #tpu.memory_space<vmem>>
        %dma_start3A_529 = tpu.memref_squeeze %dma_start3A_528 : memref<1x8x512xf32, #tpu.memory_space<vmem>> -> memref<8x512xf32, #tpu.memory_space<vmem>>
        %dma_start3A_530 = arith.constant 8 : i32
        %dma_start3A_531 = tpu.memref_slice %arg2[%add3A, %dma_start3A_530, %mul3A_493] : memref<26x32x100000xf32, #tpu.memory_space<hbm>> -> memref<1x8x512xf32, #tpu.memory_space<hbm>>
        %dma_start3A_532 = tpu.memref_squeeze %dma_start3A_531 : memref<1x8x512xf32, #tpu.memory_space<hbm>> -> memref<8x512xf32, #tpu.memory_space<hbm>>
        tpu.enqueue_dma source(%dma_start3A_532 : memref<8x512xf32, #tpu.memory_space<hbm>>) target(%dma_start3A_529 : memref<8x512xf32, #tpu.memory_space<vmem>>) target_semaphore(%dma_start3A_525 : memref<!tpu.dma_semaphore, #tpu.memory_space<semaphore_mem>>)
        %dma_start3A_533 = arith.constant 0 : i32
        %dma_start3A_534 = arith.constant 0 : i32
        %dma_start3A_535 = arith.constant 16 : i32
        %dma_start3A_536 = arith.constant 0 : i32
        %dma_start3A_537 = tpu.memref_slice %arg12[%dma_start3A_533, %dma_start3A_535, %dma_start3A_536] : memref<4x32x512xf32, #tpu.memory_space<vmem>> -> memref<1x8x512xf32, #tpu.memory_space<vmem>>
        %dma_start3A_538 = tpu.memref_squeeze %dma_start3A_537 : memref<1x8x512xf32, #tpu.memory_space<vmem>> -> memref<8x512xf32, #tpu.memory_space<vmem>>
        %dma_start3A_539 = arith.constant 16 : i32
        %dma_start3A_540 = tpu.memref_slice %arg2[%add3A, %dma_start3A_539, %mul3A_495] : memref<26x32x100000xf32, #tpu.memory_space<hbm>> -> memref<1x8x512xf32, #tpu.memory_space<hbm>>
        %dma_start3A_541 = tpu.memref_squeeze %dma_start3A_540 : memref<1x8x512xf32, #tpu.memory_space<hbm>> -> memref<8x512xf32, #tpu.memory_space<hbm>>
        %dma_start3A_542 = tpu.memref_slice %arg14[%dma_start3A_534] : memref<4x!tpu.dma_semaphore, #tpu.memory_space<semaphore_mem>> -> memref<1x!tpu.dma_semaphore, #tpu.memory_space<semaphore_mem>>
        %dma_start3A_543 = tpu.memref_squeeze %dma_start3A_542 : memref<1x!tpu.dma_semaphore, #tpu.memory_space<semaphore_mem>> -> memref<!tpu.dma_semaphore, #tpu.memory_space<semaphore_mem>>
        %dma_start3A_544 = arith.constant 16 : i32
        %dma_start3A_545 = arith.constant 0 : i32
        %dma_start3A_546 = tpu.memref_slice %arg12[%dma_start3A_533, %dma_start3A_544, %dma_start3A_545] : memref<4x32x512xf32, #tpu.memory_space<vmem>> -> memref<1x8x512xf32, #tpu.memory_space<vmem>>
        %dma_start3A_547 = tpu.memref_squeeze %dma_start3A_546 : memref<1x8x512xf32, #tpu.memory_space<vmem>> -> memref<8x512xf32, #tpu.memory_space<vmem>>
        %dma_start3A_548 = arith.constant 16 : i32
        %dma_start3A_549 = tpu.memref_slice %arg2[%add3A, %dma_start3A_548, %mul3A_495] : memref<26x32x100000xf32, #tpu.memory_space<hbm>> -> memref<1x8x512xf32, #tpu.memory_space<hbm>>
        %dma_start3A_550 = tpu.memref_squeeze %dma_start3A_549 : memref<1x8x512xf32, #tpu.memory_space<hbm>> -> memref<8x512xf32, #tpu.memory_space<hbm>>
        tpu.enqueue_dma source(%dma_start3A_550 : memref<8x512xf32, #tpu.memory_space<hbm>>) target(%dma_start3A_547 : memref<8x512xf32, #tpu.memory_space<vmem>>) target_semaphore(%dma_start3A_543 : memref<!tpu.dma_semaphore, #tpu.memory_space<semaphore_mem>>)
        %dma_start3A_551 = arith.constant 0 : i32
        %dma_start3A_552 = arith.constant 0 : i32
        %dma_start3A_553 = arith.constant 24 : i32
        %dma_start3A_554 = arith.constant 0 : i32
        %dma_start3A_555 = tpu.memref_slice %arg12[%dma_start3A_551, %dma_start3A_553, %dma_start3A_554] : memref<4x32x512xf32, #tpu.memory_space<vmem>> -> memref<1x8x512xf32, #tpu.memory_space<vmem>>
        %dma_start3A_556 = tpu.memref_squeeze %dma_start3A_555 : memref<1x8x512xf32, #tpu.memory_space<vmem>> -> memref<8x512xf32, #tpu.memory_space<vmem>>
        %dma_start3A_557 = arith.constant 24 : i32
        %dma_start3A_558 = tpu.memref_slice %arg2[%add3A, %dma_start3A_557, %mul3A_497] : memref<26x32x100000xf32, #tpu.memory_space<hbm>> -> memref<1x8x512xf32, #tpu.memory_space<hbm>>
        %dma_start3A_559 = tpu.memref_squeeze %dma_start3A_558 : memref<1x8x512xf32, #tpu.memory_space<hbm>> -> memref<8x512xf32, #tpu.memory_space<hbm>>
        %dma_start3A_560 = tpu.memref_slice %arg14[%dma_start3A_552] : memref<4x!tpu.dma_semaphore, #tpu.memory_space<semaphore_mem>> -> memref<1x!tpu.dma_semaphore, #tpu.memory_space<semaphore_mem>>
        %dma_start3A_561 = tpu.memref_squeeze %dma_start3A_560 : memref<1x!tpu.dma_semaphore, #tpu.memory_space<semaphore_mem>> -> memref<!tpu.dma_semaphore, #tpu.memory_space<semaphore_mem>>
        %dma_start3A_562 = arith.constant 24 : i32
        %dma_start3A_563 = arith.constant 0 : i32
        %dma_start3A_564 = tpu.memref_slice %arg12[%dma_start3A_551, %dma_start3A_562, %dma_start3A_563] : memref<4x32x512xf32, #tpu.memory_space<vmem>> -> memref<1x8x512xf32, #tpu.memory_space<vmem>>
        %dma_start3A_565 = tpu.memref_squeeze %dma_start3A_564 : memref<1x8x512xf32, #tpu.memory_space<vmem>> -> memref<8x512xf32, #tpu.memory_space<vmem>>
        %dma_start3A_566 = arith.constant 24 : i32
        %dma_start3A_567 = tpu.memref_slice %arg2[%add3A, %dma_start3A_566, %mul3A_497] : memref<26x32x100000xf32, #tpu.memory_space<hbm>> -> memref<1x8x512xf32, #tpu.memory_space<hbm>>
        %dma_start3A_568 = tpu.memref_squeeze %dma_start3A_567 : memref<1x8x512xf32, #tpu.memory_space<hbm>> -> memref<8x512xf32, #tpu.memory_space<hbm>>
        tpu.enqueue_dma source(%dma_start3A_568 : memref<8x512xf32, #tpu.memory_space<hbm>>) target(%dma_start3A_565 : memref<8x512xf32, #tpu.memory_space<vmem>>) target_semaphore(%dma_start3A_561 : memref<!tpu.dma_semaphore, #tpu.memory_space<semaphore_mem>>)
      } else {
      }
      %eq3A = arith.constant 0 : i32
      %eq3A_440 = arith.constant 195 : i32
      %eq3A_441 = arith.cmpi eq, %eq3A, %eq3A_440 : i32
      %convert_element_type3A_442 = arith.extui %eq3A_441 : i1 to i32
      %cond3A_443 = arith.constant 0 : i32
      %cond3A_444 = arith.cmpi ne, %convert_element_type3A_442, %cond3A_443 : i32
      scf.if %cond3A_444 {
        %dma_start3A = arith.constant 0 : i32
        %dma_start3A_490 = arith.constant 0 : i32
        %dma_start3A_491 = arith.constant 0 : i32
        %dma_start3A_492 = arith.constant 0 : i32
        %dma_start3A_493 = tpu.memref_slice %arg12[%dma_start3A, %dma_start3A_491, %dma_start3A_492] : memref<4x32x512xf32, #tpu.memory_space<vmem>> -> memref<1x8x512xf32, #tpu.memory_space<vmem>>
        %dma_start3A_494 = tpu.memref_squeeze %dma_start3A_493 : memref<1x8x512xf32, #tpu.memory_space<vmem>> -> memref<8x512xf32, #tpu.memory_space<vmem>>
        %dma_start3A_495 = arith.constant 0 : i32
        %dma_start3A_496 = arith.constant 0 : i32
        %dma_start3A_497 = tpu.memref_slice %arg3[%add3A, %dma_start3A_495, %dma_start3A_496] : memref<26x32x512xf32, #tpu.memory_space<hbm>> -> memref<1x8x512xf32, #tpu.memory_space<hbm>>
        %dma_start3A_498 = tpu.memref_squeeze %dma_start3A_497 : memref<1x8x512xf32, #tpu.memory_space<hbm>> -> memref<8x512xf32, #tpu.memory_space<hbm>>
        %dma_start3A_499 = tpu.memref_slice %arg14[%dma_start3A_490] : memref<4x!tpu.dma_semaphore, #tpu.memory_space<semaphore_mem>> -> memref<1x!tpu.dma_semaphore, #tpu.memory_space<semaphore_mem>>
        %dma_start3A_500 = tpu.memref_squeeze %dma_start3A_499 : memref<1x!tpu.dma_semaphore, #tpu.memory_space<semaphore_mem>> -> memref<!tpu.dma_semaphore, #tpu.memory_space<semaphore_mem>>
        %dma_start3A_501 = arith.constant 0 : i32
        %dma_start3A_502 = arith.constant 0 : i32
        %dma_start3A_503 = tpu.memref_slice %arg12[%dma_start3A, %dma_start3A_501, %dma_start3A_502] : memref<4x32x512xf32, #tpu.memory_space<vmem>> -> memref<1x8x512xf32, #tpu.memory_space<vmem>>
        %dma_start3A_504 = tpu.memref_squeeze %dma_start3A_503 : memref<1x8x512xf32, #tpu.memory_space<vmem>> -> memref<8x512xf32, #tpu.memory_space<vmem>>
        %dma_start3A_505 = arith.constant 0 : i32
        %dma_start3A_506 = arith.constant 0 : i32
        %dma_start3A_507 = tpu.memref_slice %arg3[%add3A, %dma_start3A_505, %dma_start3A_506] : memref<26x32x512xf32, #tpu.memory_space<hbm>> -> memref<1x8x512xf32, #tpu.memory_space<hbm>>
        %dma_start3A_508 = tpu.memref_squeeze %dma_start3A_507 : memref<1x8x512xf32, #tpu.memory_space<hbm>> -> memref<8x512xf32, #tpu.memory_space<hbm>>
        tpu.enqueue_dma source(%dma_start3A_508 : memref<8x512xf32, #tpu.memory_space<hbm>>) target(%dma_start3A_504 : memref<8x512xf32, #tpu.memory_space<vmem>>) target_semaphore(%dma_start3A_500 : memref<!tpu.dma_semaphore, #tpu.memory_space<semaphore_mem>>)
        %dma_start3A_509 = arith.constant 0 : i32
        %dma_start3A_510 = arith.constant 0 : i32
        %dma_start3A_511 = arith.constant 8 : i32
        %dma_start3A_512 = arith.constant 0 : i32
        %dma_start3A_513 = tpu.memref_slice %arg12[%dma_start3A_509, %dma_start3A_511, %dma_start3A_512] : memref<4x32x512xf32, #tpu.memory_space<vmem>> -> memref<1x8x512xf32, #tpu.memory_space<vmem>>
        %dma_start3A_514 = tpu.memref_squeeze %dma_start3A_513 : memref<1x8x512xf32, #tpu.memory_space<vmem>> -> memref<8x512xf32, #tpu.memory_space<vmem>>
        %dma_start3A_515 = arith.constant 8 : i32
        %dma_start3A_516 = arith.constant 0 : i32
        %dma_start3A_517 = tpu.memref_slice %arg3[%add3A, %dma_start3A_515, %dma_start3A_516] : memref<26x32x512xf32, #tpu.memory_space<hbm>> -> memref<1x8x512xf32, #tpu.memory_space<hbm>>
        %dma_start3A_518 = tpu.memref_squeeze %dma_start3A_517 : memref<1x8x512xf32, #tpu.memory_space<hbm>> -> memref<8x512xf32, #tpu.memory_space<hbm>>
        %dma_start3A_519 = tpu.memref_slice %arg14[%dma_start3A_510] : memref<4x!tpu.dma_semaphore, #tpu.memory_space<semaphore_mem>> -> memref<1x!tpu.dma_semaphore, #tpu.memory_space<semaphore_mem>>
        %dma_start3A_520 = tpu.memref_squeeze %dma_start3A_519 : memref<1x!tpu.dma_semaphore, #tpu.memory_space<semaphore_mem>> -> memref<!tpu.dma_semaphore, #tpu.memory_space<semaphore_mem>>
        %dma_start3A_521 = arith.constant 8 : i32
        %dma_start3A_522 = arith.constant 0 : i32
        %dma_start3A_523 = tpu.memref_slice %arg12[%dma_start3A_509, %dma_start3A_521, %dma_start3A_522] : memref<4x32x512xf32, #tpu.memory_space<vmem>> -> memref<1x8x512xf32, #tpu.memory_space<vmem>>
        %dma_start3A_524 = tpu.memref_squeeze %dma_start3A_523 : memref<1x8x512xf32, #tpu.memory_space<vmem>> -> memref<8x512xf32, #tpu.memory_space<vmem>>
        %dma_start3A_525 = arith.constant 8 : i32
        %dma_start3A_526 = arith.constant 0 : i32
        %dma_start3A_527 = tpu.memref_slice %arg3[%add3A, %dma_start3A_525, %dma_start3A_526] : memref<26x32x512xf32, #tpu.memory_space<hbm>> -> memref<1x8x512xf32, #tpu.memory_space<hbm>>
        %dma_start3A_528 = tpu.memref_squeeze %dma_start3A_527 : memref<1x8x512xf32, #tpu.memory_space<hbm>> -> memref<8x512xf32, #tpu.memory_space<hbm>>
        tpu.enqueue_dma source(%dma_start3A_528 : memref<8x512xf32, #tpu.memory_space<hbm>>) target(%dma_start3A_524 : memref<8x512xf32, #tpu.memory_space<vmem>>) target_semaphore(%dma_start3A_520 : memref<!tpu.dma_semaphore, #tpu.memory_space<semaphore_mem>>)
        %dma_start3A_529 = arith.constant 0 : i32
        %dma_start3A_530 = arith.constant 0 : i32
        %dma_start3A_531 = arith.constant 16 : i32
        %dma_start3A_532 = arith.constant 0 : i32
        %dma_start3A_533 = tpu.memref_slice %arg12[%dma_start3A_529, %dma_start3A_531, %dma_start3A_532] : memref<4x32x512xf32, #tpu.memory_space<vmem>> -> memref<1x8x512xf32, #tpu.memory_space<vmem>>
        %dma_start3A_534 = tpu.memref_squeeze %dma_start3A_533 : memref<1x8x512xf32, #tpu.memory_space<vmem>> -> memref<8x512xf32, #tpu.memory_space<vmem>>
        %dma_start3A_535 = arith.constant 16 : i32
        %dma_start3A_536 = arith.constant 0 : i32
        %dma_start3A_537 = tpu.memref_slice %arg3[%add3A, %dma_start3A_535, %dma_start3A_536] : memref<26x32x512xf32, #tpu.memory_space<hbm>> -> memref<1x8x512xf32, #tpu.memory_space<hbm>>
        %dma_start3A_538 = tpu.memref_squeeze %dma_start3A_537 : memref<1x8x512xf32, #tpu.memory_space<hbm>> -> memref<8x512xf32, #tpu.memory_space<hbm>>
        %dma_start3A_539 = tpu.memref_slice %arg14[%dma_start3A_530] : memref<4x!tpu.dma_semaphore, #tpu.memory_space<semaphore_mem>> -> memref<1x!tpu.dma_semaphore, #tpu.memory_space<semaphore_mem>>
        %dma_start3A_540 = tpu.memref_squeeze %dma_start3A_539 : memref<1x!tpu.dma_semaphore, #tpu.memory_space<semaphore_mem>> -> memref<!tpu.dma_semaphore, #tpu.memory_space<semaphore_mem>>
        %dma_start3A_541 = arith.constant 16 : i32
        %dma_start3A_542 = arith.constant 0 : i32
        %dma_start3A_543 = tpu.memref_slice %arg12[%dma_start3A_529, %dma_start3A_541, %dma_start3A_542] : memref<4x32x512xf32, #tpu.memory_space<vmem>> -> memref<1x8x512xf32, #tpu.memory_space<vmem>>
        %dma_start3A_544 = tpu.memref_squeeze %dma_start3A_543 : memref<1x8x512xf32, #tpu.memory_space<vmem>> -> memref<8x512xf32, #tpu.memory_space<vmem>>
        %dma_start3A_545 = arith.constant 16 : i32
        %dma_start3A_546 = arith.constant 0 : i32
        %dma_start3A_547 = tpu.memref_slice %arg3[%add3A, %dma_start3A_545, %dma_start3A_546] : memref<26x32x512xf32, #tpu.memory_space<hbm>> -> memref<1x8x512xf32, #tpu.memory_space<hbm>>
        %dma_start3A_548 = tpu.memref_squeeze %dma_start3A_547 : memref<1x8x512xf32, #tpu.memory_space<hbm>> -> memref<8x512xf32, #tpu.memory_space<hbm>>
        tpu.enqueue_dma source(%dma_start3A_548 : memref<8x512xf32, #tpu.memory_space<hbm>>) target(%dma_start3A_544 : memref<8x512xf32, #tpu.memory_space<vmem>>) target_semaphore(%dma_start3A_540 : memref<!tpu.dma_semaphore, #tpu.memory_space<semaphore_mem>>)
        %dma_start3A_549 = arith.constant 0 : i32
        %dma_start3A_550 = arith.constant 0 : i32
        %dma_start3A_551 = arith.constant 24 : i32
        %dma_start3A_552 = arith.constant 0 : i32
        %dma_start3A_553 = tpu.memref_slice %arg12[%dma_start3A_549, %dma_start3A_551, %dma_start3A_552] : memref<4x32x512xf32, #tpu.memory_space<vmem>> -> memref<1x8x512xf32, #tpu.memory_space<vmem>>
        %dma_start3A_554 = tpu.memref_squeeze %dma_start3A_553 : memref<1x8x512xf32, #tpu.memory_space<vmem>> -> memref<8x512xf32, #tpu.memory_space<vmem>>
        %dma_start3A_555 = arith.constant 24 : i32
        %dma_start3A_556 = arith.constant 0 : i32
        %dma_start3A_557 = tpu.memref_slice %arg3[%add3A, %dma_start3A_555, %dma_start3A_556] : memref<26x32x512xf32, #tpu.memory_space<hbm>> -> memref<1x8x512xf32, #tpu.memory_space<hbm>>
        %dma_start3A_558 = tpu.memref_squeeze %dma_start3A_557 : memref<1x8x512xf32, #tpu.memory_space<hbm>> -> memref<8x512xf32, #tpu.memory_space<hbm>>
        %dma_start3A_559 = tpu.memref_slice %arg14[%dma_start3A_550] : memref<4x!tpu.dma_semaphore, #tpu.memory_space<semaphore_mem>> -> memref<1x!tpu.dma_semaphore, #tpu.memory_space<semaphore_mem>>
        %dma_start3A_560 = tpu.memref_squeeze %dma_start3A_559 : memref<1x!tpu.dma_semaphore, #tpu.memory_space<semaphore_mem>> -> memref<!tpu.dma_semaphore, #tpu.memory_space<semaphore_mem>>
        %dma_start3A_561 = arith.constant 24 : i32
        %dma_start3A_562 = arith.constant 0 : i32
        %dma_start3A_563 = tpu.memref_slice %arg12[%dma_start3A_549, %dma_start3A_561, %dma_start3A_562] : memref<4x32x512xf32, #tpu.memory_space<vmem>> -> memref<1x8x512xf32, #tpu.memory_space<vmem>>
        %dma_start3A_564 = tpu.memref_squeeze %dma_start3A_563 : memref<1x8x512xf32, #tpu.memory_space<vmem>> -> memref<8x512xf32, #tpu.memory_space<vmem>>
        %dma_start3A_565 = arith.constant 24 : i32
        %dma_start3A_566 = arith.constant 0 : i32
        %dma_start3A_567 = tpu.memref_slice %arg3[%add3A, %dma_start3A_565, %dma_start3A_566] : memref<26x32x512xf32, #tpu.memory_space<hbm>> -> memref<1x8x512xf32, #tpu.memory_space<hbm>>
        %dma_start3A_568 = tpu.memref_squeeze %dma_start3A_567 : memref<1x8x512xf32, #tpu.memory_space<hbm>> -> memref<8x512xf32, #tpu.memory_space<hbm>>
        tpu.enqueue_dma source(%dma_start3A_568 : memref<8x512xf32, #tpu.memory_space<hbm>>) target(%dma_start3A_564 : memref<8x512xf32, #tpu.memory_space<vmem>>) target_semaphore(%dma_start3A_560 : memref<!tpu.dma_semaphore, #tpu.memory_space<semaphore_mem>>)
      } else {
      }
      %lt3A_445 = arith.constant 1 : i32
      %lt3A_446 = arith.constant 195 : i32
      %lt3A_447 = arith.cmpi slt, %lt3A_445, %lt3A_446 : i32
      %convert_element_type3A_448 = arith.extui %lt3A_447 : i1 to i32
      %cond3A_449 = arith.constant 1 : i32
      %cond3A_450 = arith.constant 0 : i32
      %cond3A_451 = arith.cmpi ne, %convert_element_type3A_448, %cond3A_450 : i32
      scf.if %cond3A_451 {
        %mul3A_490 = arith.constant 512 : i32
        %mul3A_491 = arith.muli %cond3A_449, %mul3A_490 : i32
        %mul3A_492 = arith.constant 512 : i32
        %mul3A_493 = arith.muli %cond3A_449, %mul3A_492 : i32
        %mul3A_494 = arith.constant 512 : i32
        %mul3A_495 = arith.muli %cond3A_449, %mul3A_494 : i32
        %mul3A_496 = arith.constant 512 : i32
        %mul3A_497 = arith.muli %cond3A_449, %mul3A_496 : i32
        %dma_start3A = arith.constant 1 : i32
        %dma_start3A_498 = arith.constant 1 : i32
        %dma_start3A_499 = arith.constant 0 : i32
        %dma_start3A_500 = arith.constant 0 : i32
        %dma_start3A_501 = tpu.memref_slice %arg12[%dma_start3A, %dma_start3A_499, %dma_start3A_500] : memref<4x32x512xf32, #tpu.memory_space<vmem>> -> memref<1x8x512xf32, #tpu.memory_space<vmem>>
        %dma_start3A_502 = tpu.memref_squeeze %dma_start3A_501 : memref<1x8x512xf32, #tpu.memory_space<vmem>> -> memref<8x512xf32, #tpu.memory_space<vmem>>
        %dma_start3A_503 = arith.constant 0 : i32
        %dma_start3A_504 = tpu.memref_slice %arg2[%add3A, %dma_start3A_503, %mul3A_491] : memref<26x32x100000xf32, #tpu.memory_space<hbm>> -> memref<1x8x512xf32, #tpu.memory_space<hbm>>
        %dma_start3A_505 = tpu.memref_squeeze %dma_start3A_504 : memref<1x8x512xf32, #tpu.memory_space<hbm>> -> memref<8x512xf32, #tpu.memory_space<hbm>>
        %dma_start3A_506 = tpu.memref_slice %arg14[%dma_start3A_498] : memref<4x!tpu.dma_semaphore, #tpu.memory_space<semaphore_mem>> -> memref<1x!tpu.dma_semaphore, #tpu.memory_space<semaphore_mem>>
        %dma_start3A_507 = tpu.memref_squeeze %dma_start3A_506 : memref<1x!tpu.dma_semaphore, #tpu.memory_space<semaphore_mem>> -> memref<!tpu.dma_semaphore, #tpu.memory_space<semaphore_mem>>
        %dma_start3A_508 = arith.constant 0 : i32
        %dma_start3A_509 = arith.constant 0 : i32
        %dma_start3A_510 = tpu.memref_slice %arg12[%dma_start3A, %dma_start3A_508, %dma_start3A_509] : memref<4x32x512xf32, #tpu.memory_space<vmem>> -> memref<1x8x512xf32, #tpu.memory_space<vmem>>
        %dma_start3A_511 = tpu.memref_squeeze %dma_start3A_510 : memref<1x8x512xf32, #tpu.memory_space<vmem>> -> memref<8x512xf32, #tpu.memory_space<vmem>>
        %dma_start3A_512 = arith.constant 0 : i32
        %dma_start3A_513 = tpu.memref_slice %arg2[%add3A, %dma_start3A_512, %mul3A_491] : memref<26x32x100000xf32, #tpu.memory_space<hbm>> -> memref<1x8x512xf32, #tpu.memory_space<hbm>>
        %dma_start3A_514 = tpu.memref_squeeze %dma_start3A_513 : memref<1x8x512xf32, #tpu.memory_space<hbm>> -> memref<8x512xf32, #tpu.memory_space<hbm>>
        tpu.enqueue_dma source(%dma_start3A_514 : memref<8x512xf32, #tpu.memory_space<hbm>>) target(%dma_start3A_511 : memref<8x512xf32, #tpu.memory_space<vmem>>) target_semaphore(%dma_start3A_507 : memref<!tpu.dma_semaphore, #tpu.memory_space<semaphore_mem>>)
        %dma_start3A_515 = arith.constant 1 : i32
        %dma_start3A_516 = arith.constant 1 : i32
        %dma_start3A_517 = arith.constant 8 : i32
        %dma_start3A_518 = arith.constant 0 : i32
        %dma_start3A_519 = tpu.memref_slice %arg12[%dma_start3A_515, %dma_start3A_517, %dma_start3A_518] : memref<4x32x512xf32, #tpu.memory_space<vmem>> -> memref<1x8x512xf32, #tpu.memory_space<vmem>>
        %dma_start3A_520 = tpu.memref_squeeze %dma_start3A_519 : memref<1x8x512xf32, #tpu.memory_space<vmem>> -> memref<8x512xf32, #tpu.memory_space<vmem>>
        %dma_start3A_521 = arith.constant 8 : i32
        %dma_start3A_522 = tpu.memref_slice %arg2[%add3A, %dma_start3A_521, %mul3A_493] : memref<26x32x100000xf32, #tpu.memory_space<hbm>> -> memref<1x8x512xf32, #tpu.memory_space<hbm>>
        %dma_start3A_523 = tpu.memref_squeeze %dma_start3A_522 : memref<1x8x512xf32, #tpu.memory_space<hbm>> -> memref<8x512xf32, #tpu.memory_space<hbm>>
        %dma_start3A_524 = tpu.memref_slice %arg14[%dma_start3A_516] : memref<4x!tpu.dma_semaphore, #tpu.memory_space<semaphore_mem>> -> memref<1x!tpu.dma_semaphore, #tpu.memory_space<semaphore_mem>>
        %dma_start3A_525 = tpu.memref_squeeze %dma_start3A_524 : memref<1x!tpu.dma_semaphore, #tpu.memory_space<semaphore_mem>> -> memref<!tpu.dma_semaphore, #tpu.memory_space<semaphore_mem>>
        %dma_start3A_526 = arith.constant 8 : i32
        %dma_start3A_527 = arith.constant 0 : i32
        %dma_start3A_528 = tpu.memref_slice %arg12[%dma_start3A_515, %dma_start3A_526, %dma_start3A_527] : memref<4x32x512xf32, #tpu.memory_space<vmem>> -> memref<1x8x512xf32, #tpu.memory_space<vmem>>
        %dma_start3A_529 = tpu.memref_squeeze %dma_start3A_528 : memref<1x8x512xf32, #tpu.memory_space<vmem>> -> memref<8x512xf32, #tpu.memory_space<vmem>>
        %dma_start3A_530 = arith.constant 8 : i32
        %dma_start3A_531 = tpu.memref_slice %arg2[%add3A, %dma_start3A_530, %mul3A_493] : memref<26x32x100000xf32, #tpu.memory_space<hbm>> -> memref<1x8x512xf32, #tpu.memory_space<hbm>>
        %dma_start3A_532 = tpu.memref_squeeze %dma_start3A_531 : memref<1x8x512xf32, #tpu.memory_space<hbm>> -> memref<8x512xf32, #tpu.memory_space<hbm>>
        tpu.enqueue_dma source(%dma_start3A_532 : memref<8x512xf32, #tpu.memory_space<hbm>>) target(%dma_start3A_529 : memref<8x512xf32, #tpu.memory_space<vmem>>) target_semaphore(%dma_start3A_525 : memref<!tpu.dma_semaphore, #tpu.memory_space<semaphore_mem>>)
        %dma_start3A_533 = arith.constant 1 : i32
        %dma_start3A_534 = arith.constant 1 : i32
        %dma_start3A_535 = arith.constant 16 : i32
        %dma_start3A_536 = arith.constant 0 : i32
        %dma_start3A_537 = tpu.memref_slice %arg12[%dma_start3A_533, %dma_start3A_535, %dma_start3A_536] : memref<4x32x512xf32, #tpu.memory_space<vmem>> -> memref<1x8x512xf32, #tpu.memory_space<vmem>>
        %dma_start3A_538 = tpu.memref_squeeze %dma_start3A_537 : memref<1x8x512xf32, #tpu.memory_space<vmem>> -> memref<8x512xf32, #tpu.memory_space<vmem>>
        %dma_start3A_539 = arith.constant 16 : i32
        %dma_start3A_540 = tpu.memref_slice %arg2[%add3A, %dma_start3A_539, %mul3A_495] : memref<26x32x100000xf32, #tpu.memory_space<hbm>> -> memref<1x8x512xf32, #tpu.memory_space<hbm>>
        %dma_start3A_541 = tpu.memref_squeeze %dma_start3A_540 : memref<1x8x512xf32, #tpu.memory_space<hbm>> -> memref<8x512xf32, #tpu.memory_space<hbm>>
        %dma_start3A_542 = tpu.memref_slice %arg14[%dma_start3A_534] : memref<4x!tpu.dma_semaphore, #tpu.memory_space<semaphore_mem>> -> memref<1x!tpu.dma_semaphore, #tpu.memory_space<semaphore_mem>>
        %dma_start3A_543 = tpu.memref_squeeze %dma_start3A_542 : memref<1x!tpu.dma_semaphore, #tpu.memory_space<semaphore_mem>> -> memref<!tpu.dma_semaphore, #tpu.memory_space<semaphore_mem>>
        %dma_start3A_544 = arith.constant 16 : i32
        %dma_start3A_545 = arith.constant 0 : i32
        %dma_start3A_546 = tpu.memref_slice %arg12[%dma_start3A_533, %dma_start3A_544, %dma_start3A_545] : memref<4x32x512xf32, #tpu.memory_space<vmem>> -> memref<1x8x512xf32, #tpu.memory_space<vmem>>
        %dma_start3A_547 = tpu.memref_squeeze %dma_start3A_546 : memref<1x8x512xf32, #tpu.memory_space<vmem>> -> memref<8x512xf32, #tpu.memory_space<vmem>>
        %dma_start3A_548 = arith.constant 16 : i32
        %dma_start3A_549 = tpu.memref_slice %arg2[%add3A, %dma_start3A_548, %mul3A_495] : memref<26x32x100000xf32, #tpu.memory_space<hbm>> -> memref<1x8x512xf32, #tpu.memory_space<hbm>>
        %dma_start3A_550 = tpu.memref_squeeze %dma_start3A_549 : memref<1x8x512xf32, #tpu.memory_space<hbm>> -> memref<8x512xf32, #tpu.memory_space<hbm>>
        tpu.enqueue_dma source(%dma_start3A_550 : memref<8x512xf32, #tpu.memory_space<hbm>>) target(%dma_start3A_547 : memref<8x512xf32, #tpu.memory_space<vmem>>) target_semaphore(%dma_start3A_543 : memref<!tpu.dma_semaphore, #tpu.memory_space<semaphore_mem>>)
        %dma_start3A_551 = arith.constant 1 : i32
        %dma_start3A_552 = arith.constant 1 : i32
        %dma_start3A_553 = arith.constant 24 : i32
        %dma_start3A_554 = arith.constant 0 : i32
        %dma_start3A_555 = tpu.memref_slice %arg12[%dma_start3A_551, %dma_start3A_553, %dma_start3A_554] : memref<4x32x512xf32, #tpu.memory_space<vmem>> -> memref<1x8x512xf32, #tpu.memory_space<vmem>>
        %dma_start3A_556 = tpu.memref_squeeze %dma_start3A_555 : memref<1x8x512xf32, #tpu.memory_space<vmem>> -> memref<8x512xf32, #tpu.memory_space<vmem>>
        %dma_start3A_557 = arith.constant 24 : i32
        %dma_start3A_558 = tpu.memref_slice %arg2[%add3A, %dma_start3A_557, %mul3A_497] : memref<26x32x100000xf32, #tpu.memory_space<hbm>> -> memref<1x8x512xf32, #tpu.memory_space<hbm>>
        %dma_start3A_559 = tpu.memref_squeeze %dma_start3A_558 : memref<1x8x512xf32, #tpu.memory_space<hbm>> -> memref<8x512xf32, #tpu.memory_space<hbm>>
        %dma_start3A_560 = tpu.memref_slice %arg14[%dma_start3A_552] : memref<4x!tpu.dma_semaphore, #tpu.memory_space<semaphore_mem>> -> memref<1x!tpu.dma_semaphore, #tpu.memory_space<semaphore_mem>>
        %dma_start3A_561 = tpu.memref_squeeze %dma_start3A_560 : memref<1x!tpu.dma_semaphore, #tpu.memory_space<semaphore_mem>> -> memref<!tpu.dma_semaphore, #tpu.memory_space<semaphore_mem>>
        %dma_start3A_562 = arith.constant 24 : i32
        %dma_start3A_563 = arith.constant 0 : i32
        %dma_start3A_564 = tpu.memref_slice %arg12[%dma_start3A_551, %dma_start3A_562, %dma_start3A_563] : memref<4x32x512xf32, #tpu.memory_space<vmem>> -> memref<1x8x512xf32, #tpu.memory_space<vmem>>
        %dma_start3A_565 = tpu.memref_squeeze %dma_start3A_564 : memref<1x8x512xf32, #tpu.memory_space<vmem>> -> memref<8x512xf32, #tpu.memory_space<vmem>>
        %dma_start3A_566 = arith.constant 24 : i32
        %dma_start3A_567 = tpu.memref_slice %arg2[%add3A, %dma_start3A_566, %mul3A_497] : memref<26x32x100000xf32, #tpu.memory_space<hbm>> -> memref<1x8x512xf32, #tpu.memory_space<hbm>>
        %dma_start3A_568 = tpu.memref_squeeze %dma_start3A_567 : memref<1x8x512xf32, #tpu.memory_space<hbm>> -> memref<8x512xf32, #tpu.memory_space<hbm>>
        tpu.enqueue_dma source(%dma_start3A_568 : memref<8x512xf32, #tpu.memory_space<hbm>>) target(%dma_start3A_565 : memref<8x512xf32, #tpu.memory_space<vmem>>) target_semaphore(%dma_start3A_561 : memref<!tpu.dma_semaphore, #tpu.memory_space<semaphore_mem>>)
      } else {
      }
      %eq3A_452 = arith.constant 1 : i32
      %eq3A_453 = arith.constant 195 : i32
      %eq3A_454 = arith.cmpi eq, %eq3A_452, %eq3A_453 : i32
      %convert_element_type3A_455 = arith.extui %eq3A_454 : i1 to i32
      %cond3A_456 = arith.constant 0 : i32
      %cond3A_457 = arith.cmpi ne, %convert_element_type3A_455, %cond3A_456 : i32
      scf.if %cond3A_457 {
        %dma_start3A = arith.constant 1 : i32
        %dma_start3A_490 = arith.constant 1 : i32
        %dma_start3A_491 = arith.constant 0 : i32
        %dma_start3A_492 = arith.constant 0 : i32
        %dma_start3A_493 = tpu.memref_slice %arg12[%dma_start3A, %dma_start3A_491, %dma_start3A_492] : memref<4x32x512xf32, #tpu.memory_space<vmem>> -> memref<1x8x512xf32, #tpu.memory_space<vmem>>
        %dma_start3A_494 = tpu.memref_squeeze %dma_start3A_493 : memref<1x8x512xf32, #tpu.memory_space<vmem>> -> memref<8x512xf32, #tpu.memory_space<vmem>>
        %dma_start3A_495 = arith.constant 0 : i32
        %dma_start3A_496 = arith.constant 0 : i32
        %dma_start3A_497 = tpu.memref_slice %arg3[%add3A, %dma_start3A_495, %dma_start3A_496] : memref<26x32x512xf32, #tpu.memory_space<hbm>> -> memref<1x8x512xf32, #tpu.memory_space<hbm>>
        %dma_start3A_498 = tpu.memref_squeeze %dma_start3A_497 : memref<1x8x512xf32, #tpu.memory_space<hbm>> -> memref<8x512xf32, #tpu.memory_space<hbm>>
        %dma_start3A_499 = tpu.memref_slice %arg14[%dma_start3A_490] : memref<4x!tpu.dma_semaphore, #tpu.memory_space<semaphore_mem>> -> memref<1x!tpu.dma_semaphore, #tpu.memory_space<semaphore_mem>>
        %dma_start3A_500 = tpu.memref_squeeze %dma_start3A_499 : memref<1x!tpu.dma_semaphore, #tpu.memory_space<semaphore_mem>> -> memref<!tpu.dma_semaphore, #tpu.memory_space<semaphore_mem>>
        %dma_start3A_501 = arith.constant 0 : i32
        %dma_start3A_502 = arith.constant 0 : i32
        %dma_start3A_503 = tpu.memref_slice %arg12[%dma_start3A, %dma_start3A_501, %dma_start3A_502] : memref<4x32x512xf32, #tpu.memory_space<vmem>> -> memref<1x8x512xf32, #tpu.memory_space<vmem>>
        %dma_start3A_504 = tpu.memref_squeeze %dma_start3A_503 : memref<1x8x512xf32, #tpu.memory_space<vmem>> -> memref<8x512xf32, #tpu.memory_space<vmem>>
        %dma_start3A_505 = arith.constant 0 : i32
        %dma_start3A_506 = arith.constant 0 : i32
        %dma_start3A_507 = tpu.memref_slice %arg3[%add3A, %dma_start3A_505, %dma_start3A_506] : memref<26x32x512xf32, #tpu.memory_space<hbm>> -> memref<1x8x512xf32, #tpu.memory_space<hbm>>
        %dma_start3A_508 = tpu.memref_squeeze %dma_start3A_507 : memref<1x8x512xf32, #tpu.memory_space<hbm>> -> memref<8x512xf32, #tpu.memory_space<hbm>>
        tpu.enqueue_dma source(%dma_start3A_508 : memref<8x512xf32, #tpu.memory_space<hbm>>) target(%dma_start3A_504 : memref<8x512xf32, #tpu.memory_space<vmem>>) target_semaphore(%dma_start3A_500 : memref<!tpu.dma_semaphore, #tpu.memory_space<semaphore_mem>>)
        %dma_start3A_509 = arith.constant 1 : i32
        %dma_start3A_510 = arith.constant 1 : i32
        %dma_start3A_511 = arith.constant 8 : i32
        %dma_start3A_512 = arith.constant 0 : i32
        %dma_start3A_513 = tpu.memref_slice %arg12[%dma_start3A_509, %dma_start3A_511, %dma_start3A_512] : memref<4x32x512xf32, #tpu.memory_space<vmem>> -> memref<1x8x512xf32, #tpu.memory_space<vmem>>
        %dma_start3A_514 = tpu.memref_squeeze %dma_start3A_513 : memref<1x8x512xf32, #tpu.memory_space<vmem>> -> memref<8x512xf32, #tpu.memory_space<vmem>>
        %dma_start3A_515 = arith.constant 8 : i32
        %dma_start3A_516 = arith.constant 0 : i32
        %dma_start3A_517 = tpu.memref_slice %arg3[%add3A, %dma_start3A_515, %dma_start3A_516] : memref<26x32x512xf32, #tpu.memory_space<hbm>> -> memref<1x8x512xf32, #tpu.memory_space<hbm>>
        %dma_start3A_518 = tpu.memref_squeeze %dma_start3A_517 : memref<1x8x512xf32, #tpu.memory_space<hbm>> -> memref<8x512xf32, #tpu.memory_space<hbm>>
        %dma_start3A_519 = tpu.memref_slice %arg14[%dma_start3A_510] : memref<4x!tpu.dma_semaphore, #tpu.memory_space<semaphore_mem>> -> memref<1x!tpu.dma_semaphore, #tpu.memory_space<semaphore_mem>>
        %dma_start3A_520 = tpu.memref_squeeze %dma_start3A_519 : memref<1x!tpu.dma_semaphore, #tpu.memory_space<semaphore_mem>> -> memref<!tpu.dma_semaphore, #tpu.memory_space<semaphore_mem>>
        %dma_start3A_521 = arith.constant 8 : i32
        %dma_start3A_522 = arith.constant 0 : i32
        %dma_start3A_523 = tpu.memref_slice %arg12[%dma_start3A_509, %dma_start3A_521, %dma_start3A_522] : memref<4x32x512xf32, #tpu.memory_space<vmem>> -> memref<1x8x512xf32, #tpu.memory_space<vmem>>
        %dma_start3A_524 = tpu.memref_squeeze %dma_start3A_523 : memref<1x8x512xf32, #tpu.memory_space<vmem>> -> memref<8x512xf32, #tpu.memory_space<vmem>>
        %dma_start3A_525 = arith.constant 8 : i32
        %dma_start3A_526 = arith.constant 0 : i32
        %dma_start3A_527 = tpu.memref_slice %arg3[%add3A, %dma_start3A_525, %dma_start3A_526] : memref<26x32x512xf32, #tpu.memory_space<hbm>> -> memref<1x8x512xf32, #tpu.memory_space<hbm>>
        %dma_start3A_528 = tpu.memref_squeeze %dma_start3A_527 : memref<1x8x512xf32, #tpu.memory_space<hbm>> -> memref<8x512xf32, #tpu.memory_space<hbm>>
        tpu.enqueue_dma source(%dma_start3A_528 : memref<8x512xf32, #tpu.memory_space<hbm>>) target(%dma_start3A_524 : memref<8x512xf32, #tpu.memory_space<vmem>>) target_semaphore(%dma_start3A_520 : memref<!tpu.dma_semaphore, #tpu.memory_space<semaphore_mem>>)
        %dma_start3A_529 = arith.constant 1 : i32
        %dma_start3A_530 = arith.constant 1 : i32
        %dma_start3A_531 = arith.constant 16 : i32
        %dma_start3A_532 = arith.constant 0 : i32
        %dma_start3A_533 = tpu.memref_slice %arg12[%dma_start3A_529, %dma_start3A_531, %dma_start3A_532] : memref<4x32x512xf32, #tpu.memory_space<vmem>> -> memref<1x8x512xf32, #tpu.memory_space<vmem>>
        %dma_start3A_534 = tpu.memref_squeeze %dma_start3A_533 : memref<1x8x512xf32, #tpu.memory_space<vmem>> -> memref<8x512xf32, #tpu.memory_space<vmem>>
        %dma_start3A_535 = arith.constant 16 : i32
        %dma_start3A_536 = arith.constant 0 : i32
        %dma_start3A_537 = tpu.memref_slice %arg3[%add3A, %dma_start3A_535, %dma_start3A_536] : memref<26x32x512xf32, #tpu.memory_space<hbm>> -> memref<1x8x512xf32, #tpu.memory_space<hbm>>
        %dma_start3A_538 = tpu.memref_squeeze %dma_start3A_537 : memref<1x8x512xf32, #tpu.memory_space<hbm>> -> memref<8x512xf32, #tpu.memory_space<hbm>>
        %dma_start3A_539 = tpu.memref_slice %arg14[%dma_start3A_530] : memref<4x!tpu.dma_semaphore, #tpu.memory_space<semaphore_mem>> -> memref<1x!tpu.dma_semaphore, #tpu.memory_space<semaphore_mem>>
        %dma_start3A_540 = tpu.memref_squeeze %dma_start3A_539 : memref<1x!tpu.dma_semaphore, #tpu.memory_space<semaphore_mem>> -> memref<!tpu.dma_semaphore, #tpu.memory_space<semaphore_mem>>
        %dma_start3A_541 = arith.constant 16 : i32
        %dma_start3A_542 = arith.constant 0 : i32
        %dma_start3A_543 = tpu.memref_slice %arg12[%dma_start3A_529, %dma_start3A_541, %dma_start3A_542] : memref<4x32x512xf32, #tpu.memory_space<vmem>> -> memref<1x8x512xf32, #tpu.memory_space<vmem>>
        %dma_start3A_544 = tpu.memref_squeeze %dma_start3A_543 : memref<1x8x512xf32, #tpu.memory_space<vmem>> -> memref<8x512xf32, #tpu.memory_space<vmem>>
        %dma_start3A_545 = arith.constant 16 : i32
        %dma_start3A_546 = arith.constant 0 : i32
        %dma_start3A_547 = tpu.memref_slice %arg3[%add3A, %dma_start3A_545, %dma_start3A_546] : memref<26x32x512xf32, #tpu.memory_space<hbm>> -> memref<1x8x512xf32, #tpu.memory_space<hbm>>
        %dma_start3A_548 = tpu.memref_squeeze %dma_start3A_547 : memref<1x8x512xf32, #tpu.memory_space<hbm>> -> memref<8x512xf32, #tpu.memory_space<hbm>>
        tpu.enqueue_dma source(%dma_start3A_548 : memref<8x512xf32, #tpu.memory_space<hbm>>) target(%dma_start3A_544 : memref<8x512xf32, #tpu.memory_space<vmem>>) target_semaphore(%dma_start3A_540 : memref<!tpu.dma_semaphore, #tpu.memory_space<semaphore_mem>>)
        %dma_start3A_549 = arith.constant 1 : i32
        %dma_start3A_550 = arith.constant 1 : i32
        %dma_start3A_551 = arith.constant 24 : i32
        %dma_start3A_552 = arith.constant 0 : i32
        %dma_start3A_553 = tpu.memref_slice %arg12[%dma_start3A_549, %dma_start3A_551, %dma_start3A_552] : memref<4x32x512xf32, #tpu.memory_space<vmem>> -> memref<1x8x512xf32, #tpu.memory_space<vmem>>
        %dma_start3A_554 = tpu.memref_squeeze %dma_start3A_553 : memref<1x8x512xf32, #tpu.memory_space<vmem>> -> memref<8x512xf32, #tpu.memory_space<vmem>>
        %dma_start3A_555 = arith.constant 24 : i32
        %dma_start3A_556 = arith.constant 0 : i32
        %dma_start3A_557 = tpu.memref_slice %arg3[%add3A, %dma_start3A_555, %dma_start3A_556] : memref<26x32x512xf32, #tpu.memory_space<hbm>> -> memref<1x8x512xf32, #tpu.memory_space<hbm>>
        %dma_start3A_558 = tpu.memref_squeeze %dma_start3A_557 : memref<1x8x512xf32, #tpu.memory_space<hbm>> -> memref<8x512xf32, #tpu.memory_space<hbm>>
        %dma_start3A_559 = tpu.memref_slice %arg14[%dma_start3A_550] : memref<4x!tpu.dma_semaphore, #tpu.memory_space<semaphore_mem>> -> memref<1x!tpu.dma_semaphore, #tpu.memory_space<semaphore_mem>>
        %dma_start3A_560 = tpu.memref_squeeze %dma_start3A_559 : memref<1x!tpu.dma_semaphore, #tpu.memory_space<semaphore_mem>> -> memref<!tpu.dma_semaphore, #tpu.memory_space<semaphore_mem>>
        %dma_start3A_561 = arith.constant 24 : i32
        %dma_start3A_562 = arith.constant 0 : i32
        %dma_start3A_563 = tpu.memref_slice %arg12[%dma_start3A_549, %dma_start3A_561, %dma_start3A_562] : memref<4x32x512xf32, #tpu.memory_space<vmem>> -> memref<1x8x512xf32, #tpu.memory_space<vmem>>
        %dma_start3A_564 = tpu.memref_squeeze %dma_start3A_563 : memref<1x8x512xf32, #tpu.memory_space<vmem>> -> memref<8x512xf32, #tpu.memory_space<vmem>>
        %dma_start3A_565 = arith.constant 24 : i32
        %dma_start3A_566 = arith.constant 0 : i32
        %dma_start3A_567 = tpu.memref_slice %arg3[%add3A, %dma_start3A_565, %dma_start3A_566] : memref<26x32x512xf32, #tpu.memory_space<hbm>> -> memref<1x8x512xf32, #tpu.memory_space<hbm>>
        %dma_start3A_568 = tpu.memref_squeeze %dma_start3A_567 : memref<1x8x512xf32, #tpu.memory_space<hbm>> -> memref<8x512xf32, #tpu.memory_space<hbm>>
        tpu.enqueue_dma source(%dma_start3A_568 : memref<8x512xf32, #tpu.memory_space<hbm>>) target(%dma_start3A_564 : memref<8x512xf32, #tpu.memory_space<vmem>>) target_semaphore(%dma_start3A_560 : memref<!tpu.dma_semaphore, #tpu.memory_space<semaphore_mem>>)
      } else {
      }
      %lt3A_458 = arith.constant 2 : i32
      %lt3A_459 = arith.constant 195 : i32
      %lt3A_460 = arith.cmpi slt, %lt3A_458, %lt3A_459 : i32
      %convert_element_type3A_461 = arith.extui %lt3A_460 : i1 to i32
      %cond3A_462 = arith.constant 2 : i32
      %cond3A_463 = arith.constant 0 : i32
      %cond3A_464 = arith.cmpi ne, %convert_element_type3A_461, %cond3A_463 : i32
      scf.if %cond3A_464 {
        %mul3A_490 = arith.constant 512 : i32
        %mul3A_491 = arith.muli %cond3A_462, %mul3A_490 : i32
        %mul3A_492 = arith.constant 512 : i32
        %mul3A_493 = arith.muli %cond3A_462, %mul3A_492 : i32
        %mul3A_494 = arith.constant 512 : i32
        %mul3A_495 = arith.muli %cond3A_462, %mul3A_494 : i32
        %mul3A_496 = arith.constant 512 : i32
        %mul3A_497 = arith.muli %cond3A_462, %mul3A_496 : i32
        %dma_start3A = arith.constant 2 : i32
        %dma_start3A_498 = arith.constant 2 : i32
        %dma_start3A_499 = arith.constant 0 : i32
        %dma_start3A_500 = arith.constant 0 : i32
        %dma_start3A_501 = tpu.memref_slice %arg12[%dma_start3A, %dma_start3A_499, %dma_start3A_500] : memref<4x32x512xf32, #tpu.memory_space<vmem>> -> memref<1x8x512xf32, #tpu.memory_space<vmem>>
        %dma_start3A_502 = tpu.memref_squeeze %dma_start3A_501 : memref<1x8x512xf32, #tpu.memory_space<vmem>> -> memref<8x512xf32, #tpu.memory_space<vmem>>
        %dma_start3A_503 = arith.constant 0 : i32
        %dma_start3A_504 = tpu.memref_slice %arg2[%add3A, %dma_start3A_503, %mul3A_491] : memref<26x32x100000xf32, #tpu.memory_space<hbm>> -> memref<1x8x512xf32, #tpu.memory_space<hbm>>
        %dma_start3A_505 = tpu.memref_squeeze %dma_start3A_504 : memref<1x8x512xf32, #tpu.memory_space<hbm>> -> memref<8x512xf32, #tpu.memory_space<hbm>>
        %dma_start3A_506 = tpu.memref_slice %arg14[%dma_start3A_498] : memref<4x!tpu.dma_semaphore, #tpu.memory_space<semaphore_mem>> -> memref<1x!tpu.dma_semaphore, #tpu.memory_space<semaphore_mem>>
        %dma_start3A_507 = tpu.memref_squeeze %dma_start3A_506 : memref<1x!tpu.dma_semaphore, #tpu.memory_space<semaphore_mem>> -> memref<!tpu.dma_semaphore, #tpu.memory_space<semaphore_mem>>
        %dma_start3A_508 = arith.constant 0 : i32
        %dma_start3A_509 = arith.constant 0 : i32
        %dma_start3A_510 = tpu.memref_slice %arg12[%dma_start3A, %dma_start3A_508, %dma_start3A_509] : memref<4x32x512xf32, #tpu.memory_space<vmem>> -> memref<1x8x512xf32, #tpu.memory_space<vmem>>
        %dma_start3A_511 = tpu.memref_squeeze %dma_start3A_510 : memref<1x8x512xf32, #tpu.memory_space<vmem>> -> memref<8x512xf32, #tpu.memory_space<vmem>>
        %dma_start3A_512 = arith.constant 0 : i32
        %dma_start3A_513 = tpu.memref_slice %arg2[%add3A, %dma_start3A_512, %mul3A_491] : memref<26x32x100000xf32, #tpu.memory_space<hbm>> -> memref<1x8x512xf32, #tpu.memory_space<hbm>>
        %dma_start3A_514 = tpu.memref_squeeze %dma_start3A_513 : memref<1x8x512xf32, #tpu.memory_space<hbm>> -> memref<8x512xf32, #tpu.memory_space<hbm>>
        tpu.enqueue_dma source(%dma_start3A_514 : memref<8x512xf32, #tpu.memory_space<hbm>>) target(%dma_start3A_511 : memref<8x512xf32, #tpu.memory_space<vmem>>) target_semaphore(%dma_start3A_507 : memref<!tpu.dma_semaphore, #tpu.memory_space<semaphore_mem>>)
        %dma_start3A_515 = arith.constant 2 : i32
        %dma_start3A_516 = arith.constant 2 : i32
        %dma_start3A_517 = arith.constant 8 : i32
        %dma_start3A_518 = arith.constant 0 : i32
        %dma_start3A_519 = tpu.memref_slice %arg12[%dma_start3A_515, %dma_start3A_517, %dma_start3A_518] : memref<4x32x512xf32, #tpu.memory_space<vmem>> -> memref<1x8x512xf32, #tpu.memory_space<vmem>>
        %dma_start3A_520 = tpu.memref_squeeze %dma_start3A_519 : memref<1x8x512xf32, #tpu.memory_space<vmem>> -> memref<8x512xf32, #tpu.memory_space<vmem>>
        %dma_start3A_521 = arith.constant 8 : i32
        %dma_start3A_522 = tpu.memref_slice %arg2[%add3A, %dma_start3A_521, %mul3A_493] : memref<26x32x100000xf32, #tpu.memory_space<hbm>> -> memref<1x8x512xf32, #tpu.memory_space<hbm>>
        %dma_start3A_523 = tpu.memref_squeeze %dma_start3A_522 : memref<1x8x512xf32, #tpu.memory_space<hbm>> -> memref<8x512xf32, #tpu.memory_space<hbm>>
        %dma_start3A_524 = tpu.memref_slice %arg14[%dma_start3A_516] : memref<4x!tpu.dma_semaphore, #tpu.memory_space<semaphore_mem>> -> memref<1x!tpu.dma_semaphore, #tpu.memory_space<semaphore_mem>>
        %dma_start3A_525 = tpu.memref_squeeze %dma_start3A_524 : memref<1x!tpu.dma_semaphore, #tpu.memory_space<semaphore_mem>> -> memref<!tpu.dma_semaphore, #tpu.memory_space<semaphore_mem>>
        %dma_start3A_526 = arith.constant 8 : i32
        %dma_start3A_527 = arith.constant 0 : i32
        %dma_start3A_528 = tpu.memref_slice %arg12[%dma_start3A_515, %dma_start3A_526, %dma_start3A_527] : memref<4x32x512xf32, #tpu.memory_space<vmem>> -> memref<1x8x512xf32, #tpu.memory_space<vmem>>
        %dma_start3A_529 = tpu.memref_squeeze %dma_start3A_528 : memref<1x8x512xf32, #tpu.memory_space<vmem>> -> memref<8x512xf32, #tpu.memory_space<vmem>>
        %dma_start3A_530 = arith.constant 8 : i32
        %dma_start3A_531 = tpu.memref_slice %arg2[%add3A, %dma_start3A_530, %mul3A_493] : memref<26x32x100000xf32, #tpu.memory_space<hbm>> -> memref<1x8x512xf32, #tpu.memory_space<hbm>>
        %dma_start3A_532 = tpu.memref_squeeze %dma_start3A_531 : memref<1x8x512xf32, #tpu.memory_space<hbm>> -> memref<8x512xf32, #tpu.memory_space<hbm>>
        tpu.enqueue_dma source(%dma_start3A_532 : memref<8x512xf32, #tpu.memory_space<hbm>>) target(%dma_start3A_529 : memref<8x512xf32, #tpu.memory_space<vmem>>) target_semaphore(%dma_start3A_525 : memref<!tpu.dma_semaphore, #tpu.memory_space<semaphore_mem>>)
        %dma_start3A_533 = arith.constant 2 : i32
        %dma_start3A_534 = arith.constant 2 : i32
        %dma_start3A_535 = arith.constant 16 : i32
        %dma_start3A_536 = arith.constant 0 : i32
        %dma_start3A_537 = tpu.memref_slice %arg12[%dma_start3A_533, %dma_start3A_535, %dma_start3A_536] : memref<4x32x512xf32, #tpu.memory_space<vmem>> -> memref<1x8x512xf32, #tpu.memory_space<vmem>>
        %dma_start3A_538 = tpu.memref_squeeze %dma_start3A_537 : memref<1x8x512xf32, #tpu.memory_space<vmem>> -> memref<8x512xf32, #tpu.memory_space<vmem>>
        %dma_start3A_539 = arith.constant 16 : i32
        %dma_start3A_540 = tpu.memref_slice %arg2[%add3A, %dma_start3A_539, %mul3A_495] : memref<26x32x100000xf32, #tpu.memory_space<hbm>> -> memref<1x8x512xf32, #tpu.memory_space<hbm>>
        %dma_start3A_541 = tpu.memref_squeeze %dma_start3A_540 : memref<1x8x512xf32, #tpu.memory_space<hbm>> -> memref<8x512xf32, #tpu.memory_space<hbm>>
        %dma_start3A_542 = tpu.memref_slice %arg14[%dma_start3A_534] : memref<4x!tpu.dma_semaphore, #tpu.memory_space<semaphore_mem>> -> memref<1x!tpu.dma_semaphore, #tpu.memory_space<semaphore_mem>>
        %dma_start3A_543 = tpu.memref_squeeze %dma_start3A_542 : memref<1x!tpu.dma_semaphore, #tpu.memory_space<semaphore_mem>> -> memref<!tpu.dma_semaphore, #tpu.memory_space<semaphore_mem>>
        %dma_start3A_544 = arith.constant 16 : i32
        %dma_start3A_545 = arith.constant 0 : i32
        %dma_start3A_546 = tpu.memref_slice %arg12[%dma_start3A_533, %dma_start3A_544, %dma_start3A_545] : memref<4x32x512xf32, #tpu.memory_space<vmem>> -> memref<1x8x512xf32, #tpu.memory_space<vmem>>
        %dma_start3A_547 = tpu.memref_squeeze %dma_start3A_546 : memref<1x8x512xf32, #tpu.memory_space<vmem>> -> memref<8x512xf32, #tpu.memory_space<vmem>>
        %dma_start3A_548 = arith.constant 16 : i32
        %dma_start3A_549 = tpu.memref_slice %arg2[%add3A, %dma_start3A_548, %mul3A_495] : memref<26x32x100000xf32, #tpu.memory_space<hbm>> -> memref<1x8x512xf32, #tpu.memory_space<hbm>>
        %dma_start3A_550 = tpu.memref_squeeze %dma_start3A_549 : memref<1x8x512xf32, #tpu.memory_space<hbm>> -> memref<8x512xf32, #tpu.memory_space<hbm>>
        tpu.enqueue_dma source(%dma_start3A_550 : memref<8x512xf32, #tpu.memory_space<hbm>>) target(%dma_start3A_547 : memref<8x512xf32, #tpu.memory_space<vmem>>) target_semaphore(%dma_start3A_543 : memref<!tpu.dma_semaphore, #tpu.memory_space<semaphore_mem>>)
        %dma_start3A_551 = arith.constant 2 : i32
        %dma_start3A_552 = arith.constant 2 : i32
        %dma_start3A_553 = arith.constant 24 : i32
        %dma_start3A_554 = arith.constant 0 : i32
        %dma_start3A_555 = tpu.memref_slice %arg12[%dma_start3A_551, %dma_start3A_553, %dma_start3A_554] : memref<4x32x512xf32, #tpu.memory_space<vmem>> -> memref<1x8x512xf32, #tpu.memory_space<vmem>>
        %dma_start3A_556 = tpu.memref_squeeze %dma_start3A_555 : memref<1x8x512xf32, #tpu.memory_space<vmem>> -> memref<8x512xf32, #tpu.memory_space<vmem>>
        %dma_start3A_557 = arith.constant 24 : i32
        %dma_start3A_558 = tpu.memref_slice %arg2[%add3A, %dma_start3A_557, %mul3A_497] : memref<26x32x100000xf32, #tpu.memory_space<hbm>> -> memref<1x8x512xf32, #tpu.memory_space<hbm>>
        %dma_start3A_559 = tpu.memref_squeeze %dma_start3A_558 : memref<1x8x512xf32, #tpu.memory_space<hbm>> -> memref<8x512xf32, #tpu.memory_space<hbm>>
        %dma_start3A_560 = tpu.memref_slice %arg14[%dma_start3A_552] : memref<4x!tpu.dma_semaphore, #tpu.memory_space<semaphore_mem>> -> memref<1x!tpu.dma_semaphore, #tpu.memory_space<semaphore_mem>>
        %dma_start3A_561 = tpu.memref_squeeze %dma_start3A_560 : memref<1x!tpu.dma_semaphore, #tpu.memory_space<semaphore_mem>> -> memref<!tpu.dma_semaphore, #tpu.memory_space<semaphore_mem>>
        %dma_start3A_562 = arith.constant 24 : i32
        %dma_start3A_563 = arith.constant 0 : i32
        %dma_start3A_564 = tpu.memref_slice %arg12[%dma_start3A_551, %dma_start3A_562, %dma_start3A_563] : memref<4x32x512xf32, #tpu.memory_space<vmem>> -> memref<1x8x512xf32, #tpu.memory_space<vmem>>
        %dma_start3A_565 = tpu.memref_squeeze %dma_start3A_564 : memref<1x8x512xf32, #tpu.memory_space<vmem>> -> memref<8x512xf32, #tpu.memory_space<vmem>>
        %dma_start3A_566 = arith.constant 24 : i32
        %dma_start3A_567 = tpu.memref_slice %arg2[%add3A, %dma_start3A_566, %mul3A_497] : memref<26x32x100000xf32, #tpu.memory_space<hbm>> -> memref<1x8x512xf32, #tpu.memory_space<hbm>>
        %dma_start3A_568 = tpu.memref_squeeze %dma_start3A_567 : memref<1x8x512xf32, #tpu.memory_space<hbm>> -> memref<8x512xf32, #tpu.memory_space<hbm>>
        tpu.enqueue_dma source(%dma_start3A_568 : memref<8x512xf32, #tpu.memory_space<hbm>>) target(%dma_start3A_565 : memref<8x512xf32, #tpu.memory_space<vmem>>) target_semaphore(%dma_start3A_561 : memref<!tpu.dma_semaphore, #tpu.memory_space<semaphore_mem>>)
      } else {
      }
      %eq3A_465 = arith.constant 2 : i32
      %eq3A_466 = arith.constant 195 : i32
      %eq3A_467 = arith.cmpi eq, %eq3A_465, %eq3A_466 : i32
      %convert_element_type3A_468 = arith.extui %eq3A_467 : i1 to i32
      %cond3A_469 = arith.constant 0 : i32
      %cond3A_470 = arith.cmpi ne, %convert_element_type3A_468, %cond3A_469 : i32
      scf.if %cond3A_470 {
        %dma_start3A = arith.constant 2 : i32
        %dma_start3A_490 = arith.constant 2 : i32
        %dma_start3A_491 = arith.constant 0 : i32
        %dma_start3A_492 = arith.constant 0 : i32
        %dma_start3A_493 = tpu.memref_slice %arg12[%dma_start3A, %dma_start3A_491, %dma_start3A_492] : memref<4x32x512xf32, #tpu.memory_space<vmem>> -> memref<1x8x512xf32, #tpu.memory_space<vmem>>
        %dma_start3A_494 = tpu.memref_squeeze %dma_start3A_493 : memref<1x8x512xf32, #tpu.memory_space<vmem>> -> memref<8x512xf32, #tpu.memory_space<vmem>>
        %dma_start3A_495 = arith.constant 0 : i32
        %dma_start3A_496 = arith.constant 0 : i32
        %dma_start3A_497 = tpu.memref_slice %arg3[%add3A, %dma_start3A_495, %dma_start3A_496] : memref<26x32x512xf32, #tpu.memory_space<hbm>> -> memref<1x8x512xf32, #tpu.memory_space<hbm>>
        %dma_start3A_498 = tpu.memref_squeeze %dma_start3A_497 : memref<1x8x512xf32, #tpu.memory_space<hbm>> -> memref<8x512xf32, #tpu.memory_space<hbm>>
        %dma_start3A_499 = tpu.memref_slice %arg14[%dma_start3A_490] : memref<4x!tpu.dma_semaphore, #tpu.memory_space<semaphore_mem>> -> memref<1x!tpu.dma_semaphore, #tpu.memory_space<semaphore_mem>>
        %dma_start3A_500 = tpu.memref_squeeze %dma_start3A_499 : memref<1x!tpu.dma_semaphore, #tpu.memory_space<semaphore_mem>> -> memref<!tpu.dma_semaphore, #tpu.memory_space<semaphore_mem>>
        %dma_start3A_501 = arith.constant 0 : i32
        %dma_start3A_502 = arith.constant 0 : i32
        %dma_start3A_503 = tpu.memref_slice %arg12[%dma_start3A, %dma_start3A_501, %dma_start3A_502] : memref<4x32x512xf32, #tpu.memory_space<vmem>> -> memref<1x8x512xf32, #tpu.memory_space<vmem>>
        %dma_start3A_504 = tpu.memref_squeeze %dma_start3A_503 : memref<1x8x512xf32, #tpu.memory_space<vmem>> -> memref<8x512xf32, #tpu.memory_space<vmem>>
        %dma_start3A_505 = arith.constant 0 : i32
        %dma_start3A_506 = arith.constant 0 : i32
        %dma_start3A_507 = tpu.memref_slice %arg3[%add3A, %dma_start3A_505, %dma_start3A_506] : memref<26x32x512xf32, #tpu.memory_space<hbm>> -> memref<1x8x512xf32, #tpu.memory_space<hbm>>
        %dma_start3A_508 = tpu.memref_squeeze %dma_start3A_507 : memref<1x8x512xf32, #tpu.memory_space<hbm>> -> memref<8x512xf32, #tpu.memory_space<hbm>>
        tpu.enqueue_dma source(%dma_start3A_508 : memref<8x512xf32, #tpu.memory_space<hbm>>) target(%dma_start3A_504 : memref<8x512xf32, #tpu.memory_space<vmem>>) target_semaphore(%dma_start3A_500 : memref<!tpu.dma_semaphore, #tpu.memory_space<semaphore_mem>>)
        %dma_start3A_509 = arith.constant 2 : i32
        %dma_start3A_510 = arith.constant 2 : i32
        %dma_start3A_511 = arith.constant 8 : i32
        %dma_start3A_512 = arith.constant 0 : i32
        %dma_start3A_513 = tpu.memref_slice %arg12[%dma_start3A_509, %dma_start3A_511, %dma_start3A_512] : memref<4x32x512xf32, #tpu.memory_space<vmem>> -> memref<1x8x512xf32, #tpu.memory_space<vmem>>
        %dma_start3A_514 = tpu.memref_squeeze %dma_start3A_513 : memref<1x8x512xf32, #tpu.memory_space<vmem>> -> memref<8x512xf32, #tpu.memory_space<vmem>>
        %dma_start3A_515 = arith.constant 8 : i32
        %dma_start3A_516 = arith.constant 0 : i32
        %dma_start3A_517 = tpu.memref_slice %arg3[%add3A, %dma_start3A_515, %dma_start3A_516] : memref<26x32x512xf32, #tpu.memory_space<hbm>> -> memref<1x8x512xf32, #tpu.memory_space<hbm>>
        %dma_start3A_518 = tpu.memref_squeeze %dma_start3A_517 : memref<1x8x512xf32, #tpu.memory_space<hbm>> -> memref<8x512xf32, #tpu.memory_space<hbm>>
        %dma_start3A_519 = tpu.memref_slice %arg14[%dma_start3A_510] : memref<4x!tpu.dma_semaphore, #tpu.memory_space<semaphore_mem>> -> memref<1x!tpu.dma_semaphore, #tpu.memory_space<semaphore_mem>>
        %dma_start3A_520 = tpu.memref_squeeze %dma_start3A_519 : memref<1x!tpu.dma_semaphore, #tpu.memory_space<semaphore_mem>> -> memref<!tpu.dma_semaphore, #tpu.memory_space<semaphore_mem>>
        %dma_start3A_521 = arith.constant 8 : i32
        %dma_start3A_522 = arith.constant 0 : i32
        %dma_start3A_523 = tpu.memref_slice %arg12[%dma_start3A_509, %dma_start3A_521, %dma_start3A_522] : memref<4x32x512xf32, #tpu.memory_space<vmem>> -> memref<1x8x512xf32, #tpu.memory_space<vmem>>
        %dma_start3A_524 = tpu.memref_squeeze %dma_start3A_523 : memref<1x8x512xf32, #tpu.memory_space<vmem>> -> memref<8x512xf32, #tpu.memory_space<vmem>>
        %dma_start3A_525 = arith.constant 8 : i32
        %dma_start3A_526 = arith.constant 0 : i32
        %dma_start3A_527 = tpu.memref_slice %arg3[%add3A, %dma_start3A_525, %dma_start3A_526] : memref<26x32x512xf32, #tpu.memory_space<hbm>> -> memref<1x8x512xf32, #tpu.memory_space<hbm>>
        %dma_start3A_528 = tpu.memref_squeeze %dma_start3A_527 : memref<1x8x512xf32, #tpu.memory_space<hbm>> -> memref<8x512xf32, #tpu.memory_space<hbm>>
        tpu.enqueue_dma source(%dma_start3A_528 : memref<8x512xf32, #tpu.memory_space<hbm>>) target(%dma_start3A_524 : memref<8x512xf32, #tpu.memory_space<vmem>>) target_semaphore(%dma_start3A_520 : memref<!tpu.dma_semaphore, #tpu.memory_space<semaphore_mem>>)
        %dma_start3A_529 = arith.constant 2 : i32
        %dma_start3A_530 = arith.constant 2 : i32
        %dma_start3A_531 = arith.constant 16 : i32
        %dma_start3A_532 = arith.constant 0 : i32
        %dma_start3A_533 = tpu.memref_slice %arg12[%dma_start3A_529, %dma_start3A_531, %dma_start3A_532] : memref<4x32x512xf32, #tpu.memory_space<vmem>> -> memref<1x8x512xf32, #tpu.memory_space<vmem>>
        %dma_start3A_534 = tpu.memref_squeeze %dma_start3A_533 : memref<1x8x512xf32, #tpu.memory_space<vmem>> -> memref<8x512xf32, #tpu.memory_space<vmem>>
        %dma_start3A_535 = arith.constant 16 : i32
        %dma_start3A_536 = arith.constant 0 : i32
        %dma_start3A_537 = tpu.memref_slice %arg3[%add3A, %dma_start3A_535, %dma_start3A_536] : memref<26x32x512xf32, #tpu.memory_space<hbm>> -> memref<1x8x512xf32, #tpu.memory_space<hbm>>
        %dma_start3A_538 = tpu.memref_squeeze %dma_start3A_537 : memref<1x8x512xf32, #tpu.memory_space<hbm>> -> memref<8x512xf32, #tpu.memory_space<hbm>>
        %dma_start3A_539 = tpu.memref_slice %arg14[%dma_start3A_530] : memref<4x!tpu.dma_semaphore, #tpu.memory_space<semaphore_mem>> -> memref<1x!tpu.dma_semaphore, #tpu.memory_space<semaphore_mem>>
        %dma_start3A_540 = tpu.memref_squeeze %dma_start3A_539 : memref<1x!tpu.dma_semaphore, #tpu.memory_space<semaphore_mem>> -> memref<!tpu.dma_semaphore, #tpu.memory_space<semaphore_mem>>
        %dma_start3A_541 = arith.constant 16 : i32
        %dma_start3A_542 = arith.constant 0 : i32
        %dma_start3A_543 = tpu.memref_slice %arg12[%dma_start3A_529, %dma_start3A_541, %dma_start3A_542] : memref<4x32x512xf32, #tpu.memory_space<vmem>> -> memref<1x8x512xf32, #tpu.memory_space<vmem>>
        %dma_start3A_544 = tpu.memref_squeeze %dma_start3A_543 : memref<1x8x512xf32, #tpu.memory_space<vmem>> -> memref<8x512xf32, #tpu.memory_space<vmem>>
        %dma_start3A_545 = arith.constant 16 : i32
        %dma_start3A_546 = arith.constant 0 : i32
        %dma_start3A_547 = tpu.memref_slice %arg3[%add3A, %dma_start3A_545, %dma_start3A_546] : memref<26x32x512xf32, #tpu.memory_space<hbm>> -> memref<1x8x512xf32, #tpu.memory_space<hbm>>
        %dma_start3A_548 = tpu.memref_squeeze %dma_start3A_547 : memref<1x8x512xf32, #tpu.memory_space<hbm>> -> memref<8x512xf32, #tpu.memory_space<hbm>>
        tpu.enqueue_dma source(%dma_start3A_548 : memref<8x512xf32, #tpu.memory_space<hbm>>) target(%dma_start3A_544 : memref<8x512xf32, #tpu.memory_space<vmem>>) target_semaphore(%dma_start3A_540 : memref<!tpu.dma_semaphore, #tpu.memory_space<semaphore_mem>>)
        %dma_start3A_549 = arith.constant 2 : i32
        %dma_start3A_550 = arith.constant 2 : i32
        %dma_start3A_551 = arith.constant 24 : i32
        %dma_start3A_552 = arith.constant 0 : i32
        %dma_start3A_553 = tpu.memref_slice %arg12[%dma_start3A_549, %dma_start3A_551, %dma_start3A_552] : memref<4x32x512xf32, #tpu.memory_space<vmem>> -> memref<1x8x512xf32, #tpu.memory_space<vmem>>
        %dma_start3A_554 = tpu.memref_squeeze %dma_start3A_553 : memref<1x8x512xf32, #tpu.memory_space<vmem>> -> memref<8x512xf32, #tpu.memory_space<vmem>>
        %dma_start3A_555 = arith.constant 24 : i32
        %dma_start3A_556 = arith.constant 0 : i32
        %dma_start3A_557 = tpu.memref_slice %arg3[%add3A, %dma_start3A_555, %dma_start3A_556] : memref<26x32x512xf32, #tpu.memory_space<hbm>> -> memref<1x8x512xf32, #tpu.memory_space<hbm>>
        %dma_start3A_558 = tpu.memref_squeeze %dma_start3A_557 : memref<1x8x512xf32, #tpu.memory_space<hbm>> -> memref<8x512xf32, #tpu.memory_space<hbm>>
        %dma_start3A_559 = tpu.memref_slice %arg14[%dma_start3A_550] : memref<4x!tpu.dma_semaphore, #tpu.memory_space<semaphore_mem>> -> memref<1x!tpu.dma_semaphore, #tpu.memory_space<semaphore_mem>>
        %dma_start3A_560 = tpu.memref_squeeze %dma_start3A_559 : memref<1x!tpu.dma_semaphore, #tpu.memory_space<semaphore_mem>> -> memref<!tpu.dma_semaphore, #tpu.memory_space<semaphore_mem>>
        %dma_start3A_561 = arith.constant 24 : i32
        %dma_start3A_562 = arith.constant 0 : i32
        %dma_start3A_563 = tpu.memref_slice %arg12[%dma_start3A_549, %dma_start3A_561, %dma_start3A_562] : memref<4x32x512xf32, #tpu.memory_space<vmem>> -> memref<1x8x512xf32, #tpu.memory_space<vmem>>
        %dma_start3A_564 = tpu.memref_squeeze %dma_start3A_563 : memref<1x8x512xf32, #tpu.memory_space<vmem>> -> memref<8x512xf32, #tpu.memory_space<vmem>>
        %dma_start3A_565 = arith.constant 24 : i32
        %dma_start3A_566 = arith.constant 0 : i32
        %dma_start3A_567 = tpu.memref_slice %arg3[%add3A, %dma_start3A_565, %dma_start3A_566] : memref<26x32x512xf32, #tpu.memory_space<hbm>> -> memref<1x8x512xf32, #tpu.memory_space<hbm>>
        %dma_start3A_568 = tpu.memref_squeeze %dma_start3A_567 : memref<1x8x512xf32, #tpu.memory_space<hbm>> -> memref<8x512xf32, #tpu.memory_space<hbm>>
        tpu.enqueue_dma source(%dma_start3A_568 : memref<8x512xf32, #tpu.memory_space<hbm>>) target(%dma_start3A_564 : memref<8x512xf32, #tpu.memory_space<vmem>>) target_semaphore(%dma_start3A_560 : memref<!tpu.dma_semaphore, #tpu.memory_space<semaphore_mem>>)
      } else {
      }
      %scan3A_471 = arith.constant 0 : i32
      %scan3A_472 = arith.constant 0 : i32
      %scan3A_473 = arith.constant 0 : i32
      %scan3A_474 = arith.constant 196 : i32
      %scan3A_475 = arith.addi %scan3A_473, %scan3A_474 : i32
      %scan3A_476 = arith.constant 1 : i32
      %scan3A_477:2 = scf.for %scan3A_490 = %scan3A_473 to %scan3A_475 step %scan3A_476 iter_args(%scan3A_491 = %scan3A_471, %scan3A_492 = %scan3A_472) -> (i32, i32)  : i32 {
        %and3A_493 = arith.constant 3 : i32
        %and3A_494 = arith.andi %scan3A_490, %and3A_493 : i32
        %dma_wait3A = arith.constant 0 : i32
        %dma_wait3A_495 = arith.constant 0 : i32
        %dma_wait3A_496 = arith.constant 0 : i32
        %dma_wait3A_497 = tpu.memref_slice %arg12[%and3A_494, %dma_wait3A_495, %dma_wait3A_496] : memref<4x32x512xf32, #tpu.memory_space<vmem>> -> memref<1x8x512xf32, #tpu.memory_space<vmem>>
        %dma_wait3A_498 = tpu.memref_squeeze %dma_wait3A_497 : memref<1x8x512xf32, #tpu.memory_space<vmem>> -> memref<8x512xf32, #tpu.memory_space<vmem>>
        %dma_wait3A_499 = arith.constant 0 : i32
        %dma_wait3A_500 = arith.constant 0 : i32
        %dma_wait3A_501 = tpu.memref_slice %arg3[%dma_wait3A, %dma_wait3A_499, %dma_wait3A_500] : memref<26x32x512xf32, #tpu.memory_space<hbm>> -> memref<1x8x512xf32, #tpu.memory_space<hbm>>
        %dma_wait3A_502 = tpu.memref_squeeze %dma_wait3A_501 : memref<1x8x512xf32, #tpu.memory_space<hbm>> -> memref<8x512xf32, #tpu.memory_space<hbm>>
        %dma_wait3A_503 = tpu.memref_slice %arg14[%and3A_494] : memref<4x!tpu.dma_semaphore, #tpu.memory_space<semaphore_mem>> -> memref<1x!tpu.dma_semaphore, #tpu.memory_space<semaphore_mem>>
        %dma_wait3A_504 = tpu.memref_squeeze %dma_wait3A_503 : memref<1x!tpu.dma_semaphore, #tpu.memory_space<semaphore_mem>> -> memref<!tpu.dma_semaphore, #tpu.memory_space<semaphore_mem>>
        %dma_wait3A_505 = arith.constant 0 : i32
        %dma_wait3A_506 = arith.constant 0 : i32
        %dma_wait3A_507 = tpu.memref_slice %arg12[%and3A_494, %dma_wait3A_505, %dma_wait3A_506] : memref<4x32x512xf32, #tpu.memory_space<vmem>> -> memref<1x8x512xf32, #tpu.memory_space<vmem>>
        %dma_wait3A_508 = tpu.memref_squeeze %dma_wait3A_507 : memref<1x8x512xf32, #tpu.memory_space<vmem>> -> memref<8x512xf32, #tpu.memory_space<vmem>>
        %dma_wait3A_509 = arith.constant 0 : i32
        %dma_wait3A_510 = arith.constant 0 : i32
        %dma_wait3A_511 = tpu.memref_slice %arg3[%dma_wait3A, %dma_wait3A_509, %dma_wait3A_510] : memref<26x32x512xf32, #tpu.memory_space<hbm>> -> memref<1x8x512xf32, #tpu.memory_space<hbm>>
        %dma_wait3A_512 = tpu.memref_squeeze %dma_wait3A_511 : memref<1x8x512xf32, #tpu.memory_space<hbm>> -> memref<8x512xf32, #tpu.memory_space<hbm>>
        tpu.wait_dma2 semaphore(%dma_wait3A_504 : memref<!tpu.dma_semaphore, #tpu.memory_space<semaphore_mem>>) src(%dma_wait3A_512 : memref<8x512xf32, #tpu.memory_space<hbm>>) dst(%dma_wait3A_508 : memref<8x512xf32, #tpu.memory_space<vmem>>)
        %dma_wait3A_513 = arith.constant 0 : i32
        %dma_wait3A_514 = arith.constant 8 : i32
        %dma_wait3A_515 = arith.constant 0 : i32
        %dma_wait3A_516 = tpu.memref_slice %arg12[%and3A_494, %dma_wait3A_514, %dma_wait3A_515] : memref<4x32x512xf32, #tpu.memory_space<vmem>> -> memref<1x8x512xf32, #tpu.memory_space<vmem>>
        %dma_wait3A_517 = tpu.memref_squeeze %dma_wait3A_516 : memref<1x8x512xf32, #tpu.memory_space<vmem>> -> memref<8x512xf32, #tpu.memory_space<vmem>>
        %dma_wait3A_518 = arith.constant 0 : i32
        %dma_wait3A_519 = arith.constant 0 : i32
        %dma_wait3A_520 = tpu.memref_slice %arg3[%dma_wait3A_513, %dma_wait3A_518, %dma_wait3A_519] : memref<26x32x512xf32, #tpu.memory_space<hbm>> -> memref<1x8x512xf32, #tpu.memory_space<hbm>>
        %dma_wait3A_521 = tpu.memref_squeeze %dma_wait3A_520 : memref<1x8x512xf32, #tpu.memory_space<hbm>> -> memref<8x512xf32, #tpu.memory_space<hbm>>
        %dma_wait3A_522 = tpu.memref_slice %arg14[%and3A_494] : memref<4x!tpu.dma_semaphore, #tpu.memory_space<semaphore_mem>> -> memref<1x!tpu.dma_semaphore, #tpu.memory_space<semaphore_mem>>
        %dma_wait3A_523 = tpu.memref_squeeze %dma_wait3A_522 : memref<1x!tpu.dma_semaphore, #tpu.memory_space<semaphore_mem>> -> memref<!tpu.dma_semaphore, #tpu.memory_space<semaphore_mem>>
        %dma_wait3A_524 = arith.constant 8 : i32
        %dma_wait3A_525 = arith.constant 0 : i32
        %dma_wait3A_526 = tpu.memref_slice %arg12[%and3A_494, %dma_wait3A_524, %dma_wait3A_525] : memref<4x32x512xf32, #tpu.memory_space<vmem>> -> memref<1x8x512xf32, #tpu.memory_space<vmem>>
        %dma_wait3A_527 = tpu.memref_squeeze %dma_wait3A_526 : memref<1x8x512xf32, #tpu.memory_space<vmem>> -> memref<8x512xf32, #tpu.memory_space<vmem>>
        %dma_wait3A_528 = arith.constant 0 : i32
        %dma_wait3A_529 = arith.constant 0 : i32
        %dma_wait3A_530 = tpu.memref_slice %arg3[%dma_wait3A_513, %dma_wait3A_528, %dma_wait3A_529] : memref<26x32x512xf32, #tpu.memory_space<hbm>> -> memref<1x8x512xf32, #tpu.memory_space<hbm>>
        %dma_wait3A_531 = tpu.memref_squeeze %dma_wait3A_530 : memref<1x8x512xf32, #tpu.memory_space<hbm>> -> memref<8x512xf32, #tpu.memory_space<hbm>>
        tpu.wait_dma2 semaphore(%dma_wait3A_523 : memref<!tpu.dma_semaphore, #tpu.memory_space<semaphore_mem>>) src(%dma_wait3A_531 : memref<8x512xf32, #tpu.memory_space<hbm>>) dst(%dma_wait3A_527 : memref<8x512xf32, #tpu.memory_space<vmem>>)
        %dma_wait3A_532 = arith.constant 0 : i32
        %dma_wait3A_533 = arith.constant 16 : i32
        %dma_wait3A_534 = arith.constant 0 : i32
        %dma_wait3A_535 = tpu.memref_slice %arg12[%and3A_494, %dma_wait3A_533, %dma_wait3A_534] : memref<4x32x512xf32, #tpu.memory_space<vmem>> -> memref<1x8x512xf32, #tpu.memory_space<vmem>>
        %dma_wait3A_536 = tpu.memref_squeeze %dma_wait3A_535 : memref<1x8x512xf32, #tpu.memory_space<vmem>> -> memref<8x512xf32, #tpu.memory_space<vmem>>
        %dma_wait3A_537 = arith.constant 0 : i32
        %dma_wait3A_538 = arith.constant 0 : i32
        %dma_wait3A_539 = tpu.memref_slice %arg3[%dma_wait3A_532, %dma_wait3A_537, %dma_wait3A_538] : memref<26x32x512xf32, #tpu.memory_space<hbm>> -> memref<1x8x512xf32, #tpu.memory_space<hbm>>
        %dma_wait3A_540 = tpu.memref_squeeze %dma_wait3A_539 : memref<1x8x512xf32, #tpu.memory_space<hbm>> -> memref<8x512xf32, #tpu.memory_space<hbm>>
        %dma_wait3A_541 = tpu.memref_slice %arg14[%and3A_494] : memref<4x!tpu.dma_semaphore, #tpu.memory_space<semaphore_mem>> -> memref<1x!tpu.dma_semaphore, #tpu.memory_space<semaphore_mem>>
        %dma_wait3A_542 = tpu.memref_squeeze %dma_wait3A_541 : memref<1x!tpu.dma_semaphore, #tpu.memory_space<semaphore_mem>> -> memref<!tpu.dma_semaphore, #tpu.memory_space<semaphore_mem>>
        %dma_wait3A_543 = arith.constant 16 : i32
        %dma_wait3A_544 = arith.constant 0 : i32
        %dma_wait3A_545 = tpu.memref_slice %arg12[%and3A_494, %dma_wait3A_543, %dma_wait3A_544] : memref<4x32x512xf32, #tpu.memory_space<vmem>> -> memref<1x8x512xf32, #tpu.memory_space<vmem>>
        %dma_wait3A_546 = tpu.memref_squeeze %dma_wait3A_545 : memref<1x8x512xf32, #tpu.memory_space<vmem>> -> memref<8x512xf32, #tpu.memory_space<vmem>>
        %dma_wait3A_547 = arith.constant 0 : i32
        %dma_wait3A_548 = arith.constant 0 : i32
        %dma_wait3A_549 = tpu.memref_slice %arg3[%dma_wait3A_532, %dma_wait3A_547, %dma_wait3A_548] : memref<26x32x512xf32, #tpu.memory_space<hbm>> -> memref<1x8x512xf32, #tpu.memory_space<hbm>>
        %dma_wait3A_550 = tpu.memref_squeeze %dma_wait3A_549 : memref<1x8x512xf32, #tpu.memory_space<hbm>> -> memref<8x512xf32, #tpu.memory_space<hbm>>
        tpu.wait_dma2 semaphore(%dma_wait3A_542 : memref<!tpu.dma_semaphore, #tpu.memory_space<semaphore_mem>>) src(%dma_wait3A_550 : memref<8x512xf32, #tpu.memory_space<hbm>>) dst(%dma_wait3A_546 : memref<8x512xf32, #tpu.memory_space<vmem>>)
        %dma_wait3A_551 = arith.constant 0 : i32
        %dma_wait3A_552 = arith.constant 24 : i32
        %dma_wait3A_553 = arith.constant 0 : i32
        %dma_wait3A_554 = tpu.memref_slice %arg12[%and3A_494, %dma_wait3A_552, %dma_wait3A_553] : memref<4x32x512xf32, #tpu.memory_space<vmem>> -> memref<1x8x512xf32, #tpu.memory_space<vmem>>
        %dma_wait3A_555 = tpu.memref_squeeze %dma_wait3A_554 : memref<1x8x512xf32, #tpu.memory_space<vmem>> -> memref<8x512xf32, #tpu.memory_space<vmem>>
        %dma_wait3A_556 = arith.constant 0 : i32
        %dma_wait3A_557 = arith.constant 0 : i32
        %dma_wait3A_558 = tpu.memref_slice %arg3[%dma_wait3A_551, %dma_wait3A_556, %dma_wait3A_557] : memref<26x32x512xf32, #tpu.memory_space<hbm>> -> memref<1x8x512xf32, #tpu.memory_space<hbm>>
        %dma_wait3A_559 = tpu.memref_squeeze %dma_wait3A_558 : memref<1x8x512xf32, #tpu.memory_space<hbm>> -> memref<8x512xf32, #tpu.memory_space<hbm>>
        %dma_wait3A_560 = tpu.memref_slice %arg14[%and3A_494] : memref<4x!tpu.dma_semaphore, #tpu.memory_space<semaphore_mem>> -> memref<1x!tpu.dma_semaphore, #tpu.memory_space<semaphore_mem>>
        %dma_wait3A_561 = tpu.memref_squeeze %dma_wait3A_560 : memref<1x!tpu.dma_semaphore, #tpu.memory_space<semaphore_mem>> -> memref<!tpu.dma_semaphore, #tpu.memory_space<semaphore_mem>>
        %dma_wait3A_562 = arith.constant 24 : i32
        %dma_wait3A_563 = arith.constant 0 : i32
        %dma_wait3A_564 = tpu.memref_slice %arg12[%and3A_494, %dma_wait3A_562, %dma_wait3A_563] : memref<4x32x512xf32, #tpu.memory_space<vmem>> -> memref<1x8x512xf32, #tpu.memory_space<vmem>>
        %dma_wait3A_565 = tpu.memref_squeeze %dma_wait3A_564 : memref<1x8x512xf32, #tpu.memory_space<vmem>> -> memref<8x512xf32, #tpu.memory_space<vmem>>
        %dma_wait3A_566 = arith.constant 0 : i32
        %dma_wait3A_567 = arith.constant 0 : i32
        %dma_wait3A_568 = tpu.memref_slice %arg3[%dma_wait3A_551, %dma_wait3A_566, %dma_wait3A_567] : memref<26x32x512xf32, #tpu.memory_space<hbm>> -> memref<1x8x512xf32, #tpu.memory_space<hbm>>
        %dma_wait3A_569 = tpu.memref_squeeze %dma_wait3A_568 : memref<1x8x512xf32, #tpu.memory_space<hbm>> -> memref<8x512xf32, #tpu.memory_space<hbm>>
        tpu.wait_dma2 semaphore(%dma_wait3A_561 : memref<!tpu.dma_semaphore, #tpu.memory_space<semaphore_mem>>) src(%dma_wait3A_569 : memref<8x512xf32, #tpu.memory_space<hbm>>) dst(%dma_wait3A_565 : memref<8x512xf32, #tpu.memory_space<vmem>>)
        %add3A_570 = arith.constant 4 : i32
        %add3A_571 = arith.addi %scan3A_490, %add3A_570 : i32
        %sub3A_572 = arith.constant 1 : i32
        %sub3A_573 = arith.subi %add3A_571, %sub3A_572 : i32
        %lt3A_574 = arith.constant 196 : i32
        %lt3A_575 = arith.cmpi slt, %sub3A_573, %lt3A_574 : i32
        %convert_element_type3A_576 = arith.extui %lt3A_575 : i1 to i32
        %cond3A_577 = arith.constant 0 : i32
        %cond3A_578 = arith.cmpi ne, %convert_element_type3A_576, %cond3A_577 : i32
        scf.if %cond3A_578 {
          %and3A_602 = arith.constant 3 : i32
          %and3A_603 = arith.andi %sub3A_573, %and3A_602 : i32
          %lt3A_604 = arith.constant 195 : i32
          %lt3A_605 = arith.cmpi slt, %sub3A_573, %lt3A_604 : i32
          %convert_element_type3A_606 = arith.extui %lt3A_605 : i1 to i32
          %cond3A_607 = arith.constant 0 : i32
          %cond3A_608 = arith.cmpi ne, %convert_element_type3A_606, %cond3A_607 : i32
          scf.if %cond3A_608 {
            %mul3A_614 = arith.constant 512 : i32
            %mul3A_615 = arith.muli %sub3A_573, %mul3A_614 : i32
            %mul3A_616 = arith.constant 512 : i32
            %mul3A_617 = arith.muli %sub3A_573, %mul3A_616 : i32
            %mul3A_618 = arith.constant 512 : i32
            %mul3A_619 = arith.muli %sub3A_573, %mul3A_618 : i32
            %mul3A_620 = arith.constant 512 : i32
            %mul3A_621 = arith.muli %sub3A_573, %mul3A_620 : i32
            %dma_start3A = arith.constant 0 : i32
            %dma_start3A_622 = arith.constant 0 : i32
            %dma_start3A_623 = tpu.memref_slice %arg12[%and3A_603, %dma_start3A, %dma_start3A_622] : memref<4x32x512xf32, #tpu.memory_space<vmem>> -> memref<1x8x512xf32, #tpu.memory_space<vmem>>
            %dma_start3A_624 = tpu.memref_squeeze %dma_start3A_623 : memref<1x8x512xf32, #tpu.memory_space<vmem>> -> memref<8x512xf32, #tpu.memory_space<vmem>>
            %dma_start3A_625 = arith.constant 0 : i32
            %dma_start3A_626 = tpu.memref_slice %arg2[%add3A, %dma_start3A_625, %mul3A_615] : memref<26x32x100000xf32, #tpu.memory_space<hbm>> -> memref<1x8x512xf32, #tpu.memory_space<hbm>>
            %dma_start3A_627 = tpu.memref_squeeze %dma_start3A_626 : memref<1x8x512xf32, #tpu.memory_space<hbm>> -> memref<8x512xf32, #tpu.memory_space<hbm>>
            %dma_start3A_628 = tpu.memref_slice %arg14[%and3A_603] : memref<4x!tpu.dma_semaphore, #tpu.memory_space<semaphore_mem>> -> memref<1x!tpu.dma_semaphore, #tpu.memory_space<semaphore_mem>>
            %dma_start3A_629 = tpu.memref_squeeze %dma_start3A_628 : memref<1x!tpu.dma_semaphore, #tpu.memory_space<semaphore_mem>> -> memref<!tpu.dma_semaphore, #tpu.memory_space<semaphore_mem>>
            %dma_start3A_630 = arith.constant 0 : i32
            %dma_start3A_631 = arith.constant 0 : i32
            %dma_start3A_632 = tpu.memref_slice %arg12[%and3A_603, %dma_start3A_630, %dma_start3A_631] : memref<4x32x512xf32, #tpu.memory_space<vmem>> -> memref<1x8x512xf32, #tpu.memory_space<vmem>>
            %dma_start3A_633 = tpu.memref_squeeze %dma_start3A_632 : memref<1x8x512xf32, #tpu.memory_space<vmem>> -> memref<8x512xf32, #tpu.memory_space<vmem>>
            %dma_start3A_634 = arith.constant 0 : i32
            %dma_start3A_635 = tpu.memref_slice %arg2[%add3A, %dma_start3A_634, %mul3A_615] : memref<26x32x100000xf32, #tpu.memory_space<hbm>> -> memref<1x8x512xf32, #tpu.memory_space<hbm>>
            %dma_start3A_636 = tpu.memref_squeeze %dma_start3A_635 : memref<1x8x512xf32, #tpu.memory_space<hbm>> -> memref<8x512xf32, #tpu.memory_space<hbm>>
            tpu.enqueue_dma source(%dma_start3A_636 : memref<8x512xf32, #tpu.memory_space<hbm>>) target(%dma_start3A_633 : memref<8x512xf32, #tpu.memory_space<vmem>>) target_semaphore(%dma_start3A_629 : memref<!tpu.dma_semaphore, #tpu.memory_space<semaphore_mem>>)
            %dma_start3A_637 = arith.constant 8 : i32
            %dma_start3A_638 = arith.constant 0 : i32
            %dma_start3A_639 = tpu.memref_slice %arg12[%and3A_603, %dma_start3A_637, %dma_start3A_638] : memref<4x32x512xf32, #tpu.memory_space<vmem>> -> memref<1x8x512xf32, #tpu.memory_space<vmem>>
            %dma_start3A_640 = tpu.memref_squeeze %dma_start3A_639 : memref<1x8x512xf32, #tpu.memory_space<vmem>> -> memref<8x512xf32, #tpu.memory_space<vmem>>
            %dma_start3A_641 = arith.constant 8 : i32
            %dma_start3A_642 = tpu.memref_slice %arg2[%add3A, %dma_start3A_641, %mul3A_617] : memref<26x32x100000xf32, #tpu.memory_space<hbm>> -> memref<1x8x512xf32, #tpu.memory_space<hbm>>
            %dma_start3A_643 = tpu.memref_squeeze %dma_start3A_642 : memref<1x8x512xf32, #tpu.memory_space<hbm>> -> memref<8x512xf32, #tpu.memory_space<hbm>>
            %dma_start3A_644 = tpu.memref_slice %arg14[%and3A_603] : memref<4x!tpu.dma_semaphore, #tpu.memory_space<semaphore_mem>> -> memref<1x!tpu.dma_semaphore, #tpu.memory_space<semaphore_mem>>
            %dma_start3A_645 = tpu.memref_squeeze %dma_start3A_644 : memref<1x!tpu.dma_semaphore, #tpu.memory_space<semaphore_mem>> -> memref<!tpu.dma_semaphore, #tpu.memory_space<semaphore_mem>>
            %dma_start3A_646 = arith.constant 8 : i32
            %dma_start3A_647 = arith.constant 0 : i32
            %dma_start3A_648 = tpu.memref_slice %arg12[%and3A_603, %dma_start3A_646, %dma_start3A_647] : memref<4x32x512xf32, #tpu.memory_space<vmem>> -> memref<1x8x512xf32, #tpu.memory_space<vmem>>
            %dma_start3A_649 = tpu.memref_squeeze %dma_start3A_648 : memref<1x8x512xf32, #tpu.memory_space<vmem>> -> memref<8x512xf32, #tpu.memory_space<vmem>>
            %dma_start3A_650 = arith.constant 8 : i32
            %dma_start3A_651 = tpu.memref_slice %arg2[%add3A, %dma_start3A_650, %mul3A_617] : memref<26x32x100000xf32, #tpu.memory_space<hbm>> -> memref<1x8x512xf32, #tpu.memory_space<hbm>>
            %dma_start3A_652 = tpu.memref_squeeze %dma_start3A_651 : memref<1x8x512xf32, #tpu.memory_space<hbm>> -> memref<8x512xf32, #tpu.memory_space<hbm>>
            tpu.enqueue_dma source(%dma_start3A_652 : memref<8x512xf32, #tpu.memory_space<hbm>>) target(%dma_start3A_649 : memref<8x512xf32, #tpu.memory_space<vmem>>) target_semaphore(%dma_start3A_645 : memref<!tpu.dma_semaphore, #tpu.memory_space<semaphore_mem>>)
            %dma_start3A_653 = arith.constant 16 : i32
            %dma_start3A_654 = arith.constant 0 : i32
            %dma_start3A_655 = tpu.memref_slice %arg12[%and3A_603, %dma_start3A_653, %dma_start3A_654] : memref<4x32x512xf32, #tpu.memory_space<vmem>> -> memref<1x8x512xf32, #tpu.memory_space<vmem>>
            %dma_start3A_656 = tpu.memref_squeeze %dma_start3A_655 : memref<1x8x512xf32, #tpu.memory_space<vmem>> -> memref<8x512xf32, #tpu.memory_space<vmem>>
            %dma_start3A_657 = arith.constant 16 : i32
            %dma_start3A_658 = tpu.memref_slice %arg2[%add3A, %dma_start3A_657, %mul3A_619] : memref<26x32x100000xf32, #tpu.memory_space<hbm>> -> memref<1x8x512xf32, #tpu.memory_space<hbm>>
            %dma_start3A_659 = tpu.memref_squeeze %dma_start3A_658 : memref<1x8x512xf32, #tpu.memory_space<hbm>> -> memref<8x512xf32, #tpu.memory_space<hbm>>
            %dma_start3A_660 = tpu.memref_slice %arg14[%and3A_603] : memref<4x!tpu.dma_semaphore, #tpu.memory_space<semaphore_mem>> -> memref<1x!tpu.dma_semaphore, #tpu.memory_space<semaphore_mem>>
            %dma_start3A_661 = tpu.memref_squeeze %dma_start3A_660 : memref<1x!tpu.dma_semaphore, #tpu.memory_space<semaphore_mem>> -> memref<!tpu.dma_semaphore, #tpu.memory_space<semaphore_mem>>
            %dma_start3A_662 = arith.constant 16 : i32
            %dma_start3A_663 = arith.constant 0 : i32
            %dma_start3A_664 = tpu.memref_slice %arg12[%and3A_603, %dma_start3A_662, %dma_start3A_663] : memref<4x32x512xf32, #tpu.memory_space<vmem>> -> memref<1x8x512xf32, #tpu.memory_space<vmem>>
            %dma_start3A_665 = tpu.memref_squeeze %dma_start3A_664 : memref<1x8x512xf32, #tpu.memory_space<vmem>> -> memref<8x512xf32, #tpu.memory_space<vmem>>
            %dma_start3A_666 = arith.constant 16 : i32
            %dma_start3A_667 = tpu.memref_slice %arg2[%add3A, %dma_start3A_666, %mul3A_619] : memref<26x32x100000xf32, #tpu.memory_space<hbm>> -> memref<1x8x512xf32, #tpu.memory_space<hbm>>
            %dma_start3A_668 = tpu.memref_squeeze %dma_start3A_667 : memref<1x8x512xf32, #tpu.memory_space<hbm>> -> memref<8x512xf32, #tpu.memory_space<hbm>>
            tpu.enqueue_dma source(%dma_start3A_668 : memref<8x512xf32, #tpu.memory_space<hbm>>) target(%dma_start3A_665 : memref<8x512xf32, #tpu.memory_space<vmem>>) target_semaphore(%dma_start3A_661 : memref<!tpu.dma_semaphore, #tpu.memory_space<semaphore_mem>>)
            %dma_start3A_669 = arith.constant 24 : i32
            %dma_start3A_670 = arith.constant 0 : i32
            %dma_start3A_671 = tpu.memref_slice %arg12[%and3A_603, %dma_start3A_669, %dma_start3A_670] : memref<4x32x512xf32, #tpu.memory_space<vmem>> -> memref<1x8x512xf32, #tpu.memory_space<vmem>>
            %dma_start3A_672 = tpu.memref_squeeze %dma_start3A_671 : memref<1x8x512xf32, #tpu.memory_space<vmem>> -> memref<8x512xf32, #tpu.memory_space<vmem>>
            %dma_start3A_673 = arith.constant 24 : i32
            %dma_start3A_674 = tpu.memref_slice %arg2[%add3A, %dma_start3A_673, %mul3A_621] : memref<26x32x100000xf32, #tpu.memory_space<hbm>> -> memref<1x8x512xf32, #tpu.memory_space<hbm>>
            %dma_start3A_675 = tpu.memref_squeeze %dma_start3A_674 : memref<1x8x512xf32, #tpu.memory_space<hbm>> -> memref<8x512xf32, #tpu.memory_space<hbm>>
            %dma_start3A_676 = tpu.memref_slice %arg14[%and3A_603] : memref<4x!tpu.dma_semaphore, #tpu.memory_space<semaphore_mem>> -> memref<1x!tpu.dma_semaphore, #tpu.memory_space<semaphore_mem>>
            %dma_start3A_677 = tpu.memref_squeeze %dma_start3A_676 : memref<1x!tpu.dma_semaphore, #tpu.memory_space<semaphore_mem>> -> memref<!tpu.dma_semaphore, #tpu.memory_space<semaphore_mem>>
            %dma_start3A_678 = arith.constant 24 : i32
            %dma_start3A_679 = arith.constant 0 : i32
            %dma_start3A_680 = tpu.memref_slice %arg12[%and3A_603, %dma_start3A_678, %dma_start3A_679] : memref<4x32x512xf32, #tpu.memory_space<vmem>> -> memref<1x8x512xf32, #tpu.memory_space<vmem>>
            %dma_start3A_681 = tpu.memref_squeeze %dma_start3A_680 : memref<1x8x512xf32, #tpu.memory_space<vmem>> -> memref<8x512xf32, #tpu.memory_space<vmem>>
            %dma_start3A_682 = arith.constant 24 : i32
            %dma_start3A_683 = tpu.memref_slice %arg2[%add3A, %dma_start3A_682, %mul3A_621] : memref<26x32x100000xf32, #tpu.memory_space<hbm>> -> memref<1x8x512xf32, #tpu.memory_space<hbm>>
            %dma_start3A_684 = tpu.memref_squeeze %dma_start3A_683 : memref<1x8x512xf32, #tpu.memory_space<hbm>> -> memref<8x512xf32, #tpu.memory_space<hbm>>
            tpu.enqueue_dma source(%dma_start3A_684 : memref<8x512xf32, #tpu.memory_space<hbm>>) target(%dma_start3A_681 : memref<8x512xf32, #tpu.memory_space<vmem>>) target_semaphore(%dma_start3A_677 : memref<!tpu.dma_semaphore, #tpu.memory_space<semaphore_mem>>)
          } else {
          }
          %eq3A_609 = arith.constant 195 : i32
          %eq3A_610 = arith.cmpi eq, %sub3A_573, %eq3A_609 : i32
          %convert_element_type3A_611 = arith.extui %eq3A_610 : i1 to i32
          %cond3A_612 = arith.constant 0 : i32
          %cond3A_613 = arith.cmpi ne, %convert_element_type3A_611, %cond3A_612 : i32
          scf.if %cond3A_613 {
            %dma_start3A = arith.constant 0 : i32
            %dma_start3A_614 = arith.constant 0 : i32
            %dma_start3A_615 = tpu.memref_slice %arg12[%and3A_603, %dma_start3A, %dma_start3A_614] : memref<4x32x512xf32, #tpu.memory_space<vmem>> -> memref<1x8x512xf32, #tpu.memory_space<vmem>>
            %dma_start3A_616 = tpu.memref_squeeze %dma_start3A_615 : memref<1x8x512xf32, #tpu.memory_space<vmem>> -> memref<8x512xf32, #tpu.memory_space<vmem>>
            %dma_start3A_617 = arith.constant 0 : i32
            %dma_start3A_618 = arith.constant 0 : i32
            %dma_start3A_619 = tpu.memref_slice %arg3[%add3A, %dma_start3A_617, %dma_start3A_618] : memref<26x32x512xf32, #tpu.memory_space<hbm>> -> memref<1x8x512xf32, #tpu.memory_space<hbm>>
            %dma_start3A_620 = tpu.memref_squeeze %dma_start3A_619 : memref<1x8x512xf32, #tpu.memory_space<hbm>> -> memref<8x512xf32, #tpu.memory_space<hbm>>
            %dma_start3A_621 = tpu.memref_slice %arg14[%and3A_603] : memref<4x!tpu.dma_semaphore, #tpu.memory_space<semaphore_mem>> -> memref<1x!tpu.dma_semaphore, #tpu.memory_space<semaphore_mem>>
            %dma_start3A_622 = tpu.memref_squeeze %dma_start3A_621 : memref<1x!tpu.dma_semaphore, #tpu.memory_space<semaphore_mem>> -> memref<!tpu.dma_semaphore, #tpu.memory_space<semaphore_mem>>
            %dma_start3A_623 = arith.constant 0 : i32
            %dma_start3A_624 = arith.constant 0 : i32
            %dma_start3A_625 = tpu.memref_slice %arg12[%and3A_603, %dma_start3A_623, %dma_start3A_624] : memref<4x32x512xf32, #tpu.memory_space<vmem>> -> memref<1x8x512xf32, #tpu.memory_space<vmem>>
            %dma_start3A_626 = tpu.memref_squeeze %dma_start3A_625 : memref<1x8x512xf32, #tpu.memory_space<vmem>> -> memref<8x512xf32, #tpu.memory_space<vmem>>
            %dma_start3A_627 = arith.constant 0 : i32
            %dma_start3A_628 = arith.constant 0 : i32
            %dma_start3A_629 = tpu.memref_slice %arg3[%add3A, %dma_start3A_627, %dma_start3A_628] : memref<26x32x512xf32, #tpu.memory_space<hbm>> -> memref<1x8x512xf32, #tpu.memory_space<hbm>>
            %dma_start3A_630 = tpu.memref_squeeze %dma_start3A_629 : memref<1x8x512xf32, #tpu.memory_space<hbm>> -> memref<8x512xf32, #tpu.memory_space<hbm>>
            tpu.enqueue_dma source(%dma_start3A_630 : memref<8x512xf32, #tpu.memory_space<hbm>>) target(%dma_start3A_626 : memref<8x512xf32, #tpu.memory_space<vmem>>) target_semaphore(%dma_start3A_622 : memref<!tpu.dma_semaphore, #tpu.memory_space<semaphore_mem>>)
            %dma_start3A_631 = arith.constant 8 : i32
            %dma_start3A_632 = arith.constant 0 : i32
            %dma_start3A_633 = tpu.memref_slice %arg12[%and3A_603, %dma_start3A_631, %dma_start3A_632] : memref<4x32x512xf32, #tpu.memory_space<vmem>> -> memref<1x8x512xf32, #tpu.memory_space<vmem>>
            %dma_start3A_634 = tpu.memref_squeeze %dma_start3A_633 : memref<1x8x512xf32, #tpu.memory_space<vmem>> -> memref<8x512xf32, #tpu.memory_space<vmem>>
            %dma_start3A_635 = arith.constant 8 : i32
            %dma_start3A_636 = arith.constant 0 : i32
            %dma_start3A_637 = tpu.memref_slice %arg3[%add3A, %dma_start3A_635, %dma_start3A_636] : memref<26x32x512xf32, #tpu.memory_space<hbm>> -> memref<1x8x512xf32, #tpu.memory_space<hbm>>
            %dma_start3A_638 = tpu.memref_squeeze %dma_start3A_637 : memref<1x8x512xf32, #tpu.memory_space<hbm>> -> memref<8x512xf32, #tpu.memory_space<hbm>>
            %dma_start3A_639 = tpu.memref_slice %arg14[%and3A_603] : memref<4x!tpu.dma_semaphore, #tpu.memory_space<semaphore_mem>> -> memref<1x!tpu.dma_semaphore, #tpu.memory_space<semaphore_mem>>
            %dma_start3A_640 = tpu.memref_squeeze %dma_start3A_639 : memref<1x!tpu.dma_semaphore, #tpu.memory_space<semaphore_mem>> -> memref<!tpu.dma_semaphore, #tpu.memory_space<semaphore_mem>>
            %dma_start3A_641 = arith.constant 8 : i32
            %dma_start3A_642 = arith.constant 0 : i32
            %dma_start3A_643 = tpu.memref_slice %arg12[%and3A_603, %dma_start3A_641, %dma_start3A_642] : memref<4x32x512xf32, #tpu.memory_space<vmem>> -> memref<1x8x512xf32, #tpu.memory_space<vmem>>
            %dma_start3A_644 = tpu.memref_squeeze %dma_start3A_643 : memref<1x8x512xf32, #tpu.memory_space<vmem>> -> memref<8x512xf32, #tpu.memory_space<vmem>>
            %dma_start3A_645 = arith.constant 8 : i32
            %dma_start3A_646 = arith.constant 0 : i32
            %dma_start3A_647 = tpu.memref_slice %arg3[%add3A, %dma_start3A_645, %dma_start3A_646] : memref<26x32x512xf32, #tpu.memory_space<hbm>> -> memref<1x8x512xf32, #tpu.memory_space<hbm>>
            %dma_start3A_648 = tpu.memref_squeeze %dma_start3A_647 : memref<1x8x512xf32, #tpu.memory_space<hbm>> -> memref<8x512xf32, #tpu.memory_space<hbm>>
            tpu.enqueue_dma source(%dma_start3A_648 : memref<8x512xf32, #tpu.memory_space<hbm>>) target(%dma_start3A_644 : memref<8x512xf32, #tpu.memory_space<vmem>>) target_semaphore(%dma_start3A_640 : memref<!tpu.dma_semaphore, #tpu.memory_space<semaphore_mem>>)
            %dma_start3A_649 = arith.constant 16 : i32
            %dma_start3A_650 = arith.constant 0 : i32
            %dma_start3A_651 = tpu.memref_slice %arg12[%and3A_603, %dma_start3A_649, %dma_start3A_650] : memref<4x32x512xf32, #tpu.memory_space<vmem>> -> memref<1x8x512xf32, #tpu.memory_space<vmem>>
            %dma_start3A_652 = tpu.memref_squeeze %dma_start3A_651 : memref<1x8x512xf32, #tpu.memory_space<vmem>> -> memref<8x512xf32, #tpu.memory_space<vmem>>
            %dma_start3A_653 = arith.constant 16 : i32
            %dma_start3A_654 = arith.constant 0 : i32
            %dma_start3A_655 = tpu.memref_slice %arg3[%add3A, %dma_start3A_653, %dma_start3A_654] : memref<26x32x512xf32, #tpu.memory_space<hbm>> -> memref<1x8x512xf32, #tpu.memory_space<hbm>>
            %dma_start3A_656 = tpu.memref_squeeze %dma_start3A_655 : memref<1x8x512xf32, #tpu.memory_space<hbm>> -> memref<8x512xf32, #tpu.memory_space<hbm>>
            %dma_start3A_657 = tpu.memref_slice %arg14[%and3A_603] : memref<4x!tpu.dma_semaphore, #tpu.memory_space<semaphore_mem>> -> memref<1x!tpu.dma_semaphore, #tpu.memory_space<semaphore_mem>>
            %dma_start3A_658 = tpu.memref_squeeze %dma_start3A_657 : memref<1x!tpu.dma_semaphore, #tpu.memory_space<semaphore_mem>> -> memref<!tpu.dma_semaphore, #tpu.memory_space<semaphore_mem>>
            %dma_start3A_659 = arith.constant 16 : i32
            %dma_start3A_660 = arith.constant 0 : i32
            %dma_start3A_661 = tpu.memref_slice %arg12[%and3A_603, %dma_start3A_659, %dma_start3A_660] : memref<4x32x512xf32, #tpu.memory_space<vmem>> -> memref<1x8x512xf32, #tpu.memory_space<vmem>>
            %dma_start3A_662 = tpu.memref_squeeze %dma_start3A_661 : memref<1x8x512xf32, #tpu.memory_space<vmem>> -> memref<8x512xf32, #tpu.memory_space<vmem>>
            %dma_start3A_663 = arith.constant 16 : i32
            %dma_start3A_664 = arith.constant 0 : i32
            %dma_start3A_665 = tpu.memref_slice %arg3[%add3A, %dma_start3A_663, %dma_start3A_664] : memref<26x32x512xf32, #tpu.memory_space<hbm>> -> memref<1x8x512xf32, #tpu.memory_space<hbm>>
            %dma_start3A_666 = tpu.memref_squeeze %dma_start3A_665 : memref<1x8x512xf32, #tpu.memory_space<hbm>> -> memref<8x512xf32, #tpu.memory_space<hbm>>
            tpu.enqueue_dma source(%dma_start3A_666 : memref<8x512xf32, #tpu.memory_space<hbm>>) target(%dma_start3A_662 : memref<8x512xf32, #tpu.memory_space<vmem>>) target_semaphore(%dma_start3A_658 : memref<!tpu.dma_semaphore, #tpu.memory_space<semaphore_mem>>)
            %dma_start3A_667 = arith.constant 24 : i32
            %dma_start3A_668 = arith.constant 0 : i32
            %dma_start3A_669 = tpu.memref_slice %arg12[%and3A_603, %dma_start3A_667, %dma_start3A_668] : memref<4x32x512xf32, #tpu.memory_space<vmem>> -> memref<1x8x512xf32, #tpu.memory_space<vmem>>
            %dma_start3A_670 = tpu.memref_squeeze %dma_start3A_669 : memref<1x8x512xf32, #tpu.memory_space<vmem>> -> memref<8x512xf32, #tpu.memory_space<vmem>>
            %dma_start3A_671 = arith.constant 24 : i32
            %dma_start3A_672 = arith.constant 0 : i32
            %dma_start3A_673 = tpu.memref_slice %arg3[%add3A, %dma_start3A_671, %dma_start3A_672] : memref<26x32x512xf32, #tpu.memory_space<hbm>> -> memref<1x8x512xf32, #tpu.memory_space<hbm>>
            %dma_start3A_674 = tpu.memref_squeeze %dma_start3A_673 : memref<1x8x512xf32, #tpu.memory_space<hbm>> -> memref<8x512xf32, #tpu.memory_space<hbm>>
            %dma_start3A_675 = tpu.memref_slice %arg14[%and3A_603] : memref<4x!tpu.dma_semaphore, #tpu.memory_space<semaphore_mem>> -> memref<1x!tpu.dma_semaphore, #tpu.memory_space<semaphore_mem>>
            %dma_start3A_676 = tpu.memref_squeeze %dma_start3A_675 : memref<1x!tpu.dma_semaphore, #tpu.memory_space<semaphore_mem>> -> memref<!tpu.dma_semaphore, #tpu.memory_space<semaphore_mem>>
            %dma_start3A_677 = arith.constant 24 : i32
            %dma_start3A_678 = arith.constant 0 : i32
            %dma_start3A_679 = tpu.memref_slice %arg12[%and3A_603, %dma_start3A_677, %dma_start3A_678] : memref<4x32x512xf32, #tpu.memory_space<vmem>> -> memref<1x8x512xf32, #tpu.memory_space<vmem>>
            %dma_start3A_680 = tpu.memref_squeeze %dma_start3A_679 : memref<1x8x512xf32, #tpu.memory_space<vmem>> -> memref<8x512xf32, #tpu.memory_space<vmem>>
            %dma_start3A_681 = arith.constant 24 : i32
            %dma_start3A_682 = arith.constant 0 : i32
            %dma_start3A_683 = tpu.memref_slice %arg3[%add3A, %dma_start3A_681, %dma_start3A_682] : memref<26x32x512xf32, #tpu.memory_space<hbm>> -> memref<1x8x512xf32, #tpu.memory_space<hbm>>
            %dma_start3A_684 = tpu.memref_squeeze %dma_start3A_683 : memref<1x8x512xf32, #tpu.memory_space<hbm>> -> memref<8x512xf32, #tpu.memory_space<hbm>>
            tpu.enqueue_dma source(%dma_start3A_684 : memref<8x512xf32, #tpu.memory_space<hbm>>) target(%dma_start3A_680 : memref<8x512xf32, #tpu.memory_space<vmem>>) target_semaphore(%dma_start3A_676 : memref<!tpu.dma_semaphore, #tpu.memory_space<semaphore_mem>>)
          } else {
          }
        } else {
        }
        %mul3A_579 = arith.constant 512 : i32
        %mul3A_580 = arith.muli %scan3A_490, %mul3A_579 : i32
        %get3A_581 = arith.index_cast %scan3A_490 : i32 to index
        %get3A_582 = tpu.vector_load %arg8[%get3A_581] {strides = array<i32>} : memref<224xi32, #tpu.memory_space<vmem>>, vector<16xi32>,
        %slice3A = vector.extract_strided_slice %get3A_582 {offsets = [0], sizes = [1], strides = [1]} : vector<16xi32> to vector<1xi32>
        %squeeze3A = vector.extract %slice3A[0] : i32 from vector<1xi32>
        %add3A_583 = arith.constant 15 : i32
        %add3A_584 = arith.addi %squeeze3A, %add3A_583 : i32
        %shift_right_arithmetic3A_585 = arith.constant 4 : i32
        %shift_right_arithmetic3A_586 = arith.shrsi %add3A_584, %shift_right_arithmetic3A_585 : i32
        %while3A = arith.constant 0 : i32
        %while3A_587 = arith.constant 0 : i32
        %while3A_588 = arith.subi %shift_right_arithmetic3A_586, %while3A_587 : i32
        %while3A_589 = arith.addi %while3A_587, %while3A_588 : i32
        %while3A_590 = arith.constant 1 : i32
        %while3A_591 = arith.divsi %while3A_588, %while3A_590 : i32
        %while3A_592 = arith.muli %while3A_591, %while3A_590 : i32
        %while3A_593 = arith.addi %while3A_587, %while3A_592 : i32
        %while3A_594 = arith.constant 1 : i32
        scf.for %while3A_602 = %while3A_587 to %while3A_593 step %while3A_594  : i32 {
          %mul3A_603 = arith.constant 16 : i32
          %mul3A_604 = arith.muli %while3A_602, %mul3A_603 : i32
          %add3A_605 = arith.addi %scan3A_491, %mul3A_604 : i32
          %mul3A_606 = arith.constant 16 : i32
          %mul3A_607 = arith.muli %while3A_602, %mul3A_606 : i32
          %add3A_608 = arith.addi %scan3A_492, %mul3A_607 : i32
          %shift_right_arithmetic3A_609 = arith.constant 7 : i32
          %shift_right_arithmetic3A_610 = arith.shrsi %add3A_608, %shift_right_arithmetic3A_609 : i32
          %and3A_611 = arith.constant 1 : i32
          %and3A_612 = arith.andi %shift_right_arithmetic3A_610, %and3A_611 : i32
          %get3A_613 = arith.index_cast %add3A_605 : i32 to index
          %get3A_614 = tpu.vector_load %arg11[%get3A_613] {strides = array<i32>} : memref<19328xi32, #tpu.memory_space<vmem>>, vector<16xi32>,
          %sub3A_615 = vector.broadcast %mul3A_580 : i32 to vector<16xi32>
          %sub3A_616 = arith.subi %get3A_614, %sub3A_615 : vector<16xi32>
          %jit3A = arith.constant 0 : i32
          %jit3A_617 = arith.constant 511 : i32
          %max3A = vector.broadcast %jit3A : i32 to vector<16xi32>
          %max3A_618 = arith.maxsi %max3A, %sub3A_616 : vector<16xi32>
          %min3A = vector.broadcast %jit3A_617 : i32 to vector<16xi32>
          %min3A_619 = arith.minsi %min3A, %max3A_618 : vector<16xi32>
          %and3A_620 = arith.constant 127 : i32
          %and3A_621 = arith.andi %add3A_608, %and3A_620 : i32
          %add3A_622 = vector.broadcast %and3A_621 : i32 to vector<16xi32>
          %add3A_623 = arith.addi %iota3A, %add3A_622 : vector<16xi32>
          %shift_right_arithmetic3A_624 = arith.constant 2 : i32
          %shift_right_arithmetic3A_625 = vector.broadcast %shift_right_arithmetic3A_624 : i32 to vector<16xi32>
          %shift_right_arithmetic3A_626 = arith.shrsi %add3A_623, %shift_right_arithmetic3A_625 : vector<16xi32>
          %and3A_627 = arith.constant 3 : i32
          %and3A_628 = vector.broadcast %and3A_627 : i32 to vector<16xi32>
          %and3A_629 = arith.andi %add3A_623, %and3A_628 : vector<16xi32>
          %mul3A_630 = arith.constant 32 : i32
          %mul3A_631 = vector.broadcast %mul3A_630 : i32 to vector<16xi32>
          %mul3A_632 = arith.muli %and3A_629, %mul3A_631 : vector<16xi32>
          %gather3A = arith.constant 0 : i32
          %gather3A_633 = arith.constant 0 : i32
          %gather3A_634 = tpu.memref_slice %arg12[%and3A_494, %gather3A, %gather3A_633] : memref<4x32x512xf32, #tpu.memory_space<vmem>> -> memref<1x32x512xf32, #tpu.memory_space<vmem>>
          %gather3A_635 = tpu.memref_squeeze %gather3A_634 : memref<1x32x512xf32, #tpu.memory_space<vmem>> -> memref<32x512xf32, #tpu.memory_space<vmem>>
          %gather3A_636 = tpu.vector_load_idx %gather3A_635[%broadcast_in_dim3A_370, %min3A_619] : memref<32x512xf32, #tpu.memory_space<vmem>>[vector<16xi32>, vector<16xi32>], vector<16xf32>,
          %add3A_637 = arith.constant 0 : i32
          %add3A_638 = vector.broadcast %add3A_637 : i32 to vector<16xi32>
          %add3A_639 = arith.addi %mul3A_632, %add3A_638 : vector<16xi32>
          %scatter3A = arith.constant 0 : i32
          %scatter3A_640 = arith.constant 0 : i32
          %scatter3A_641 = tpu.memref_slice %arg13[%and3A_612, %scatter3A, %scatter3A_640] : memref<2x32x128xf32, #tpu.memory_space<vmem>> -> memref<1x32x128xf32, #tpu.memory_space<vmem>>
          %scatter3A_642 = tpu.memref_squeeze %scatter3A_641 : memref<1x32x128xf32, #tpu.memory_space<vmem>> -> memref<32x128xf32, #tpu.memory_space<vmem>>
          tpu.vector_store_idx %scatter3A_642[%shift_right_arithmetic3A_626, %add3A_639], %gather3A_636 : memref<32x128xf32, #tpu.memory_space<vmem>>[vector<16xi32>, vector<16xi32>], vector<16xf32>,
          %gather3A_643 = arith.constant 0 : i32
          %gather3A_644 = arith.constant 0 : i32
          %gather3A_645 = tpu.memref_slice %arg12[%and3A_494, %gather3A_643, %gather3A_644] : memref<4x32x512xf32, #tpu.memory_space<vmem>> -> memref<1x32x512xf32, #tpu.memory_space<vmem>>
          %gather3A_646 = tpu.memref_squeeze %gather3A_645 : memref<1x32x512xf32, #tpu.memory_space<vmem>> -> memref<32x512xf32, #tpu.memory_space<vmem>>
          %gather3A_647 = tpu.vector_load_idx %gather3A_646[%broadcast_in_dim3A_372, %min3A_619] : memref<32x512xf32, #tpu.memory_space<vmem>>[vector<16xi32>, vector<16xi32>], vector<16xf32>,
          %add3A_648 = arith.constant 1 : i32
          %add3A_649 = vector.broadcast %add3A_648 : i32 to vector<16xi32>
          %add3A_650 = arith.addi %mul3A_632, %add3A_649 : vector<16xi32>
          %scatter3A_651 = arith.constant 0 : i32
          %scatter3A_652 = arith.constant 0 : i32
          %scatter3A_653 = tpu.memref_slice %arg13[%and3A_612, %scatter3A_651, %scatter3A_652] : memref<2x32x128xf32, #tpu.memory_space<vmem>> -> memref<1x32x128xf32, #tpu.memory_space<vmem>>
          %scatter3A_654 = tpu.memref_squeeze %scatter3A_653 : memref<1x32x128xf32, #tpu.memory_space<vmem>> -> memref<32x128xf32, #tpu.memory_space<vmem>>
          tpu.vector_store_idx %scatter3A_654[%shift_right_arithmetic3A_626, %add3A_650], %gather3A_647 : memref<32x128xf32, #tpu.memory_space<vmem>>[vector<16xi32>, vector<16xi32>], vector<16xf32>,
          %gather3A_655 = arith.constant 0 : i32
          %gather3A_656 = arith.constant 0 : i32
          %gather3A_657 = tpu.memref_slice %arg12[%and3A_494, %gather3A_655, %gather3A_656] : memref<4x32x512xf32, #tpu.memory_space<vmem>> -> memref<1x32x512xf32, #tpu.memory_space<vmem>>
          %gather3A_658 = tpu.memref_squeeze %gather3A_657 : memref<1x32x512xf32, #tpu.memory_space<vmem>> -> memref<32x512xf32, #tpu.memory_space<vmem>>
          %gather3A_659 = tpu.vector_load_idx %gather3A_658[%broadcast_in_dim3A_374, %min3A_619] : memref<32x512xf32, #tpu.memory_space<vmem>>[vector<16xi32>, vector<16xi32>], vector<16xf32>,
          %add3A_660 = arith.constant 2 : i32
          %add3A_661 = vector.broadcast %add3A_660 : i32 to vector<16xi32>
          %add3A_662 = arith.addi %mul3A_632, %add3A_661 : vector<16xi32>
          %scatter3A_663 = arith.constant 0 : i32
          %scatter3A_664 = arith.constant 0 : i32
          %scatter3A_665 = tpu.memref_slice %arg13[%and3A_612, %scatter3A_663, %scatter3A_664] : memref<2x32x128xf32, #tpu.memory_space<vmem>> -> memref<1x32x128xf32, #tpu.memory_space<vmem>>
          %scatter3A_666 = tpu.memref_squeeze %scatter3A_665 : memref<1x32x128xf32, #tpu.memory_space<vmem>> -> memref<32x128xf32, #tpu.memory_space<vmem>>
          tpu.vector_store_idx %scatter3A_666[%shift_right_arithmetic3A_626, %add3A_662], %gather3A_659 : memref<32x128xf32, #tpu.memory_space<vmem>>[vector<16xi32>, vector<16xi32>], vector<16xf32>,
          %gather3A_667 = arith.constant 0 : i32
          %gather3A_668 = arith.constant 0 : i32
          %gather3A_669 = tpu.memref_slice %arg12[%and3A_494, %gather3A_667, %gather3A_668] : memref<4x32x512xf32, #tpu.memory_space<vmem>> -> memref<1x32x512xf32, #tpu.memory_space<vmem>>
          %gather3A_670 = tpu.memref_squeeze %gather3A_669 : memref<1x32x512xf32, #tpu.memory_space<vmem>> -> memref<32x512xf32, #tpu.memory_space<vmem>>
          %gather3A_671 = tpu.vector_load_idx %gather3A_670[%broadcast_in_dim3A_376, %min3A_619] : memref<32x512xf32, #tpu.memory_space<vmem>>[vector<16xi32>, vector<16xi32>], vector<16xf32>,
          %add3A_672 = arith.constant 3 : i32
          %add3A_673 = vector.broadcast %add3A_672 : i32 to vector<16xi32>
          %add3A_674 = arith.addi %mul3A_632, %add3A_673 : vector<16xi32>
          %scatter3A_675 = arith.constant 0 : i32
          %scatter3A_676 = arith.constant 0 : i32
          %scatter3A_677 = tpu.memref_slice %arg13[%and3A_612, %scatter3A_675, %scatter3A_676] : memref<2x32x128xf32, #tpu.memory_space<vmem>> -> memref<1x32x128xf32, #tpu.memory_space<vmem>>
          %scatter3A_678 = tpu.memref_squeeze %scatter3A_677 : memref<1x32x128xf32, #tpu.memory_space<vmem>> -> memref<32x128xf32, #tpu.memory_space<vmem>>
          tpu.vector_store_idx %scatter3A_678[%shift_right_arithmetic3A_626, %add3A_674], %gather3A_671 : memref<32x128xf32, #tpu.memory_space<vmem>>[vector<16xi32>, vector<16xi32>], vector<16xf32>,
          %gather3A_679 = arith.constant 0 : i32
          %gather3A_680 = arith.constant 0 : i32
          %gather3A_681 = tpu.memref_slice %arg12[%and3A_494, %gather3A_679, %gather3A_680] : memref<4x32x512xf32, #tpu.memory_space<vmem>> -> memref<1x32x512xf32, #tpu.memory_space<vmem>>
          %gather3A_682 = tpu.memref_squeeze %gather3A_681 : memref<1x32x512xf32, #tpu.memory_space<vmem>> -> memref<32x512xf32, #tpu.memory_space<vmem>>
          %gather3A_683 = tpu.vector_load_idx %gather3A_682[%broadcast_in_dim3A_378, %min3A_619] : memref<32x512xf32, #tpu.memory_space<vmem>>[vector<16xi32>, vector<16xi32>], vector<16xf32>,
          %add3A_684 = arith.constant 4 : i32
          %add3A_685 = vector.broadcast %add3A_684 : i32 to vector<16xi32>
          %add3A_686 = arith.addi %mul3A_632, %add3A_685 : vector<16xi32>
          %scatter3A_687 = arith.constant 0 : i32
          %scatter3A_688 = arith.constant 0 : i32
          %scatter3A_689 = tpu.memref_slice %arg13[%and3A_612, %scatter3A_687, %scatter3A_688] : memref<2x32x128xf32, #tpu.memory_space<vmem>> -> memref<1x32x128xf32, #tpu.memory_space<vmem>>
          %scatter3A_690 = tpu.memref_squeeze %scatter3A_689 : memref<1x32x128xf32, #tpu.memory_space<vmem>> -> memref<32x128xf32, #tpu.memory_space<vmem>>
          tpu.vector_store_idx %scatter3A_690[%shift_right_arithmetic3A_626, %add3A_686], %gather3A_683 : memref<32x128xf32, #tpu.memory_space<vmem>>[vector<16xi32>, vector<16xi32>], vector<16xf32>,
          %gather3A_691 = arith.constant 0 : i32
          %gather3A_692 = arith.constant 0 : i32
          %gather3A_693 = tpu.memref_slice %arg12[%and3A_494, %gather3A_691, %gather3A_692] : memref<4x32x512xf32, #tpu.memory_space<vmem>> -> memref<1x32x512xf32, #tpu.memory_space<vmem>>
          %gather3A_694 = tpu.memref_squeeze %gather3A_693 : memref<1x32x512xf32, #tpu.memory_space<vmem>> -> memref<32x512xf32, #tpu.memory_space<vmem>>
          %gather3A_695 = tpu.vector_load_idx %gather3A_694[%broadcast_in_dim3A_380, %min3A_619] : memref<32x512xf32, #tpu.memory_space<vmem>>[vector<16xi32>, vector<16xi32>], vector<16xf32>,
          %add3A_696 = arith.constant 5 : i32
          %add3A_697 = vector.broadcast %add3A_696 : i32 to vector<16xi32>
          %add3A_698 = arith.addi %mul3A_632, %add3A_697 : vector<16xi32>
          %scatter3A_699 = arith.constant 0 : i32
          %scatter3A_700 = arith.constant 0 : i32
          %scatter3A_701 = tpu.memref_slice %arg13[%and3A_612, %scatter3A_699, %scatter3A_700] : memref<2x32x128xf32, #tpu.memory_space<vmem>> -> memref<1x32x128xf32, #tpu.memory_space<vmem>>
          %scatter3A_702 = tpu.memref_squeeze %scatter3A_701 : memref<1x32x128xf32, #tpu.memory_space<vmem>> -> memref<32x128xf32, #tpu.memory_space<vmem>>
          tpu.vector_store_idx %scatter3A_702[%shift_right_arithmetic3A_626, %add3A_698], %gather3A_695 : memref<32x128xf32, #tpu.memory_space<vmem>>[vector<16xi32>, vector<16xi32>], vector<16xf32>,
          %gather3A_703 = arith.constant 0 : i32
          %gather3A_704 = arith.constant 0 : i32
          %gather3A_705 = tpu.memref_slice %arg12[%and3A_494, %gather3A_703, %gather3A_704] : memref<4x32x512xf32, #tpu.memory_space<vmem>> -> memref<1x32x512xf32, #tpu.memory_space<vmem>>
          %gather3A_706 = tpu.memref_squeeze %gather3A_705 : memref<1x32x512xf32, #tpu.memory_space<vmem>> -> memref<32x512xf32, #tpu.memory_space<vmem>>
          %gather3A_707 = tpu.vector_load_idx %gather3A_706[%broadcast_in_dim3A_382, %min3A_619] : memref<32x512xf32, #tpu.memory_space<vmem>>[vector<16xi32>, vector<16xi32>], vector<16xf32>,
          %add3A_708 = arith.constant 6 : i32
          %add3A_709 = vector.broadcast %add3A_708 : i32 to vector<16xi32>
          %add3A_710 = arith.addi %mul3A_632, %add3A_709 : vector<16xi32>
          %scatter3A_711 = arith.constant 0 : i32
          %scatter3A_712 = arith.constant 0 : i32
          %scatter3A_713 = tpu.memref_slice %arg13[%and3A_612, %scatter3A_711, %scatter3A_712] : memref<2x32x128xf32, #tpu.memory_space<vmem>> -> memref<1x32x128xf32, #tpu.memory_space<vmem>>
          %scatter3A_714 = tpu.memref_squeeze %scatter3A_713 : memref<1x32x128xf32, #tpu.memory_space<vmem>> -> memref<32x128xf32, #tpu.memory_space<vmem>>
          tpu.vector_store_idx %scatter3A_714[%shift_right_arithmetic3A_626, %add3A_710], %gather3A_707 : memref<32x128xf32, #tpu.memory_space<vmem>>[vector<16xi32>, vector<16xi32>], vector<16xf32>,
          %gather3A_715 = arith.constant 0 : i32
          %gather3A_716 = arith.constant 0 : i32
          %gather3A_717 = tpu.memref_slice %arg12[%and3A_494, %gather3A_715, %gather3A_716] : memref<4x32x512xf32, #tpu.memory_space<vmem>> -> memref<1x32x512xf32, #tpu.memory_space<vmem>>
          %gather3A_718 = tpu.memref_squeeze %gather3A_717 : memref<1x32x512xf32, #tpu.memory_space<vmem>> -> memref<32x512xf32, #tpu.memory_space<vmem>>
          %gather3A_719 = tpu.vector_load_idx %gather3A_718[%broadcast_in_dim3A_384, %min3A_619] : memref<32x512xf32, #tpu.memory_space<vmem>>[vector<16xi32>, vector<16xi32>], vector<16xf32>,
          %add3A_720 = arith.constant 7 : i32
          %add3A_721 = vector.broadcast %add3A_720 : i32 to vector<16xi32>
          %add3A_722 = arith.addi %mul3A_632, %add3A_721 : vector<16xi32>
          %scatter3A_723 = arith.constant 0 : i32
          %scatter3A_724 = arith.constant 0 : i32
          %scatter3A_725 = tpu.memref_slice %arg13[%and3A_612, %scatter3A_723, %scatter3A_724] : memref<2x32x128xf32, #tpu.memory_space<vmem>> -> memref<1x32x128xf32, #tpu.memory_space<vmem>>
          %scatter3A_726 = tpu.memref_squeeze %scatter3A_725 : memref<1x32x128xf32, #tpu.memory_space<vmem>> -> memref<32x128xf32, #tpu.memory_space<vmem>>
          tpu.vector_store_idx %scatter3A_726[%shift_right_arithmetic3A_626, %add3A_722], %gather3A_719 : memref<32x128xf32, #tpu.memory_space<vmem>>[vector<16xi32>, vector<16xi32>], vector<16xf32>,
          %gather3A_727 = arith.constant 0 : i32
          %gather3A_728 = arith.constant 0 : i32
          %gather3A_729 = tpu.memref_slice %arg12[%and3A_494, %gather3A_727, %gather3A_728] : memref<4x32x512xf32, #tpu.memory_space<vmem>> -> memref<1x32x512xf32, #tpu.memory_space<vmem>>
          %gather3A_730 = tpu.memref_squeeze %gather3A_729 : memref<1x32x512xf32, #tpu.memory_space<vmem>> -> memref<32x512xf32, #tpu.memory_space<vmem>>
          %gather3A_731 = tpu.vector_load_idx %gather3A_730[%broadcast_in_dim3A_386, %min3A_619] : memref<32x512xf32, #tpu.memory_space<vmem>>[vector<16xi32>, vector<16xi32>], vector<16xf32>,
          %add3A_732 = arith.constant 8 : i32
          %add3A_733 = vector.broadcast %add3A_732 : i32 to vector<16xi32>
          %add3A_734 = arith.addi %mul3A_632, %add3A_733 : vector<16xi32>
          %scatter3A_735 = arith.constant 0 : i32
          %scatter3A_736 = arith.constant 0 : i32
          %scatter3A_737 = tpu.memref_slice %arg13[%and3A_612, %scatter3A_735, %scatter3A_736] : memref<2x32x128xf32, #tpu.memory_space<vmem>> -> memref<1x32x128xf32, #tpu.memory_space<vmem>>
          %scatter3A_738 = tpu.memref_squeeze %scatter3A_737 : memref<1x32x128xf32, #tpu.memory_space<vmem>> -> memref<32x128xf32, #tpu.memory_space<vmem>>
          tpu.vector_store_idx %scatter3A_738[%shift_right_arithmetic3A_626, %add3A_734], %gather3A_731 : memref<32x128xf32, #tpu.memory_space<vmem>>[vector<16xi32>, vector<16xi32>], vector<16xf32>,
          %gather3A_739 = arith.constant 0 : i32
          %gather3A_740 = arith.constant 0 : i32
          %gather3A_741 = tpu.memref_slice %arg12[%and3A_494, %gather3A_739, %gather3A_740] : memref<4x32x512xf32, #tpu.memory_space<vmem>> -> memref<1x32x512xf32, #tpu.memory_space<vmem>>
          %gather3A_742 = tpu.memref_squeeze %gather3A_741 : memref<1x32x512xf32, #tpu.memory_space<vmem>> -> memref<32x512xf32, #tpu.memory_space<vmem>>
          %gather3A_743 = tpu.vector_load_idx %gather3A_742[%broadcast_in_dim3A_388, %min3A_619] : memref<32x512xf32, #tpu.memory_space<vmem>>[vector<16xi32>, vector<16xi32>], vector<16xf32>,
          %add3A_744 = arith.constant 9 : i32
          %add3A_745 = vector.broadcast %add3A_744 : i32 to vector<16xi32>
          %add3A_746 = arith.addi %mul3A_632, %add3A_745 : vector<16xi32>
          %scatter3A_747 = arith.constant 0 : i32
          %scatter3A_748 = arith.constant 0 : i32
          %scatter3A_749 = tpu.memref_slice %arg13[%and3A_612, %scatter3A_747, %scatter3A_748] : memref<2x32x128xf32, #tpu.memory_space<vmem>> -> memref<1x32x128xf32, #tpu.memory_space<vmem>>
          %scatter3A_750 = tpu.memref_squeeze %scatter3A_749 : memref<1x32x128xf32, #tpu.memory_space<vmem>> -> memref<32x128xf32, #tpu.memory_space<vmem>>
          tpu.vector_store_idx %scatter3A_750[%shift_right_arithmetic3A_626, %add3A_746], %gather3A_743 : memref<32x128xf32, #tpu.memory_space<vmem>>[vector<16xi32>, vector<16xi32>], vector<16xf32>,
          %gather3A_751 = arith.constant 0 : i32
          %gather3A_752 = arith.constant 0 : i32
          %gather3A_753 = tpu.memref_slice %arg12[%and3A_494, %gather3A_751, %gather3A_752] : memref<4x32x512xf32, #tpu.memory_space<vmem>> -> memref<1x32x512xf32, #tpu.memory_space<vmem>>
          %gather3A_754 = tpu.memref_squeeze %gather3A_753 : memref<1x32x512xf32, #tpu.memory_space<vmem>> -> memref<32x512xf32, #tpu.memory_space<vmem>>
          %gather3A_755 = tpu.vector_load_idx %gather3A_754[%broadcast_in_dim3A_390, %min3A_619] : memref<32x512xf32, #tpu.memory_space<vmem>>[vector<16xi32>, vector<16xi32>], vector<16xf32>,
          %add3A_756 = arith.constant 10 : i32
          %add3A_757 = vector.broadcast %add3A_756 : i32 to vector<16xi32>
          %add3A_758 = arith.addi %mul3A_632, %add3A_757 : vector<16xi32>
          %scatter3A_759 = arith.constant 0 : i32
          %scatter3A_760 = arith.constant 0 : i32
          %scatter3A_761 = tpu.memref_slice %arg13[%and3A_612, %scatter3A_759, %scatter3A_760] : memref<2x32x128xf32, #tpu.memory_space<vmem>> -> memref<1x32x128xf32, #tpu.memory_space<vmem>>
          %scatter3A_762 = tpu.memref_squeeze %scatter3A_761 : memref<1x32x128xf32, #tpu.memory_space<vmem>> -> memref<32x128xf32, #tpu.memory_space<vmem>>
          tpu.vector_store_idx %scatter3A_762[%shift_right_arithmetic3A_626, %add3A_758], %gather3A_755 : memref<32x128xf32, #tpu.memory_space<vmem>>[vector<16xi32>, vector<16xi32>], vector<16xf32>,
          %gather3A_763 = arith.constant 0 : i32
          %gather3A_764 = arith.constant 0 : i32
          %gather3A_765 = tpu.memref_slice %arg12[%and3A_494, %gather3A_763, %gather3A_764] : memref<4x32x512xf32, #tpu.memory_space<vmem>> -> memref<1x32x512xf32, #tpu.memory_space<vmem>>
          %gather3A_766 = tpu.memref_squeeze %gather3A_765 : memref<1x32x512xf32, #tpu.memory_space<vmem>> -> memref<32x512xf32, #tpu.memory_space<vmem>>
          %gather3A_767 = tpu.vector_load_idx %gather3A_766[%broadcast_in_dim3A_392, %min3A_619] : memref<32x512xf32, #tpu.memory_space<vmem>>[vector<16xi32>, vector<16xi32>], vector<16xf32>,
          %add3A_768 = arith.constant 11 : i32
          %add3A_769 = vector.broadcast %add3A_768 : i32 to vector<16xi32>
          %add3A_770 = arith.addi %mul3A_632, %add3A_769 : vector<16xi32>
          %scatter3A_771 = arith.constant 0 : i32
          %scatter3A_772 = arith.constant 0 : i32
          %scatter3A_773 = tpu.memref_slice %arg13[%and3A_612, %scatter3A_771, %scatter3A_772] : memref<2x32x128xf32, #tpu.memory_space<vmem>> -> memref<1x32x128xf32, #tpu.memory_space<vmem>>
          %scatter3A_774 = tpu.memref_squeeze %scatter3A_773 : memref<1x32x128xf32, #tpu.memory_space<vmem>> -> memref<32x128xf32, #tpu.memory_space<vmem>>
          tpu.vector_store_idx %scatter3A_774[%shift_right_arithmetic3A_626, %add3A_770], %gather3A_767 : memref<32x128xf32, #tpu.memory_space<vmem>>[vector<16xi32>, vector<16xi32>], vector<16xf32>,
          %gather3A_775 = arith.constant 0 : i32
          %gather3A_776 = arith.constant 0 : i32
          %gather3A_777 = tpu.memref_slice %arg12[%and3A_494, %gather3A_775, %gather3A_776] : memref<4x32x512xf32, #tpu.memory_space<vmem>> -> memref<1x32x512xf32, #tpu.memory_space<vmem>>
          %gather3A_778 = tpu.memref_squeeze %gather3A_777 : memref<1x32x512xf32, #tpu.memory_space<vmem>> -> memref<32x512xf32, #tpu.memory_space<vmem>>
          %gather3A_779 = tpu.vector_load_idx %gather3A_778[%broadcast_in_dim3A_394, %min3A_619] : memref<32x512xf32, #tpu.memory_space<vmem>>[vector<16xi32>, vector<16xi32>], vector<16xf32>,
          %add3A_780 = arith.constant 12 : i32
          %add3A_781 = vector.broadcast %add3A_780 : i32 to vector<16xi32>
          %add3A_782 = arith.addi %mul3A_632, %add3A_781 : vector<16xi32>
          %scatter3A_783 = arith.constant 0 : i32
          %scatter3A_784 = arith.constant 0 : i32
          %scatter3A_785 = tpu.memref_slice %arg13[%and3A_612, %scatter3A_783, %scatter3A_784] : memref<2x32x128xf32, #tpu.memory_space<vmem>> -> memref<1x32x128xf32, #tpu.memory_space<vmem>>
          %scatter3A_786 = tpu.memref_squeeze %scatter3A_785 : memref<1x32x128xf32, #tpu.memory_space<vmem>> -> memref<32x128xf32, #tpu.memory_space<vmem>>
          tpu.vector_store_idx %scatter3A_786[%shift_right_arithmetic3A_626, %add3A_782], %gather3A_779 : memref<32x128xf32, #tpu.memory_space<vmem>>[vector<16xi32>, vector<16xi32>], vector<16xf32>,
          %gather3A_787 = arith.constant 0 : i32
          %gather3A_788 = arith.constant 0 : i32
          %gather3A_789 = tpu.memref_slice %arg12[%and3A_494, %gather3A_787, %gather3A_788] : memref<4x32x512xf32, #tpu.memory_space<vmem>> -> memref<1x32x512xf32, #tpu.memory_space<vmem>>
          %gather3A_790 = tpu.memref_squeeze %gather3A_789 : memref<1x32x512xf32, #tpu.memory_space<vmem>> -> memref<32x512xf32, #tpu.memory_space<vmem>>
          %gather3A_791 = tpu.vector_load_idx %gather3A_790[%broadcast_in_dim3A_396, %min3A_619] : memref<32x512xf32, #tpu.memory_space<vmem>>[vector<16xi32>, vector<16xi32>], vector<16xf32>,
          %add3A_792 = arith.constant 13 : i32
          %add3A_793 = vector.broadcast %add3A_792 : i32 to vector<16xi32>
          %add3A_794 = arith.addi %mul3A_632, %add3A_793 : vector<16xi32>
          %scatter3A_795 = arith.constant 0 : i32
          %scatter3A_796 = arith.constant 0 : i32
          %scatter3A_797 = tpu.memref_slice %arg13[%and3A_612, %scatter3A_795, %scatter3A_796] : memref<2x32x128xf32, #tpu.memory_space<vmem>> -> memref<1x32x128xf32, #tpu.memory_space<vmem>>
          %scatter3A_798 = tpu.memref_squeeze %scatter3A_797 : memref<1x32x128xf32, #tpu.memory_space<vmem>> -> memref<32x128xf32, #tpu.memory_space<vmem>>
          tpu.vector_store_idx %scatter3A_798[%shift_right_arithmetic3A_626, %add3A_794], %gather3A_791 : memref<32x128xf32, #tpu.memory_space<vmem>>[vector<16xi32>, vector<16xi32>], vector<16xf32>,
          %gather3A_799 = arith.constant 0 : i32
          %gather3A_800 = arith.constant 0 : i32
          %gather3A_801 = tpu.memref_slice %arg12[%and3A_494, %gather3A_799, %gather3A_800] : memref<4x32x512xf32, #tpu.memory_space<vmem>> -> memref<1x32x512xf32, #tpu.memory_space<vmem>>
          %gather3A_802 = tpu.memref_squeeze %gather3A_801 : memref<1x32x512xf32, #tpu.memory_space<vmem>> -> memref<32x512xf32, #tpu.memory_space<vmem>>
          %gather3A_803 = tpu.vector_load_idx %gather3A_802[%broadcast_in_dim3A_398, %min3A_619] : memref<32x512xf32, #tpu.memory_space<vmem>>[vector<16xi32>, vector<16xi32>], vector<16xf32>,
          %add3A_804 = arith.constant 14 : i32
          %add3A_805 = vector.broadcast %add3A_804 : i32 to vector<16xi32>
          %add3A_806 = arith.addi %mul3A_632, %add3A_805 : vector<16xi32>
          %scatter3A_807 = arith.constant 0 : i32
          %scatter3A_808 = arith.constant 0 : i32
          %scatter3A_809 = tpu.memref_slice %arg13[%and3A_612, %scatter3A_807, %scatter3A_808] : memref<2x32x128xf32, #tpu.memory_space<vmem>> -> memref<1x32x128xf32, #tpu.memory_space<vmem>>
          %scatter3A_810 = tpu.memref_squeeze %scatter3A_809 : memref<1x32x128xf32, #tpu.memory_space<vmem>> -> memref<32x128xf32, #tpu.memory_space<vmem>>
          tpu.vector_store_idx %scatter3A_810[%shift_right_arithmetic3A_626, %add3A_806], %gather3A_803 : memref<32x128xf32, #tpu.memory_space<vmem>>[vector<16xi32>, vector<16xi32>], vector<16xf32>,
          %gather3A_811 = arith.constant 0 : i32
          %gather3A_812 = arith.constant 0 : i32
          %gather3A_813 = tpu.memref_slice %arg12[%and3A_494, %gather3A_811, %gather3A_812] : memref<4x32x512xf32, #tpu.memory_space<vmem>> -> memref<1x32x512xf32, #tpu.memory_space<vmem>>
          %gather3A_814 = tpu.memref_squeeze %gather3A_813 : memref<1x32x512xf32, #tpu.memory_space<vmem>> -> memref<32x512xf32, #tpu.memory_space<vmem>>
          %gather3A_815 = tpu.vector_load_idx %gather3A_814[%broadcast_in_dim3A_400, %min3A_619] : memref<32x512xf32, #tpu.memory_space<vmem>>[vector<16xi32>, vector<16xi32>], vector<16xf32>,
          %add3A_816 = arith.constant 15 : i32
          %add3A_817 = vector.broadcast %add3A_816 : i32 to vector<16xi32>
          %add3A_818 = arith.addi %mul3A_632, %add3A_817 : vector<16xi32>
          %scatter3A_819 = arith.constant 0 : i32
          %scatter3A_820 = arith.constant 0 : i32
          %scatter3A_821 = tpu.memref_slice %arg13[%and3A_612, %scatter3A_819, %scatter3A_820] : memref<2x32x128xf32, #tpu.memory_space<vmem>> -> memref<1x32x128xf32, #tpu.memory_space<vmem>>
          %scatter3A_822 = tpu.memref_squeeze %scatter3A_821 : memref<1x32x128xf32, #tpu.memory_space<vmem>> -> memref<32x128xf32, #tpu.memory_space<vmem>>
          tpu.vector_store_idx %scatter3A_822[%shift_right_arithmetic3A_626, %add3A_818], %gather3A_815 : memref<32x128xf32, #tpu.memory_space<vmem>>[vector<16xi32>, vector<16xi32>], vector<16xf32>,
          %gather3A_823 = arith.constant 0 : i32
          %gather3A_824 = arith.constant 0 : i32
          %gather3A_825 = tpu.memref_slice %arg12[%and3A_494, %gather3A_823, %gather3A_824] : memref<4x32x512xf32, #tpu.memory_space<vmem>> -> memref<1x32x512xf32, #tpu.memory_space<vmem>>
          %gather3A_826 = tpu.memref_squeeze %gather3A_825 : memref<1x32x512xf32, #tpu.memory_space<vmem>> -> memref<32x512xf32, #tpu.memory_space<vmem>>
          %gather3A_827 = tpu.vector_load_idx %gather3A_826[%broadcast_in_dim3A_402, %min3A_619] : memref<32x512xf32, #tpu.memory_space<vmem>>[vector<16xi32>, vector<16xi32>], vector<16xf32>,
          %add3A_828 = arith.constant 16 : i32
          %add3A_829 = vector.broadcast %add3A_828 : i32 to vector<16xi32>
          %add3A_830 = arith.addi %mul3A_632, %add3A_829 : vector<16xi32>
          %scatter3A_831 = arith.constant 0 : i32
          %scatter3A_832 = arith.constant 0 : i32
          %scatter3A_833 = tpu.memref_slice %arg13[%and3A_612, %scatter3A_831, %scatter3A_832] : memref<2x32x128xf32, #tpu.memory_space<vmem>> -> memref<1x32x128xf32, #tpu.memory_space<vmem>>
          %scatter3A_834 = tpu.memref_squeeze %scatter3A_833 : memref<1x32x128xf32, #tpu.memory_space<vmem>> -> memref<32x128xf32, #tpu.memory_space<vmem>>
          tpu.vector_store_idx %scatter3A_834[%shift_right_arithmetic3A_626, %add3A_830], %gather3A_827 : memref<32x128xf32, #tpu.memory_space<vmem>>[vector<16xi32>, vector<16xi32>], vector<16xf32>,
          %gather3A_835 = arith.constant 0 : i32
          %gather3A_836 = arith.constant 0 : i32
          %gather3A_837 = tpu.memref_slice %arg12[%and3A_494, %gather3A_835, %gather3A_836] : memref<4x32x512xf32, #tpu.memory_space<vmem>> -> memref<1x32x512xf32, #tpu.memory_space<vmem>>
          %gather3A_838 = tpu.memref_squeeze %gather3A_837 : memref<1x32x512xf32, #tpu.memory_space<vmem>> -> memref<32x512xf32, #tpu.memory_space<vmem>>
          %gather3A_839 = tpu.vector_load_idx %gather3A_838[%broadcast_in_dim3A_404, %min3A_619] : memref<32x512xf32, #tpu.memory_space<vmem>>[vector<16xi32>, vector<16xi32>], vector<16xf32>,
          %add3A_840 = arith.constant 17 : i32
          %add3A_841 = vector.broadcast %add3A_840 : i32 to vector<16xi32>
          %add3A_842 = arith.addi %mul3A_632, %add3A_841 : vector<16xi32>
          %scatter3A_843 = arith.constant 0 : i32
          %scatter3A_844 = arith.constant 0 : i32
          %scatter3A_845 = tpu.memref_slice %arg13[%and3A_612, %scatter3A_843, %scatter3A_844] : memref<2x32x128xf32, #tpu.memory_space<vmem>> -> memref<1x32x128xf32, #tpu.memory_space<vmem>>
          %scatter3A_846 = tpu.memref_squeeze %scatter3A_845 : memref<1x32x128xf32, #tpu.memory_space<vmem>> -> memref<32x128xf32, #tpu.memory_space<vmem>>
          tpu.vector_store_idx %scatter3A_846[%shift_right_arithmetic3A_626, %add3A_842], %gather3A_839 : memref<32x128xf32, #tpu.memory_space<vmem>>[vector<16xi32>, vector<16xi32>], vector<16xf32>,
          %gather3A_847 = arith.constant 0 : i32
          %gather3A_848 = arith.constant 0 : i32
          %gather3A_849 = tpu.memref_slice %arg12[%and3A_494, %gather3A_847, %gather3A_848] : memref<4x32x512xf32, #tpu.memory_space<vmem>> -> memref<1x32x512xf32, #tpu.memory_space<vmem>>
          %gather3A_850 = tpu.memref_squeeze %gather3A_849 : memref<1x32x512xf32, #tpu.memory_space<vmem>> -> memref<32x512xf32, #tpu.memory_space<vmem>>
          %gather3A_851 = tpu.vector_load_idx %gather3A_850[%broadcast_in_dim3A_406, %min3A_619] : memref<32x512xf32, #tpu.memory_space<vmem>>[vector<16xi32>, vector<16xi32>], vector<16xf32>,
          %add3A_852 = arith.constant 18 : i32
          %add3A_853 = vector.broadcast %add3A_852 : i32 to vector<16xi32>
          %add3A_854 = arith.addi %mul3A_632, %add3A_853 : vector<16xi32>
          %scatter3A_855 = arith.constant 0 : i32
          %scatter3A_856 = arith.constant 0 : i32
          %scatter3A_857 = tpu.memref_slice %arg13[%and3A_612, %scatter3A_855, %scatter3A_856] : memref<2x32x128xf32, #tpu.memory_space<vmem>> -> memref<1x32x128xf32, #tpu.memory_space<vmem>>
          %scatter3A_858 = tpu.memref_squeeze %scatter3A_857 : memref<1x32x128xf32, #tpu.memory_space<vmem>> -> memref<32x128xf32, #tpu.memory_space<vmem>>
          tpu.vector_store_idx %scatter3A_858[%shift_right_arithmetic3A_626, %add3A_854], %gather3A_851 : memref<32x128xf32, #tpu.memory_space<vmem>>[vector<16xi32>, vector<16xi32>], vector<16xf32>,
          %gather3A_859 = arith.constant 0 : i32
          %gather3A_860 = arith.constant 0 : i32
          %gather3A_861 = tpu.memref_slice %arg12[%and3A_494, %gather3A_859, %gather3A_860] : memref<4x32x512xf32, #tpu.memory_space<vmem>> -> memref<1x32x512xf32, #tpu.memory_space<vmem>>
          %gather3A_862 = tpu.memref_squeeze %gather3A_861 : memref<1x32x512xf32, #tpu.memory_space<vmem>> -> memref<32x512xf32, #tpu.memory_space<vmem>>
          %gather3A_863 = tpu.vector_load_idx %gather3A_862[%broadcast_in_dim3A_408, %min3A_619] : memref<32x512xf32, #tpu.memory_space<vmem>>[vector<16xi32>, vector<16xi32>], vector<16xf32>,
          %add3A_864 = arith.constant 19 : i32
          %add3A_865 = vector.broadcast %add3A_864 : i32 to vector<16xi32>
          %add3A_866 = arith.addi %mul3A_632, %add3A_865 : vector<16xi32>
          %scatter3A_867 = arith.constant 0 : i32
          %scatter3A_868 = arith.constant 0 : i32
          %scatter3A_869 = tpu.memref_slice %arg13[%and3A_612, %scatter3A_867, %scatter3A_868] : memref<2x32x128xf32, #tpu.memory_space<vmem>> -> memref<1x32x128xf32, #tpu.memory_space<vmem>>
          %scatter3A_870 = tpu.memref_squeeze %scatter3A_869 : memref<1x32x128xf32, #tpu.memory_space<vmem>> -> memref<32x128xf32, #tpu.memory_space<vmem>>
          tpu.vector_store_idx %scatter3A_870[%shift_right_arithmetic3A_626, %add3A_866], %gather3A_863 : memref<32x128xf32, #tpu.memory_space<vmem>>[vector<16xi32>, vector<16xi32>], vector<16xf32>,
          %gather3A_871 = arith.constant 0 : i32
          %gather3A_872 = arith.constant 0 : i32
          %gather3A_873 = tpu.memref_slice %arg12[%and3A_494, %gather3A_871, %gather3A_872] : memref<4x32x512xf32, #tpu.memory_space<vmem>> -> memref<1x32x512xf32, #tpu.memory_space<vmem>>
          %gather3A_874 = tpu.memref_squeeze %gather3A_873 : memref<1x32x512xf32, #tpu.memory_space<vmem>> -> memref<32x512xf32, #tpu.memory_space<vmem>>
          %gather3A_875 = tpu.vector_load_idx %gather3A_874[%broadcast_in_dim3A_410, %min3A_619] : memref<32x512xf32, #tpu.memory_space<vmem>>[vector<16xi32>, vector<16xi32>], vector<16xf32>,
          %add3A_876 = arith.constant 20 : i32
          %add3A_877 = vector.broadcast %add3A_876 : i32 to vector<16xi32>
          %add3A_878 = arith.addi %mul3A_632, %add3A_877 : vector<16xi32>
          %scatter3A_879 = arith.constant 0 : i32
          %scatter3A_880 = arith.constant 0 : i32
          %scatter3A_881 = tpu.memref_slice %arg13[%and3A_612, %scatter3A_879, %scatter3A_880] : memref<2x32x128xf32, #tpu.memory_space<vmem>> -> memref<1x32x128xf32, #tpu.memory_space<vmem>>
          %scatter3A_882 = tpu.memref_squeeze %scatter3A_881 : memref<1x32x128xf32, #tpu.memory_space<vmem>> -> memref<32x128xf32, #tpu.memory_space<vmem>>
          tpu.vector_store_idx %scatter3A_882[%shift_right_arithmetic3A_626, %add3A_878], %gather3A_875 : memref<32x128xf32, #tpu.memory_space<vmem>>[vector<16xi32>, vector<16xi32>], vector<16xf32>,
          %gather3A_883 = arith.constant 0 : i32
          %gather3A_884 = arith.constant 0 : i32
          %gather3A_885 = tpu.memref_slice %arg12[%and3A_494, %gather3A_883, %gather3A_884] : memref<4x32x512xf32, #tpu.memory_space<vmem>> -> memref<1x32x512xf32, #tpu.memory_space<vmem>>
          %gather3A_886 = tpu.memref_squeeze %gather3A_885 : memref<1x32x512xf32, #tpu.memory_space<vmem>> -> memref<32x512xf32, #tpu.memory_space<vmem>>
          %gather3A_887 = tpu.vector_load_idx %gather3A_886[%broadcast_in_dim3A_412, %min3A_619] : memref<32x512xf32, #tpu.memory_space<vmem>>[vector<16xi32>, vector<16xi32>], vector<16xf32>,
          %add3A_888 = arith.constant 21 : i32
          %add3A_889 = vector.broadcast %add3A_888 : i32 to vector<16xi32>
          %add3A_890 = arith.addi %mul3A_632, %add3A_889 : vector<16xi32>
          %scatter3A_891 = arith.constant 0 : i32
          %scatter3A_892 = arith.constant 0 : i32
          %scatter3A_893 = tpu.memref_slice %arg13[%and3A_612, %scatter3A_891, %scatter3A_892] : memref<2x32x128xf32, #tpu.memory_space<vmem>> -> memref<1x32x128xf32, #tpu.memory_space<vmem>>
          %scatter3A_894 = tpu.memref_squeeze %scatter3A_893 : memref<1x32x128xf32, #tpu.memory_space<vmem>> -> memref<32x128xf32, #tpu.memory_space<vmem>>
          tpu.vector_store_idx %scatter3A_894[%shift_right_arithmetic3A_626, %add3A_890], %gather3A_887 : memref<32x128xf32, #tpu.memory_space<vmem>>[vector<16xi32>, vector<16xi32>], vector<16xf32>,
          %gather3A_895 = arith.constant 0 : i32
          %gather3A_896 = arith.constant 0 : i32
          %gather3A_897 = tpu.memref_slice %arg12[%and3A_494, %gather3A_895, %gather3A_896] : memref<4x32x512xf32, #tpu.memory_space<vmem>> -> memref<1x32x512xf32, #tpu.memory_space<vmem>>
          %gather3A_898 = tpu.memref_squeeze %gather3A_897 : memref<1x32x512xf32, #tpu.memory_space<vmem>> -> memref<32x512xf32, #tpu.memory_space<vmem>>
          %gather3A_899 = tpu.vector_load_idx %gather3A_898[%broadcast_in_dim3A_414, %min3A_619] : memref<32x512xf32, #tpu.memory_space<vmem>>[vector<16xi32>, vector<16xi32>], vector<16xf32>,
          %add3A_900 = arith.constant 22 : i32
          %add3A_901 = vector.broadcast %add3A_900 : i32 to vector<16xi32>
          %add3A_902 = arith.addi %mul3A_632, %add3A_901 : vector<16xi32>
          %scatter3A_903 = arith.constant 0 : i32
          %scatter3A_904 = arith.constant 0 : i32
          %scatter3A_905 = tpu.memref_slice %arg13[%and3A_612, %scatter3A_903, %scatter3A_904] : memref<2x32x128xf32, #tpu.memory_space<vmem>> -> memref<1x32x128xf32, #tpu.memory_space<vmem>>
          %scatter3A_906 = tpu.memref_squeeze %scatter3A_905 : memref<1x32x128xf32, #tpu.memory_space<vmem>> -> memref<32x128xf32, #tpu.memory_space<vmem>>
          tpu.vector_store_idx %scatter3A_906[%shift_right_arithmetic3A_626, %add3A_902], %gather3A_899 : memref<32x128xf32, #tpu.memory_space<vmem>>[vector<16xi32>, vector<16xi32>], vector<16xf32>,
          %gather3A_907 = arith.constant 0 : i32
          %gather3A_908 = arith.constant 0 : i32
          %gather3A_909 = tpu.memref_slice %arg12[%and3A_494, %gather3A_907, %gather3A_908] : memref<4x32x512xf32, #tpu.memory_space<vmem>> -> memref<1x32x512xf32, #tpu.memory_space<vmem>>
          %gather3A_910 = tpu.memref_squeeze %gather3A_909 : memref<1x32x512xf32, #tpu.memory_space<vmem>> -> memref<32x512xf32, #tpu.memory_space<vmem>>
          %gather3A_911 = tpu.vector_load_idx %gather3A_910[%broadcast_in_dim3A_416, %min3A_619] : memref<32x512xf32, #tpu.memory_space<vmem>>[vector<16xi32>, vector<16xi32>], vector<16xf32>,
          %add3A_912 = arith.constant 23 : i32
          %add3A_913 = vector.broadcast %add3A_912 : i32 to vector<16xi32>
          %add3A_914 = arith.addi %mul3A_632, %add3A_913 : vector<16xi32>
          %scatter3A_915 = arith.constant 0 : i32
          %scatter3A_916 = arith.constant 0 : i32
          %scatter3A_917 = tpu.memref_slice %arg13[%and3A_612, %scatter3A_915, %scatter3A_916] : memref<2x32x128xf32, #tpu.memory_space<vmem>> -> memref<1x32x128xf32, #tpu.memory_space<vmem>>
          %scatter3A_918 = tpu.memref_squeeze %scatter3A_917 : memref<1x32x128xf32, #tpu.memory_space<vmem>> -> memref<32x128xf32, #tpu.memory_space<vmem>>
          tpu.vector_store_idx %scatter3A_918[%shift_right_arithmetic3A_626, %add3A_914], %gather3A_911 : memref<32x128xf32, #tpu.memory_space<vmem>>[vector<16xi32>, vector<16xi32>], vector<16xf32>,
          %gather3A_919 = arith.constant 0 : i32
          %gather3A_920 = arith.constant 0 : i32
          %gather3A_921 = tpu.memref_slice %arg12[%and3A_494, %gather3A_919, %gather3A_920] : memref<4x32x512xf32, #tpu.memory_space<vmem>> -> memref<1x32x512xf32, #tpu.memory_space<vmem>>
          %gather3A_922 = tpu.memref_squeeze %gather3A_921 : memref<1x32x512xf32, #tpu.memory_space<vmem>> -> memref<32x512xf32, #tpu.memory_space<vmem>>
          %gather3A_923 = tpu.vector_load_idx %gather3A_922[%broadcast_in_dim3A_418, %min3A_619] : memref<32x512xf32, #tpu.memory_space<vmem>>[vector<16xi32>, vector<16xi32>], vector<16xf32>,
          %add3A_924 = arith.constant 24 : i32
          %add3A_925 = vector.broadcast %add3A_924 : i32 to vector<16xi32>
          %add3A_926 = arith.addi %mul3A_632, %add3A_925 : vector<16xi32>
          %scatter3A_927 = arith.constant 0 : i32
          %scatter3A_928 = arith.constant 0 : i32
          %scatter3A_929 = tpu.memref_slice %arg13[%and3A_612, %scatter3A_927, %scatter3A_928] : memref<2x32x128xf32, #tpu.memory_space<vmem>> -> memref<1x32x128xf32, #tpu.memory_space<vmem>>
          %scatter3A_930 = tpu.memref_squeeze %scatter3A_929 : memref<1x32x128xf32, #tpu.memory_space<vmem>> -> memref<32x128xf32, #tpu.memory_space<vmem>>
          tpu.vector_store_idx %scatter3A_930[%shift_right_arithmetic3A_626, %add3A_926], %gather3A_923 : memref<32x128xf32, #tpu.memory_space<vmem>>[vector<16xi32>, vector<16xi32>], vector<16xf32>,
          %gather3A_931 = arith.constant 0 : i32
          %gather3A_932 = arith.constant 0 : i32
          %gather3A_933 = tpu.memref_slice %arg12[%and3A_494, %gather3A_931, %gather3A_932] : memref<4x32x512xf32, #tpu.memory_space<vmem>> -> memref<1x32x512xf32, #tpu.memory_space<vmem>>
          %gather3A_934 = tpu.memref_squeeze %gather3A_933 : memref<1x32x512xf32, #tpu.memory_space<vmem>> -> memref<32x512xf32, #tpu.memory_space<vmem>>
          %gather3A_935 = tpu.vector_load_idx %gather3A_934[%broadcast_in_dim3A_420, %min3A_619] : memref<32x512xf32, #tpu.memory_space<vmem>>[vector<16xi32>, vector<16xi32>], vector<16xf32>,
          %add3A_936 = arith.constant 25 : i32
          %add3A_937 = vector.broadcast %add3A_936 : i32 to vector<16xi32>
          %add3A_938 = arith.addi %mul3A_632, %add3A_937 : vector<16xi32>
          %scatter3A_939 = arith.constant 0 : i32
          %scatter3A_940 = arith.constant 0 : i32
          %scatter3A_941 = tpu.memref_slice %arg13[%and3A_612, %scatter3A_939, %scatter3A_940] : memref<2x32x128xf32, #tpu.memory_space<vmem>> -> memref<1x32x128xf32, #tpu.memory_space<vmem>>
          %scatter3A_942 = tpu.memref_squeeze %scatter3A_941 : memref<1x32x128xf32, #tpu.memory_space<vmem>> -> memref<32x128xf32, #tpu.memory_space<vmem>>
          tpu.vector_store_idx %scatter3A_942[%shift_right_arithmetic3A_626, %add3A_938], %gather3A_935 : memref<32x128xf32, #tpu.memory_space<vmem>>[vector<16xi32>, vector<16xi32>], vector<16xf32>,
          %gather3A_943 = arith.constant 0 : i32
          %gather3A_944 = arith.constant 0 : i32
          %gather3A_945 = tpu.memref_slice %arg12[%and3A_494, %gather3A_943, %gather3A_944] : memref<4x32x512xf32, #tpu.memory_space<vmem>> -> memref<1x32x512xf32, #tpu.memory_space<vmem>>
          %gather3A_946 = tpu.memref_squeeze %gather3A_945 : memref<1x32x512xf32, #tpu.memory_space<vmem>> -> memref<32x512xf32, #tpu.memory_space<vmem>>
          %gather3A_947 = tpu.vector_load_idx %gather3A_946[%broadcast_in_dim3A_422, %min3A_619] : memref<32x512xf32, #tpu.memory_space<vmem>>[vector<16xi32>, vector<16xi32>], vector<16xf32>,
          %add3A_948 = arith.constant 26 : i32
          %add3A_949 = vector.broadcast %add3A_948 : i32 to vector<16xi32>
          %add3A_950 = arith.addi %mul3A_632, %add3A_949 : vector<16xi32>
          %scatter3A_951 = arith.constant 0 : i32
          %scatter3A_952 = arith.constant 0 : i32
          %scatter3A_953 = tpu.memref_slice %arg13[%and3A_612, %scatter3A_951, %scatter3A_952] : memref<2x32x128xf32, #tpu.memory_space<vmem>> -> memref<1x32x128xf32, #tpu.memory_space<vmem>>
          %scatter3A_954 = tpu.memref_squeeze %scatter3A_953 : memref<1x32x128xf32, #tpu.memory_space<vmem>> -> memref<32x128xf32, #tpu.memory_space<vmem>>
          tpu.vector_store_idx %scatter3A_954[%shift_right_arithmetic3A_626, %add3A_950], %gather3A_947 : memref<32x128xf32, #tpu.memory_space<vmem>>[vector<16xi32>, vector<16xi32>], vector<16xf32>,
          %gather3A_955 = arith.constant 0 : i32
          %gather3A_956 = arith.constant 0 : i32
          %gather3A_957 = tpu.memref_slice %arg12[%and3A_494, %gather3A_955, %gather3A_956] : memref<4x32x512xf32, #tpu.memory_space<vmem>> -> memref<1x32x512xf32, #tpu.memory_space<vmem>>
          %gather3A_958 = tpu.memref_squeeze %gather3A_957 : memref<1x32x512xf32, #tpu.memory_space<vmem>> -> memref<32x512xf32, #tpu.memory_space<vmem>>
          %gather3A_959 = tpu.vector_load_idx %gather3A_958[%broadcast_in_dim3A_424, %min3A_619] : memref<32x512xf32, #tpu.memory_space<vmem>>[vector<16xi32>, vector<16xi32>], vector<16xf32>,
          %add3A_960 = arith.constant 27 : i32
          %add3A_961 = vector.broadcast %add3A_960 : i32 to vector<16xi32>
          %add3A_962 = arith.addi %mul3A_632, %add3A_961 : vector<16xi32>
          %scatter3A_963 = arith.constant 0 : i32
          %scatter3A_964 = arith.constant 0 : i32
          %scatter3A_965 = tpu.memref_slice %arg13[%and3A_612, %scatter3A_963, %scatter3A_964] : memref<2x32x128xf32, #tpu.memory_space<vmem>> -> memref<1x32x128xf32, #tpu.memory_space<vmem>>
          %scatter3A_966 = tpu.memref_squeeze %scatter3A_965 : memref<1x32x128xf32, #tpu.memory_space<vmem>> -> memref<32x128xf32, #tpu.memory_space<vmem>>
          tpu.vector_store_idx %scatter3A_966[%shift_right_arithmetic3A_626, %add3A_962], %gather3A_959 : memref<32x128xf32, #tpu.memory_space<vmem>>[vector<16xi32>, vector<16xi32>], vector<16xf32>,
          %gather3A_967 = arith.constant 0 : i32
          %gather3A_968 = arith.constant 0 : i32
          %gather3A_969 = tpu.memref_slice %arg12[%and3A_494, %gather3A_967, %gather3A_968] : memref<4x32x512xf32, #tpu.memory_space<vmem>> -> memref<1x32x512xf32, #tpu.memory_space<vmem>>
          %gather3A_970 = tpu.memref_squeeze %gather3A_969 : memref<1x32x512xf32, #tpu.memory_space<vmem>> -> memref<32x512xf32, #tpu.memory_space<vmem>>
          %gather3A_971 = tpu.vector_load_idx %gather3A_970[%broadcast_in_dim3A_426, %min3A_619] : memref<32x512xf32, #tpu.memory_space<vmem>>[vector<16xi32>, vector<16xi32>], vector<16xf32>,
          %add3A_972 = arith.constant 28 : i32
          %add3A_973 = vector.broadcast %add3A_972 : i32 to vector<16xi32>
          %add3A_974 = arith.addi %mul3A_632, %add3A_973 : vector<16xi32>
          %scatter3A_975 = arith.constant 0 : i32
          %scatter3A_976 = arith.constant 0 : i32
          %scatter3A_977 = tpu.memref_slice %arg13[%and3A_612, %scatter3A_975, %scatter3A_976] : memref<2x32x128xf32, #tpu.memory_space<vmem>> -> memref<1x32x128xf32, #tpu.memory_space<vmem>>
          %scatter3A_978 = tpu.memref_squeeze %scatter3A_977 : memref<1x32x128xf32, #tpu.memory_space<vmem>> -> memref<32x128xf32, #tpu.memory_space<vmem>>
          tpu.vector_store_idx %scatter3A_978[%shift_right_arithmetic3A_626, %add3A_974], %gather3A_971 : memref<32x128xf32, #tpu.memory_space<vmem>>[vector<16xi32>, vector<16xi32>], vector<16xf32>,
          %gather3A_979 = arith.constant 0 : i32
          %gather3A_980 = arith.constant 0 : i32
          %gather3A_981 = tpu.memref_slice %arg12[%and3A_494, %gather3A_979, %gather3A_980] : memref<4x32x512xf32, #tpu.memory_space<vmem>> -> memref<1x32x512xf32, #tpu.memory_space<vmem>>
          %gather3A_982 = tpu.memref_squeeze %gather3A_981 : memref<1x32x512xf32, #tpu.memory_space<vmem>> -> memref<32x512xf32, #tpu.memory_space<vmem>>
          %gather3A_983 = tpu.vector_load_idx %gather3A_982[%broadcast_in_dim3A_428, %min3A_619] : memref<32x512xf32, #tpu.memory_space<vmem>>[vector<16xi32>, vector<16xi32>], vector<16xf32>,
          %add3A_984 = arith.constant 29 : i32
          %add3A_985 = vector.broadcast %add3A_984 : i32 to vector<16xi32>
          %add3A_986 = arith.addi %mul3A_632, %add3A_985 : vector<16xi32>
          %scatter3A_987 = arith.constant 0 : i32
          %scatter3A_988 = arith.constant 0 : i32
          %scatter3A_989 = tpu.memref_slice %arg13[%and3A_612, %scatter3A_987, %scatter3A_988] : memref<2x32x128xf32, #tpu.memory_space<vmem>> -> memref<1x32x128xf32, #tpu.memory_space<vmem>>
          %scatter3A_990 = tpu.memref_squeeze %scatter3A_989 : memref<1x32x128xf32, #tpu.memory_space<vmem>> -> memref<32x128xf32, #tpu.memory_space<vmem>>
          tpu.vector_store_idx %scatter3A_990[%shift_right_arithmetic3A_626, %add3A_986], %gather3A_983 : memref<32x128xf32, #tpu.memory_space<vmem>>[vector<16xi32>, vector<16xi32>], vector<16xf32>,
          %gather3A_991 = arith.constant 0 : i32
          %gather3A_992 = arith.constant 0 : i32
          %gather3A_993 = tpu.memref_slice %arg12[%and3A_494, %gather3A_991, %gather3A_992] : memref<4x32x512xf32, #tpu.memory_space<vmem>> -> memref<1x32x512xf32, #tpu.memory_space<vmem>>
          %gather3A_994 = tpu.memref_squeeze %gather3A_993 : memref<1x32x512xf32, #tpu.memory_space<vmem>> -> memref<32x512xf32, #tpu.memory_space<vmem>>
          %gather3A_995 = tpu.vector_load_idx %gather3A_994[%broadcast_in_dim3A_430, %min3A_619] : memref<32x512xf32, #tpu.memory_space<vmem>>[vector<16xi32>, vector<16xi32>], vector<16xf32>,
          %add3A_996 = arith.constant 30 : i32
          %add3A_997 = vector.broadcast %add3A_996 : i32 to vector<16xi32>
          %add3A_998 = arith.addi %mul3A_632, %add3A_997 : vector<16xi32>
          %scatter3A_999 = arith.constant 0 : i32
          %scatter3A_1000 = arith.constant 0 : i32
          %scatter3A_1001 = tpu.memref_slice %arg13[%and3A_612, %scatter3A_999, %scatter3A_1000] : memref<2x32x128xf32, #tpu.memory_space<vmem>> -> memref<1x32x128xf32, #tpu.memory_space<vmem>>
          %scatter3A_1002 = tpu.memref_squeeze %scatter3A_1001 : memref<1x32x128xf32, #tpu.memory_space<vmem>> -> memref<32x128xf32, #tpu.memory_space<vmem>>
          tpu.vector_store_idx %scatter3A_1002[%shift_right_arithmetic3A_626, %add3A_998], %gather3A_995 : memref<32x128xf32, #tpu.memory_space<vmem>>[vector<16xi32>, vector<16xi32>], vector<16xf32>,
          %gather3A_1003 = arith.constant 0 : i32
          %gather3A_1004 = arith.constant 0 : i32
          %gather3A_1005 = tpu.memref_slice %arg12[%and3A_494, %gather3A_1003, %gather3A_1004] : memref<4x32x512xf32, #tpu.memory_space<vmem>> -> memref<1x32x512xf32, #tpu.memory_space<vmem>>
          %gather3A_1006 = tpu.memref_squeeze %gather3A_1005 : memref<1x32x512xf32, #tpu.memory_space<vmem>> -> memref<32x512xf32, #tpu.memory_space<vmem>>
          %gather3A_1007 = tpu.vector_load_idx %gather3A_1006[%broadcast_in_dim3A_432, %min3A_619] : memref<32x512xf32, #tpu.memory_space<vmem>>[vector<16xi32>, vector<16xi32>], vector<16xf32>,
          %add3A_1008 = arith.constant 31 : i32
          %add3A_1009 = vector.broadcast %add3A_1008 : i32 to vector<16xi32>
          %add3A_1010 = arith.addi %mul3A_632, %add3A_1009 : vector<16xi32>
          %scatter3A_1011 = arith.constant 0 : i32
          %scatter3A_1012 = arith.constant 0 : i32
          %scatter3A_1013 = tpu.memref_slice %arg13[%and3A_612, %scatter3A_1011, %scatter3A_1012] : memref<2x32x128xf32, #tpu.memory_space<vmem>> -> memref<1x32x128xf32, #tpu.memory_space<vmem>>
          %scatter3A_1014 = tpu.memref_squeeze %scatter3A_1013 : memref<1x32x128xf32, #tpu.memory_space<vmem>> -> memref<32x128xf32, #tpu.memory_space<vmem>>
          tpu.vector_store_idx %scatter3A_1014[%shift_right_arithmetic3A_626, %add3A_1010], %gather3A_1007 : memref<32x128xf32, #tpu.memory_space<vmem>>[vector<16xi32>, vector<16xi32>], vector<16xf32>,
          %add3A_1015 = arith.constant 16 : i32
          %add3A_1016 = arith.addi %add3A_608, %add3A_1015 : i32
          %and3A_1017 = arith.constant 127 : i32
          %and3A_1018 = arith.andi %add3A_1016, %and3A_1017 : i32
          %eq3A_1019 = arith.constant 0 : i32
          %eq3A_1020 = arith.cmpi eq, %and3A_1018, %eq3A_1019 : i32
          %convert_element_type3A_1021 = arith.extui %eq3A_1020 : i1 to i32
          %cond3A_1022 = arith.constant 0 : i32
          %cond3A_1023 = arith.cmpi ne, %convert_element_type3A_1021, %cond3A_1022 : i32
          scf.if %cond3A_1023 {
            %shift_right_arithmetic3A_1024 = arith.constant 7 : i32
            %shift_right_arithmetic3A_1025 = arith.shrsi %add3A_1016, %shift_right_arithmetic3A_1024 : i32
            %sub3A_1026 = arith.constant 1 : i32
            %sub3A_1027 = arith.subi %shift_right_arithmetic3A_1025, %sub3A_1026 : i32
            %and3A_1028 = arith.constant 1 : i32
            %and3A_1029 = arith.andi %sub3A_1027, %and3A_1028 : i32
            %ge3A_1030 = arith.constant 1 : i32
            %ge3A_1031 = arith.cmpi sge, %sub3A_1027, %ge3A_1030 : i32
            %convert_element_type3A_1032 = arith.extui %ge3A_1031 : i1 to i32
            %cond3A_1033 = arith.constant 0 : i32
            %cond3A_1034 = arith.cmpi ne, %convert_element_type3A_1032, %cond3A_1033 : i32
            scf.if %cond3A_1034 {
              %sub3A_1052 = arith.constant 1 : i32
              %sub3A_1053 = arith.subi %sub3A_1052, %and3A_1029 : i32
              %sub3A_1054 = arith.constant 1 : i32
              %sub3A_1055 = arith.subi %sub3A_1054, %and3A_1029 : i32
              %dma_wait3A_1056 = arith.constant 0 : i32
              %dma_wait3A_1057 = arith.constant 0 : i32
              %dma_wait3A_1058 = tpu.memref_slice %arg13[%sub3A_1053, %dma_wait3A_1056, %dma_wait3A_1057] : memref<2x32x128xf32, #tpu.memory_space<vmem>> -> memref<1x32x128xf32, #tpu.memory_space<vmem>>
              %dma_wait3A_1059 = tpu.memref_squeeze %dma_wait3A_1058 : memref<1x32x128xf32, #tpu.memory_space<vmem>> -> memref<32x128xf32, #tpu.memory_space<vmem>>
              %dma_wait3A_1060 = arith.constant 0 : i32
              %dma_wait3A_1061 = arith.constant 0 : i32
              %dma_wait3A_1062 = tpu.memref_slice %arg5[%add3A, %dma_wait3A_1060, %dma_wait3A_1061] : memref<26x4832x128xf32, #tpu.memory_space<hbm>> -> memref<1x32x128xf32, #tpu.memory_space<hbm>>
              %dma_wait3A_1063 = tpu.memref_squeeze %dma_wait3A_1062 : memref<1x32x128xf32, #tpu.memory_space<hbm>> -> memref<32x128xf32, #tpu.memory_space<hbm>>
              %dma_wait3A_1064 = tpu.memref_slice %arg15[%sub3A_1055] : memref<2x!tpu.dma_semaphore, #tpu.memory_space<semaphore_mem>> -> memref<1x!tpu.dma_semaphore, #tpu.memory_space<semaphore_mem>>
              %dma_wait3A_1065 = tpu.memref_squeeze %dma_wait3A_1064 : memref<1x!tpu.dma_semaphore, #tpu.memory_space<semaphore_mem>> -> memref<!tpu.dma_semaphore, #tpu.memory_space<semaphore_mem>>
              %dma_wait3A_1066 = arith.constant 0 : i32
              %dma_wait3A_1067 = arith.constant 0 : i32
              %dma_wait3A_1068 = tpu.memref_slice %arg5[%add3A, %dma_wait3A_1066, %dma_wait3A_1067] : memref<26x4832x128xf32, #tpu.memory_space<hbm>> -> memref<1x32x128xf32, #tpu.memory_space<hbm>>
              %dma_wait3A_1069 = tpu.memref_squeeze %dma_wait3A_1068 : memref<1x32x128xf32, #tpu.memory_space<hbm>> -> memref<32x128xf32, #tpu.memory_space<hbm>>
              %dma_wait3A_1070 = arith.constant 0 : i32
              %dma_wait3A_1071 = arith.constant 0 : i32
              %dma_wait3A_1072 = tpu.memref_slice %arg13[%sub3A_1053, %dma_wait3A_1070, %dma_wait3A_1071] : memref<2x32x128xf32, #tpu.memory_space<vmem>> -> memref<1x32x128xf32, #tpu.memory_space<vmem>>
              %dma_wait3A_1073 = tpu.memref_squeeze %dma_wait3A_1072 : memref<1x32x128xf32, #tpu.memory_space<vmem>> -> memref<32x128xf32, #tpu.memory_space<vmem>>
              tpu.wait_dma2 semaphore(%dma_wait3A_1065 : memref<!tpu.dma_semaphore, #tpu.memory_space<semaphore_mem>>) src(%dma_wait3A_1073 : memref<32x128xf32, #tpu.memory_space<vmem>>) dst(%dma_wait3A_1069 : memref<32x128xf32, #tpu.memory_space<hbm>>)
            } else {
            }
            %mul3A_1035 = arith.constant 32 : i32
            %mul3A_1036 = arith.muli %sub3A_1027, %mul3A_1035 : i32
            %dma_start3A = arith.constant 0 : i32
            %dma_start3A_1037 = arith.constant 0 : i32
            %dma_start3A_1038 = tpu.memref_slice %arg13[%and3A_1029, %dma_start3A, %dma_start3A_1037] : memref<2x32x128xf32, #tpu.memory_space<vmem>> -> memref<1x32x128xf32, #tpu.memory_space<vmem>>
            %dma_start3A_1039 = tpu.memref_squeeze %dma_start3A_1038 : memref<1x32x128xf32, #tpu.memory_space<vmem>> -> memref<32x128xf32, #tpu.memory_space<vmem>>
            %dma_start3A_1040 = arith.constant 0 : i32
            %dma_start3A_1041 = tpu.memref_slice %arg5[%add3A, %mul3A_1036, %dma_start3A_1040] : memref<26x4832x128xf32, #tpu.memory_space<hbm>> -> memref<1x32x128xf32, #tpu.memory_space<hbm>>
            %dma_start3A_1042 = tpu.memref_squeeze %dma_start3A_1041 : memref<1x32x128xf32, #tpu.memory_space<hbm>> -> memref<32x128xf32, #tpu.memory_space<hbm>>
            %dma_start3A_1043 = tpu.memref_slice %arg15[%and3A_1029] : memref<2x!tpu.dma_semaphore, #tpu.memory_space<semaphore_mem>> -> memref<1x!tpu.dma_semaphore, #tpu.memory_space<semaphore_mem>>
            %dma_start3A_1044 = tpu.memref_squeeze %dma_start3A_1043 : memref<1x!tpu.dma_semaphore, #tpu.memory_space<semaphore_mem>> -> memref<!tpu.dma_semaphore, #tpu.memory_space<semaphore_mem>>
            %dma_start3A_1045 = arith.constant 0 : i32
            %dma_start3A_1046 = tpu.memref_slice %arg5[%add3A, %mul3A_1036, %dma_start3A_1045] : memref<26x4832x128xf32, #tpu.memory_space<hbm>> -> memref<1x32x128xf32, #tpu.memory_space<hbm>>
            %dma_start3A_1047 = tpu.memref_squeeze %dma_start3A_1046 : memref<1x32x128xf32, #tpu.memory_space<hbm>> -> memref<32x128xf32, #tpu.memory_space<hbm>>
            %dma_start3A_1048 = arith.constant 0 : i32
            %dma_start3A_1049 = arith.constant 0 : i32
            %dma_start3A_1050 = tpu.memref_slice %arg13[%and3A_1029, %dma_start3A_1048, %dma_start3A_1049] : memref<2x32x128xf32, #tpu.memory_space<vmem>> -> memref<1x32x128xf32, #tpu.memory_space<vmem>>
            %dma_start3A_1051 = tpu.memref_squeeze %dma_start3A_1050 : memref<1x32x128xf32, #tpu.memory_space<vmem>> -> memref<32x128xf32, #tpu.memory_space<vmem>>
            tpu.enqueue_dma source(%dma_start3A_1051 : memref<32x128xf32, #tpu.memory_space<vmem>>) target(%dma_start3A_1047 : memref<32x128xf32, #tpu.memory_space<hbm>>) target_semaphore(%dma_start3A_1044 : memref<!tpu.dma_semaphore, #tpu.memory_space<semaphore_mem>>)
          } else {
          }
        }
        %while3A_595 = arith.constant 1 : i32
        scf.for %while3A_602 = %while3A_593 to %while3A_589 step %while3A_595  : i32 {
          %mul3A_603 = arith.constant 16 : i32
          %mul3A_604 = arith.muli %while3A_602, %mul3A_603 : i32
          %add3A_605 = arith.addi %scan3A_491, %mul3A_604 : i32
          %mul3A_606 = arith.constant 16 : i32
          %mul3A_607 = arith.muli %while3A_602, %mul3A_606 : i32
          %add3A_608 = arith.addi %scan3A_492, %mul3A_607 : i32
          %shift_right_arithmetic3A_609 = arith.constant 7 : i32
          %shift_right_arithmetic3A_610 = arith.shrsi %add3A_608, %shift_right_arithmetic3A_609 : i32
          %and3A_611 = arith.constant 1 : i32
          %and3A_612 = arith.andi %shift_right_arithmetic3A_610, %and3A_611 : i32
          %get3A_613 = arith.index_cast %add3A_605 : i32 to index
          %get3A_614 = tpu.vector_load %arg11[%get3A_613] {strides = array<i32>} : memref<19328xi32, #tpu.memory_space<vmem>>, vector<16xi32>,
          %sub3A_615 = vector.broadcast %mul3A_580 : i32 to vector<16xi32>
          %sub3A_616 = arith.subi %get3A_614, %sub3A_615 : vector<16xi32>
          %jit3A = arith.constant 0 : i32
          %jit3A_617 = arith.constant 511 : i32
          %max3A = vector.broadcast %jit3A : i32 to vector<16xi32>
          %max3A_618 = arith.maxsi %max3A, %sub3A_616 : vector<16xi32>
          %min3A = vector.broadcast %jit3A_617 : i32 to vector<16xi32>
          %min3A_619 = arith.minsi %min3A, %max3A_618 : vector<16xi32>
          %and3A_620 = arith.constant 127 : i32
          %and3A_621 = arith.andi %add3A_608, %and3A_620 : i32
          %add3A_622 = vector.broadcast %and3A_621 : i32 to vector<16xi32>
          %add3A_623 = arith.addi %iota3A, %add3A_622 : vector<16xi32>
          %shift_right_arithmetic3A_624 = arith.constant 2 : i32
          %shift_right_arithmetic3A_625 = vector.broadcast %shift_right_arithmetic3A_624 : i32 to vector<16xi32>
          %shift_right_arithmetic3A_626 = arith.shrsi %add3A_623, %shift_right_arithmetic3A_625 : vector<16xi32>
          %and3A_627 = arith.constant 3 : i32
          %and3A_628 = vector.broadcast %and3A_627 : i32 to vector<16xi32>
          %and3A_629 = arith.andi %add3A_623, %and3A_628 : vector<16xi32>
          %mul3A_630 = arith.constant 32 : i32
          %mul3A_631 = vector.broadcast %mul3A_630 : i32 to vector<16xi32>
          %mul3A_632 = arith.muli %and3A_629, %mul3A_631 : vector<16xi32>
          %gather3A = arith.constant 0 : i32
          %gather3A_633 = arith.constant 0 : i32
          %gather3A_634 = tpu.memref_slice %arg12[%and3A_494, %gather3A, %gather3A_633] : memref<4x32x512xf32, #tpu.memory_space<vmem>> -> memref<1x32x512xf32, #tpu.memory_space<vmem>>
          %gather3A_635 = tpu.memref_squeeze %gather3A_634 : memref<1x32x512xf32, #tpu.memory_space<vmem>> -> memref<32x512xf32, #tpu.memory_space<vmem>>
          %gather3A_636 = tpu.vector_load_idx %gather3A_635[%broadcast_in_dim3A_370, %min3A_619] : memref<32x512xf32, #tpu.memory_space<vmem>>[vector<16xi32>, vector<16xi32>], vector<16xf32>,
          %add3A_637 = arith.constant 0 : i32
          %add3A_638 = vector.broadcast %add3A_637 : i32 to vector<16xi32>
          %add3A_639 = arith.addi %mul3A_632, %add3A_638 : vector<16xi32>
          %scatter3A = arith.constant 0 : i32
          %scatter3A_640 = arith.constant 0 : i32
          %scatter3A_641 = tpu.memref_slice %arg13[%and3A_612, %scatter3A, %scatter3A_640] : memref<2x32x128xf32, #tpu.memory_space<vmem>> -> memref<1x32x128xf32, #tpu.memory_space<vmem>>
          %scatter3A_642 = tpu.memref_squeeze %scatter3A_641 : memref<1x32x128xf32, #tpu.memory_space<vmem>> -> memref<32x128xf32, #tpu.memory_space<vmem>>
          tpu.vector_store_idx %scatter3A_642[%shift_right_arithmetic3A_626, %add3A_639], %gather3A_636 : memref<32x128xf32, #tpu.memory_space<vmem>>[vector<16xi32>, vector<16xi32>], vector<16xf32>,
          %gather3A_643 = arith.constant 0 : i32
          %gather3A_644 = arith.constant 0 : i32
          %gather3A_645 = tpu.memref_slice %arg12[%and3A_494, %gather3A_643, %gather3A_644] : memref<4x32x512xf32, #tpu.memory_space<vmem>> -> memref<1x32x512xf32, #tpu.memory_space<vmem>>
          %gather3A_646 = tpu.memref_squeeze %gather3A_645 : memref<1x32x512xf32, #tpu.memory_space<vmem>> -> memref<32x512xf32, #tpu.memory_space<vmem>>
          %gather3A_647 = tpu.vector_load_idx %gather3A_646[%broadcast_in_dim3A_372, %min3A_619] : memref<32x512xf32, #tpu.memory_space<vmem>>[vector<16xi32>, vector<16xi32>], vector<16xf32>,
          %add3A_648 = arith.constant 1 : i32
          %add3A_649 = vector.broadcast %add3A_648 : i32 to vector<16xi32>
          %add3A_650 = arith.addi %mul3A_632, %add3A_649 : vector<16xi32>
          %scatter3A_651 = arith.constant 0 : i32
          %scatter3A_652 = arith.constant 0 : i32
          %scatter3A_653 = tpu.memref_slice %arg13[%and3A_612, %scatter3A_651, %scatter3A_652] : memref<2x32x128xf32, #tpu.memory_space<vmem>> -> memref<1x32x128xf32, #tpu.memory_space<vmem>>
          %scatter3A_654 = tpu.memref_squeeze %scatter3A_653 : memref<1x32x128xf32, #tpu.memory_space<vmem>> -> memref<32x128xf32, #tpu.memory_space<vmem>>
          tpu.vector_store_idx %scatter3A_654[%shift_right_arithmetic3A_626, %add3A_650], %gather3A_647 : memref<32x128xf32, #tpu.memory_space<vmem>>[vector<16xi32>, vector<16xi32>], vector<16xf32>,
          %gather3A_655 = arith.constant 0 : i32
          %gather3A_656 = arith.constant 0 : i32
          %gather3A_657 = tpu.memref_slice %arg12[%and3A_494, %gather3A_655, %gather3A_656] : memref<4x32x512xf32, #tpu.memory_space<vmem>> -> memref<1x32x512xf32, #tpu.memory_space<vmem>>
          %gather3A_658 = tpu.memref_squeeze %gather3A_657 : memref<1x32x512xf32, #tpu.memory_space<vmem>> -> memref<32x512xf32, #tpu.memory_space<vmem>>
          %gather3A_659 = tpu.vector_load_idx %gather3A_658[%broadcast_in_dim3A_374, %min3A_619] : memref<32x512xf32, #tpu.memory_space<vmem>>[vector<16xi32>, vector<16xi32>], vector<16xf32>,
          %add3A_660 = arith.constant 2 : i32
          %add3A_661 = vector.broadcast %add3A_660 : i32 to vector<16xi32>
          %add3A_662 = arith.addi %mul3A_632, %add3A_661 : vector<16xi32>
          %scatter3A_663 = arith.constant 0 : i32
          %scatter3A_664 = arith.constant 0 : i32
          %scatter3A_665 = tpu.memref_slice %arg13[%and3A_612, %scatter3A_663, %scatter3A_664] : memref<2x32x128xf32, #tpu.memory_space<vmem>> -> memref<1x32x128xf32, #tpu.memory_space<vmem>>
          %scatter3A_666 = tpu.memref_squeeze %scatter3A_665 : memref<1x32x128xf32, #tpu.memory_space<vmem>> -> memref<32x128xf32, #tpu.memory_space<vmem>>
          tpu.vector_store_idx %scatter3A_666[%shift_right_arithmetic3A_626, %add3A_662], %gather3A_659 : memref<32x128xf32, #tpu.memory_space<vmem>>[vector<16xi32>, vector<16xi32>], vector<16xf32>,
          %gather3A_667 = arith.constant 0 : i32
          %gather3A_668 = arith.constant 0 : i32
          %gather3A_669 = tpu.memref_slice %arg12[%and3A_494, %gather3A_667, %gather3A_668] : memref<4x32x512xf32, #tpu.memory_space<vmem>> -> memref<1x32x512xf32, #tpu.memory_space<vmem>>
          %gather3A_670 = tpu.memref_squeeze %gather3A_669 : memref<1x32x512xf32, #tpu.memory_space<vmem>> -> memref<32x512xf32, #tpu.memory_space<vmem>>
          %gather3A_671 = tpu.vector_load_idx %gather3A_670[%broadcast_in_dim3A_376, %min3A_619] : memref<32x512xf32, #tpu.memory_space<vmem>>[vector<16xi32>, vector<16xi32>], vector<16xf32>,
          %add3A_672 = arith.constant 3 : i32
          %add3A_673 = vector.broadcast %add3A_672 : i32 to vector<16xi32>
          %add3A_674 = arith.addi %mul3A_632, %add3A_673 : vector<16xi32>
          %scatter3A_675 = arith.constant 0 : i32
          %scatter3A_676 = arith.constant 0 : i32
          %scatter3A_677 = tpu.memref_slice %arg13[%and3A_612, %scatter3A_675, %scatter3A_676] : memref<2x32x128xf32, #tpu.memory_space<vmem>> -> memref<1x32x128xf32, #tpu.memory_space<vmem>>
          %scatter3A_678 = tpu.memref_squeeze %scatter3A_677 : memref<1x32x128xf32, #tpu.memory_space<vmem>> -> memref<32x128xf32, #tpu.memory_space<vmem>>
          tpu.vector_store_idx %scatter3A_678[%shift_right_arithmetic3A_626, %add3A_674], %gather3A_671 : memref<32x128xf32, #tpu.memory_space<vmem>>[vector<16xi32>, vector<16xi32>], vector<16xf32>,
          %gather3A_679 = arith.constant 0 : i32
          %gather3A_680 = arith.constant 0 : i32
          %gather3A_681 = tpu.memref_slice %arg12[%and3A_494, %gather3A_679, %gather3A_680] : memref<4x32x512xf32, #tpu.memory_space<vmem>> -> memref<1x32x512xf32, #tpu.memory_space<vmem>>
          %gather3A_682 = tpu.memref_squeeze %gather3A_681 : memref<1x32x512xf32, #tpu.memory_space<vmem>> -> memref<32x512xf32, #tpu.memory_space<vmem>>
          %gather3A_683 = tpu.vector_load_idx %gather3A_682[%broadcast_in_dim3A_378, %min3A_619] : memref<32x512xf32, #tpu.memory_space<vmem>>[vector<16xi32>, vector<16xi32>], vector<16xf32>,
          %add3A_684 = arith.constant 4 : i32
          %add3A_685 = vector.broadcast %add3A_684 : i32 to vector<16xi32>
          %add3A_686 = arith.addi %mul3A_632, %add3A_685 : vector<16xi32>
          %scatter3A_687 = arith.constant 0 : i32
          %scatter3A_688 = arith.constant 0 : i32
          %scatter3A_689 = tpu.memref_slice %arg13[%and3A_612, %scatter3A_687, %scatter3A_688] : memref<2x32x128xf32, #tpu.memory_space<vmem>> -> memref<1x32x128xf32, #tpu.memory_space<vmem>>
          %scatter3A_690 = tpu.memref_squeeze %scatter3A_689 : memref<1x32x128xf32, #tpu.memory_space<vmem>> -> memref<32x128xf32, #tpu.memory_space<vmem>>
          tpu.vector_store_idx %scatter3A_690[%shift_right_arithmetic3A_626, %add3A_686], %gather3A_683 : memref<32x128xf32, #tpu.memory_space<vmem>>[vector<16xi32>, vector<16xi32>], vector<16xf32>,
          %gather3A_691 = arith.constant 0 : i32
          %gather3A_692 = arith.constant 0 : i32
          %gather3A_693 = tpu.memref_slice %arg12[%and3A_494, %gather3A_691, %gather3A_692] : memref<4x32x512xf32, #tpu.memory_space<vmem>> -> memref<1x32x512xf32, #tpu.memory_space<vmem>>
          %gather3A_694 = tpu.memref_squeeze %gather3A_693 : memref<1x32x512xf32, #tpu.memory_space<vmem>> -> memref<32x512xf32, #tpu.memory_space<vmem>>
          %gather3A_695 = tpu.vector_load_idx %gather3A_694[%broadcast_in_dim3A_380, %min3A_619] : memref<32x512xf32, #tpu.memory_space<vmem>>[vector<16xi32>, vector<16xi32>], vector<16xf32>,
          %add3A_696 = arith.constant 5 : i32
          %add3A_697 = vector.broadcast %add3A_696 : i32 to vector<16xi32>
          %add3A_698 = arith.addi %mul3A_632, %add3A_697 : vector<16xi32>
          %scatter3A_699 = arith.constant 0 : i32
          %scatter3A_700 = arith.constant 0 : i32
          %scatter3A_701 = tpu.memref_slice %arg13[%and3A_612, %scatter3A_699, %scatter3A_700] : memref<2x32x128xf32, #tpu.memory_space<vmem>> -> memref<1x32x128xf32, #tpu.memory_space<vmem>>
          %scatter3A_702 = tpu.memref_squeeze %scatter3A_701 : memref<1x32x128xf32, #tpu.memory_space<vmem>> -> memref<32x128xf32, #tpu.memory_space<vmem>>
          tpu.vector_store_idx %scatter3A_702[%shift_right_arithmetic3A_626, %add3A_698], %gather3A_695 : memref<32x128xf32, #tpu.memory_space<vmem>>[vector<16xi32>, vector<16xi32>], vector<16xf32>,
          %gather3A_703 = arith.constant 0 : i32
          %gather3A_704 = arith.constant 0 : i32
          %gather3A_705 = tpu.memref_slice %arg12[%and3A_494, %gather3A_703, %gather3A_704] : memref<4x32x512xf32, #tpu.memory_space<vmem>> -> memref<1x32x512xf32, #tpu.memory_space<vmem>>
          %gather3A_706 = tpu.memref_squeeze %gather3A_705 : memref<1x32x512xf32, #tpu.memory_space<vmem>> -> memref<32x512xf32, #tpu.memory_space<vmem>>
          %gather3A_707 = tpu.vector_load_idx %gather3A_706[%broadcast_in_dim3A_382, %min3A_619] : memref<32x512xf32, #tpu.memory_space<vmem>>[vector<16xi32>, vector<16xi32>], vector<16xf32>,
          %add3A_708 = arith.constant 6 : i32
          %add3A_709 = vector.broadcast %add3A_708 : i32 to vector<16xi32>
          %add3A_710 = arith.addi %mul3A_632, %add3A_709 : vector<16xi32>
          %scatter3A_711 = arith.constant 0 : i32
          %scatter3A_712 = arith.constant 0 : i32
          %scatter3A_713 = tpu.memref_slice %arg13[%and3A_612, %scatter3A_711, %scatter3A_712] : memref<2x32x128xf32, #tpu.memory_space<vmem>> -> memref<1x32x128xf32, #tpu.memory_space<vmem>>
          %scatter3A_714 = tpu.memref_squeeze %scatter3A_713 : memref<1x32x128xf32, #tpu.memory_space<vmem>> -> memref<32x128xf32, #tpu.memory_space<vmem>>
          tpu.vector_store_idx %scatter3A_714[%shift_right_arithmetic3A_626, %add3A_710], %gather3A_707 : memref<32x128xf32, #tpu.memory_space<vmem>>[vector<16xi32>, vector<16xi32>], vector<16xf32>,
          %gather3A_715 = arith.constant 0 : i32
          %gather3A_716 = arith.constant 0 : i32
          %gather3A_717 = tpu.memref_slice %arg12[%and3A_494, %gather3A_715, %gather3A_716] : memref<4x32x512xf32, #tpu.memory_space<vmem>> -> memref<1x32x512xf32, #tpu.memory_space<vmem>>
          %gather3A_718 = tpu.memref_squeeze %gather3A_717 : memref<1x32x512xf32, #tpu.memory_space<vmem>> -> memref<32x512xf32, #tpu.memory_space<vmem>>
          %gather3A_719 = tpu.vector_load_idx %gather3A_718[%broadcast_in_dim3A_384, %min3A_619] : memref<32x512xf32, #tpu.memory_space<vmem>>[vector<16xi32>, vector<16xi32>], vector<16xf32>,
          %add3A_720 = arith.constant 7 : i32
          %add3A_721 = vector.broadcast %add3A_720 : i32 to vector<16xi32>
          %add3A_722 = arith.addi %mul3A_632, %add3A_721 : vector<16xi32>
          %scatter3A_723 = arith.constant 0 : i32
          %scatter3A_724 = arith.constant 0 : i32
          %scatter3A_725 = tpu.memref_slice %arg13[%and3A_612, %scatter3A_723, %scatter3A_724] : memref<2x32x128xf32, #tpu.memory_space<vmem>> -> memref<1x32x128xf32, #tpu.memory_space<vmem>>
          %scatter3A_726 = tpu.memref_squeeze %scatter3A_725 : memref<1x32x128xf32, #tpu.memory_space<vmem>> -> memref<32x128xf32, #tpu.memory_space<vmem>>
          tpu.vector_store_idx %scatter3A_726[%shift_right_arithmetic3A_626, %add3A_722], %gather3A_719 : memref<32x128xf32, #tpu.memory_space<vmem>>[vector<16xi32>, vector<16xi32>], vector<16xf32>,
          %gather3A_727 = arith.constant 0 : i32
          %gather3A_728 = arith.constant 0 : i32
          %gather3A_729 = tpu.memref_slice %arg12[%and3A_494, %gather3A_727, %gather3A_728] : memref<4x32x512xf32, #tpu.memory_space<vmem>> -> memref<1x32x512xf32, #tpu.memory_space<vmem>>
          %gather3A_730 = tpu.memref_squeeze %gather3A_729 : memref<1x32x512xf32, #tpu.memory_space<vmem>> -> memref<32x512xf32, #tpu.memory_space<vmem>>
          %gather3A_731 = tpu.vector_load_idx %gather3A_730[%broadcast_in_dim3A_386, %min3A_619] : memref<32x512xf32, #tpu.memory_space<vmem>>[vector<16xi32>, vector<16xi32>], vector<16xf32>,
          %add3A_732 = arith.constant 8 : i32
          %add3A_733 = vector.broadcast %add3A_732 : i32 to vector<16xi32>
          %add3A_734 = arith.addi %mul3A_632, %add3A_733 : vector<16xi32>
          %scatter3A_735 = arith.constant 0 : i32
          %scatter3A_736 = arith.constant 0 : i32
          %scatter3A_737 = tpu.memref_slice %arg13[%and3A_612, %scatter3A_735, %scatter3A_736] : memref<2x32x128xf32, #tpu.memory_space<vmem>> -> memref<1x32x128xf32, #tpu.memory_space<vmem>>
          %scatter3A_738 = tpu.memref_squeeze %scatter3A_737 : memref<1x32x128xf32, #tpu.memory_space<vmem>> -> memref<32x128xf32, #tpu.memory_space<vmem>>
          tpu.vector_store_idx %scatter3A_738[%shift_right_arithmetic3A_626, %add3A_734], %gather3A_731 : memref<32x128xf32, #tpu.memory_space<vmem>>[vector<16xi32>, vector<16xi32>], vector<16xf32>,
          %gather3A_739 = arith.constant 0 : i32
          %gather3A_740 = arith.constant 0 : i32
          %gather3A_741 = tpu.memref_slice %arg12[%and3A_494, %gather3A_739, %gather3A_740] : memref<4x32x512xf32, #tpu.memory_space<vmem>> -> memref<1x32x512xf32, #tpu.memory_space<vmem>>
          %gather3A_742 = tpu.memref_squeeze %gather3A_741 : memref<1x32x512xf32, #tpu.memory_space<vmem>> -> memref<32x512xf32, #tpu.memory_space<vmem>>
          %gather3A_743 = tpu.vector_load_idx %gather3A_742[%broadcast_in_dim3A_388, %min3A_619] : memref<32x512xf32, #tpu.memory_space<vmem>>[vector<16xi32>, vector<16xi32>], vector<16xf32>,
          %add3A_744 = arith.constant 9 : i32
          %add3A_745 = vector.broadcast %add3A_744 : i32 to vector<16xi32>
          %add3A_746 = arith.addi %mul3A_632, %add3A_745 : vector<16xi32>
          %scatter3A_747 = arith.constant 0 : i32
          %scatter3A_748 = arith.constant 0 : i32
          %scatter3A_749 = tpu.memref_slice %arg13[%and3A_612, %scatter3A_747, %scatter3A_748] : memref<2x32x128xf32, #tpu.memory_space<vmem>> -> memref<1x32x128xf32, #tpu.memory_space<vmem>>
          %scatter3A_750 = tpu.memref_squeeze %scatter3A_749 : memref<1x32x128xf32, #tpu.memory_space<vmem>> -> memref<32x128xf32, #tpu.memory_space<vmem>>
          tpu.vector_store_idx %scatter3A_750[%shift_right_arithmetic3A_626, %add3A_746], %gather3A_743 : memref<32x128xf32, #tpu.memory_space<vmem>>[vector<16xi32>, vector<16xi32>], vector<16xf32>,
          %gather3A_751 = arith.constant 0 : i32
          %gather3A_752 = arith.constant 0 : i32
          %gather3A_753 = tpu.memref_slice %arg12[%and3A_494, %gather3A_751, %gather3A_752] : memref<4x32x512xf32, #tpu.memory_space<vmem>> -> memref<1x32x512xf32, #tpu.memory_space<vmem>>
          %gather3A_754 = tpu.memref_squeeze %gather3A_753 : memref<1x32x512xf32, #tpu.memory_space<vmem>> -> memref<32x512xf32, #tpu.memory_space<vmem>>
          %gather3A_755 = tpu.vector_load_idx %gather3A_754[%broadcast_in_dim3A_390, %min3A_619] : memref<32x512xf32, #tpu.memory_space<vmem>>[vector<16xi32>, vector<16xi32>], vector<16xf32>,
          %add3A_756 = arith.constant 10 : i32
          %add3A_757 = vector.broadcast %add3A_756 : i32 to vector<16xi32>
          %add3A_758 = arith.addi %mul3A_632, %add3A_757 : vector<16xi32>
          %scatter3A_759 = arith.constant 0 : i32
          %scatter3A_760 = arith.constant 0 : i32
          %scatter3A_761 = tpu.memref_slice %arg13[%and3A_612, %scatter3A_759, %scatter3A_760] : memref<2x32x128xf32, #tpu.memory_space<vmem>> -> memref<1x32x128xf32, #tpu.memory_space<vmem>>
          %scatter3A_762 = tpu.memref_squeeze %scatter3A_761 : memref<1x32x128xf32, #tpu.memory_space<vmem>> -> memref<32x128xf32, #tpu.memory_space<vmem>>
          tpu.vector_store_idx %scatter3A_762[%shift_right_arithmetic3A_626, %add3A_758], %gather3A_755 : memref<32x128xf32, #tpu.memory_space<vmem>>[vector<16xi32>, vector<16xi32>], vector<16xf32>,
          %gather3A_763 = arith.constant 0 : i32
          %gather3A_764 = arith.constant 0 : i32
          %gather3A_765 = tpu.memref_slice %arg12[%and3A_494, %gather3A_763, %gather3A_764] : memref<4x32x512xf32, #tpu.memory_space<vmem>> -> memref<1x32x512xf32, #tpu.memory_space<vmem>>
          %gather3A_766 = tpu.memref_squeeze %gather3A_765 : memref<1x32x512xf32, #tpu.memory_space<vmem>> -> memref<32x512xf32, #tpu.memory_space<vmem>>
          %gather3A_767 = tpu.vector_load_idx %gather3A_766[%broadcast_in_dim3A_392, %min3A_619] : memref<32x512xf32, #tpu.memory_space<vmem>>[vector<16xi32>, vector<16xi32>], vector<16xf32>,
          %add3A_768 = arith.constant 11 : i32
          %add3A_769 = vector.broadcast %add3A_768 : i32 to vector<16xi32>
          %add3A_770 = arith.addi %mul3A_632, %add3A_769 : vector<16xi32>
          %scatter3A_771 = arith.constant 0 : i32
          %scatter3A_772 = arith.constant 0 : i32
          %scatter3A_773 = tpu.memref_slice %arg13[%and3A_612, %scatter3A_771, %scatter3A_772] : memref<2x32x128xf32, #tpu.memory_space<vmem>> -> memref<1x32x128xf32, #tpu.memory_space<vmem>>
          %scatter3A_774 = tpu.memref_squeeze %scatter3A_773 : memref<1x32x128xf32, #tpu.memory_space<vmem>> -> memref<32x128xf32, #tpu.memory_space<vmem>>
          tpu.vector_store_idx %scatter3A_774[%shift_right_arithmetic3A_626, %add3A_770], %gather3A_767 : memref<32x128xf32, #tpu.memory_space<vmem>>[vector<16xi32>, vector<16xi32>], vector<16xf32>,
          %gather3A_775 = arith.constant 0 : i32
          %gather3A_776 = arith.constant 0 : i32
          %gather3A_777 = tpu.memref_slice %arg12[%and3A_494, %gather3A_775, %gather3A_776] : memref<4x32x512xf32, #tpu.memory_space<vmem>> -> memref<1x32x512xf32, #tpu.memory_space<vmem>>
          %gather3A_778 = tpu.memref_squeeze %gather3A_777 : memref<1x32x512xf32, #tpu.memory_space<vmem>> -> memref<32x512xf32, #tpu.memory_space<vmem>>
          %gather3A_779 = tpu.vector_load_idx %gather3A_778[%broadcast_in_dim3A_394, %min3A_619] : memref<32x512xf32, #tpu.memory_space<vmem>>[vector<16xi32>, vector<16xi32>], vector<16xf32>,
          %add3A_780 = arith.constant 12 : i32
          %add3A_781 = vector.broadcast %add3A_780 : i32 to vector<16xi32>
          %add3A_782 = arith.addi %mul3A_632, %add3A_781 : vector<16xi32>
          %scatter3A_783 = arith.constant 0 : i32
          %scatter3A_784 = arith.constant 0 : i32
          %scatter3A_785 = tpu.memref_slice %arg13[%and3A_612, %scatter3A_783, %scatter3A_784] : memref<2x32x128xf32, #tpu.memory_space<vmem>> -> memref<1x32x128xf32, #tpu.memory_space<vmem>>
          %scatter3A_786 = tpu.memref_squeeze %scatter3A_785 : memref<1x32x128xf32, #tpu.memory_space<vmem>> -> memref<32x128xf32, #tpu.memory_space<vmem>>
          tpu.vector_store_idx %scatter3A_786[%shift_right_arithmetic3A_626, %add3A_782], %gather3A_779 : memref<32x128xf32, #tpu.memory_space<vmem>>[vector<16xi32>, vector<16xi32>], vector<16xf32>,
          %gather3A_787 = arith.constant 0 : i32
          %gather3A_788 = arith.constant 0 : i32
          %gather3A_789 = tpu.memref_slice %arg12[%and3A_494, %gather3A_787, %gather3A_788] : memref<4x32x512xf32, #tpu.memory_space<vmem>> -> memref<1x32x512xf32, #tpu.memory_space<vmem>>
          %gather3A_790 = tpu.memref_squeeze %gather3A_789 : memref<1x32x512xf32, #tpu.memory_space<vmem>> -> memref<32x512xf32, #tpu.memory_space<vmem>>
          %gather3A_791 = tpu.vector_load_idx %gather3A_790[%broadcast_in_dim3A_396, %min3A_619] : memref<32x512xf32, #tpu.memory_space<vmem>>[vector<16xi32>, vector<16xi32>], vector<16xf32>,
          %add3A_792 = arith.constant 13 : i32
          %add3A_793 = vector.broadcast %add3A_792 : i32 to vector<16xi32>
          %add3A_794 = arith.addi %mul3A_632, %add3A_793 : vector<16xi32>
          %scatter3A_795 = arith.constant 0 : i32
          %scatter3A_796 = arith.constant 0 : i32
          %scatter3A_797 = tpu.memref_slice %arg13[%and3A_612, %scatter3A_795, %scatter3A_796] : memref<2x32x128xf32, #tpu.memory_space<vmem>> -> memref<1x32x128xf32, #tpu.memory_space<vmem>>
          %scatter3A_798 = tpu.memref_squeeze %scatter3A_797 : memref<1x32x128xf32, #tpu.memory_space<vmem>> -> memref<32x128xf32, #tpu.memory_space<vmem>>
          tpu.vector_store_idx %scatter3A_798[%shift_right_arithmetic3A_626, %add3A_794], %gather3A_791 : memref<32x128xf32, #tpu.memory_space<vmem>>[vector<16xi32>, vector<16xi32>], vector<16xf32>,
          %gather3A_799 = arith.constant 0 : i32
          %gather3A_800 = arith.constant 0 : i32
          %gather3A_801 = tpu.memref_slice %arg12[%and3A_494, %gather3A_799, %gather3A_800] : memref<4x32x512xf32, #tpu.memory_space<vmem>> -> memref<1x32x512xf32, #tpu.memory_space<vmem>>
          %gather3A_802 = tpu.memref_squeeze %gather3A_801 : memref<1x32x512xf32, #tpu.memory_space<vmem>> -> memref<32x512xf32, #tpu.memory_space<vmem>>
          %gather3A_803 = tpu.vector_load_idx %gather3A_802[%broadcast_in_dim3A_398, %min3A_619] : memref<32x512xf32, #tpu.memory_space<vmem>>[vector<16xi32>, vector<16xi32>], vector<16xf32>,
          %add3A_804 = arith.constant 14 : i32
          %add3A_805 = vector.broadcast %add3A_804 : i32 to vector<16xi32>
          %add3A_806 = arith.addi %mul3A_632, %add3A_805 : vector<16xi32>
          %scatter3A_807 = arith.constant 0 : i32
          %scatter3A_808 = arith.constant 0 : i32
          %scatter3A_809 = tpu.memref_slice %arg13[%and3A_612, %scatter3A_807, %scatter3A_808] : memref<2x32x128xf32, #tpu.memory_space<vmem>> -> memref<1x32x128xf32, #tpu.memory_space<vmem>>
          %scatter3A_810 = tpu.memref_squeeze %scatter3A_809 : memref<1x32x128xf32, #tpu.memory_space<vmem>> -> memref<32x128xf32, #tpu.memory_space<vmem>>
          tpu.vector_store_idx %scatter3A_810[%shift_right_arithmetic3A_626, %add3A_806], %gather3A_803 : memref<32x128xf32, #tpu.memory_space<vmem>>[vector<16xi32>, vector<16xi32>], vector<16xf32>,
          %gather3A_811 = arith.constant 0 : i32
          %gather3A_812 = arith.constant 0 : i32
          %gather3A_813 = tpu.memref_slice %arg12[%and3A_494, %gather3A_811, %gather3A_812] : memref<4x32x512xf32, #tpu.memory_space<vmem>> -> memref<1x32x512xf32, #tpu.memory_space<vmem>>
          %gather3A_814 = tpu.memref_squeeze %gather3A_813 : memref<1x32x512xf32, #tpu.memory_space<vmem>> -> memref<32x512xf32, #tpu.memory_space<vmem>>
          %gather3A_815 = tpu.vector_load_idx %gather3A_814[%broadcast_in_dim3A_400, %min3A_619] : memref<32x512xf32, #tpu.memory_space<vmem>>[vector<16xi32>, vector<16xi32>], vector<16xf32>,
          %add3A_816 = arith.constant 15 : i32
          %add3A_817 = vector.broadcast %add3A_816 : i32 to vector<16xi32>
          %add3A_818 = arith.addi %mul3A_632, %add3A_817 : vector<16xi32>
          %scatter3A_819 = arith.constant 0 : i32
          %scatter3A_820 = arith.constant 0 : i32
          %scatter3A_821 = tpu.memref_slice %arg13[%and3A_612, %scatter3A_819, %scatter3A_820] : memref<2x32x128xf32, #tpu.memory_space<vmem>> -> memref<1x32x128xf32, #tpu.memory_space<vmem>>
          %scatter3A_822 = tpu.memref_squeeze %scatter3A_821 : memref<1x32x128xf32, #tpu.memory_space<vmem>> -> memref<32x128xf32, #tpu.memory_space<vmem>>
          tpu.vector_store_idx %scatter3A_822[%shift_right_arithmetic3A_626, %add3A_818], %gather3A_815 : memref<32x128xf32, #tpu.memory_space<vmem>>[vector<16xi32>, vector<16xi32>], vector<16xf32>,
          %gather3A_823 = arith.constant 0 : i32
          %gather3A_824 = arith.constant 0 : i32
          %gather3A_825 = tpu.memref_slice %arg12[%and3A_494, %gather3A_823, %gather3A_824] : memref<4x32x512xf32, #tpu.memory_space<vmem>> -> memref<1x32x512xf32, #tpu.memory_space<vmem>>
          %gather3A_826 = tpu.memref_squeeze %gather3A_825 : memref<1x32x512xf32, #tpu.memory_space<vmem>> -> memref<32x512xf32, #tpu.memory_space<vmem>>
          %gather3A_827 = tpu.vector_load_idx %gather3A_826[%broadcast_in_dim3A_402, %min3A_619] : memref<32x512xf32, #tpu.memory_space<vmem>>[vector<16xi32>, vector<16xi32>], vector<16xf32>,
          %add3A_828 = arith.constant 16 : i32
          %add3A_829 = vector.broadcast %add3A_828 : i32 to vector<16xi32>
          %add3A_830 = arith.addi %mul3A_632, %add3A_829 : vector<16xi32>
          %scatter3A_831 = arith.constant 0 : i32
          %scatter3A_832 = arith.constant 0 : i32
          %scatter3A_833 = tpu.memref_slice %arg13[%and3A_612, %scatter3A_831, %scatter3A_832] : memref<2x32x128xf32, #tpu.memory_space<vmem>> -> memref<1x32x128xf32, #tpu.memory_space<vmem>>
          %scatter3A_834 = tpu.memref_squeeze %scatter3A_833 : memref<1x32x128xf32, #tpu.memory_space<vmem>> -> memref<32x128xf32, #tpu.memory_space<vmem>>
          tpu.vector_store_idx %scatter3A_834[%shift_right_arithmetic3A_626, %add3A_830], %gather3A_827 : memref<32x128xf32, #tpu.memory_space<vmem>>[vector<16xi32>, vector<16xi32>], vector<16xf32>,
          %gather3A_835 = arith.constant 0 : i32
          %gather3A_836 = arith.constant 0 : i32
          %gather3A_837 = tpu.memref_slice %arg12[%and3A_494, %gather3A_835, %gather3A_836] : memref<4x32x512xf32, #tpu.memory_space<vmem>> -> memref<1x32x512xf32, #tpu.memory_space<vmem>>
          %gather3A_838 = tpu.memref_squeeze %gather3A_837 : memref<1x32x512xf32, #tpu.memory_space<vmem>> -> memref<32x512xf32, #tpu.memory_space<vmem>>
          %gather3A_839 = tpu.vector_load_idx %gather3A_838[%broadcast_in_dim3A_404, %min3A_619] : memref<32x512xf32, #tpu.memory_space<vmem>>[vector<16xi32>, vector<16xi32>], vector<16xf32>,
          %add3A_840 = arith.constant 17 : i32
          %add3A_841 = vector.broadcast %add3A_840 : i32 to vector<16xi32>
          %add3A_842 = arith.addi %mul3A_632, %add3A_841 : vector<16xi32>
          %scatter3A_843 = arith.constant 0 : i32
          %scatter3A_844 = arith.constant 0 : i32
          %scatter3A_845 = tpu.memref_slice %arg13[%and3A_612, %scatter3A_843, %scatter3A_844] : memref<2x32x128xf32, #tpu.memory_space<vmem>> -> memref<1x32x128xf32, #tpu.memory_space<vmem>>
          %scatter3A_846 = tpu.memref_squeeze %scatter3A_845 : memref<1x32x128xf32, #tpu.memory_space<vmem>> -> memref<32x128xf32, #tpu.memory_space<vmem>>
          tpu.vector_store_idx %scatter3A_846[%shift_right_arithmetic3A_626, %add3A_842], %gather3A_839 : memref<32x128xf32, #tpu.memory_space<vmem>>[vector<16xi32>, vector<16xi32>], vector<16xf32>,
          %gather3A_847 = arith.constant 0 : i32
          %gather3A_848 = arith.constant 0 : i32
          %gather3A_849 = tpu.memref_slice %arg12[%and3A_494, %gather3A_847, %gather3A_848] : memref<4x32x512xf32, #tpu.memory_space<vmem>> -> memref<1x32x512xf32, #tpu.memory_space<vmem>>
          %gather3A_850 = tpu.memref_squeeze %gather3A_849 : memref<1x32x512xf32, #tpu.memory_space<vmem>> -> memref<32x512xf32, #tpu.memory_space<vmem>>
          %gather3A_851 = tpu.vector_load_idx %gather3A_850[%broadcast_in_dim3A_406, %min3A_619] : memref<32x512xf32, #tpu.memory_space<vmem>>[vector<16xi32>, vector<16xi32>], vector<16xf32>,
          %add3A_852 = arith.constant 18 : i32
          %add3A_853 = vector.broadcast %add3A_852 : i32 to vector<16xi32>
          %add3A_854 = arith.addi %mul3A_632, %add3A_853 : vector<16xi32>
          %scatter3A_855 = arith.constant 0 : i32
          %scatter3A_856 = arith.constant 0 : i32
          %scatter3A_857 = tpu.memref_slice %arg13[%and3A_612, %scatter3A_855, %scatter3A_856] : memref<2x32x128xf32, #tpu.memory_space<vmem>> -> memref<1x32x128xf32, #tpu.memory_space<vmem>>
          %scatter3A_858 = tpu.memref_squeeze %scatter3A_857 : memref<1x32x128xf32, #tpu.memory_space<vmem>> -> memref<32x128xf32, #tpu.memory_space<vmem>>
          tpu.vector_store_idx %scatter3A_858[%shift_right_arithmetic3A_626, %add3A_854], %gather3A_851 : memref<32x128xf32, #tpu.memory_space<vmem>>[vector<16xi32>, vector<16xi32>], vector<16xf32>,
          %gather3A_859 = arith.constant 0 : i32
          %gather3A_860 = arith.constant 0 : i32
          %gather3A_861 = tpu.memref_slice %arg12[%and3A_494, %gather3A_859, %gather3A_860] : memref<4x32x512xf32, #tpu.memory_space<vmem>> -> memref<1x32x512xf32, #tpu.memory_space<vmem>>
          %gather3A_862 = tpu.memref_squeeze %gather3A_861 : memref<1x32x512xf32, #tpu.memory_space<vmem>> -> memref<32x512xf32, #tpu.memory_space<vmem>>
          %gather3A_863 = tpu.vector_load_idx %gather3A_862[%broadcast_in_dim3A_408, %min3A_619] : memref<32x512xf32, #tpu.memory_space<vmem>>[vector<16xi32>, vector<16xi32>], vector<16xf32>,
          %add3A_864 = arith.constant 19 : i32
          %add3A_865 = vector.broadcast %add3A_864 : i32 to vector<16xi32>
          %add3A_866 = arith.addi %mul3A_632, %add3A_865 : vector<16xi32>
          %scatter3A_867 = arith.constant 0 : i32
          %scatter3A_868 = arith.constant 0 : i32
          %scatter3A_869 = tpu.memref_slice %arg13[%and3A_612, %scatter3A_867, %scatter3A_868] : memref<2x32x128xf32, #tpu.memory_space<vmem>> -> memref<1x32x128xf32, #tpu.memory_space<vmem>>
          %scatter3A_870 = tpu.memref_squeeze %scatter3A_869 : memref<1x32x128xf32, #tpu.memory_space<vmem>> -> memref<32x128xf32, #tpu.memory_space<vmem>>
          tpu.vector_store_idx %scatter3A_870[%shift_right_arithmetic3A_626, %add3A_866], %gather3A_863 : memref<32x128xf32, #tpu.memory_space<vmem>>[vector<16xi32>, vector<16xi32>], vector<16xf32>,
          %gather3A_871 = arith.constant 0 : i32
          %gather3A_872 = arith.constant 0 : i32
          %gather3A_873 = tpu.memref_slice %arg12[%and3A_494, %gather3A_871, %gather3A_872] : memref<4x32x512xf32, #tpu.memory_space<vmem>> -> memref<1x32x512xf32, #tpu.memory_space<vmem>>
          %gather3A_874 = tpu.memref_squeeze %gather3A_873 : memref<1x32x512xf32, #tpu.memory_space<vmem>> -> memref<32x512xf32, #tpu.memory_space<vmem>>
          %gather3A_875 = tpu.vector_load_idx %gather3A_874[%broadcast_in_dim3A_410, %min3A_619] : memref<32x512xf32, #tpu.memory_space<vmem>>[vector<16xi32>, vector<16xi32>], vector<16xf32>,
          %add3A_876 = arith.constant 20 : i32
          %add3A_877 = vector.broadcast %add3A_876 : i32 to vector<16xi32>
          %add3A_878 = arith.addi %mul3A_632, %add3A_877 : vector<16xi32>
          %scatter3A_879 = arith.constant 0 : i32
          %scatter3A_880 = arith.constant 0 : i32
          %scatter3A_881 = tpu.memref_slice %arg13[%and3A_612, %scatter3A_879, %scatter3A_880] : memref<2x32x128xf32, #tpu.memory_space<vmem>> -> memref<1x32x128xf32, #tpu.memory_space<vmem>>
          %scatter3A_882 = tpu.memref_squeeze %scatter3A_881 : memref<1x32x128xf32, #tpu.memory_space<vmem>> -> memref<32x128xf32, #tpu.memory_space<vmem>>
          tpu.vector_store_idx %scatter3A_882[%shift_right_arithmetic3A_626, %add3A_878], %gather3A_875 : memref<32x128xf32, #tpu.memory_space<vmem>>[vector<16xi32>, vector<16xi32>], vector<16xf32>,
          %gather3A_883 = arith.constant 0 : i32
          %gather3A_884 = arith.constant 0 : i32
          %gather3A_885 = tpu.memref_slice %arg12[%and3A_494, %gather3A_883, %gather3A_884] : memref<4x32x512xf32, #tpu.memory_space<vmem>> -> memref<1x32x512xf32, #tpu.memory_space<vmem>>
          %gather3A_886 = tpu.memref_squeeze %gather3A_885 : memref<1x32x512xf32, #tpu.memory_space<vmem>> -> memref<32x512xf32, #tpu.memory_space<vmem>>
          %gather3A_887 = tpu.vector_load_idx %gather3A_886[%broadcast_in_dim3A_412, %min3A_619] : memref<32x512xf32, #tpu.memory_space<vmem>>[vector<16xi32>, vector<16xi32>], vector<16xf32>,
          %add3A_888 = arith.constant 21 : i32
          %add3A_889 = vector.broadcast %add3A_888 : i32 to vector<16xi32>
          %add3A_890 = arith.addi %mul3A_632, %add3A_889 : vector<16xi32>
          %scatter3A_891 = arith.constant 0 : i32
          %scatter3A_892 = arith.constant 0 : i32
          %scatter3A_893 = tpu.memref_slice %arg13[%and3A_612, %scatter3A_891, %scatter3A_892] : memref<2x32x128xf32, #tpu.memory_space<vmem>> -> memref<1x32x128xf32, #tpu.memory_space<vmem>>
          %scatter3A_894 = tpu.memref_squeeze %scatter3A_893 : memref<1x32x128xf32, #tpu.memory_space<vmem>> -> memref<32x128xf32, #tpu.memory_space<vmem>>
          tpu.vector_store_idx %scatter3A_894[%shift_right_arithmetic3A_626, %add3A_890], %gather3A_887 : memref<32x128xf32, #tpu.memory_space<vmem>>[vector<16xi32>, vector<16xi32>], vector<16xf32>,
          %gather3A_895 = arith.constant 0 : i32
          %gather3A_896 = arith.constant 0 : i32
          %gather3A_897 = tpu.memref_slice %arg12[%and3A_494, %gather3A_895, %gather3A_896] : memref<4x32x512xf32, #tpu.memory_space<vmem>> -> memref<1x32x512xf32, #tpu.memory_space<vmem>>
          %gather3A_898 = tpu.memref_squeeze %gather3A_897 : memref<1x32x512xf32, #tpu.memory_space<vmem>> -> memref<32x512xf32, #tpu.memory_space<vmem>>
          %gather3A_899 = tpu.vector_load_idx %gather3A_898[%broadcast_in_dim3A_414, %min3A_619] : memref<32x512xf32, #tpu.memory_space<vmem>>[vector<16xi32>, vector<16xi32>], vector<16xf32>,
          %add3A_900 = arith.constant 22 : i32
          %add3A_901 = vector.broadcast %add3A_900 : i32 to vector<16xi32>
          %add3A_902 = arith.addi %mul3A_632, %add3A_901 : vector<16xi32>
          %scatter3A_903 = arith.constant 0 : i32
          %scatter3A_904 = arith.constant 0 : i32
          %scatter3A_905 = tpu.memref_slice %arg13[%and3A_612, %scatter3A_903, %scatter3A_904] : memref<2x32x128xf32, #tpu.memory_space<vmem>> -> memref<1x32x128xf32, #tpu.memory_space<vmem>>
          %scatter3A_906 = tpu.memref_squeeze %scatter3A_905 : memref<1x32x128xf32, #tpu.memory_space<vmem>> -> memref<32x128xf32, #tpu.memory_space<vmem>>
          tpu.vector_store_idx %scatter3A_906[%shift_right_arithmetic3A_626, %add3A_902], %gather3A_899 : memref<32x128xf32, #tpu.memory_space<vmem>>[vector<16xi32>, vector<16xi32>], vector<16xf32>,
          %gather3A_907 = arith.constant 0 : i32
          %gather3A_908 = arith.constant 0 : i32
          %gather3A_909 = tpu.memref_slice %arg12[%and3A_494, %gather3A_907, %gather3A_908] : memref<4x32x512xf32, #tpu.memory_space<vmem>> -> memref<1x32x512xf32, #tpu.memory_space<vmem>>
          %gather3A_910 = tpu.memref_squeeze %gather3A_909 : memref<1x32x512xf32, #tpu.memory_space<vmem>> -> memref<32x512xf32, #tpu.memory_space<vmem>>
          %gather3A_911 = tpu.vector_load_idx %gather3A_910[%broadcast_in_dim3A_416, %min3A_619] : memref<32x512xf32, #tpu.memory_space<vmem>>[vector<16xi32>, vector<16xi32>], vector<16xf32>,
          %add3A_912 = arith.constant 23 : i32
          %add3A_913 = vector.broadcast %add3A_912 : i32 to vector<16xi32>
          %add3A_914 = arith.addi %mul3A_632, %add3A_913 : vector<16xi32>
          %scatter3A_915 = arith.constant 0 : i32
          %scatter3A_916 = arith.constant 0 : i32
          %scatter3A_917 = tpu.memref_slice %arg13[%and3A_612, %scatter3A_915, %scatter3A_916] : memref<2x32x128xf32, #tpu.memory_space<vmem>> -> memref<1x32x128xf32, #tpu.memory_space<vmem>>
          %scatter3A_918 = tpu.memref_squeeze %scatter3A_917 : memref<1x32x128xf32, #tpu.memory_space<vmem>> -> memref<32x128xf32, #tpu.memory_space<vmem>>
          tpu.vector_store_idx %scatter3A_918[%shift_right_arithmetic3A_626, %add3A_914], %gather3A_911 : memref<32x128xf32, #tpu.memory_space<vmem>>[vector<16xi32>, vector<16xi32>], vector<16xf32>,
          %gather3A_919 = arith.constant 0 : i32
          %gather3A_920 = arith.constant 0 : i32
          %gather3A_921 = tpu.memref_slice %arg12[%and3A_494, %gather3A_919, %gather3A_920] : memref<4x32x512xf32, #tpu.memory_space<vmem>> -> memref<1x32x512xf32, #tpu.memory_space<vmem>>
          %gather3A_922 = tpu.memref_squeeze %gather3A_921 : memref<1x32x512xf32, #tpu.memory_space<vmem>> -> memref<32x512xf32, #tpu.memory_space<vmem>>
          %gather3A_923 = tpu.vector_load_idx %gather3A_922[%broadcast_in_dim3A_418, %min3A_619] : memref<32x512xf32, #tpu.memory_space<vmem>>[vector<16xi32>, vector<16xi32>], vector<16xf32>,
          %add3A_924 = arith.constant 24 : i32
          %add3A_925 = vector.broadcast %add3A_924 : i32 to vector<16xi32>
          %add3A_926 = arith.addi %mul3A_632, %add3A_925 : vector<16xi32>
          %scatter3A_927 = arith.constant 0 : i32
          %scatter3A_928 = arith.constant 0 : i32
          %scatter3A_929 = tpu.memref_slice %arg13[%and3A_612, %scatter3A_927, %scatter3A_928] : memref<2x32x128xf32, #tpu.memory_space<vmem>> -> memref<1x32x128xf32, #tpu.memory_space<vmem>>
          %scatter3A_930 = tpu.memref_squeeze %scatter3A_929 : memref<1x32x128xf32, #tpu.memory_space<vmem>> -> memref<32x128xf32, #tpu.memory_space<vmem>>
          tpu.vector_store_idx %scatter3A_930[%shift_right_arithmetic3A_626, %add3A_926], %gather3A_923 : memref<32x128xf32, #tpu.memory_space<vmem>>[vector<16xi32>, vector<16xi32>], vector<16xf32>,
          %gather3A_931 = arith.constant 0 : i32
          %gather3A_932 = arith.constant 0 : i32
          %gather3A_933 = tpu.memref_slice %arg12[%and3A_494, %gather3A_931, %gather3A_932] : memref<4x32x512xf32, #tpu.memory_space<vmem>> -> memref<1x32x512xf32, #tpu.memory_space<vmem>>
          %gather3A_934 = tpu.memref_squeeze %gather3A_933 : memref<1x32x512xf32, #tpu.memory_space<vmem>> -> memref<32x512xf32, #tpu.memory_space<vmem>>
          %gather3A_935 = tpu.vector_load_idx %gather3A_934[%broadcast_in_dim3A_420, %min3A_619] : memref<32x512xf32, #tpu.memory_space<vmem>>[vector<16xi32>, vector<16xi32>], vector<16xf32>,
          %add3A_936 = arith.constant 25 : i32
          %add3A_937 = vector.broadcast %add3A_936 : i32 to vector<16xi32>
          %add3A_938 = arith.addi %mul3A_632, %add3A_937 : vector<16xi32>
          %scatter3A_939 = arith.constant 0 : i32
          %scatter3A_940 = arith.constant 0 : i32
          %scatter3A_941 = tpu.memref_slice %arg13[%and3A_612, %scatter3A_939, %scatter3A_940] : memref<2x32x128xf32, #tpu.memory_space<vmem>> -> memref<1x32x128xf32, #tpu.memory_space<vmem>>
          %scatter3A_942 = tpu.memref_squeeze %scatter3A_941 : memref<1x32x128xf32, #tpu.memory_space<vmem>> -> memref<32x128xf32, #tpu.memory_space<vmem>>
          tpu.vector_store_idx %scatter3A_942[%shift_right_arithmetic3A_626, %add3A_938], %gather3A_935 : memref<32x128xf32, #tpu.memory_space<vmem>>[vector<16xi32>, vector<16xi32>], vector<16xf32>,
          %gather3A_943 = arith.constant 0 : i32
          %gather3A_944 = arith.constant 0 : i32
          %gather3A_945 = tpu.memref_slice %arg12[%and3A_494, %gather3A_943, %gather3A_944] : memref<4x32x512xf32, #tpu.memory_space<vmem>> -> memref<1x32x512xf32, #tpu.memory_space<vmem>>
          %gather3A_946 = tpu.memref_squeeze %gather3A_945 : memref<1x32x512xf32, #tpu.memory_space<vmem>> -> memref<32x512xf32, #tpu.memory_space<vmem>>
          %gather3A_947 = tpu.vector_load_idx %gather3A_946[%broadcast_in_dim3A_422, %min3A_619] : memref<32x512xf32, #tpu.memory_space<vmem>>[vector<16xi32>, vector<16xi32>], vector<16xf32>,
          %add3A_948 = arith.constant 26 : i32
          %add3A_949 = vector.broadcast %add3A_948 : i32 to vector<16xi32>
          %add3A_950 = arith.addi %mul3A_632, %add3A_949 : vector<16xi32>
          %scatter3A_951 = arith.constant 0 : i32
          %scatter3A_952 = arith.constant 0 : i32
          %scatter3A_953 = tpu.memref_slice %arg13[%and3A_612, %scatter3A_951, %scatter3A_952] : memref<2x32x128xf32, #tpu.memory_space<vmem>> -> memref<1x32x128xf32, #tpu.memory_space<vmem>>
          %scatter3A_954 = tpu.memref_squeeze %scatter3A_953 : memref<1x32x128xf32, #tpu.memory_space<vmem>> -> memref<32x128xf32, #tpu.memory_space<vmem>>
          tpu.vector_store_idx %scatter3A_954[%shift_right_arithmetic3A_626, %add3A_950], %gather3A_947 : memref<32x128xf32, #tpu.memory_space<vmem>>[vector<16xi32>, vector<16xi32>], vector<16xf32>,
          %gather3A_955 = arith.constant 0 : i32
          %gather3A_956 = arith.constant 0 : i32
          %gather3A_957 = tpu.memref_slice %arg12[%and3A_494, %gather3A_955, %gather3A_956] : memref<4x32x512xf32, #tpu.memory_space<vmem>> -> memref<1x32x512xf32, #tpu.memory_space<vmem>>
          %gather3A_958 = tpu.memref_squeeze %gather3A_957 : memref<1x32x512xf32, #tpu.memory_space<vmem>> -> memref<32x512xf32, #tpu.memory_space<vmem>>
          %gather3A_959 = tpu.vector_load_idx %gather3A_958[%broadcast_in_dim3A_424, %min3A_619] : memref<32x512xf32, #tpu.memory_space<vmem>>[vector<16xi32>, vector<16xi32>], vector<16xf32>,
          %add3A_960 = arith.constant 27 : i32
          %add3A_961 = vector.broadcast %add3A_960 : i32 to vector<16xi32>
          %add3A_962 = arith.addi %mul3A_632, %add3A_961 : vector<16xi32>
          %scatter3A_963 = arith.constant 0 : i32
          %scatter3A_964 = arith.constant 0 : i32
          %scatter3A_965 = tpu.memref_slice %arg13[%and3A_612, %scatter3A_963, %scatter3A_964] : memref<2x32x128xf32, #tpu.memory_space<vmem>> -> memref<1x32x128xf32, #tpu.memory_space<vmem>>
          %scatter3A_966 = tpu.memref_squeeze %scatter3A_965 : memref<1x32x128xf32, #tpu.memory_space<vmem>> -> memref<32x128xf32, #tpu.memory_space<vmem>>
          tpu.vector_store_idx %scatter3A_966[%shift_right_arithmetic3A_626, %add3A_962], %gather3A_959 : memref<32x128xf32, #tpu.memory_space<vmem>>[vector<16xi32>, vector<16xi32>], vector<16xf32>,
          %gather3A_967 = arith.constant 0 : i32
          %gather3A_968 = arith.constant 0 : i32
          %gather3A_969 = tpu.memref_slice %arg12[%and3A_494, %gather3A_967, %gather3A_968] : memref<4x32x512xf32, #tpu.memory_space<vmem>> -> memref<1x32x512xf32, #tpu.memory_space<vmem>>
          %gather3A_970 = tpu.memref_squeeze %gather3A_969 : memref<1x32x512xf32, #tpu.memory_space<vmem>> -> memref<32x512xf32, #tpu.memory_space<vmem>>
          %gather3A_971 = tpu.vector_load_idx %gather3A_970[%broadcast_in_dim3A_426, %min3A_619] : memref<32x512xf32, #tpu.memory_space<vmem>>[vector<16xi32>, vector<16xi32>], vector<16xf32>,
          %add3A_972 = arith.constant 28 : i32
          %add3A_973 = vector.broadcast %add3A_972 : i32 to vector<16xi32>
          %add3A_974 = arith.addi %mul3A_632, %add3A_973 : vector<16xi32>
          %scatter3A_975 = arith.constant 0 : i32
          %scatter3A_976 = arith.constant 0 : i32
          %scatter3A_977 = tpu.memref_slice %arg13[%and3A_612, %scatter3A_975, %scatter3A_976] : memref<2x32x128xf32, #tpu.memory_space<vmem>> -> memref<1x32x128xf32, #tpu.memory_space<vmem>>
          %scatter3A_978 = tpu.memref_squeeze %scatter3A_977 : memref<1x32x128xf32, #tpu.memory_space<vmem>> -> memref<32x128xf32, #tpu.memory_space<vmem>>
          tpu.vector_store_idx %scatter3A_978[%shift_right_arithmetic3A_626, %add3A_974], %gather3A_971 : memref<32x128xf32, #tpu.memory_space<vmem>>[vector<16xi32>, vector<16xi32>], vector<16xf32>,
          %gather3A_979 = arith.constant 0 : i32
          %gather3A_980 = arith.constant 0 : i32
          %gather3A_981 = tpu.memref_slice %arg12[%and3A_494, %gather3A_979, %gather3A_980] : memref<4x32x512xf32, #tpu.memory_space<vmem>> -> memref<1x32x512xf32, #tpu.memory_space<vmem>>
          %gather3A_982 = tpu.memref_squeeze %gather3A_981 : memref<1x32x512xf32, #tpu.memory_space<vmem>> -> memref<32x512xf32, #tpu.memory_space<vmem>>
          %gather3A_983 = tpu.vector_load_idx %gather3A_982[%broadcast_in_dim3A_428, %min3A_619] : memref<32x512xf32, #tpu.memory_space<vmem>>[vector<16xi32>, vector<16xi32>], vector<16xf32>,
          %add3A_984 = arith.constant 29 : i32
          %add3A_985 = vector.broadcast %add3A_984 : i32 to vector<16xi32>
          %add3A_986 = arith.addi %mul3A_632, %add3A_985 : vector<16xi32>
          %scatter3A_987 = arith.constant 0 : i32
          %scatter3A_988 = arith.constant 0 : i32
          %scatter3A_989 = tpu.memref_slice %arg13[%and3A_612, %scatter3A_987, %scatter3A_988] : memref<2x32x128xf32, #tpu.memory_space<vmem>> -> memref<1x32x128xf32, #tpu.memory_space<vmem>>
          %scatter3A_990 = tpu.memref_squeeze %scatter3A_989 : memref<1x32x128xf32, #tpu.memory_space<vmem>> -> memref<32x128xf32, #tpu.memory_space<vmem>>
          tpu.vector_store_idx %scatter3A_990[%shift_right_arithmetic3A_626, %add3A_986], %gather3A_983 : memref<32x128xf32, #tpu.memory_space<vmem>>[vector<16xi32>, vector<16xi32>], vector<16xf32>,
          %gather3A_991 = arith.constant 0 : i32
          %gather3A_992 = arith.constant 0 : i32
          %gather3A_993 = tpu.memref_slice %arg12[%and3A_494, %gather3A_991, %gather3A_992] : memref<4x32x512xf32, #tpu.memory_space<vmem>> -> memref<1x32x512xf32, #tpu.memory_space<vmem>>
          %gather3A_994 = tpu.memref_squeeze %gather3A_993 : memref<1x32x512xf32, #tpu.memory_space<vmem>> -> memref<32x512xf32, #tpu.memory_space<vmem>>
          %gather3A_995 = tpu.vector_load_idx %gather3A_994[%broadcast_in_dim3A_430, %min3A_619] : memref<32x512xf32, #tpu.memory_space<vmem>>[vector<16xi32>, vector<16xi32>], vector<16xf32>,
          %add3A_996 = arith.constant 30 : i32
          %add3A_997 = vector.broadcast %add3A_996 : i32 to vector<16xi32>
          %add3A_998 = arith.addi %mul3A_632, %add3A_997 : vector<16xi32>
          %scatter3A_999 = arith.constant 0 : i32
          %scatter3A_1000 = arith.constant 0 : i32
          %scatter3A_1001 = tpu.memref_slice %arg13[%and3A_612, %scatter3A_999, %scatter3A_1000] : memref<2x32x128xf32, #tpu.memory_space<vmem>> -> memref<1x32x128xf32, #tpu.memory_space<vmem>>
          %scatter3A_1002 = tpu.memref_squeeze %scatter3A_1001 : memref<1x32x128xf32, #tpu.memory_space<vmem>> -> memref<32x128xf32, #tpu.memory_space<vmem>>
          tpu.vector_store_idx %scatter3A_1002[%shift_right_arithmetic3A_626, %add3A_998], %gather3A_995 : memref<32x128xf32, #tpu.memory_space<vmem>>[vector<16xi32>, vector<16xi32>], vector<16xf32>,
          %gather3A_1003 = arith.constant 0 : i32
          %gather3A_1004 = arith.constant 0 : i32
          %gather3A_1005 = tpu.memref_slice %arg12[%and3A_494, %gather3A_1003, %gather3A_1004] : memref<4x32x512xf32, #tpu.memory_space<vmem>> -> memref<1x32x512xf32, #tpu.memory_space<vmem>>
          %gather3A_1006 = tpu.memref_squeeze %gather3A_1005 : memref<1x32x512xf32, #tpu.memory_space<vmem>> -> memref<32x512xf32, #tpu.memory_space<vmem>>
          %gather3A_1007 = tpu.vector_load_idx %gather3A_1006[%broadcast_in_dim3A_432, %min3A_619] : memref<32x512xf32, #tpu.memory_space<vmem>>[vector<16xi32>, vector<16xi32>], vector<16xf32>,
          %add3A_1008 = arith.constant 31 : i32
          %add3A_1009 = vector.broadcast %add3A_1008 : i32 to vector<16xi32>
          %add3A_1010 = arith.addi %mul3A_632, %add3A_1009 : vector<16xi32>
          %scatter3A_1011 = arith.constant 0 : i32
          %scatter3A_1012 = arith.constant 0 : i32
          %scatter3A_1013 = tpu.memref_slice %arg13[%and3A_612, %scatter3A_1011, %scatter3A_1012] : memref<2x32x128xf32, #tpu.memory_space<vmem>> -> memref<1x32x128xf32, #tpu.memory_space<vmem>>
          %scatter3A_1014 = tpu.memref_squeeze %scatter3A_1013 : memref<1x32x128xf32, #tpu.memory_space<vmem>> -> memref<32x128xf32, #tpu.memory_space<vmem>>
          tpu.vector_store_idx %scatter3A_1014[%shift_right_arithmetic3A_626, %add3A_1010], %gather3A_1007 : memref<32x128xf32, #tpu.memory_space<vmem>>[vector<16xi32>, vector<16xi32>], vector<16xf32>,
          %add3A_1015 = arith.constant 16 : i32
          %add3A_1016 = arith.addi %add3A_608, %add3A_1015 : i32
          %and3A_1017 = arith.constant 127 : i32
          %and3A_1018 = arith.andi %add3A_1016, %and3A_1017 : i32
          %eq3A_1019 = arith.constant 0 : i32
          %eq3A_1020 = arith.cmpi eq, %and3A_1018, %eq3A_1019 : i32
          %convert_element_type3A_1021 = arith.extui %eq3A_1020 : i1 to i32
          %cond3A_1022 = arith.constant 0 : i32
          %cond3A_1023 = arith.cmpi ne, %convert_element_type3A_1021, %cond3A_1022 : i32
          scf.if %cond3A_1023 {
            %shift_right_arithmetic3A_1024 = arith.constant 7 : i32
            %shift_right_arithmetic3A_1025 = arith.shrsi %add3A_1016, %shift_right_arithmetic3A_1024 : i32
            %sub3A_1026 = arith.constant 1 : i32
            %sub3A_1027 = arith.subi %shift_right_arithmetic3A_1025, %sub3A_1026 : i32
            %and3A_1028 = arith.constant 1 : i32
            %and3A_1029 = arith.andi %sub3A_1027, %and3A_1028 : i32
            %ge3A_1030 = arith.constant 1 : i32
            %ge3A_1031 = arith.cmpi sge, %sub3A_1027, %ge3A_1030 : i32
            %convert_element_type3A_1032 = arith.extui %ge3A_1031 : i1 to i32
            %cond3A_1033 = arith.constant 0 : i32
            %cond3A_1034 = arith.cmpi ne, %convert_element_type3A_1032, %cond3A_1033 : i32
            scf.if %cond3A_1034 {
              %sub3A_1052 = arith.constant 1 : i32
              %sub3A_1053 = arith.subi %sub3A_1052, %and3A_1029 : i32
              %sub3A_1054 = arith.constant 1 : i32
              %sub3A_1055 = arith.subi %sub3A_1054, %and3A_1029 : i32
              %dma_wait3A_1056 = arith.constant 0 : i32
              %dma_wait3A_1057 = arith.constant 0 : i32
              %dma_wait3A_1058 = tpu.memref_slice %arg13[%sub3A_1053, %dma_wait3A_1056, %dma_wait3A_1057] : memref<2x32x128xf32, #tpu.memory_space<vmem>> -> memref<1x32x128xf32, #tpu.memory_space<vmem>>
              %dma_wait3A_1059 = tpu.memref_squeeze %dma_wait3A_1058 : memref<1x32x128xf32, #tpu.memory_space<vmem>> -> memref<32x128xf32, #tpu.memory_space<vmem>>
              %dma_wait3A_1060 = arith.constant 0 : i32
              %dma_wait3A_1061 = arith.constant 0 : i32
              %dma_wait3A_1062 = tpu.memref_slice %arg5[%add3A, %dma_wait3A_1060, %dma_wait3A_1061] : memref<26x4832x128xf32, #tpu.memory_space<hbm>> -> memref<1x32x128xf32, #tpu.memory_space<hbm>>
              %dma_wait3A_1063 = tpu.memref_squeeze %dma_wait3A_1062 : memref<1x32x128xf32, #tpu.memory_space<hbm>> -> memref<32x128xf32, #tpu.memory_space<hbm>>
              %dma_wait3A_1064 = tpu.memref_slice %arg15[%sub3A_1055] : memref<2x!tpu.dma_semaphore, #tpu.memory_space<semaphore_mem>> -> memref<1x!tpu.dma_semaphore, #tpu.memory_space<semaphore_mem>>
              %dma_wait3A_1065 = tpu.memref_squeeze %dma_wait3A_1064 : memref<1x!tpu.dma_semaphore, #tpu.memory_space<semaphore_mem>> -> memref<!tpu.dma_semaphore, #tpu.memory_space<semaphore_mem>>
              %dma_wait3A_1066 = arith.constant 0 : i32
              %dma_wait3A_1067 = arith.constant 0 : i32
              %dma_wait3A_1068 = tpu.memref_slice %arg5[%add3A, %dma_wait3A_1066, %dma_wait3A_1067] : memref<26x4832x128xf32, #tpu.memory_space<hbm>> -> memref<1x32x128xf32, #tpu.memory_space<hbm>>
              %dma_wait3A_1069 = tpu.memref_squeeze %dma_wait3A_1068 : memref<1x32x128xf32, #tpu.memory_space<hbm>> -> memref<32x128xf32, #tpu.memory_space<hbm>>
              %dma_wait3A_1070 = arith.constant 0 : i32
              %dma_wait3A_1071 = arith.constant 0 : i32
              %dma_wait3A_1072 = tpu.memref_slice %arg13[%sub3A_1053, %dma_wait3A_1070, %dma_wait3A_1071] : memref<2x32x128xf32, #tpu.memory_space<vmem>> -> memref<1x32x128xf32, #tpu.memory_space<vmem>>
              %dma_wait3A_1073 = tpu.memref_squeeze %dma_wait3A_1072 : memref<1x32x128xf32, #tpu.memory_space<vmem>> -> memref<32x128xf32, #tpu.memory_space<vmem>>
              tpu.wait_dma2 semaphore(%dma_wait3A_1065 : memref<!tpu.dma_semaphore, #tpu.memory_space<semaphore_mem>>) src(%dma_wait3A_1073 : memref<32x128xf32, #tpu.memory_space<vmem>>) dst(%dma_wait3A_1069 : memref<32x128xf32, #tpu.memory_space<hbm>>)
            } else {
            }
            %mul3A_1035 = arith.constant 32 : i32
            %mul3A_1036 = arith.muli %sub3A_1027, %mul3A_1035 : i32
            %dma_start3A = arith.constant 0 : i32
            %dma_start3A_1037 = arith.constant 0 : i32
            %dma_start3A_1038 = tpu.memref_slice %arg13[%and3A_1029, %dma_start3A, %dma_start3A_1037] : memref<2x32x128xf32, #tpu.memory_space<vmem>> -> memref<1x32x128xf32, #tpu.memory_space<vmem>>
            %dma_start3A_1039 = tpu.memref_squeeze %dma_start3A_1038 : memref<1x32x128xf32, #tpu.memory_space<vmem>> -> memref<32x128xf32, #tpu.memory_space<vmem>>
            %dma_start3A_1040 = arith.constant 0 : i32
            %dma_start3A_1041 = tpu.memref_slice %arg5[%add3A, %mul3A_1036, %dma_start3A_1040] : memref<26x4832x128xf32, #tpu.memory_space<hbm>> -> memref<1x32x128xf32, #tpu.memory_space<hbm>>
            %dma_start3A_1042 = tpu.memref_squeeze %dma_start3A_1041 : memref<1x32x128xf32, #tpu.memory_space<hbm>> -> memref<32x128xf32, #tpu.memory_space<hbm>>
            %dma_start3A_1043 = tpu.memref_slice %arg15[%and3A_1029] : memref<2x!tpu.dma_semaphore, #tpu.memory_space<semaphore_mem>> -> memref<1x!tpu.dma_semaphore, #tpu.memory_space<semaphore_mem>>
            %dma_start3A_1044 = tpu.memref_squeeze %dma_start3A_1043 : memref<1x!tpu.dma_semaphore, #tpu.memory_space<semaphore_mem>> -> memref<!tpu.dma_semaphore, #tpu.memory_space<semaphore_mem>>
            %dma_start3A_1045 = arith.constant 0 : i32
            %dma_start3A_1046 = tpu.memref_slice %arg5[%add3A, %mul3A_1036, %dma_start3A_1045] : memref<26x4832x128xf32, #tpu.memory_space<hbm>> -> memref<1x32x128xf32, #tpu.memory_space<hbm>>
            %dma_start3A_1047 = tpu.memref_squeeze %dma_start3A_1046 : memref<1x32x128xf32, #tpu.memory_space<hbm>> -> memref<32x128xf32, #tpu.memory_space<hbm>>
            %dma_start3A_1048 = arith.constant 0 : i32
            %dma_start3A_1049 = arith.constant 0 : i32
            %dma_start3A_1050 = tpu.memref_slice %arg13[%and3A_1029, %dma_start3A_1048, %dma_start3A_1049] : memref<2x32x128xf32, #tpu.memory_space<vmem>> -> memref<1x32x128xf32, #tpu.memory_space<vmem>>
            %dma_start3A_1051 = tpu.memref_squeeze %dma_start3A_1050 : memref<1x32x128xf32, #tpu.memory_space<vmem>> -> memref<32x128xf32, #tpu.memory_space<vmem>>
            tpu.enqueue_dma source(%dma_start3A_1051 : memref<32x128xf32, #tpu.memory_space<vmem>>) target(%dma_start3A_1047 : memref<32x128xf32, #tpu.memory_space<hbm>>) target_semaphore(%dma_start3A_1044 : memref<!tpu.dma_semaphore, #tpu.memory_space<semaphore_mem>>)
          } else {
          }
        }
        %mul3A_596 = arith.constant 16 : i32
        %mul3A_597 = arith.muli %shift_right_arithmetic3A_586, %mul3A_596 : i32
        %add3A_598 = arith.addi %scan3A_491, %mul3A_597 : i32
        %mul3A_599 = arith.constant 16 : i32
        %mul3A_600 = arith.muli %shift_right_arithmetic3A_586, %mul3A_599 : i32
        %add3A_601 = arith.addi %scan3A_492, %mul3A_600 : i32
        scf.yield %add3A_598, %add3A_601 : i32, i32
      }
      %scan3A_478 = arith.constant 196 : i32
      %shift_right_arithmetic3A = arith.constant 7 : i32
      %shift_right_arithmetic3A_479 = arith.shrsi %scan3A_477#1, %shift_right_arithmetic3A : i32
      %ge3A = arith.constant 1 : i32
      %ge3A_480 = arith.cmpi sge, %shift_right_arithmetic3A_479, %ge3A : i32
      %convert_element_type3A_481 = arith.extui %ge3A_480 : i1 to i32
      %cond3A_482 = arith.constant 0 : i32
      %cond3A_483 = arith.cmpi ne, %convert_element_type3A_481, %cond3A_482 : i32
      scf.if %cond3A_483 {
        %sub3A_490 = arith.constant 1 : i32
        %sub3A_491 = arith.subi %shift_right_arithmetic3A_479, %sub3A_490 : i32
        %and3A_492 = arith.constant 1 : i32
        %and3A_493 = arith.andi %sub3A_491, %and3A_492 : i32
        %sub3A_494 = arith.constant 1 : i32
        %sub3A_495 = arith.subi %shift_right_arithmetic3A_479, %sub3A_494 : i32
        %and3A_496 = arith.constant 1 : i32
        %and3A_497 = arith.andi %sub3A_495, %and3A_496 : i32
        %dma_wait3A = arith.constant 0 : i32
        %dma_wait3A_498 = arith.constant 0 : i32
        %dma_wait3A_499 = tpu.memref_slice %arg13[%and3A_493, %dma_wait3A, %dma_wait3A_498] : memref<2x32x128xf32, #tpu.memory_space<vmem>> -> memref<1x32x128xf32, #tpu.memory_space<vmem>>
        %dma_wait3A_500 = tpu.memref_squeeze %dma_wait3A_499 : memref<1x32x128xf32, #tpu.memory_space<vmem>> -> memref<32x128xf32, #tpu.memory_space<vmem>>
        %dma_wait3A_501 = arith.constant 0 : i32
        %dma_wait3A_502 = arith.constant 0 : i32
        %dma_wait3A_503 = tpu.memref_slice %arg5[%add3A, %dma_wait3A_501, %dma_wait3A_502] : memref<26x4832x128xf32, #tpu.memory_space<hbm>> -> memref<1x32x128xf32, #tpu.memory_space<hbm>>
        %dma_wait3A_504 = tpu.memref_squeeze %dma_wait3A_503 : memref<1x32x128xf32, #tpu.memory_space<hbm>> -> memref<32x128xf32, #tpu.memory_space<hbm>>
        %dma_wait3A_505 = tpu.memref_slice %arg15[%and3A_497] : memref<2x!tpu.dma_semaphore, #tpu.memory_space<semaphore_mem>> -> memref<1x!tpu.dma_semaphore, #tpu.memory_space<semaphore_mem>>
        %dma_wait3A_506 = tpu.memref_squeeze %dma_wait3A_505 : memref<1x!tpu.dma_semaphore, #tpu.memory_space<semaphore_mem>> -> memref<!tpu.dma_semaphore, #tpu.memory_space<semaphore_mem>>
        %dma_wait3A_507 = arith.constant 0 : i32
        %dma_wait3A_508 = arith.constant 0 : i32
        %dma_wait3A_509 = tpu.memref_slice %arg5[%add3A, %dma_wait3A_507, %dma_wait3A_508] : memref<26x4832x128xf32, #tpu.memory_space<hbm>> -> memref<1x32x128xf32, #tpu.memory_space<hbm>>
        %dma_wait3A_510 = tpu.memref_squeeze %dma_wait3A_509 : memref<1x32x128xf32, #tpu.memory_space<hbm>> -> memref<32x128xf32, #tpu.memory_space<hbm>>
        %dma_wait3A_511 = arith.constant 0 : i32
        %dma_wait3A_512 = arith.constant 0 : i32
        %dma_wait3A_513 = tpu.memref_slice %arg13[%and3A_493, %dma_wait3A_511, %dma_wait3A_512] : memref<2x32x128xf32, #tpu.memory_space<vmem>> -> memref<1x32x128xf32, #tpu.memory_space<vmem>>
        %dma_wait3A_514 = tpu.memref_squeeze %dma_wait3A_513 : memref<1x32x128xf32, #tpu.memory_space<vmem>> -> memref<32x128xf32, #tpu.memory_space<vmem>>
        tpu.wait_dma2 semaphore(%dma_wait3A_506 : memref<!tpu.dma_semaphore, #tpu.memory_space<semaphore_mem>>) src(%dma_wait3A_514 : memref<32x128xf32, #tpu.memory_space<vmem>>) dst(%dma_wait3A_510 : memref<32x128xf32, #tpu.memory_space<hbm>>)
      } else {
      }
      %and3A_484 = arith.constant 127 : i32
      %and3A_485 = arith.andi %scan3A_477#1, %and3A_484 : i32
      %ne3A = arith.constant 0 : i32
      %ne3A_486 = arith.cmpi ne, %and3A_485, %ne3A : i32
      %convert_element_type3A_487 = arith.extui %ne3A_486 : i1 to i32
      %cond3A_488 = arith.constant 0 : i32
      %cond3A_489 = arith.cmpi ne, %convert_element_type3A_487, %cond3A_488 : i32
      scf.if %cond3A_489 {
        %and3A_490 = arith.constant 1 : i32
        %and3A_491 = arith.andi %shift_right_arithmetic3A_479, %and3A_490 : i32
        %mul3A_492 = arith.constant 32 : i32
        %mul3A_493 = arith.muli %shift_right_arithmetic3A_479, %mul3A_492 : i32
        "tpu.region"() ({
          %run_scoped3A = tpu.sem_alloc : memref<!tpu.dma_semaphore, #tpu.memory_space<semaphore_mem>>
          %dma_start3A = arith.constant 0 : i32
          %dma_start3A_494 = arith.constant 0 : i32
          %dma_start3A_495 = tpu.memref_slice %arg13[%and3A_491, %dma_start3A, %dma_start3A_494] : memref<2x32x128xf32, #tpu.memory_space<vmem>> -> memref<1x32x128xf32, #tpu.memory_space<vmem>>
          %dma_start3A_496 = tpu.memref_squeeze %dma_start3A_495 : memref<1x32x128xf32, #tpu.memory_space<vmem>> -> memref<32x128xf32, #tpu.memory_space<vmem>>
          %dma_start3A_497 = arith.constant 0 : i32
          %dma_start3A_498 = tpu.memref_slice %arg5[%add3A, %mul3A_493, %dma_start3A_497] : memref<26x4832x128xf32, #tpu.memory_space<hbm>> -> memref<1x32x128xf32, #tpu.memory_space<hbm>>
          %dma_start3A_499 = tpu.memref_squeeze %dma_start3A_498 : memref<1x32x128xf32, #tpu.memory_space<hbm>> -> memref<32x128xf32, #tpu.memory_space<hbm>>
          %dma_start3A_500 = arith.constant 0 : i32
          %dma_start3A_501 = tpu.memref_slice %arg5[%add3A, %mul3A_493, %dma_start3A_500] : memref<26x4832x128xf32, #tpu.memory_space<hbm>> -> memref<1x32x128xf32, #tpu.memory_space<hbm>>
          %dma_start3A_502 = tpu.memref_squeeze %dma_start3A_501 : memref<1x32x128xf32, #tpu.memory_space<hbm>> -> memref<32x128xf32, #tpu.memory_space<hbm>>
          %dma_start3A_503 = arith.constant 0 : i32
          %dma_start3A_504 = arith.constant 0 : i32
          %dma_start3A_505 = tpu.memref_slice %arg13[%and3A_491, %dma_start3A_503, %dma_start3A_504] : memref<2x32x128xf32, #tpu.memory_space<vmem>> -> memref<1x32x128xf32, #tpu.memory_space<vmem>>
          %dma_start3A_506 = tpu.memref_squeeze %dma_start3A_505 : memref<1x32x128xf32, #tpu.memory_space<vmem>> -> memref<32x128xf32, #tpu.memory_space<vmem>>
          tpu.enqueue_dma source(%dma_start3A_506 : memref<32x128xf32, #tpu.memory_space<vmem>>) target(%dma_start3A_502 : memref<32x128xf32, #tpu.memory_space<hbm>>) target_semaphore(%run_scoped3A : memref<!tpu.dma_semaphore, #tpu.memory_space<semaphore_mem>>)
          %dma_wait3A = arith.constant 0 : i32
          %dma_wait3A_507 = arith.constant 0 : i32
          %dma_wait3A_508 = tpu.memref_slice %arg13[%and3A_491, %dma_wait3A, %dma_wait3A_507] : memref<2x32x128xf32, #tpu.memory_space<vmem>> -> memref<1x32x128xf32, #tpu.memory_space<vmem>>
          %dma_wait3A_509 = tpu.memref_squeeze %dma_wait3A_508 : memref<1x32x128xf32, #tpu.memory_space<vmem>> -> memref<32x128xf32, #tpu.memory_space<vmem>>
          %dma_wait3A_510 = arith.constant 0 : i32
          %dma_wait3A_511 = tpu.memref_slice %arg5[%add3A, %mul3A_493, %dma_wait3A_510] : memref<26x4832x128xf32, #tpu.memory_space<hbm>> -> memref<1x32x128xf32, #tpu.memory_space<hbm>>
          %dma_wait3A_512 = tpu.memref_squeeze %dma_wait3A_511 : memref<1x32x128xf32, #tpu.memory_space<hbm>> -> memref<32x128xf32, #tpu.memory_space<hbm>>
          %dma_wait3A_513 = arith.constant 0 : i32
          %dma_wait3A_514 = tpu.memref_slice %arg5[%add3A, %mul3A_493, %dma_wait3A_513] : memref<26x4832x128xf32, #tpu.memory_space<hbm>> -> memref<1x32x128xf32, #tpu.memory_space<hbm>>
          %dma_wait3A_515 = tpu.memref_squeeze %dma_wait3A_514 : memref<1x32x128xf32, #tpu.memory_space<hbm>> -> memref<32x128xf32, #tpu.memory_space<hbm>>
          %dma_wait3A_516 = arith.constant 0 : i32
          %dma_wait3A_517 = arith.constant 0 : i32
          %dma_wait3A_518 = tpu.memref_slice %arg13[%and3A_491, %dma_wait3A_516, %dma_wait3A_517] : memref<2x32x128xf32, #tpu.memory_space<vmem>> -> memref<1x32x128xf32, #tpu.memory_space<vmem>>
          %dma_wait3A_519 = tpu.memref_squeeze %dma_wait3A_518 : memref<1x32x128xf32, #tpu.memory_space<vmem>> -> memref<32x128xf32, #tpu.memory_space<vmem>>
          tpu.wait_dma2 semaphore(%run_scoped3A : memref<!tpu.dma_semaphore, #tpu.memory_space<semaphore_mem>>) src(%dma_wait3A_519 : memref<32x128xf32, #tpu.memory_space<vmem>>) dst(%dma_wait3A_515 : memref<32x128xf32, #tpu.memory_space<hbm>>)
          tpu.yield
        }) : () -> ()
      } else {
      }
    } else {
    }
    return
  }
}

#map = affine_map<(d0, d1) -> (0, 0)>
module attributes {stable_mosaic.version = 14 : i64} {
  func.func @_call2_body(%arg0: i32, %arg1: i32, %arg2: memref<502528x32xf32, #tpu.memory_space<hbm>>, %arg3: memref<26x16384xi32, #tpu.memory_space<hbm>>, %arg4: memref<425984x32xf32, #tpu.memory_space<hbm>>, %arg5: memref<26x512xi32, #tpu.memory_space<vmem>>, %arg6: memref<104x128xi32, #tpu.memory_space<vmem>>, %arg7: memref<8x128x32xf32, #tpu.memory_space<vmem>>, %arg8: memref<8x!tpu.dma_semaphore, #tpu.memory_space<semaphore_mem>>, %arg9: memref<8x!tpu.dma_semaphore, #tpu.memory_space<semaphore_mem>>) attributes {dimension_semantics = [#tpu.dimension_semantics<core_parallel>, #tpu.dimension_semantics<subcore_parallel>], iteration_bounds = array<i64: 2, 16>, scalar_prefetch = 0 : i64, scratch_operands = 5 : i64, tpu.core_type = #tpu.core_type<sc_vector_subcore>, window_params = [{transform_indices = #map}, {transform_indices = #map}, {transform_indices = #map}]} {
    %mul3A = arith.constant 2 : i32
    %mul3A_0 = arith.muli %arg1, %mul3A : i32
    %add3A = arith.addi %mul3A_0, %arg0 : i32
    %mul3A_1 = arith.constant 512 : i32
    %mul3A_2 = arith.muli %add3A, %mul3A_1 : i32
    %mul3A_3 = arith.constant 104 : i32
    %mul3A_4 = arith.muli %add3A, %mul3A_3 : i32
    "tpu.region"() ({
      %run_scoped3A = tpu.sem_alloc : memref<!tpu.dma_semaphore, #tpu.memory_space<semaphore_mem>>
      %dma_start3A_279 = arith.constant 0 : i32
      %dma_start3A_280 = tpu.memref_slice %arg3[%dma_start3A_279, %mul3A_2] : memref<26x16384xi32, #tpu.memory_space<hbm>> -> memref<26x512xi32, #tpu.memory_space<hbm>>
      %dma_start3A_281 = arith.constant 0 : i32
      %dma_start3A_282 = tpu.memref_slice %arg3[%dma_start3A_281, %mul3A_2] : memref<26x16384xi32, #tpu.memory_space<hbm>> -> memref<26x512xi32, #tpu.memory_space<hbm>>
      tpu.enqueue_dma source(%dma_start3A_282 : memref<26x512xi32, #tpu.memory_space<hbm>>) target(%arg5 : memref<26x512xi32, #tpu.memory_space<vmem>>) target_semaphore(%run_scoped3A : memref<!tpu.dma_semaphore, #tpu.memory_space<semaphore_mem>>)
      %dma_wait3A_283 = arith.constant 0 : i32
      %dma_wait3A_284 = tpu.memref_slice %arg3[%dma_wait3A_283, %mul3A_2] : memref<26x16384xi32, #tpu.memory_space<hbm>> -> memref<26x512xi32, #tpu.memory_space<hbm>>
      %dma_wait3A_285 = arith.constant 0 : i32
      %dma_wait3A_286 = tpu.memref_slice %arg3[%dma_wait3A_285, %mul3A_2] : memref<26x16384xi32, #tpu.memory_space<hbm>> -> memref<26x512xi32, #tpu.memory_space<hbm>>
      tpu.wait_dma2 semaphore(%run_scoped3A : memref<!tpu.dma_semaphore, #tpu.memory_space<semaphore_mem>>) src(%dma_wait3A_286 : memref<26x512xi32, #tpu.memory_space<hbm>>) dst(%arg5 : memref<26x512xi32, #tpu.memory_space<vmem>>)
      tpu.yield
    }) : () -> ()
    %iota3A = tpu.iota {dimensions = array<i32: 0>} : vector<16xi32>
    %scan3A = arith.constant 0 : i32
    %scan3A_5 = arith.constant 40330 : i32
    %scan3A_6 = arith.constant 0 : i32
    %scan3A_7 = arith.constant 832 : i32
    %scan3A_8 = arith.addi %scan3A_6, %scan3A_7 : i32
    %scan3A_9 = arith.constant 1 : i32
    scf.for %scan3A_279 = %scan3A_6 to %scan3A_8 step %scan3A_9  : i32 {
      %mul3A_280 = arith.constant 16 : i32
      %mul3A_281 = arith.muli %scan3A_279, %mul3A_280 : i32
      %add3A_282 = vector.broadcast %mul3A_281 : i32 to vector<16xi32>
      %add3A_283 = arith.addi %iota3A, %add3A_282 : vector<16xi32>
      %mul3A_284 = vector.broadcast %scan3A_5 : i32 to vector<16xi32>
      %mul3A_285 = arith.muli %add3A_283, %mul3A_284 : vector<16xi32>
      %shift_right_arithmetic3A = arith.constant 20 : i32
      %shift_right_arithmetic3A_286 = vector.broadcast %shift_right_arithmetic3A : i32 to vector<16xi32>
      %shift_right_arithmetic3A_287 = arith.shrsi %mul3A_285, %shift_right_arithmetic3A_286 : vector<16xi32>
      %mul3A_288 = arith.constant 26 : i32
      %mul3A_289 = vector.broadcast %mul3A_288 : i32 to vector<16xi32>
      %mul3A_290 = arith.muli %shift_right_arithmetic3A_287, %mul3A_289 : vector<16xi32>
      %sub3A = arith.subi %add3A_283, %mul3A_290 : vector<16xi32>
      %gather3A = tpu.vector_load_idx %arg5[%sub3A, %shift_right_arithmetic3A_287] : memref<26x512xi32, #tpu.memory_space<vmem>>[vector<16xi32>, vector<16xi32>], vector<16xi32>,
      %shift_right_arithmetic3A_291 = arith.constant 3 : i32
      %shift_right_arithmetic3A_292 = arith.shrsi %scan3A_279, %shift_right_arithmetic3A_291 : i32
      %and3A = arith.constant 7 : i32
      %and3A_293 = arith.andi %scan3A_279, %and3A : i32
      %mul3A_294 = arith.constant 16 : i32
      %mul3A_295 = arith.muli %and3A_293, %mul3A_294 : i32
      %swap3A = arith.index_cast %shift_right_arithmetic3A_292 : i32 to index
      %swap3A_296 = arith.index_cast %mul3A_295 : i32 to index
      %swap3A_297 = tpu.vector_load %arg6[%swap3A, %swap3A_296] {strides = array<i32>} : memref<104x128xi32, #tpu.memory_space<vmem>>, vector<16xi32>,
      tpu.vector_store %arg6[%swap3A, %swap3A_296], %gather3A {strides = array<i32>} : memref<104x128xi32, #tpu.memory_space<vmem>>, vector<16xi32>,
    }
    %scan3A_10 = arith.constant 832 : i32
    %dma_start3A = arith.constant 0 : i32
    %dma_start3A_11 = arith.constant 0 : i32
    %dma_start3A_12 = arith.constant 0 : i32
    %dma_start3A_13 = arith.constant 0 : i32
    %dma_start3A_14 = arith.constant 0 : i32
    %dma_start3A_15 = tpu.memref_slice %arg7[%dma_start3A_11, %dma_start3A_13, %dma_start3A_14] : memref<8x128x32xf32, #tpu.memory_space<vmem>> -> memref<1x128x32xf32, #tpu.memory_space<vmem>>
    %dma_start3A_16 = tpu.memref_squeeze %dma_start3A_15 : memref<1x128x32xf32, #tpu.memory_space<vmem>> -> memref<128x32xf32, #tpu.memory_space<vmem>>
    %dma_start3A_17 = arith.constant 0 : i32
    %dma_start3A_18 = tpu.memref_slice %arg6[%dma_start3A, %dma_start3A_17] : memref<104x128xi32, #tpu.memory_space<vmem>> -> memref<1x128xi32, #tpu.memory_space<vmem>>
    %dma_start3A_19 = tpu.memref_squeeze %dma_start3A_18 : memref<1x128xi32, #tpu.memory_space<vmem>> -> memref<128xi32, #tpu.memory_space<vmem>>
    %dma_start3A_20 = arith.constant 0 : i32
    %dma_start3A_21 = arith.constant 0 : i32
    %dma_start3A_22 = tpu.memref_slice %arg2[%dma_start3A_20, %dma_start3A_21] : memref<502528x32xf32, #tpu.memory_space<hbm>> -> memref<502528x32xf32, #tpu.memory_space<hbm>>
    %dma_start3A_23 = tpu.memref_slice %arg8[%dma_start3A_12] : memref<8x!tpu.dma_semaphore, #tpu.memory_space<semaphore_mem>> -> memref<1x!tpu.dma_semaphore, #tpu.memory_space<semaphore_mem>>
    %dma_start3A_24 = tpu.memref_squeeze %dma_start3A_23 : memref<1x!tpu.dma_semaphore, #tpu.memory_space<semaphore_mem>> -> memref<!tpu.dma_semaphore, #tpu.memory_space<semaphore_mem>>
    tpu.enqueue_indirect_dma source(%dma_start3A_22 : memref<502528x32xf32, #tpu.memory_space<hbm>>) target(%dma_start3A_16 : memref<128x32xf32, #tpu.memory_space<vmem>>) offsets(%dma_start3A_19 : memref<128xi32, #tpu.memory_space<vmem>>) semaphore(%dma_start3A_24 : memref<!tpu.dma_semaphore, #tpu.memory_space<semaphore_mem>>)
    %dma_start3A_25 = arith.constant 1 : i32
    %dma_start3A_26 = arith.constant 1 : i32
    %dma_start3A_27 = arith.constant 1 : i32
    %dma_start3A_28 = arith.constant 0 : i32
    %dma_start3A_29 = arith.constant 0 : i32
    %dma_start3A_30 = tpu.memref_slice %arg7[%dma_start3A_26, %dma_start3A_28, %dma_start3A_29] : memref<8x128x32xf32, #tpu.memory_space<vmem>> -> memref<1x128x32xf32, #tpu.memory_space<vmem>>
    %dma_start3A_31 = tpu.memref_squeeze %dma_start3A_30 : memref<1x128x32xf32, #tpu.memory_space<vmem>> -> memref<128x32xf32, #tpu.memory_space<vmem>>
    %dma_start3A_32 = arith.constant 0 : i32
    %dma_start3A_33 = tpu.memref_slice %arg6[%dma_start3A_25, %dma_start3A_32] : memref<104x128xi32, #tpu.memory_space<vmem>> -> memref<1x128xi32, #tpu.memory_space<vmem>>
    %dma_start3A_34 = tpu.memref_squeeze %dma_start3A_33 : memref<1x128xi32, #tpu.memory_space<vmem>> -> memref<128xi32, #tpu.memory_space<vmem>>
    %dma_start3A_35 = arith.constant 0 : i32
    %dma_start3A_36 = arith.constant 0 : i32
    %dma_start3A_37 = tpu.memref_slice %arg2[%dma_start3A_35, %dma_start3A_36] : memref<502528x32xf32, #tpu.memory_space<hbm>> -> memref<502528x32xf32, #tpu.memory_space<hbm>>
    %dma_start3A_38 = tpu.memref_slice %arg8[%dma_start3A_27] : memref<8x!tpu.dma_semaphore, #tpu.memory_space<semaphore_mem>> -> memref<1x!tpu.dma_semaphore, #tpu.memory_space<semaphore_mem>>
    %dma_start3A_39 = tpu.memref_squeeze %dma_start3A_38 : memref<1x!tpu.dma_semaphore, #tpu.memory_space<semaphore_mem>> -> memref<!tpu.dma_semaphore, #tpu.memory_space<semaphore_mem>>
    tpu.enqueue_indirect_dma source(%dma_start3A_37 : memref<502528x32xf32, #tpu.memory_space<hbm>>) target(%dma_start3A_31 : memref<128x32xf32, #tpu.memory_space<vmem>>) offsets(%dma_start3A_34 : memref<128xi32, #tpu.memory_space<vmem>>) semaphore(%dma_start3A_39 : memref<!tpu.dma_semaphore, #tpu.memory_space<semaphore_mem>>)
    %dma_start3A_40 = arith.constant 2 : i32
    %dma_start3A_41 = arith.constant 2 : i32
    %dma_start3A_42 = arith.constant 2 : i32
    %dma_start3A_43 = arith.constant 0 : i32
    %dma_start3A_44 = arith.constant 0 : i32
    %dma_start3A_45 = tpu.memref_slice %arg7[%dma_start3A_41, %dma_start3A_43, %dma_start3A_44] : memref<8x128x32xf32, #tpu.memory_space<vmem>> -> memref<1x128x32xf32, #tpu.memory_space<vmem>>
    %dma_start3A_46 = tpu.memref_squeeze %dma_start3A_45 : memref<1x128x32xf32, #tpu.memory_space<vmem>> -> memref<128x32xf32, #tpu.memory_space<vmem>>
    %dma_start3A_47 = arith.constant 0 : i32
    %dma_start3A_48 = tpu.memref_slice %arg6[%dma_start3A_40, %dma_start3A_47] : memref<104x128xi32, #tpu.memory_space<vmem>> -> memref<1x128xi32, #tpu.memory_space<vmem>>
    %dma_start3A_49 = tpu.memref_squeeze %dma_start3A_48 : memref<1x128xi32, #tpu.memory_space<vmem>> -> memref<128xi32, #tpu.memory_space<vmem>>
    %dma_start3A_50 = arith.constant 0 : i32
    %dma_start3A_51 = arith.constant 0 : i32
    %dma_start3A_52 = tpu.memref_slice %arg2[%dma_start3A_50, %dma_start3A_51] : memref<502528x32xf32, #tpu.memory_space<hbm>> -> memref<502528x32xf32, #tpu.memory_space<hbm>>
    %dma_start3A_53 = tpu.memref_slice %arg8[%dma_start3A_42] : memref<8x!tpu.dma_semaphore, #tpu.memory_space<semaphore_mem>> -> memref<1x!tpu.dma_semaphore, #tpu.memory_space<semaphore_mem>>
    %dma_start3A_54 = tpu.memref_squeeze %dma_start3A_53 : memref<1x!tpu.dma_semaphore, #tpu.memory_space<semaphore_mem>> -> memref<!tpu.dma_semaphore, #tpu.memory_space<semaphore_mem>>
    tpu.enqueue_indirect_dma source(%dma_start3A_52 : memref<502528x32xf32, #tpu.memory_space<hbm>>) target(%dma_start3A_46 : memref<128x32xf32, #tpu.memory_space<vmem>>) offsets(%dma_start3A_49 : memref<128xi32, #tpu.memory_space<vmem>>) semaphore(%dma_start3A_54 : memref<!tpu.dma_semaphore, #tpu.memory_space<semaphore_mem>>)
    %dma_start3A_55 = arith.constant 3 : i32
    %dma_start3A_56 = arith.constant 3 : i32
    %dma_start3A_57 = arith.constant 3 : i32
    %dma_start3A_58 = arith.constant 0 : i32
    %dma_start3A_59 = arith.constant 0 : i32
    %dma_start3A_60 = tpu.memref_slice %arg7[%dma_start3A_56, %dma_start3A_58, %dma_start3A_59] : memref<8x128x32xf32, #tpu.memory_space<vmem>> -> memref<1x128x32xf32, #tpu.memory_space<vmem>>
    %dma_start3A_61 = tpu.memref_squeeze %dma_start3A_60 : memref<1x128x32xf32, #tpu.memory_space<vmem>> -> memref<128x32xf32, #tpu.memory_space<vmem>>
    %dma_start3A_62 = arith.constant 0 : i32
    %dma_start3A_63 = tpu.memref_slice %arg6[%dma_start3A_55, %dma_start3A_62] : memref<104x128xi32, #tpu.memory_space<vmem>> -> memref<1x128xi32, #tpu.memory_space<vmem>>
    %dma_start3A_64 = tpu.memref_squeeze %dma_start3A_63 : memref<1x128xi32, #tpu.memory_space<vmem>> -> memref<128xi32, #tpu.memory_space<vmem>>
    %dma_start3A_65 = arith.constant 0 : i32
    %dma_start3A_66 = arith.constant 0 : i32
    %dma_start3A_67 = tpu.memref_slice %arg2[%dma_start3A_65, %dma_start3A_66] : memref<502528x32xf32, #tpu.memory_space<hbm>> -> memref<502528x32xf32, #tpu.memory_space<hbm>>
    %dma_start3A_68 = tpu.memref_slice %arg8[%dma_start3A_57] : memref<8x!tpu.dma_semaphore, #tpu.memory_space<semaphore_mem>> -> memref<1x!tpu.dma_semaphore, #tpu.memory_space<semaphore_mem>>
    %dma_start3A_69 = tpu.memref_squeeze %dma_start3A_68 : memref<1x!tpu.dma_semaphore, #tpu.memory_space<semaphore_mem>> -> memref<!tpu.dma_semaphore, #tpu.memory_space<semaphore_mem>>
    tpu.enqueue_indirect_dma source(%dma_start3A_67 : memref<502528x32xf32, #tpu.memory_space<hbm>>) target(%dma_start3A_61 : memref<128x32xf32, #tpu.memory_space<vmem>>) offsets(%dma_start3A_64 : memref<128xi32, #tpu.memory_space<vmem>>) semaphore(%dma_start3A_69 : memref<!tpu.dma_semaphore, #tpu.memory_space<semaphore_mem>>)
    %dma_start3A_70 = arith.constant 4 : i32
    %dma_start3A_71 = arith.constant 4 : i32
    %dma_start3A_72 = arith.constant 4 : i32
    %dma_start3A_73 = arith.constant 0 : i32
    %dma_start3A_74 = arith.constant 0 : i32
    %dma_start3A_75 = tpu.memref_slice %arg7[%dma_start3A_71, %dma_start3A_73, %dma_start3A_74] : memref<8x128x32xf32, #tpu.memory_space<vmem>> -> memref<1x128x32xf32, #tpu.memory_space<vmem>>
    %dma_start3A_76 = tpu.memref_squeeze %dma_start3A_75 : memref<1x128x32xf32, #tpu.memory_space<vmem>> -> memref<128x32xf32, #tpu.memory_space<vmem>>
    %dma_start3A_77 = arith.constant 0 : i32
    %dma_start3A_78 = tpu.memref_slice %arg6[%dma_start3A_70, %dma_start3A_77] : memref<104x128xi32, #tpu.memory_space<vmem>> -> memref<1x128xi32, #tpu.memory_space<vmem>>
    %dma_start3A_79 = tpu.memref_squeeze %dma_start3A_78 : memref<1x128xi32, #tpu.memory_space<vmem>> -> memref<128xi32, #tpu.memory_space<vmem>>
    %dma_start3A_80 = arith.constant 0 : i32
    %dma_start3A_81 = arith.constant 0 : i32
    %dma_start3A_82 = tpu.memref_slice %arg2[%dma_start3A_80, %dma_start3A_81] : memref<502528x32xf32, #tpu.memory_space<hbm>> -> memref<502528x32xf32, #tpu.memory_space<hbm>>
    %dma_start3A_83 = tpu.memref_slice %arg8[%dma_start3A_72] : memref<8x!tpu.dma_semaphore, #tpu.memory_space<semaphore_mem>> -> memref<1x!tpu.dma_semaphore, #tpu.memory_space<semaphore_mem>>
    %dma_start3A_84 = tpu.memref_squeeze %dma_start3A_83 : memref<1x!tpu.dma_semaphore, #tpu.memory_space<semaphore_mem>> -> memref<!tpu.dma_semaphore, #tpu.memory_space<semaphore_mem>>
    tpu.enqueue_indirect_dma source(%dma_start3A_82 : memref<502528x32xf32, #tpu.memory_space<hbm>>) target(%dma_start3A_76 : memref<128x32xf32, #tpu.memory_space<vmem>>) offsets(%dma_start3A_79 : memref<128xi32, #tpu.memory_space<vmem>>) semaphore(%dma_start3A_84 : memref<!tpu.dma_semaphore, #tpu.memory_space<semaphore_mem>>)
    %dma_start3A_85 = arith.constant 5 : i32
    %dma_start3A_86 = arith.constant 5 : i32
    %dma_start3A_87 = arith.constant 5 : i32
    %dma_start3A_88 = arith.constant 0 : i32
    %dma_start3A_89 = arith.constant 0 : i32
    %dma_start3A_90 = tpu.memref_slice %arg7[%dma_start3A_86, %dma_start3A_88, %dma_start3A_89] : memref<8x128x32xf32, #tpu.memory_space<vmem>> -> memref<1x128x32xf32, #tpu.memory_space<vmem>>
    %dma_start3A_91 = tpu.memref_squeeze %dma_start3A_90 : memref<1x128x32xf32, #tpu.memory_space<vmem>> -> memref<128x32xf32, #tpu.memory_space<vmem>>
    %dma_start3A_92 = arith.constant 0 : i32
    %dma_start3A_93 = tpu.memref_slice %arg6[%dma_start3A_85, %dma_start3A_92] : memref<104x128xi32, #tpu.memory_space<vmem>> -> memref<1x128xi32, #tpu.memory_space<vmem>>
    %dma_start3A_94 = tpu.memref_squeeze %dma_start3A_93 : memref<1x128xi32, #tpu.memory_space<vmem>> -> memref<128xi32, #tpu.memory_space<vmem>>
    %dma_start3A_95 = arith.constant 0 : i32
    %dma_start3A_96 = arith.constant 0 : i32
    %dma_start3A_97 = tpu.memref_slice %arg2[%dma_start3A_95, %dma_start3A_96] : memref<502528x32xf32, #tpu.memory_space<hbm>> -> memref<502528x32xf32, #tpu.memory_space<hbm>>
    %dma_start3A_98 = tpu.memref_slice %arg8[%dma_start3A_87] : memref<8x!tpu.dma_semaphore, #tpu.memory_space<semaphore_mem>> -> memref<1x!tpu.dma_semaphore, #tpu.memory_space<semaphore_mem>>
    %dma_start3A_99 = tpu.memref_squeeze %dma_start3A_98 : memref<1x!tpu.dma_semaphore, #tpu.memory_space<semaphore_mem>> -> memref<!tpu.dma_semaphore, #tpu.memory_space<semaphore_mem>>
    tpu.enqueue_indirect_dma source(%dma_start3A_97 : memref<502528x32xf32, #tpu.memory_space<hbm>>) target(%dma_start3A_91 : memref<128x32xf32, #tpu.memory_space<vmem>>) offsets(%dma_start3A_94 : memref<128xi32, #tpu.memory_space<vmem>>) semaphore(%dma_start3A_99 : memref<!tpu.dma_semaphore, #tpu.memory_space<semaphore_mem>>)
    %dma_start3A_100 = arith.constant 6 : i32
    %dma_start3A_101 = arith.constant 6 : i32
    %dma_start3A_102 = arith.constant 6 : i32
    %dma_start3A_103 = arith.constant 0 : i32
    %dma_start3A_104 = arith.constant 0 : i32
    %dma_start3A_105 = tpu.memref_slice %arg7[%dma_start3A_101, %dma_start3A_103, %dma_start3A_104] : memref<8x128x32xf32, #tpu.memory_space<vmem>> -> memref<1x128x32xf32, #tpu.memory_space<vmem>>
    %dma_start3A_106 = tpu.memref_squeeze %dma_start3A_105 : memref<1x128x32xf32, #tpu.memory_space<vmem>> -> memref<128x32xf32, #tpu.memory_space<vmem>>
    %dma_start3A_107 = arith.constant 0 : i32
    %dma_start3A_108 = tpu.memref_slice %arg6[%dma_start3A_100, %dma_start3A_107] : memref<104x128xi32, #tpu.memory_space<vmem>> -> memref<1x128xi32, #tpu.memory_space<vmem>>
    %dma_start3A_109 = tpu.memref_squeeze %dma_start3A_108 : memref<1x128xi32, #tpu.memory_space<vmem>> -> memref<128xi32, #tpu.memory_space<vmem>>
    %dma_start3A_110 = arith.constant 0 : i32
    %dma_start3A_111 = arith.constant 0 : i32
    %dma_start3A_112 = tpu.memref_slice %arg2[%dma_start3A_110, %dma_start3A_111] : memref<502528x32xf32, #tpu.memory_space<hbm>> -> memref<502528x32xf32, #tpu.memory_space<hbm>>
    %dma_start3A_113 = tpu.memref_slice %arg8[%dma_start3A_102] : memref<8x!tpu.dma_semaphore, #tpu.memory_space<semaphore_mem>> -> memref<1x!tpu.dma_semaphore, #tpu.memory_space<semaphore_mem>>
    %dma_start3A_114 = tpu.memref_squeeze %dma_start3A_113 : memref<1x!tpu.dma_semaphore, #tpu.memory_space<semaphore_mem>> -> memref<!tpu.dma_semaphore, #tpu.memory_space<semaphore_mem>>
    tpu.enqueue_indirect_dma source(%dma_start3A_112 : memref<502528x32xf32, #tpu.memory_space<hbm>>) target(%dma_start3A_106 : memref<128x32xf32, #tpu.memory_space<vmem>>) offsets(%dma_start3A_109 : memref<128xi32, #tpu.memory_space<vmem>>) semaphore(%dma_start3A_114 : memref<!tpu.dma_semaphore, #tpu.memory_space<semaphore_mem>>)
    %dma_start3A_115 = arith.constant 7 : i32
    %dma_start3A_116 = arith.constant 7 : i32
    %dma_start3A_117 = arith.constant 7 : i32
    %dma_start3A_118 = arith.constant 0 : i32
    %dma_start3A_119 = arith.constant 0 : i32
    %dma_start3A_120 = tpu.memref_slice %arg7[%dma_start3A_116, %dma_start3A_118, %dma_start3A_119] : memref<8x128x32xf32, #tpu.memory_space<vmem>> -> memref<1x128x32xf32, #tpu.memory_space<vmem>>
    %dma_start3A_121 = tpu.memref_squeeze %dma_start3A_120 : memref<1x128x32xf32, #tpu.memory_space<vmem>> -> memref<128x32xf32, #tpu.memory_space<vmem>>
    %dma_start3A_122 = arith.constant 0 : i32
    %dma_start3A_123 = tpu.memref_slice %arg6[%dma_start3A_115, %dma_start3A_122] : memref<104x128xi32, #tpu.memory_space<vmem>> -> memref<1x128xi32, #tpu.memory_space<vmem>>
    %dma_start3A_124 = tpu.memref_squeeze %dma_start3A_123 : memref<1x128xi32, #tpu.memory_space<vmem>> -> memref<128xi32, #tpu.memory_space<vmem>>
    %dma_start3A_125 = arith.constant 0 : i32
    %dma_start3A_126 = arith.constant 0 : i32
    %dma_start3A_127 = tpu.memref_slice %arg2[%dma_start3A_125, %dma_start3A_126] : memref<502528x32xf32, #tpu.memory_space<hbm>> -> memref<502528x32xf32, #tpu.memory_space<hbm>>
    %dma_start3A_128 = tpu.memref_slice %arg8[%dma_start3A_117] : memref<8x!tpu.dma_semaphore, #tpu.memory_space<semaphore_mem>> -> memref<1x!tpu.dma_semaphore, #tpu.memory_space<semaphore_mem>>
    %dma_start3A_129 = tpu.memref_squeeze %dma_start3A_128 : memref<1x!tpu.dma_semaphore, #tpu.memory_space<semaphore_mem>> -> memref<!tpu.dma_semaphore, #tpu.memory_space<semaphore_mem>>
    tpu.enqueue_indirect_dma source(%dma_start3A_127 : memref<502528x32xf32, #tpu.memory_space<hbm>>) target(%dma_start3A_121 : memref<128x32xf32, #tpu.memory_space<vmem>>) offsets(%dma_start3A_124 : memref<128xi32, #tpu.memory_space<vmem>>) semaphore(%dma_start3A_129 : memref<!tpu.dma_semaphore, #tpu.memory_space<semaphore_mem>>)
    %scan3A_130 = arith.constant 0 : i32
    %scan3A_131 = arith.constant 0 : i32
    %scan3A_132 = arith.constant 13 : i32
    %scan3A_133 = arith.addi %scan3A_131, %scan3A_132 : i32
    %scan3A_134 = arith.constant 1 : i32
    scf.for %scan3A_279 = %scan3A_131 to %scan3A_133 step %scan3A_134  : i32 {
      %mul3A_280 = arith.constant 8 : i32
      %mul3A_281 = arith.muli %scan3A_279, %mul3A_280 : i32
      %dma_wait3A_282 = arith.constant 0 : i32
      %dma_wait3A_283 = arith.constant 0 : i32
      %dma_wait3A_284 = arith.constant 0 : i32
      %dma_wait3A_285 = arith.constant 0 : i32
      %dma_wait3A_286 = arith.constant 0 : i32
      %dma_wait3A_287 = tpu.memref_slice %arg7[%dma_wait3A_283, %dma_wait3A_285, %dma_wait3A_286] : memref<8x128x32xf32, #tpu.memory_space<vmem>> -> memref<1x128x32xf32, #tpu.memory_space<vmem>>
      %dma_wait3A_288 = tpu.memref_squeeze %dma_wait3A_287 : memref<1x128x32xf32, #tpu.memory_space<vmem>> -> memref<128x32xf32, #tpu.memory_space<vmem>>
      %dma_wait3A_289 = arith.constant 0 : i32
      %dma_wait3A_290 = tpu.memref_slice %arg6[%dma_wait3A_282, %dma_wait3A_289] : memref<104x128xi32, #tpu.memory_space<vmem>> -> memref<1x128xi32, #tpu.memory_space<vmem>>
      %dma_wait3A_291 = tpu.memref_squeeze %dma_wait3A_290 : memref<1x128xi32, #tpu.memory_space<vmem>> -> memref<128xi32, #tpu.memory_space<vmem>>
      %dma_wait3A_292 = arith.constant 0 : i32
      %dma_wait3A_293 = arith.constant 0 : i32
      %dma_wait3A_294 = tpu.memref_slice %arg2[%dma_wait3A_292, %dma_wait3A_293] : memref<502528x32xf32, #tpu.memory_space<hbm>> -> memref<502528x32xf32, #tpu.memory_space<hbm>>
      %dma_wait3A_295 = tpu.memref_slice %arg8[%dma_wait3A_284] : memref<8x!tpu.dma_semaphore, #tpu.memory_space<semaphore_mem>> -> memref<1x!tpu.dma_semaphore, #tpu.memory_space<semaphore_mem>>
      %dma_wait3A_296 = tpu.memref_squeeze %dma_wait3A_295 : memref<1x!tpu.dma_semaphore, #tpu.memory_space<semaphore_mem>> -> memref<!tpu.dma_semaphore, #tpu.memory_space<semaphore_mem>>
      tpu.wait_indirect_dma semaphore(%dma_wait3A_296 : memref<!tpu.dma_semaphore, #tpu.memory_space<semaphore_mem>>) src(%dma_wait3A_294 : memref<502528x32xf32, #tpu.memory_space<hbm>>) dst(%dma_wait3A_288 : memref<128x32xf32, #tpu.memory_space<vmem>>)
      %add3A_297 = arith.constant 0 : i32
      %add3A_298 = arith.addi %mul3A_281, %add3A_297 : i32
      %add3A_299 = arith.addi %mul3A_4, %add3A_298 : i32
      %mul3A_300 = arith.constant 128 : i32
      %mul3A_301 = arith.muli %add3A_299, %mul3A_300 : i32
      %dma_start3A_302 = arith.constant 0 : i32
      %dma_start3A_303 = arith.constant 0 : i32
      %dma_start3A_304 = arith.constant 0 : i32
      %dma_start3A_305 = arith.constant 0 : i32
      %dma_start3A_306 = tpu.memref_slice %arg7[%dma_start3A_302, %dma_start3A_304, %dma_start3A_305] : memref<8x128x32xf32, #tpu.memory_space<vmem>> -> memref<1x128x32xf32, #tpu.memory_space<vmem>>
      %dma_start3A_307 = tpu.memref_squeeze %dma_start3A_306 : memref<1x128x32xf32, #tpu.memory_space<vmem>> -> memref<128x32xf32, #tpu.memory_space<vmem>>
      %dma_start3A_308 = arith.constant 0 : i32
      %dma_start3A_309 = tpu.memref_slice %arg4[%mul3A_301, %dma_start3A_308] : memref<425984x32xf32, #tpu.memory_space<hbm>> -> memref<128x32xf32, #tpu.memory_space<hbm>>
      %dma_start3A_310 = tpu.memref_slice %arg9[%dma_start3A_303] : memref<8x!tpu.dma_semaphore, #tpu.memory_space<semaphore_mem>> -> memref<1x!tpu.dma_semaphore, #tpu.memory_space<semaphore_mem>>
      %dma_start3A_311 = tpu.memref_squeeze %dma_start3A_310 : memref<1x!tpu.dma_semaphore, #tpu.memory_space<semaphore_mem>> -> memref<!tpu.dma_semaphore, #tpu.memory_space<semaphore_mem>>
      %dma_start3A_312 = arith.constant 0 : i32
      %dma_start3A_313 = tpu.memref_slice %arg4[%mul3A_301, %dma_start3A_312] : memref<425984x32xf32, #tpu.memory_space<hbm>> -> memref<128x32xf32, #tpu.memory_space<hbm>>
      %dma_start3A_314 = arith.constant 0 : i32
      %dma_start3A_315 = arith.constant 0 : i32
      %dma_start3A_316 = tpu.memref_slice %arg7[%dma_start3A_302, %dma_start3A_314, %dma_start3A_315] : memref<8x128x32xf32, #tpu.memory_space<vmem>> -> memref<1x128x32xf32, #tpu.memory_space<vmem>>
      %dma_start3A_317 = tpu.memref_squeeze %dma_start3A_316 : memref<1x128x32xf32, #tpu.memory_space<vmem>> -> memref<128x32xf32, #tpu.memory_space<vmem>>
      tpu.enqueue_dma source(%dma_start3A_317 : memref<128x32xf32, #tpu.memory_space<vmem>>) target(%dma_start3A_313 : memref<128x32xf32, #tpu.memory_space<hbm>>) target_semaphore(%dma_start3A_311 : memref<!tpu.dma_semaphore, #tpu.memory_space<semaphore_mem>>)
      %dma_wait3A_318 = arith.constant 0 : i32
      %dma_wait3A_319 = arith.constant 1 : i32
      %dma_wait3A_320 = arith.constant 1 : i32
      %dma_wait3A_321 = arith.constant 0 : i32
      %dma_wait3A_322 = arith.constant 0 : i32
      %dma_wait3A_323 = tpu.memref_slice %arg7[%dma_wait3A_319, %dma_wait3A_321, %dma_wait3A_322] : memref<8x128x32xf32, #tpu.memory_space<vmem>> -> memref<1x128x32xf32, #tpu.memory_space<vmem>>
      %dma_wait3A_324 = tpu.memref_squeeze %dma_wait3A_323 : memref<1x128x32xf32, #tpu.memory_space<vmem>> -> memref<128x32xf32, #tpu.memory_space<vmem>>
      %dma_wait3A_325 = arith.constant 0 : i32
      %dma_wait3A_326 = tpu.memref_slice %arg6[%dma_wait3A_318, %dma_wait3A_325] : memref<104x128xi32, #tpu.memory_space<vmem>> -> memref<1x128xi32, #tpu.memory_space<vmem>>
      %dma_wait3A_327 = tpu.memref_squeeze %dma_wait3A_326 : memref<1x128xi32, #tpu.memory_space<vmem>> -> memref<128xi32, #tpu.memory_space<vmem>>
      %dma_wait3A_328 = arith.constant 0 : i32
      %dma_wait3A_329 = arith.constant 0 : i32
      %dma_wait3A_330 = tpu.memref_slice %arg2[%dma_wait3A_328, %dma_wait3A_329] : memref<502528x32xf32, #tpu.memory_space<hbm>> -> memref<502528x32xf32, #tpu.memory_space<hbm>>
      %dma_wait3A_331 = tpu.memref_slice %arg8[%dma_wait3A_320] : memref<8x!tpu.dma_semaphore, #tpu.memory_space<semaphore_mem>> -> memref<1x!tpu.dma_semaphore, #tpu.memory_space<semaphore_mem>>
      %dma_wait3A_332 = tpu.memref_squeeze %dma_wait3A_331 : memref<1x!tpu.dma_semaphore, #tpu.memory_space<semaphore_mem>> -> memref<!tpu.dma_semaphore, #tpu.memory_space<semaphore_mem>>
      tpu.wait_indirect_dma semaphore(%dma_wait3A_332 : memref<!tpu.dma_semaphore, #tpu.memory_space<semaphore_mem>>) src(%dma_wait3A_330 : memref<502528x32xf32, #tpu.memory_space<hbm>>) dst(%dma_wait3A_324 : memref<128x32xf32, #tpu.memory_space<vmem>>)
      %add3A_333 = arith.constant 1 : i32
      %add3A_334 = arith.addi %mul3A_281, %add3A_333 : i32
      %add3A_335 = arith.addi %mul3A_4, %add3A_334 : i32
      %mul3A_336 = arith.constant 128 : i32
      %mul3A_337 = arith.muli %add3A_335, %mul3A_336 : i32
      %dma_start3A_338 = arith.constant 1 : i32
      %dma_start3A_339 = arith.constant 1 : i32
      %dma_start3A_340 = arith.constant 0 : i32
      %dma_start3A_341 = arith.constant 0 : i32
      %dma_start3A_342 = tpu.memref_slice %arg7[%dma_start3A_338, %dma_start3A_340, %dma_start3A_341] : memref<8x128x32xf32, #tpu.memory_space<vmem>> -> memref<1x128x32xf32, #tpu.memory_space<vmem>>
      %dma_start3A_343 = tpu.memref_squeeze %dma_start3A_342 : memref<1x128x32xf32, #tpu.memory_space<vmem>> -> memref<128x32xf32, #tpu.memory_space<vmem>>
      %dma_start3A_344 = arith.constant 0 : i32
      %dma_start3A_345 = tpu.memref_slice %arg4[%mul3A_337, %dma_start3A_344] : memref<425984x32xf32, #tpu.memory_space<hbm>> -> memref<128x32xf32, #tpu.memory_space<hbm>>
      %dma_start3A_346 = tpu.memref_slice %arg9[%dma_start3A_339] : memref<8x!tpu.dma_semaphore, #tpu.memory_space<semaphore_mem>> -> memref<1x!tpu.dma_semaphore, #tpu.memory_space<semaphore_mem>>
      %dma_start3A_347 = tpu.memref_squeeze %dma_start3A_346 : memref<1x!tpu.dma_semaphore, #tpu.memory_space<semaphore_mem>> -> memref<!tpu.dma_semaphore, #tpu.memory_space<semaphore_mem>>
      %dma_start3A_348 = arith.constant 0 : i32
      %dma_start3A_349 = tpu.memref_slice %arg4[%mul3A_337, %dma_start3A_348] : memref<425984x32xf32, #tpu.memory_space<hbm>> -> memref<128x32xf32, #tpu.memory_space<hbm>>
      %dma_start3A_350 = arith.constant 0 : i32
      %dma_start3A_351 = arith.constant 0 : i32
      %dma_start3A_352 = tpu.memref_slice %arg7[%dma_start3A_338, %dma_start3A_350, %dma_start3A_351] : memref<8x128x32xf32, #tpu.memory_space<vmem>> -> memref<1x128x32xf32, #tpu.memory_space<vmem>>
      %dma_start3A_353 = tpu.memref_squeeze %dma_start3A_352 : memref<1x128x32xf32, #tpu.memory_space<vmem>> -> memref<128x32xf32, #tpu.memory_space<vmem>>
      tpu.enqueue_dma source(%dma_start3A_353 : memref<128x32xf32, #tpu.memory_space<vmem>>) target(%dma_start3A_349 : memref<128x32xf32, #tpu.memory_space<hbm>>) target_semaphore(%dma_start3A_347 : memref<!tpu.dma_semaphore, #tpu.memory_space<semaphore_mem>>)
      %dma_wait3A_354 = arith.constant 0 : i32
      %dma_wait3A_355 = arith.constant 2 : i32
      %dma_wait3A_356 = arith.constant 2 : i32
      %dma_wait3A_357 = arith.constant 0 : i32
      %dma_wait3A_358 = arith.constant 0 : i32
      %dma_wait3A_359 = tpu.memref_slice %arg7[%dma_wait3A_355, %dma_wait3A_357, %dma_wait3A_358] : memref<8x128x32xf32, #tpu.memory_space<vmem>> -> memref<1x128x32xf32, #tpu.memory_space<vmem>>
      %dma_wait3A_360 = tpu.memref_squeeze %dma_wait3A_359 : memref<1x128x32xf32, #tpu.memory_space<vmem>> -> memref<128x32xf32, #tpu.memory_space<vmem>>
      %dma_wait3A_361 = arith.constant 0 : i32
      %dma_wait3A_362 = tpu.memref_slice %arg6[%dma_wait3A_354, %dma_wait3A_361] : memref<104x128xi32, #tpu.memory_space<vmem>> -> memref<1x128xi32, #tpu.memory_space<vmem>>
      %dma_wait3A_363 = tpu.memref_squeeze %dma_wait3A_362 : memref<1x128xi32, #tpu.memory_space<vmem>> -> memref<128xi32, #tpu.memory_space<vmem>>
      %dma_wait3A_364 = arith.constant 0 : i32
      %dma_wait3A_365 = arith.constant 0 : i32
      %dma_wait3A_366 = tpu.memref_slice %arg2[%dma_wait3A_364, %dma_wait3A_365] : memref<502528x32xf32, #tpu.memory_space<hbm>> -> memref<502528x32xf32, #tpu.memory_space<hbm>>
      %dma_wait3A_367 = tpu.memref_slice %arg8[%dma_wait3A_356] : memref<8x!tpu.dma_semaphore, #tpu.memory_space<semaphore_mem>> -> memref<1x!tpu.dma_semaphore, #tpu.memory_space<semaphore_mem>>
      %dma_wait3A_368 = tpu.memref_squeeze %dma_wait3A_367 : memref<1x!tpu.dma_semaphore, #tpu.memory_space<semaphore_mem>> -> memref<!tpu.dma_semaphore, #tpu.memory_space<semaphore_mem>>
      tpu.wait_indirect_dma semaphore(%dma_wait3A_368 : memref<!tpu.dma_semaphore, #tpu.memory_space<semaphore_mem>>) src(%dma_wait3A_366 : memref<502528x32xf32, #tpu.memory_space<hbm>>) dst(%dma_wait3A_360 : memref<128x32xf32, #tpu.memory_space<vmem>>)
      %add3A_369 = arith.constant 2 : i32
      %add3A_370 = arith.addi %mul3A_281, %add3A_369 : i32
      %add3A_371 = arith.addi %mul3A_4, %add3A_370 : i32
      %mul3A_372 = arith.constant 128 : i32
      %mul3A_373 = arith.muli %add3A_371, %mul3A_372 : i32
      %dma_start3A_374 = arith.constant 2 : i32
      %dma_start3A_375 = arith.constant 2 : i32
      %dma_start3A_376 = arith.constant 0 : i32
      %dma_start3A_377 = arith.constant 0 : i32
      %dma_start3A_378 = tpu.memref_slice %arg7[%dma_start3A_374, %dma_start3A_376, %dma_start3A_377] : memref<8x128x32xf32, #tpu.memory_space<vmem>> -> memref<1x128x32xf32, #tpu.memory_space<vmem>>
      %dma_start3A_379 = tpu.memref_squeeze %dma_start3A_378 : memref<1x128x32xf32, #tpu.memory_space<vmem>> -> memref<128x32xf32, #tpu.memory_space<vmem>>
      %dma_start3A_380 = arith.constant 0 : i32
      %dma_start3A_381 = tpu.memref_slice %arg4[%mul3A_373, %dma_start3A_380] : memref<425984x32xf32, #tpu.memory_space<hbm>> -> memref<128x32xf32, #tpu.memory_space<hbm>>
      %dma_start3A_382 = tpu.memref_slice %arg9[%dma_start3A_375] : memref<8x!tpu.dma_semaphore, #tpu.memory_space<semaphore_mem>> -> memref<1x!tpu.dma_semaphore, #tpu.memory_space<semaphore_mem>>
      %dma_start3A_383 = tpu.memref_squeeze %dma_start3A_382 : memref<1x!tpu.dma_semaphore, #tpu.memory_space<semaphore_mem>> -> memref<!tpu.dma_semaphore, #tpu.memory_space<semaphore_mem>>
      %dma_start3A_384 = arith.constant 0 : i32
      %dma_start3A_385 = tpu.memref_slice %arg4[%mul3A_373, %dma_start3A_384] : memref<425984x32xf32, #tpu.memory_space<hbm>> -> memref<128x32xf32, #tpu.memory_space<hbm>>
      %dma_start3A_386 = arith.constant 0 : i32
      %dma_start3A_387 = arith.constant 0 : i32
      %dma_start3A_388 = tpu.memref_slice %arg7[%dma_start3A_374, %dma_start3A_386, %dma_start3A_387] : memref<8x128x32xf32, #tpu.memory_space<vmem>> -> memref<1x128x32xf32, #tpu.memory_space<vmem>>
      %dma_start3A_389 = tpu.memref_squeeze %dma_start3A_388 : memref<1x128x32xf32, #tpu.memory_space<vmem>> -> memref<128x32xf32, #tpu.memory_space<vmem>>
      tpu.enqueue_dma source(%dma_start3A_389 : memref<128x32xf32, #tpu.memory_space<vmem>>) target(%dma_start3A_385 : memref<128x32xf32, #tpu.memory_space<hbm>>) target_semaphore(%dma_start3A_383 : memref<!tpu.dma_semaphore, #tpu.memory_space<semaphore_mem>>)
      %dma_wait3A_390 = arith.constant 0 : i32
      %dma_wait3A_391 = arith.constant 3 : i32
      %dma_wait3A_392 = arith.constant 3 : i32
      %dma_wait3A_393 = arith.constant 0 : i32
      %dma_wait3A_394 = arith.constant 0 : i32
      %dma_wait3A_395 = tpu.memref_slice %arg7[%dma_wait3A_391, %dma_wait3A_393, %dma_wait3A_394] : memref<8x128x32xf32, #tpu.memory_space<vmem>> -> memref<1x128x32xf32, #tpu.memory_space<vmem>>
      %dma_wait3A_396 = tpu.memref_squeeze %dma_wait3A_395 : memref<1x128x32xf32, #tpu.memory_space<vmem>> -> memref<128x32xf32, #tpu.memory_space<vmem>>
      %dma_wait3A_397 = arith.constant 0 : i32
      %dma_wait3A_398 = tpu.memref_slice %arg6[%dma_wait3A_390, %dma_wait3A_397] : memref<104x128xi32, #tpu.memory_space<vmem>> -> memref<1x128xi32, #tpu.memory_space<vmem>>
      %dma_wait3A_399 = tpu.memref_squeeze %dma_wait3A_398 : memref<1x128xi32, #tpu.memory_space<vmem>> -> memref<128xi32, #tpu.memory_space<vmem>>
      %dma_wait3A_400 = arith.constant 0 : i32
      %dma_wait3A_401 = arith.constant 0 : i32
      %dma_wait3A_402 = tpu.memref_slice %arg2[%dma_wait3A_400, %dma_wait3A_401] : memref<502528x32xf32, #tpu.memory_space<hbm>> -> memref<502528x32xf32, #tpu.memory_space<hbm>>
      %dma_wait3A_403 = tpu.memref_slice %arg8[%dma_wait3A_392] : memref<8x!tpu.dma_semaphore, #tpu.memory_space<semaphore_mem>> -> memref<1x!tpu.dma_semaphore, #tpu.memory_space<semaphore_mem>>
      %dma_wait3A_404 = tpu.memref_squeeze %dma_wait3A_403 : memref<1x!tpu.dma_semaphore, #tpu.memory_space<semaphore_mem>> -> memref<!tpu.dma_semaphore, #tpu.memory_space<semaphore_mem>>
      tpu.wait_indirect_dma semaphore(%dma_wait3A_404 : memref<!tpu.dma_semaphore, #tpu.memory_space<semaphore_mem>>) src(%dma_wait3A_402 : memref<502528x32xf32, #tpu.memory_space<hbm>>) dst(%dma_wait3A_396 : memref<128x32xf32, #tpu.memory_space<vmem>>)
      %add3A_405 = arith.constant 3 : i32
      %add3A_406 = arith.addi %mul3A_281, %add3A_405 : i32
      %add3A_407 = arith.addi %mul3A_4, %add3A_406 : i32
      %mul3A_408 = arith.constant 128 : i32
      %mul3A_409 = arith.muli %add3A_407, %mul3A_408 : i32
      %dma_start3A_410 = arith.constant 3 : i32
      %dma_start3A_411 = arith.constant 3 : i32
      %dma_start3A_412 = arith.constant 0 : i32
      %dma_start3A_413 = arith.constant 0 : i32
      %dma_start3A_414 = tpu.memref_slice %arg7[%dma_start3A_410, %dma_start3A_412, %dma_start3A_413] : memref<8x128x32xf32, #tpu.memory_space<vmem>> -> memref<1x128x32xf32, #tpu.memory_space<vmem>>
      %dma_start3A_415 = tpu.memref_squeeze %dma_start3A_414 : memref<1x128x32xf32, #tpu.memory_space<vmem>> -> memref<128x32xf32, #tpu.memory_space<vmem>>
      %dma_start3A_416 = arith.constant 0 : i32
      %dma_start3A_417 = tpu.memref_slice %arg4[%mul3A_409, %dma_start3A_416] : memref<425984x32xf32, #tpu.memory_space<hbm>> -> memref<128x32xf32, #tpu.memory_space<hbm>>
      %dma_start3A_418 = tpu.memref_slice %arg9[%dma_start3A_411] : memref<8x!tpu.dma_semaphore, #tpu.memory_space<semaphore_mem>> -> memref<1x!tpu.dma_semaphore, #tpu.memory_space<semaphore_mem>>
      %dma_start3A_419 = tpu.memref_squeeze %dma_start3A_418 : memref<1x!tpu.dma_semaphore, #tpu.memory_space<semaphore_mem>> -> memref<!tpu.dma_semaphore, #tpu.memory_space<semaphore_mem>>
      %dma_start3A_420 = arith.constant 0 : i32
      %dma_start3A_421 = tpu.memref_slice %arg4[%mul3A_409, %dma_start3A_420] : memref<425984x32xf32, #tpu.memory_space<hbm>> -> memref<128x32xf32, #tpu.memory_space<hbm>>
      %dma_start3A_422 = arith.constant 0 : i32
      %dma_start3A_423 = arith.constant 0 : i32
      %dma_start3A_424 = tpu.memref_slice %arg7[%dma_start3A_410, %dma_start3A_422, %dma_start3A_423] : memref<8x128x32xf32, #tpu.memory_space<vmem>> -> memref<1x128x32xf32, #tpu.memory_space<vmem>>
      %dma_start3A_425 = tpu.memref_squeeze %dma_start3A_424 : memref<1x128x32xf32, #tpu.memory_space<vmem>> -> memref<128x32xf32, #tpu.memory_space<vmem>>
      tpu.enqueue_dma source(%dma_start3A_425 : memref<128x32xf32, #tpu.memory_space<vmem>>) target(%dma_start3A_421 : memref<128x32xf32, #tpu.memory_space<hbm>>) target_semaphore(%dma_start3A_419 : memref<!tpu.dma_semaphore, #tpu.memory_space<semaphore_mem>>)
      %dma_wait3A_426 = arith.constant 0 : i32
      %dma_wait3A_427 = arith.constant 4 : i32
      %dma_wait3A_428 = arith.constant 4 : i32
      %dma_wait3A_429 = arith.constant 0 : i32
      %dma_wait3A_430 = arith.constant 0 : i32
      %dma_wait3A_431 = tpu.memref_slice %arg7[%dma_wait3A_427, %dma_wait3A_429, %dma_wait3A_430] : memref<8x128x32xf32, #tpu.memory_space<vmem>> -> memref<1x128x32xf32, #tpu.memory_space<vmem>>
      %dma_wait3A_432 = tpu.memref_squeeze %dma_wait3A_431 : memref<1x128x32xf32, #tpu.memory_space<vmem>> -> memref<128x32xf32, #tpu.memory_space<vmem>>
      %dma_wait3A_433 = arith.constant 0 : i32
      %dma_wait3A_434 = tpu.memref_slice %arg6[%dma_wait3A_426, %dma_wait3A_433] : memref<104x128xi32, #tpu.memory_space<vmem>> -> memref<1x128xi32, #tpu.memory_space<vmem>>
      %dma_wait3A_435 = tpu.memref_squeeze %dma_wait3A_434 : memref<1x128xi32, #tpu.memory_space<vmem>> -> memref<128xi32, #tpu.memory_space<vmem>>
      %dma_wait3A_436 = arith.constant 0 : i32
      %dma_wait3A_437 = arith.constant 0 : i32
      %dma_wait3A_438 = tpu.memref_slice %arg2[%dma_wait3A_436, %dma_wait3A_437] : memref<502528x32xf32, #tpu.memory_space<hbm>> -> memref<502528x32xf32, #tpu.memory_space<hbm>>
      %dma_wait3A_439 = tpu.memref_slice %arg8[%dma_wait3A_428] : memref<8x!tpu.dma_semaphore, #tpu.memory_space<semaphore_mem>> -> memref<1x!tpu.dma_semaphore, #tpu.memory_space<semaphore_mem>>
      %dma_wait3A_440 = tpu.memref_squeeze %dma_wait3A_439 : memref<1x!tpu.dma_semaphore, #tpu.memory_space<semaphore_mem>> -> memref<!tpu.dma_semaphore, #tpu.memory_space<semaphore_mem>>
      tpu.wait_indirect_dma semaphore(%dma_wait3A_440 : memref<!tpu.dma_semaphore, #tpu.memory_space<semaphore_mem>>) src(%dma_wait3A_438 : memref<502528x32xf32, #tpu.memory_space<hbm>>) dst(%dma_wait3A_432 : memref<128x32xf32, #tpu.memory_space<vmem>>)
      %add3A_441 = arith.constant 4 : i32
      %add3A_442 = arith.addi %mul3A_281, %add3A_441 : i32
      %add3A_443 = arith.addi %mul3A_4, %add3A_442 : i32
      %mul3A_444 = arith.constant 128 : i32
      %mul3A_445 = arith.muli %add3A_443, %mul3A_444 : i32
      %dma_start3A_446 = arith.constant 4 : i32
      %dma_start3A_447 = arith.constant 4 : i32
      %dma_start3A_448 = arith.constant 0 : i32
      %dma_start3A_449 = arith.constant 0 : i32
      %dma_start3A_450 = tpu.memref_slice %arg7[%dma_start3A_446, %dma_start3A_448, %dma_start3A_449] : memref<8x128x32xf32, #tpu.memory_space<vmem>> -> memref<1x128x32xf32, #tpu.memory_space<vmem>>
      %dma_start3A_451 = tpu.memref_squeeze %dma_start3A_450 : memref<1x128x32xf32, #tpu.memory_space<vmem>> -> memref<128x32xf32, #tpu.memory_space<vmem>>
      %dma_start3A_452 = arith.constant 0 : i32
      %dma_start3A_453 = tpu.memref_slice %arg4[%mul3A_445, %dma_start3A_452] : memref<425984x32xf32, #tpu.memory_space<hbm>> -> memref<128x32xf32, #tpu.memory_space<hbm>>
      %dma_start3A_454 = tpu.memref_slice %arg9[%dma_start3A_447] : memref<8x!tpu.dma_semaphore, #tpu.memory_space<semaphore_mem>> -> memref<1x!tpu.dma_semaphore, #tpu.memory_space<semaphore_mem>>
      %dma_start3A_455 = tpu.memref_squeeze %dma_start3A_454 : memref<1x!tpu.dma_semaphore, #tpu.memory_space<semaphore_mem>> -> memref<!tpu.dma_semaphore, #tpu.memory_space<semaphore_mem>>
      %dma_start3A_456 = arith.constant 0 : i32
      %dma_start3A_457 = tpu.memref_slice %arg4[%mul3A_445, %dma_start3A_456] : memref<425984x32xf32, #tpu.memory_space<hbm>> -> memref<128x32xf32, #tpu.memory_space<hbm>>
      %dma_start3A_458 = arith.constant 0 : i32
      %dma_start3A_459 = arith.constant 0 : i32
      %dma_start3A_460 = tpu.memref_slice %arg7[%dma_start3A_446, %dma_start3A_458, %dma_start3A_459] : memref<8x128x32xf32, #tpu.memory_space<vmem>> -> memref<1x128x32xf32, #tpu.memory_space<vmem>>
      %dma_start3A_461 = tpu.memref_squeeze %dma_start3A_460 : memref<1x128x32xf32, #tpu.memory_space<vmem>> -> memref<128x32xf32, #tpu.memory_space<vmem>>
      tpu.enqueue_dma source(%dma_start3A_461 : memref<128x32xf32, #tpu.memory_space<vmem>>) target(%dma_start3A_457 : memref<128x32xf32, #tpu.memory_space<hbm>>) target_semaphore(%dma_start3A_455 : memref<!tpu.dma_semaphore, #tpu.memory_space<semaphore_mem>>)
      %dma_wait3A_462 = arith.constant 0 : i32
      %dma_wait3A_463 = arith.constant 5 : i32
      %dma_wait3A_464 = arith.constant 5 : i32
      %dma_wait3A_465 = arith.constant 0 : i32
      %dma_wait3A_466 = arith.constant 0 : i32
      %dma_wait3A_467 = tpu.memref_slice %arg7[%dma_wait3A_463, %dma_wait3A_465, %dma_wait3A_466] : memref<8x128x32xf32, #tpu.memory_space<vmem>> -> memref<1x128x32xf32, #tpu.memory_space<vmem>>
      %dma_wait3A_468 = tpu.memref_squeeze %dma_wait3A_467 : memref<1x128x32xf32, #tpu.memory_space<vmem>> -> memref<128x32xf32, #tpu.memory_space<vmem>>
      %dma_wait3A_469 = arith.constant 0 : i32
      %dma_wait3A_470 = tpu.memref_slice %arg6[%dma_wait3A_462, %dma_wait3A_469] : memref<104x128xi32, #tpu.memory_space<vmem>> -> memref<1x128xi32, #tpu.memory_space<vmem>>
      %dma_wait3A_471 = tpu.memref_squeeze %dma_wait3A_470 : memref<1x128xi32, #tpu.memory_space<vmem>> -> memref<128xi32, #tpu.memory_space<vmem>>
      %dma_wait3A_472 = arith.constant 0 : i32
      %dma_wait3A_473 = arith.constant 0 : i32
      %dma_wait3A_474 = tpu.memref_slice %arg2[%dma_wait3A_472, %dma_wait3A_473] : memref<502528x32xf32, #tpu.memory_space<hbm>> -> memref<502528x32xf32, #tpu.memory_space<hbm>>
      %dma_wait3A_475 = tpu.memref_slice %arg8[%dma_wait3A_464] : memref<8x!tpu.dma_semaphore, #tpu.memory_space<semaphore_mem>> -> memref<1x!tpu.dma_semaphore, #tpu.memory_space<semaphore_mem>>
      %dma_wait3A_476 = tpu.memref_squeeze %dma_wait3A_475 : memref<1x!tpu.dma_semaphore, #tpu.memory_space<semaphore_mem>> -> memref<!tpu.dma_semaphore, #tpu.memory_space<semaphore_mem>>
      tpu.wait_indirect_dma semaphore(%dma_wait3A_476 : memref<!tpu.dma_semaphore, #tpu.memory_space<semaphore_mem>>) src(%dma_wait3A_474 : memref<502528x32xf32, #tpu.memory_space<hbm>>) dst(%dma_wait3A_468 : memref<128x32xf32, #tpu.memory_space<vmem>>)
      %add3A_477 = arith.constant 5 : i32
      %add3A_478 = arith.addi %mul3A_281, %add3A_477 : i32
      %add3A_479 = arith.addi %mul3A_4, %add3A_478 : i32
      %mul3A_480 = arith.constant 128 : i32
      %mul3A_481 = arith.muli %add3A_479, %mul3A_480 : i32
      %dma_start3A_482 = arith.constant 5 : i32
      %dma_start3A_483 = arith.constant 5 : i32
      %dma_start3A_484 = arith.constant 0 : i32
      %dma_start3A_485 = arith.constant 0 : i32
      %dma_start3A_486 = tpu.memref_slice %arg7[%dma_start3A_482, %dma_start3A_484, %dma_start3A_485] : memref<8x128x32xf32, #tpu.memory_space<vmem>> -> memref<1x128x32xf32, #tpu.memory_space<vmem>>
      %dma_start3A_487 = tpu.memref_squeeze %dma_start3A_486 : memref<1x128x32xf32, #tpu.memory_space<vmem>> -> memref<128x32xf32, #tpu.memory_space<vmem>>
      %dma_start3A_488 = arith.constant 0 : i32
      %dma_start3A_489 = tpu.memref_slice %arg4[%mul3A_481, %dma_start3A_488] : memref<425984x32xf32, #tpu.memory_space<hbm>> -> memref<128x32xf32, #tpu.memory_space<hbm>>
      %dma_start3A_490 = tpu.memref_slice %arg9[%dma_start3A_483] : memref<8x!tpu.dma_semaphore, #tpu.memory_space<semaphore_mem>> -> memref<1x!tpu.dma_semaphore, #tpu.memory_space<semaphore_mem>>
      %dma_start3A_491 = tpu.memref_squeeze %dma_start3A_490 : memref<1x!tpu.dma_semaphore, #tpu.memory_space<semaphore_mem>> -> memref<!tpu.dma_semaphore, #tpu.memory_space<semaphore_mem>>
      %dma_start3A_492 = arith.constant 0 : i32
      %dma_start3A_493 = tpu.memref_slice %arg4[%mul3A_481, %dma_start3A_492] : memref<425984x32xf32, #tpu.memory_space<hbm>> -> memref<128x32xf32, #tpu.memory_space<hbm>>
      %dma_start3A_494 = arith.constant 0 : i32
      %dma_start3A_495 = arith.constant 0 : i32
      %dma_start3A_496 = tpu.memref_slice %arg7[%dma_start3A_482, %dma_start3A_494, %dma_start3A_495] : memref<8x128x32xf32, #tpu.memory_space<vmem>> -> memref<1x128x32xf32, #tpu.memory_space<vmem>>
      %dma_start3A_497 = tpu.memref_squeeze %dma_start3A_496 : memref<1x128x32xf32, #tpu.memory_space<vmem>> -> memref<128x32xf32, #tpu.memory_space<vmem>>
      tpu.enqueue_dma source(%dma_start3A_497 : memref<128x32xf32, #tpu.memory_space<vmem>>) target(%dma_start3A_493 : memref<128x32xf32, #tpu.memory_space<hbm>>) target_semaphore(%dma_start3A_491 : memref<!tpu.dma_semaphore, #tpu.memory_space<semaphore_mem>>)
      %dma_wait3A_498 = arith.constant 0 : i32
      %dma_wait3A_499 = arith.constant 6 : i32
      %dma_wait3A_500 = arith.constant 6 : i32
      %dma_wait3A_501 = arith.constant 0 : i32
      %dma_wait3A_502 = arith.constant 0 : i32
      %dma_wait3A_503 = tpu.memref_slice %arg7[%dma_wait3A_499, %dma_wait3A_501, %dma_wait3A_502] : memref<8x128x32xf32, #tpu.memory_space<vmem>> -> memref<1x128x32xf32, #tpu.memory_space<vmem>>
      %dma_wait3A_504 = tpu.memref_squeeze %dma_wait3A_503 : memref<1x128x32xf32, #tpu.memory_space<vmem>> -> memref<128x32xf32, #tpu.memory_space<vmem>>
      %dma_wait3A_505 = arith.constant 0 : i32
      %dma_wait3A_506 = tpu.memref_slice %arg6[%dma_wait3A_498, %dma_wait3A_505] : memref<104x128xi32, #tpu.memory_space<vmem>> -> memref<1x128xi32, #tpu.memory_space<vmem>>
      %dma_wait3A_507 = tpu.memref_squeeze %dma_wait3A_506 : memref<1x128xi32, #tpu.memory_space<vmem>> -> memref<128xi32, #tpu.memory_space<vmem>>
      %dma_wait3A_508 = arith.constant 0 : i32
      %dma_wait3A_509 = arith.constant 0 : i32
      %dma_wait3A_510 = tpu.memref_slice %arg2[%dma_wait3A_508, %dma_wait3A_509] : memref<502528x32xf32, #tpu.memory_space<hbm>> -> memref<502528x32xf32, #tpu.memory_space<hbm>>
      %dma_wait3A_511 = tpu.memref_slice %arg8[%dma_wait3A_500] : memref<8x!tpu.dma_semaphore, #tpu.memory_space<semaphore_mem>> -> memref<1x!tpu.dma_semaphore, #tpu.memory_space<semaphore_mem>>
      %dma_wait3A_512 = tpu.memref_squeeze %dma_wait3A_511 : memref<1x!tpu.dma_semaphore, #tpu.memory_space<semaphore_mem>> -> memref<!tpu.dma_semaphore, #tpu.memory_space<semaphore_mem>>
      tpu.wait_indirect_dma semaphore(%dma_wait3A_512 : memref<!tpu.dma_semaphore, #tpu.memory_space<semaphore_mem>>) src(%dma_wait3A_510 : memref<502528x32xf32, #tpu.memory_space<hbm>>) dst(%dma_wait3A_504 : memref<128x32xf32, #tpu.memory_space<vmem>>)
      %add3A_513 = arith.constant 6 : i32
      %add3A_514 = arith.addi %mul3A_281, %add3A_513 : i32
      %add3A_515 = arith.addi %mul3A_4, %add3A_514 : i32
      %mul3A_516 = arith.constant 128 : i32
      %mul3A_517 = arith.muli %add3A_515, %mul3A_516 : i32
      %dma_start3A_518 = arith.constant 6 : i32
      %dma_start3A_519 = arith.constant 6 : i32
      %dma_start3A_520 = arith.constant 0 : i32
      %dma_start3A_521 = arith.constant 0 : i32
      %dma_start3A_522 = tpu.memref_slice %arg7[%dma_start3A_518, %dma_start3A_520, %dma_start3A_521] : memref<8x128x32xf32, #tpu.memory_space<vmem>> -> memref<1x128x32xf32, #tpu.memory_space<vmem>>
      %dma_start3A_523 = tpu.memref_squeeze %dma_start3A_522 : memref<1x128x32xf32, #tpu.memory_space<vmem>> -> memref<128x32xf32, #tpu.memory_space<vmem>>
      %dma_start3A_524 = arith.constant 0 : i32
      %dma_start3A_525 = tpu.memref_slice %arg4[%mul3A_517, %dma_start3A_524] : memref<425984x32xf32, #tpu.memory_space<hbm>> -> memref<128x32xf32, #tpu.memory_space<hbm>>
      %dma_start3A_526 = tpu.memref_slice %arg9[%dma_start3A_519] : memref<8x!tpu.dma_semaphore, #tpu.memory_space<semaphore_mem>> -> memref<1x!tpu.dma_semaphore, #tpu.memory_space<semaphore_mem>>
      %dma_start3A_527 = tpu.memref_squeeze %dma_start3A_526 : memref<1x!tpu.dma_semaphore, #tpu.memory_space<semaphore_mem>> -> memref<!tpu.dma_semaphore, #tpu.memory_space<semaphore_mem>>
      %dma_start3A_528 = arith.constant 0 : i32
      %dma_start3A_529 = tpu.memref_slice %arg4[%mul3A_517, %dma_start3A_528] : memref<425984x32xf32, #tpu.memory_space<hbm>> -> memref<128x32xf32, #tpu.memory_space<hbm>>
      %dma_start3A_530 = arith.constant 0 : i32
      %dma_start3A_531 = arith.constant 0 : i32
      %dma_start3A_532 = tpu.memref_slice %arg7[%dma_start3A_518, %dma_start3A_530, %dma_start3A_531] : memref<8x128x32xf32, #tpu.memory_space<vmem>> -> memref<1x128x32xf32, #tpu.memory_space<vmem>>
      %dma_start3A_533 = tpu.memref_squeeze %dma_start3A_532 : memref<1x128x32xf32, #tpu.memory_space<vmem>> -> memref<128x32xf32, #tpu.memory_space<vmem>>
      tpu.enqueue_dma source(%dma_start3A_533 : memref<128x32xf32, #tpu.memory_space<vmem>>) target(%dma_start3A_529 : memref<128x32xf32, #tpu.memory_space<hbm>>) target_semaphore(%dma_start3A_527 : memref<!tpu.dma_semaphore, #tpu.memory_space<semaphore_mem>>)
      %dma_wait3A_534 = arith.constant 0 : i32
      %dma_wait3A_535 = arith.constant 7 : i32
      %dma_wait3A_536 = arith.constant 7 : i32
      %dma_wait3A_537 = arith.constant 0 : i32
      %dma_wait3A_538 = arith.constant 0 : i32
      %dma_wait3A_539 = tpu.memref_slice %arg7[%dma_wait3A_535, %dma_wait3A_537, %dma_wait3A_538] : memref<8x128x32xf32, #tpu.memory_space<vmem>> -> memref<1x128x32xf32, #tpu.memory_space<vmem>>
      %dma_wait3A_540 = tpu.memref_squeeze %dma_wait3A_539 : memref<1x128x32xf32, #tpu.memory_space<vmem>> -> memref<128x32xf32, #tpu.memory_space<vmem>>
      %dma_wait3A_541 = arith.constant 0 : i32
      %dma_wait3A_542 = tpu.memref_slice %arg6[%dma_wait3A_534, %dma_wait3A_541] : memref<104x128xi32, #tpu.memory_space<vmem>> -> memref<1x128xi32, #tpu.memory_space<vmem>>
      %dma_wait3A_543 = tpu.memref_squeeze %dma_wait3A_542 : memref<1x128xi32, #tpu.memory_space<vmem>> -> memref<128xi32, #tpu.memory_space<vmem>>
      %dma_wait3A_544 = arith.constant 0 : i32
      %dma_wait3A_545 = arith.constant 0 : i32
      %dma_wait3A_546 = tpu.memref_slice %arg2[%dma_wait3A_544, %dma_wait3A_545] : memref<502528x32xf32, #tpu.memory_space<hbm>> -> memref<502528x32xf32, #tpu.memory_space<hbm>>
      %dma_wait3A_547 = tpu.memref_slice %arg8[%dma_wait3A_536] : memref<8x!tpu.dma_semaphore, #tpu.memory_space<semaphore_mem>> -> memref<1x!tpu.dma_semaphore, #tpu.memory_space<semaphore_mem>>
      %dma_wait3A_548 = tpu.memref_squeeze %dma_wait3A_547 : memref<1x!tpu.dma_semaphore, #tpu.memory_space<semaphore_mem>> -> memref<!tpu.dma_semaphore, #tpu.memory_space<semaphore_mem>>
      tpu.wait_indirect_dma semaphore(%dma_wait3A_548 : memref<!tpu.dma_semaphore, #tpu.memory_space<semaphore_mem>>) src(%dma_wait3A_546 : memref<502528x32xf32, #tpu.memory_space<hbm>>) dst(%dma_wait3A_540 : memref<128x32xf32, #tpu.memory_space<vmem>>)
      %add3A_549 = arith.constant 7 : i32
      %add3A_550 = arith.addi %mul3A_281, %add3A_549 : i32
      %add3A_551 = arith.addi %mul3A_4, %add3A_550 : i32
      %mul3A_552 = arith.constant 128 : i32
      %mul3A_553 = arith.muli %add3A_551, %mul3A_552 : i32
      %dma_start3A_554 = arith.constant 7 : i32
      %dma_start3A_555 = arith.constant 7 : i32
      %dma_start3A_556 = arith.constant 0 : i32
      %dma_start3A_557 = arith.constant 0 : i32
      %dma_start3A_558 = tpu.memref_slice %arg7[%dma_start3A_554, %dma_start3A_556, %dma_start3A_557] : memref<8x128x32xf32, #tpu.memory_space<vmem>> -> memref<1x128x32xf32, #tpu.memory_space<vmem>>
      %dma_start3A_559 = tpu.memref_squeeze %dma_start3A_558 : memref<1x128x32xf32, #tpu.memory_space<vmem>> -> memref<128x32xf32, #tpu.memory_space<vmem>>
      %dma_start3A_560 = arith.constant 0 : i32
      %dma_start3A_561 = tpu.memref_slice %arg4[%mul3A_553, %dma_start3A_560] : memref<425984x32xf32, #tpu.memory_space<hbm>> -> memref<128x32xf32, #tpu.memory_space<hbm>>
      %dma_start3A_562 = tpu.memref_slice %arg9[%dma_start3A_555] : memref<8x!tpu.dma_semaphore, #tpu.memory_space<semaphore_mem>> -> memref<1x!tpu.dma_semaphore, #tpu.memory_space<semaphore_mem>>
      %dma_start3A_563 = tpu.memref_squeeze %dma_start3A_562 : memref<1x!tpu.dma_semaphore, #tpu.memory_space<semaphore_mem>> -> memref<!tpu.dma_semaphore, #tpu.memory_space<semaphore_mem>>
      %dma_start3A_564 = arith.constant 0 : i32
      %dma_start3A_565 = tpu.memref_slice %arg4[%mul3A_553, %dma_start3A_564] : memref<425984x32xf32, #tpu.memory_space<hbm>> -> memref<128x32xf32, #tpu.memory_space<hbm>>
      %dma_start3A_566 = arith.constant 0 : i32
      %dma_start3A_567 = arith.constant 0 : i32
      %dma_start3A_568 = tpu.memref_slice %arg7[%dma_start3A_554, %dma_start3A_566, %dma_start3A_567] : memref<8x128x32xf32, #tpu.memory_space<vmem>> -> memref<1x128x32xf32, #tpu.memory_space<vmem>>
      %dma_start3A_569 = tpu.memref_squeeze %dma_start3A_568 : memref<1x128x32xf32, #tpu.memory_space<vmem>> -> memref<128x32xf32, #tpu.memory_space<vmem>>
      tpu.enqueue_dma source(%dma_start3A_569 : memref<128x32xf32, #tpu.memory_space<vmem>>) target(%dma_start3A_565 : memref<128x32xf32, #tpu.memory_space<hbm>>) target_semaphore(%dma_start3A_563 : memref<!tpu.dma_semaphore, #tpu.memory_space<semaphore_mem>>)
      %lt3A = arith.constant 12 : i32
      %lt3A_570 = arith.cmpi slt, %scan3A_279, %lt3A : i32
      %convert_element_type3A = arith.extui %lt3A_570 : i1 to i32
      %cond3A = arith.constant 0 : i32
      %cond3A_571 = arith.cmpi ne, %convert_element_type3A, %cond3A : i32
      scf.if %cond3A_571 {
        %dma_wait3A_607 = arith.constant 0 : i32
        %dma_wait3A_608 = arith.constant 0 : i32
        %dma_wait3A_609 = arith.constant 0 : i32
        %dma_wait3A_610 = arith.constant 0 : i32
        %dma_wait3A_611 = tpu.memref_slice %arg7[%dma_wait3A_607, %dma_wait3A_609, %dma_wait3A_610] : memref<8x128x32xf32, #tpu.memory_space<vmem>> -> memref<1x128x32xf32, #tpu.memory_space<vmem>>
        %dma_wait3A_612 = tpu.memref_squeeze %dma_wait3A_611 : memref<1x128x32xf32, #tpu.memory_space<vmem>> -> memref<128x32xf32, #tpu.memory_space<vmem>>
        %dma_wait3A_613 = arith.constant 0 : i32
        %dma_wait3A_614 = arith.constant 0 : i32
        %dma_wait3A_615 = tpu.memref_slice %arg4[%dma_wait3A_613, %dma_wait3A_614] : memref<425984x32xf32, #tpu.memory_space<hbm>> -> memref<128x32xf32, #tpu.memory_space<hbm>>
        %dma_wait3A_616 = tpu.memref_slice %arg9[%dma_wait3A_608] : memref<8x!tpu.dma_semaphore, #tpu.memory_space<semaphore_mem>> -> memref<1x!tpu.dma_semaphore, #tpu.memory_space<semaphore_mem>>
        %dma_wait3A_617 = tpu.memref_squeeze %dma_wait3A_616 : memref<1x!tpu.dma_semaphore, #tpu.memory_space<semaphore_mem>> -> memref<!tpu.dma_semaphore, #tpu.memory_space<semaphore_mem>>
        %dma_wait3A_618 = arith.constant 0 : i32
        %dma_wait3A_619 = arith.constant 0 : i32
        %dma_wait3A_620 = tpu.memref_slice %arg4[%dma_wait3A_618, %dma_wait3A_619] : memref<425984x32xf32, #tpu.memory_space<hbm>> -> memref<128x32xf32, #tpu.memory_space<hbm>>
        %dma_wait3A_621 = arith.constant 0 : i32
        %dma_wait3A_622 = arith.constant 0 : i32
        %dma_wait3A_623 = tpu.memref_slice %arg7[%dma_wait3A_607, %dma_wait3A_621, %dma_wait3A_622] : memref<8x128x32xf32, #tpu.memory_space<vmem>> -> memref<1x128x32xf32, #tpu.memory_space<vmem>>
        %dma_wait3A_624 = tpu.memref_squeeze %dma_wait3A_623 : memref<1x128x32xf32, #tpu.memory_space<vmem>> -> memref<128x32xf32, #tpu.memory_space<vmem>>
        tpu.wait_dma2 semaphore(%dma_wait3A_617 : memref<!tpu.dma_semaphore, #tpu.memory_space<semaphore_mem>>) src(%dma_wait3A_624 : memref<128x32xf32, #tpu.memory_space<vmem>>) dst(%dma_wait3A_620 : memref<128x32xf32, #tpu.memory_space<hbm>>)
        %add3A_625 = arith.constant 8 : i32
        %add3A_626 = arith.addi %mul3A_281, %add3A_625 : i32
        %add3A_627 = arith.constant 0 : i32
        %add3A_628 = arith.addi %add3A_626, %add3A_627 : i32
        %dma_start3A_629 = arith.constant 0 : i32
        %dma_start3A_630 = arith.constant 0 : i32
        %dma_start3A_631 = arith.constant 0 : i32
        %dma_start3A_632 = arith.constant 0 : i32
        %dma_start3A_633 = tpu.memref_slice %arg7[%dma_start3A_629, %dma_start3A_631, %dma_start3A_632] : memref<8x128x32xf32, #tpu.memory_space<vmem>> -> memref<1x128x32xf32, #tpu.memory_space<vmem>>
        %dma_start3A_634 = tpu.memref_squeeze %dma_start3A_633 : memref<1x128x32xf32, #tpu.memory_space<vmem>> -> memref<128x32xf32, #tpu.memory_space<vmem>>
        %dma_start3A_635 = arith.constant 0 : i32
        %dma_start3A_636 = tpu.memref_slice %arg6[%add3A_628, %dma_start3A_635] : memref<104x128xi32, #tpu.memory_space<vmem>> -> memref<1x128xi32, #tpu.memory_space<vmem>>
        %dma_start3A_637 = tpu.memref_squeeze %dma_start3A_636 : memref<1x128xi32, #tpu.memory_space<vmem>> -> memref<128xi32, #tpu.memory_space<vmem>>
        %dma_start3A_638 = arith.constant 0 : i32
        %dma_start3A_639 = arith.constant 0 : i32
        %dma_start3A_640 = tpu.memref_slice %arg2[%dma_start3A_638, %dma_start3A_639] : memref<502528x32xf32, #tpu.memory_space<hbm>> -> memref<502528x32xf32, #tpu.memory_space<hbm>>
        %dma_start3A_641 = tpu.memref_slice %arg8[%dma_start3A_630] : memref<8x!tpu.dma_semaphore, #tpu.memory_space<semaphore_mem>> -> memref<1x!tpu.dma_semaphore, #tpu.memory_space<semaphore_mem>>
        %dma_start3A_642 = tpu.memref_squeeze %dma_start3A_641 : memref<1x!tpu.dma_semaphore, #tpu.memory_space<semaphore_mem>> -> memref<!tpu.dma_semaphore, #tpu.memory_space<semaphore_mem>>
        tpu.enqueue_indirect_dma source(%dma_start3A_640 : memref<502528x32xf32, #tpu.memory_space<hbm>>) target(%dma_start3A_634 : memref<128x32xf32, #tpu.memory_space<vmem>>) offsets(%dma_start3A_637 : memref<128xi32, #tpu.memory_space<vmem>>) semaphore(%dma_start3A_642 : memref<!tpu.dma_semaphore, #tpu.memory_space<semaphore_mem>>)
      } else {
      }
      %lt3A_572 = arith.constant 12 : i32
      %lt3A_573 = arith.cmpi slt, %scan3A_279, %lt3A_572 : i32
      %convert_element_type3A_574 = arith.extui %lt3A_573 : i1 to i32
      %cond3A_575 = arith.constant 0 : i32
      %cond3A_576 = arith.cmpi ne, %convert_element_type3A_574, %cond3A_575 : i32
      scf.if %cond3A_576 {
        %dma_wait3A_607 = arith.constant 1 : i32
        %dma_wait3A_608 = arith.constant 1 : i32
        %dma_wait3A_609 = arith.constant 0 : i32
        %dma_wait3A_610 = arith.constant 0 : i32
        %dma_wait3A_611 = tpu.memref_slice %arg7[%dma_wait3A_607, %dma_wait3A_609, %dma_wait3A_610] : memref<8x128x32xf32, #tpu.memory_space<vmem>> -> memref<1x128x32xf32, #tpu.memory_space<vmem>>
        %dma_wait3A_612 = tpu.memref_squeeze %dma_wait3A_611 : memref<1x128x32xf32, #tpu.memory_space<vmem>> -> memref<128x32xf32, #tpu.memory_space<vmem>>
        %dma_wait3A_613 = arith.constant 0 : i32
        %dma_wait3A_614 = arith.constant 0 : i32
        %dma_wait3A_615 = tpu.memref_slice %arg4[%dma_wait3A_613, %dma_wait3A_614] : memref<425984x32xf32, #tpu.memory_space<hbm>> -> memref<128x32xf32, #tpu.memory_space<hbm>>
        %dma_wait3A_616 = tpu.memref_slice %arg9[%dma_wait3A_608] : memref<8x!tpu.dma_semaphore, #tpu.memory_space<semaphore_mem>> -> memref<1x!tpu.dma_semaphore, #tpu.memory_space<semaphore_mem>>
        %dma_wait3A_617 = tpu.memref_squeeze %dma_wait3A_616 : memref<1x!tpu.dma_semaphore, #tpu.memory_space<semaphore_mem>> -> memref<!tpu.dma_semaphore, #tpu.memory_space<semaphore_mem>>
        %dma_wait3A_618 = arith.constant 0 : i32
        %dma_wait3A_619 = arith.constant 0 : i32
        %dma_wait3A_620 = tpu.memref_slice %arg4[%dma_wait3A_618, %dma_wait3A_619] : memref<425984x32xf32, #tpu.memory_space<hbm>> -> memref<128x32xf32, #tpu.memory_space<hbm>>
        %dma_wait3A_621 = arith.constant 0 : i32
        %dma_wait3A_622 = arith.constant 0 : i32
        %dma_wait3A_623 = tpu.memref_slice %arg7[%dma_wait3A_607, %dma_wait3A_621, %dma_wait3A_622] : memref<8x128x32xf32, #tpu.memory_space<vmem>> -> memref<1x128x32xf32, #tpu.memory_space<vmem>>
        %dma_wait3A_624 = tpu.memref_squeeze %dma_wait3A_623 : memref<1x128x32xf32, #tpu.memory_space<vmem>> -> memref<128x32xf32, #tpu.memory_space<vmem>>
        tpu.wait_dma2 semaphore(%dma_wait3A_617 : memref<!tpu.dma_semaphore, #tpu.memory_space<semaphore_mem>>) src(%dma_wait3A_624 : memref<128x32xf32, #tpu.memory_space<vmem>>) dst(%dma_wait3A_620 : memref<128x32xf32, #tpu.memory_space<hbm>>)
        %add3A_625 = arith.constant 8 : i32
        %add3A_626 = arith.addi %mul3A_281, %add3A_625 : i32
        %add3A_627 = arith.constant 1 : i32
        %add3A_628 = arith.addi %add3A_626, %add3A_627 : i32
        %dma_start3A_629 = arith.constant 1 : i32
        %dma_start3A_630 = arith.constant 1 : i32
        %dma_start3A_631 = arith.constant 0 : i32
        %dma_start3A_632 = arith.constant 0 : i32
        %dma_start3A_633 = tpu.memref_slice %arg7[%dma_start3A_629, %dma_start3A_631, %dma_start3A_632] : memref<8x128x32xf32, #tpu.memory_space<vmem>> -> memref<1x128x32xf32, #tpu.memory_space<vmem>>
        %dma_start3A_634 = tpu.memref_squeeze %dma_start3A_633 : memref<1x128x32xf32, #tpu.memory_space<vmem>> -> memref<128x32xf32, #tpu.memory_space<vmem>>
        %dma_start3A_635 = arith.constant 0 : i32
        %dma_start3A_636 = tpu.memref_slice %arg6[%add3A_628, %dma_start3A_635] : memref<104x128xi32, #tpu.memory_space<vmem>> -> memref<1x128xi32, #tpu.memory_space<vmem>>
        %dma_start3A_637 = tpu.memref_squeeze %dma_start3A_636 : memref<1x128xi32, #tpu.memory_space<vmem>> -> memref<128xi32, #tpu.memory_space<vmem>>
        %dma_start3A_638 = arith.constant 0 : i32
        %dma_start3A_639 = arith.constant 0 : i32
        %dma_start3A_640 = tpu.memref_slice %arg2[%dma_start3A_638, %dma_start3A_639] : memref<502528x32xf32, #tpu.memory_space<hbm>> -> memref<502528x32xf32, #tpu.memory_space<hbm>>
        %dma_start3A_641 = tpu.memref_slice %arg8[%dma_start3A_630] : memref<8x!tpu.dma_semaphore, #tpu.memory_space<semaphore_mem>> -> memref<1x!tpu.dma_semaphore, #tpu.memory_space<semaphore_mem>>
        %dma_start3A_642 = tpu.memref_squeeze %dma_start3A_641 : memref<1x!tpu.dma_semaphore, #tpu.memory_space<semaphore_mem>> -> memref<!tpu.dma_semaphore, #tpu.memory_space<semaphore_mem>>
        tpu.enqueue_indirect_dma source(%dma_start3A_640 : memref<502528x32xf32, #tpu.memory_space<hbm>>) target(%dma_start3A_634 : memref<128x32xf32, #tpu.memory_space<vmem>>) offsets(%dma_start3A_637 : memref<128xi32, #tpu.memory_space<vmem>>) semaphore(%dma_start3A_642 : memref<!tpu.dma_semaphore, #tpu.memory_space<semaphore_mem>>)
      } else {
      }
      %lt3A_577 = arith.constant 12 : i32
      %lt3A_578 = arith.cmpi slt, %scan3A_279, %lt3A_577 : i32
      %convert_element_type3A_579 = arith.extui %lt3A_578 : i1 to i32
      %cond3A_580 = arith.constant 0 : i32
      %cond3A_581 = arith.cmpi ne, %convert_element_type3A_579, %cond3A_580 : i32
      scf.if %cond3A_581 {
        %dma_wait3A_607 = arith.constant 2 : i32
        %dma_wait3A_608 = arith.constant 2 : i32
        %dma_wait3A_609 = arith.constant 0 : i32
        %dma_wait3A_610 = arith.constant 0 : i32
        %dma_wait3A_611 = tpu.memref_slice %arg7[%dma_wait3A_607, %dma_wait3A_609, %dma_wait3A_610] : memref<8x128x32xf32, #tpu.memory_space<vmem>> -> memref<1x128x32xf32, #tpu.memory_space<vmem>>
        %dma_wait3A_612 = tpu.memref_squeeze %dma_wait3A_611 : memref<1x128x32xf32, #tpu.memory_space<vmem>> -> memref<128x32xf32, #tpu.memory_space<vmem>>
        %dma_wait3A_613 = arith.constant 0 : i32
        %dma_wait3A_614 = arith.constant 0 : i32
        %dma_wait3A_615 = tpu.memref_slice %arg4[%dma_wait3A_613, %dma_wait3A_614] : memref<425984x32xf32, #tpu.memory_space<hbm>> -> memref<128x32xf32, #tpu.memory_space<hbm>>
        %dma_wait3A_616 = tpu.memref_slice %arg9[%dma_wait3A_608] : memref<8x!tpu.dma_semaphore, #tpu.memory_space<semaphore_mem>> -> memref<1x!tpu.dma_semaphore, #tpu.memory_space<semaphore_mem>>
        %dma_wait3A_617 = tpu.memref_squeeze %dma_wait3A_616 : memref<1x!tpu.dma_semaphore, #tpu.memory_space<semaphore_mem>> -> memref<!tpu.dma_semaphore, #tpu.memory_space<semaphore_mem>>
        %dma_wait3A_618 = arith.constant 0 : i32
        %dma_wait3A_619 = arith.constant 0 : i32
        %dma_wait3A_620 = tpu.memref_slice %arg4[%dma_wait3A_618, %dma_wait3A_619] : memref<425984x32xf32, #tpu.memory_space<hbm>> -> memref<128x32xf32, #tpu.memory_space<hbm>>
        %dma_wait3A_621 = arith.constant 0 : i32
        %dma_wait3A_622 = arith.constant 0 : i32
        %dma_wait3A_623 = tpu.memref_slice %arg7[%dma_wait3A_607, %dma_wait3A_621, %dma_wait3A_622] : memref<8x128x32xf32, #tpu.memory_space<vmem>> -> memref<1x128x32xf32, #tpu.memory_space<vmem>>
        %dma_wait3A_624 = tpu.memref_squeeze %dma_wait3A_623 : memref<1x128x32xf32, #tpu.memory_space<vmem>> -> memref<128x32xf32, #tpu.memory_space<vmem>>
        tpu.wait_dma2 semaphore(%dma_wait3A_617 : memref<!tpu.dma_semaphore, #tpu.memory_space<semaphore_mem>>) src(%dma_wait3A_624 : memref<128x32xf32, #tpu.memory_space<vmem>>) dst(%dma_wait3A_620 : memref<128x32xf32, #tpu.memory_space<hbm>>)
        %add3A_625 = arith.constant 8 : i32
        %add3A_626 = arith.addi %mul3A_281, %add3A_625 : i32
        %add3A_627 = arith.constant 2 : i32
        %add3A_628 = arith.addi %add3A_626, %add3A_627 : i32
        %dma_start3A_629 = arith.constant 2 : i32
        %dma_start3A_630 = arith.constant 2 : i32
        %dma_start3A_631 = arith.constant 0 : i32
        %dma_start3A_632 = arith.constant 0 : i32
        %dma_start3A_633 = tpu.memref_slice %arg7[%dma_start3A_629, %dma_start3A_631, %dma_start3A_632] : memref<8x128x32xf32, #tpu.memory_space<vmem>> -> memref<1x128x32xf32, #tpu.memory_space<vmem>>
        %dma_start3A_634 = tpu.memref_squeeze %dma_start3A_633 : memref<1x128x32xf32, #tpu.memory_space<vmem>> -> memref<128x32xf32, #tpu.memory_space<vmem>>
        %dma_start3A_635 = arith.constant 0 : i32
        %dma_start3A_636 = tpu.memref_slice %arg6[%add3A_628, %dma_start3A_635] : memref<104x128xi32, #tpu.memory_space<vmem>> -> memref<1x128xi32, #tpu.memory_space<vmem>>
        %dma_start3A_637 = tpu.memref_squeeze %dma_start3A_636 : memref<1x128xi32, #tpu.memory_space<vmem>> -> memref<128xi32, #tpu.memory_space<vmem>>
        %dma_start3A_638 = arith.constant 0 : i32
        %dma_start3A_639 = arith.constant 0 : i32
        %dma_start3A_640 = tpu.memref_slice %arg2[%dma_start3A_638, %dma_start3A_639] : memref<502528x32xf32, #tpu.memory_space<hbm>> -> memref<502528x32xf32, #tpu.memory_space<hbm>>
        %dma_start3A_641 = tpu.memref_slice %arg8[%dma_start3A_630] : memref<8x!tpu.dma_semaphore, #tpu.memory_space<semaphore_mem>> -> memref<1x!tpu.dma_semaphore, #tpu.memory_space<semaphore_mem>>
        %dma_start3A_642 = tpu.memref_squeeze %dma_start3A_641 : memref<1x!tpu.dma_semaphore, #tpu.memory_space<semaphore_mem>> -> memref<!tpu.dma_semaphore, #tpu.memory_space<semaphore_mem>>
        tpu.enqueue_indirect_dma source(%dma_start3A_640 : memref<502528x32xf32, #tpu.memory_space<hbm>>) target(%dma_start3A_634 : memref<128x32xf32, #tpu.memory_space<vmem>>) offsets(%dma_start3A_637 : memref<128xi32, #tpu.memory_space<vmem>>) semaphore(%dma_start3A_642 : memref<!tpu.dma_semaphore, #tpu.memory_space<semaphore_mem>>)
      } else {
      }
      %lt3A_582 = arith.constant 12 : i32
      %lt3A_583 = arith.cmpi slt, %scan3A_279, %lt3A_582 : i32
      %convert_element_type3A_584 = arith.extui %lt3A_583 : i1 to i32
      %cond3A_585 = arith.constant 0 : i32
      %cond3A_586 = arith.cmpi ne, %convert_element_type3A_584, %cond3A_585 : i32
      scf.if %cond3A_586 {
        %dma_wait3A_607 = arith.constant 3 : i32
        %dma_wait3A_608 = arith.constant 3 : i32
        %dma_wait3A_609 = arith.constant 0 : i32
        %dma_wait3A_610 = arith.constant 0 : i32
        %dma_wait3A_611 = tpu.memref_slice %arg7[%dma_wait3A_607, %dma_wait3A_609, %dma_wait3A_610] : memref<8x128x32xf32, #tpu.memory_space<vmem>> -> memref<1x128x32xf32, #tpu.memory_space<vmem>>
        %dma_wait3A_612 = tpu.memref_squeeze %dma_wait3A_611 : memref<1x128x32xf32, #tpu.memory_space<vmem>> -> memref<128x32xf32, #tpu.memory_space<vmem>>
        %dma_wait3A_613 = arith.constant 0 : i32
        %dma_wait3A_614 = arith.constant 0 : i32
        %dma_wait3A_615 = tpu.memref_slice %arg4[%dma_wait3A_613, %dma_wait3A_614] : memref<425984x32xf32, #tpu.memory_space<hbm>> -> memref<128x32xf32, #tpu.memory_space<hbm>>
        %dma_wait3A_616 = tpu.memref_slice %arg9[%dma_wait3A_608] : memref<8x!tpu.dma_semaphore, #tpu.memory_space<semaphore_mem>> -> memref<1x!tpu.dma_semaphore, #tpu.memory_space<semaphore_mem>>
        %dma_wait3A_617 = tpu.memref_squeeze %dma_wait3A_616 : memref<1x!tpu.dma_semaphore, #tpu.memory_space<semaphore_mem>> -> memref<!tpu.dma_semaphore, #tpu.memory_space<semaphore_mem>>
        %dma_wait3A_618 = arith.constant 0 : i32
        %dma_wait3A_619 = arith.constant 0 : i32
        %dma_wait3A_620 = tpu.memref_slice %arg4[%dma_wait3A_618, %dma_wait3A_619] : memref<425984x32xf32, #tpu.memory_space<hbm>> -> memref<128x32xf32, #tpu.memory_space<hbm>>
        %dma_wait3A_621 = arith.constant 0 : i32
        %dma_wait3A_622 = arith.constant 0 : i32
        %dma_wait3A_623 = tpu.memref_slice %arg7[%dma_wait3A_607, %dma_wait3A_621, %dma_wait3A_622] : memref<8x128x32xf32, #tpu.memory_space<vmem>> -> memref<1x128x32xf32, #tpu.memory_space<vmem>>
        %dma_wait3A_624 = tpu.memref_squeeze %dma_wait3A_623 : memref<1x128x32xf32, #tpu.memory_space<vmem>> -> memref<128x32xf32, #tpu.memory_space<vmem>>
        tpu.wait_dma2 semaphore(%dma_wait3A_617 : memref<!tpu.dma_semaphore, #tpu.memory_space<semaphore_mem>>) src(%dma_wait3A_624 : memref<128x32xf32, #tpu.memory_space<vmem>>) dst(%dma_wait3A_620 : memref<128x32xf32, #tpu.memory_space<hbm>>)
        %add3A_625 = arith.constant 8 : i32
        %add3A_626 = arith.addi %mul3A_281, %add3A_625 : i32
        %add3A_627 = arith.constant 3 : i32
        %add3A_628 = arith.addi %add3A_626, %add3A_627 : i32
        %dma_start3A_629 = arith.constant 3 : i32
        %dma_start3A_630 = arith.constant 3 : i32
        %dma_start3A_631 = arith.constant 0 : i32
        %dma_start3A_632 = arith.constant 0 : i32
        %dma_start3A_633 = tpu.memref_slice %arg7[%dma_start3A_629, %dma_start3A_631, %dma_start3A_632] : memref<8x128x32xf32, #tpu.memory_space<vmem>> -> memref<1x128x32xf32, #tpu.memory_space<vmem>>
        %dma_start3A_634 = tpu.memref_squeeze %dma_start3A_633 : memref<1x128x32xf32, #tpu.memory_space<vmem>> -> memref<128x32xf32, #tpu.memory_space<vmem>>
        %dma_start3A_635 = arith.constant 0 : i32
        %dma_start3A_636 = tpu.memref_slice %arg6[%add3A_628, %dma_start3A_635] : memref<104x128xi32, #tpu.memory_space<vmem>> -> memref<1x128xi32, #tpu.memory_space<vmem>>
        %dma_start3A_637 = tpu.memref_squeeze %dma_start3A_636 : memref<1x128xi32, #tpu.memory_space<vmem>> -> memref<128xi32, #tpu.memory_space<vmem>>
        %dma_start3A_638 = arith.constant 0 : i32
        %dma_start3A_639 = arith.constant 0 : i32
        %dma_start3A_640 = tpu.memref_slice %arg2[%dma_start3A_638, %dma_start3A_639] : memref<502528x32xf32, #tpu.memory_space<hbm>> -> memref<502528x32xf32, #tpu.memory_space<hbm>>
        %dma_start3A_641 = tpu.memref_slice %arg8[%dma_start3A_630] : memref<8x!tpu.dma_semaphore, #tpu.memory_space<semaphore_mem>> -> memref<1x!tpu.dma_semaphore, #tpu.memory_space<semaphore_mem>>
        %dma_start3A_642 = tpu.memref_squeeze %dma_start3A_641 : memref<1x!tpu.dma_semaphore, #tpu.memory_space<semaphore_mem>> -> memref<!tpu.dma_semaphore, #tpu.memory_space<semaphore_mem>>
        tpu.enqueue_indirect_dma source(%dma_start3A_640 : memref<502528x32xf32, #tpu.memory_space<hbm>>) target(%dma_start3A_634 : memref<128x32xf32, #tpu.memory_space<vmem>>) offsets(%dma_start3A_637 : memref<128xi32, #tpu.memory_space<vmem>>) semaphore(%dma_start3A_642 : memref<!tpu.dma_semaphore, #tpu.memory_space<semaphore_mem>>)
      } else {
      }
      %lt3A_587 = arith.constant 12 : i32
      %lt3A_588 = arith.cmpi slt, %scan3A_279, %lt3A_587 : i32
      %convert_element_type3A_589 = arith.extui %lt3A_588 : i1 to i32
      %cond3A_590 = arith.constant 0 : i32
      %cond3A_591 = arith.cmpi ne, %convert_element_type3A_589, %cond3A_590 : i32
      scf.if %cond3A_591 {
        %dma_wait3A_607 = arith.constant 4 : i32
        %dma_wait3A_608 = arith.constant 4 : i32
        %dma_wait3A_609 = arith.constant 0 : i32
        %dma_wait3A_610 = arith.constant 0 : i32
        %dma_wait3A_611 = tpu.memref_slice %arg7[%dma_wait3A_607, %dma_wait3A_609, %dma_wait3A_610] : memref<8x128x32xf32, #tpu.memory_space<vmem>> -> memref<1x128x32xf32, #tpu.memory_space<vmem>>
        %dma_wait3A_612 = tpu.memref_squeeze %dma_wait3A_611 : memref<1x128x32xf32, #tpu.memory_space<vmem>> -> memref<128x32xf32, #tpu.memory_space<vmem>>
        %dma_wait3A_613 = arith.constant 0 : i32
        %dma_wait3A_614 = arith.constant 0 : i32
        %dma_wait3A_615 = tpu.memref_slice %arg4[%dma_wait3A_613, %dma_wait3A_614] : memref<425984x32xf32, #tpu.memory_space<hbm>> -> memref<128x32xf32, #tpu.memory_space<hbm>>
        %dma_wait3A_616 = tpu.memref_slice %arg9[%dma_wait3A_608] : memref<8x!tpu.dma_semaphore, #tpu.memory_space<semaphore_mem>> -> memref<1x!tpu.dma_semaphore, #tpu.memory_space<semaphore_mem>>
        %dma_wait3A_617 = tpu.memref_squeeze %dma_wait3A_616 : memref<1x!tpu.dma_semaphore, #tpu.memory_space<semaphore_mem>> -> memref<!tpu.dma_semaphore, #tpu.memory_space<semaphore_mem>>
        %dma_wait3A_618 = arith.constant 0 : i32
        %dma_wait3A_619 = arith.constant 0 : i32
        %dma_wait3A_620 = tpu.memref_slice %arg4[%dma_wait3A_618, %dma_wait3A_619] : memref<425984x32xf32, #tpu.memory_space<hbm>> -> memref<128x32xf32, #tpu.memory_space<hbm>>
        %dma_wait3A_621 = arith.constant 0 : i32
        %dma_wait3A_622 = arith.constant 0 : i32
        %dma_wait3A_623 = tpu.memref_slice %arg7[%dma_wait3A_607, %dma_wait3A_621, %dma_wait3A_622] : memref<8x128x32xf32, #tpu.memory_space<vmem>> -> memref<1x128x32xf32, #tpu.memory_space<vmem>>
        %dma_wait3A_624 = tpu.memref_squeeze %dma_wait3A_623 : memref<1x128x32xf32, #tpu.memory_space<vmem>> -> memref<128x32xf32, #tpu.memory_space<vmem>>
        tpu.wait_dma2 semaphore(%dma_wait3A_617 : memref<!tpu.dma_semaphore, #tpu.memory_space<semaphore_mem>>) src(%dma_wait3A_624 : memref<128x32xf32, #tpu.memory_space<vmem>>) dst(%dma_wait3A_620 : memref<128x32xf32, #tpu.memory_space<hbm>>)
        %add3A_625 = arith.constant 8 : i32
        %add3A_626 = arith.addi %mul3A_281, %add3A_625 : i32
        %add3A_627 = arith.constant 4 : i32
        %add3A_628 = arith.addi %add3A_626, %add3A_627 : i32
        %dma_start3A_629 = arith.constant 4 : i32
        %dma_start3A_630 = arith.constant 4 : i32
        %dma_start3A_631 = arith.constant 0 : i32
        %dma_start3A_632 = arith.constant 0 : i32
        %dma_start3A_633 = tpu.memref_slice %arg7[%dma_start3A_629, %dma_start3A_631, %dma_start3A_632] : memref<8x128x32xf32, #tpu.memory_space<vmem>> -> memref<1x128x32xf32, #tpu.memory_space<vmem>>
        %dma_start3A_634 = tpu.memref_squeeze %dma_start3A_633 : memref<1x128x32xf32, #tpu.memory_space<vmem>> -> memref<128x32xf32, #tpu.memory_space<vmem>>
        %dma_start3A_635 = arith.constant 0 : i32
        %dma_start3A_636 = tpu.memref_slice %arg6[%add3A_628, %dma_start3A_635] : memref<104x128xi32, #tpu.memory_space<vmem>> -> memref<1x128xi32, #tpu.memory_space<vmem>>
        %dma_start3A_637 = tpu.memref_squeeze %dma_start3A_636 : memref<1x128xi32, #tpu.memory_space<vmem>> -> memref<128xi32, #tpu.memory_space<vmem>>
        %dma_start3A_638 = arith.constant 0 : i32
        %dma_start3A_639 = arith.constant 0 : i32
        %dma_start3A_640 = tpu.memref_slice %arg2[%dma_start3A_638, %dma_start3A_639] : memref<502528x32xf32, #tpu.memory_space<hbm>> -> memref<502528x32xf32, #tpu.memory_space<hbm>>
        %dma_start3A_641 = tpu.memref_slice %arg8[%dma_start3A_630] : memref<8x!tpu.dma_semaphore, #tpu.memory_space<semaphore_mem>> -> memref<1x!tpu.dma_semaphore, #tpu.memory_space<semaphore_mem>>
        %dma_start3A_642 = tpu.memref_squeeze %dma_start3A_641 : memref<1x!tpu.dma_semaphore, #tpu.memory_space<semaphore_mem>> -> memref<!tpu.dma_semaphore, #tpu.memory_space<semaphore_mem>>
        tpu.enqueue_indirect_dma source(%dma_start3A_640 : memref<502528x32xf32, #tpu.memory_space<hbm>>) target(%dma_start3A_634 : memref<128x32xf32, #tpu.memory_space<vmem>>) offsets(%dma_start3A_637 : memref<128xi32, #tpu.memory_space<vmem>>) semaphore(%dma_start3A_642 : memref<!tpu.dma_semaphore, #tpu.memory_space<semaphore_mem>>)
      } else {
      }
      %lt3A_592 = arith.constant 12 : i32
      %lt3A_593 = arith.cmpi slt, %scan3A_279, %lt3A_592 : i32
      %convert_element_type3A_594 = arith.extui %lt3A_593 : i1 to i32
      %cond3A_595 = arith.constant 0 : i32
      %cond3A_596 = arith.cmpi ne, %convert_element_type3A_594, %cond3A_595 : i32
      scf.if %cond3A_596 {
        %dma_wait3A_607 = arith.constant 5 : i32
        %dma_wait3A_608 = arith.constant 5 : i32
        %dma_wait3A_609 = arith.constant 0 : i32
        %dma_wait3A_610 = arith.constant 0 : i32
        %dma_wait3A_611 = tpu.memref_slice %arg7[%dma_wait3A_607, %dma_wait3A_609, %dma_wait3A_610] : memref<8x128x32xf32, #tpu.memory_space<vmem>> -> memref<1x128x32xf32, #tpu.memory_space<vmem>>
        %dma_wait3A_612 = tpu.memref_squeeze %dma_wait3A_611 : memref<1x128x32xf32, #tpu.memory_space<vmem>> -> memref<128x32xf32, #tpu.memory_space<vmem>>
        %dma_wait3A_613 = arith.constant 0 : i32
        %dma_wait3A_614 = arith.constant 0 : i32
        %dma_wait3A_615 = tpu.memref_slice %arg4[%dma_wait3A_613, %dma_wait3A_614] : memref<425984x32xf32, #tpu.memory_space<hbm>> -> memref<128x32xf32, #tpu.memory_space<hbm>>
        %dma_wait3A_616 = tpu.memref_slice %arg9[%dma_wait3A_608] : memref<8x!tpu.dma_semaphore, #tpu.memory_space<semaphore_mem>> -> memref<1x!tpu.dma_semaphore, #tpu.memory_space<semaphore_mem>>
        %dma_wait3A_617 = tpu.memref_squeeze %dma_wait3A_616 : memref<1x!tpu.dma_semaphore, #tpu.memory_space<semaphore_mem>> -> memref<!tpu.dma_semaphore, #tpu.memory_space<semaphore_mem>>
        %dma_wait3A_618 = arith.constant 0 : i32
        %dma_wait3A_619 = arith.constant 0 : i32
        %dma_wait3A_620 = tpu.memref_slice %arg4[%dma_wait3A_618, %dma_wait3A_619] : memref<425984x32xf32, #tpu.memory_space<hbm>> -> memref<128x32xf32, #tpu.memory_space<hbm>>
        %dma_wait3A_621 = arith.constant 0 : i32
        %dma_wait3A_622 = arith.constant 0 : i32
        %dma_wait3A_623 = tpu.memref_slice %arg7[%dma_wait3A_607, %dma_wait3A_621, %dma_wait3A_622] : memref<8x128x32xf32, #tpu.memory_space<vmem>> -> memref<1x128x32xf32, #tpu.memory_space<vmem>>
        %dma_wait3A_624 = tpu.memref_squeeze %dma_wait3A_623 : memref<1x128x32xf32, #tpu.memory_space<vmem>> -> memref<128x32xf32, #tpu.memory_space<vmem>>
        tpu.wait_dma2 semaphore(%dma_wait3A_617 : memref<!tpu.dma_semaphore, #tpu.memory_space<semaphore_mem>>) src(%dma_wait3A_624 : memref<128x32xf32, #tpu.memory_space<vmem>>) dst(%dma_wait3A_620 : memref<128x32xf32, #tpu.memory_space<hbm>>)
        %add3A_625 = arith.constant 8 : i32
        %add3A_626 = arith.addi %mul3A_281, %add3A_625 : i32
        %add3A_627 = arith.constant 5 : i32
        %add3A_628 = arith.addi %add3A_626, %add3A_627 : i32
        %dma_start3A_629 = arith.constant 5 : i32
        %dma_start3A_630 = arith.constant 5 : i32
        %dma_start3A_631 = arith.constant 0 : i32
        %dma_start3A_632 = arith.constant 0 : i32
        %dma_start3A_633 = tpu.memref_slice %arg7[%dma_start3A_629, %dma_start3A_631, %dma_start3A_632] : memref<8x128x32xf32, #tpu.memory_space<vmem>> -> memref<1x128x32xf32, #tpu.memory_space<vmem>>
        %dma_start3A_634 = tpu.memref_squeeze %dma_start3A_633 : memref<1x128x32xf32, #tpu.memory_space<vmem>> -> memref<128x32xf32, #tpu.memory_space<vmem>>
        %dma_start3A_635 = arith.constant 0 : i32
        %dma_start3A_636 = tpu.memref_slice %arg6[%add3A_628, %dma_start3A_635] : memref<104x128xi32, #tpu.memory_space<vmem>> -> memref<1x128xi32, #tpu.memory_space<vmem>>
        %dma_start3A_637 = tpu.memref_squeeze %dma_start3A_636 : memref<1x128xi32, #tpu.memory_space<vmem>> -> memref<128xi32, #tpu.memory_space<vmem>>
        %dma_start3A_638 = arith.constant 0 : i32
        %dma_start3A_639 = arith.constant 0 : i32
        %dma_start3A_640 = tpu.memref_slice %arg2[%dma_start3A_638, %dma_start3A_639] : memref<502528x32xf32, #tpu.memory_space<hbm>> -> memref<502528x32xf32, #tpu.memory_space<hbm>>
        %dma_start3A_641 = tpu.memref_slice %arg8[%dma_start3A_630] : memref<8x!tpu.dma_semaphore, #tpu.memory_space<semaphore_mem>> -> memref<1x!tpu.dma_semaphore, #tpu.memory_space<semaphore_mem>>
        %dma_start3A_642 = tpu.memref_squeeze %dma_start3A_641 : memref<1x!tpu.dma_semaphore, #tpu.memory_space<semaphore_mem>> -> memref<!tpu.dma_semaphore, #tpu.memory_space<semaphore_mem>>
        tpu.enqueue_indirect_dma source(%dma_start3A_640 : memref<502528x32xf32, #tpu.memory_space<hbm>>) target(%dma_start3A_634 : memref<128x32xf32, #tpu.memory_space<vmem>>) offsets(%dma_start3A_637 : memref<128xi32, #tpu.memory_space<vmem>>) semaphore(%dma_start3A_642 : memref<!tpu.dma_semaphore, #tpu.memory_space<semaphore_mem>>)
      } else {
      }
      %lt3A_597 = arith.constant 12 : i32
      %lt3A_598 = arith.cmpi slt, %scan3A_279, %lt3A_597 : i32
      %convert_element_type3A_599 = arith.extui %lt3A_598 : i1 to i32
      %cond3A_600 = arith.constant 0 : i32
      %cond3A_601 = arith.cmpi ne, %convert_element_type3A_599, %cond3A_600 : i32
      scf.if %cond3A_601 {
        %dma_wait3A_607 = arith.constant 6 : i32
        %dma_wait3A_608 = arith.constant 6 : i32
        %dma_wait3A_609 = arith.constant 0 : i32
        %dma_wait3A_610 = arith.constant 0 : i32
        %dma_wait3A_611 = tpu.memref_slice %arg7[%dma_wait3A_607, %dma_wait3A_609, %dma_wait3A_610] : memref<8x128x32xf32, #tpu.memory_space<vmem>> -> memref<1x128x32xf32, #tpu.memory_space<vmem>>
        %dma_wait3A_612 = tpu.memref_squeeze %dma_wait3A_611 : memref<1x128x32xf32, #tpu.memory_space<vmem>> -> memref<128x32xf32, #tpu.memory_space<vmem>>
        %dma_wait3A_613 = arith.constant 0 : i32
        %dma_wait3A_614 = arith.constant 0 : i32
        %dma_wait3A_615 = tpu.memref_slice %arg4[%dma_wait3A_613, %dma_wait3A_614] : memref<425984x32xf32, #tpu.memory_space<hbm>> -> memref<128x32xf32, #tpu.memory_space<hbm>>
        %dma_wait3A_616 = tpu.memref_slice %arg9[%dma_wait3A_608] : memref<8x!tpu.dma_semaphore, #tpu.memory_space<semaphore_mem>> -> memref<1x!tpu.dma_semaphore, #tpu.memory_space<semaphore_mem>>
        %dma_wait3A_617 = tpu.memref_squeeze %dma_wait3A_616 : memref<1x!tpu.dma_semaphore, #tpu.memory_space<semaphore_mem>> -> memref<!tpu.dma_semaphore, #tpu.memory_space<semaphore_mem>>
        %dma_wait3A_618 = arith.constant 0 : i32
        %dma_wait3A_619 = arith.constant 0 : i32
        %dma_wait3A_620 = tpu.memref_slice %arg4[%dma_wait3A_618, %dma_wait3A_619] : memref<425984x32xf32, #tpu.memory_space<hbm>> -> memref<128x32xf32, #tpu.memory_space<hbm>>
        %dma_wait3A_621 = arith.constant 0 : i32
        %dma_wait3A_622 = arith.constant 0 : i32
        %dma_wait3A_623 = tpu.memref_slice %arg7[%dma_wait3A_607, %dma_wait3A_621, %dma_wait3A_622] : memref<8x128x32xf32, #tpu.memory_space<vmem>> -> memref<1x128x32xf32, #tpu.memory_space<vmem>>
        %dma_wait3A_624 = tpu.memref_squeeze %dma_wait3A_623 : memref<1x128x32xf32, #tpu.memory_space<vmem>> -> memref<128x32xf32, #tpu.memory_space<vmem>>
        tpu.wait_dma2 semaphore(%dma_wait3A_617 : memref<!tpu.dma_semaphore, #tpu.memory_space<semaphore_mem>>) src(%dma_wait3A_624 : memref<128x32xf32, #tpu.memory_space<vmem>>) dst(%dma_wait3A_620 : memref<128x32xf32, #tpu.memory_space<hbm>>)
        %add3A_625 = arith.constant 8 : i32
        %add3A_626 = arith.addi %mul3A_281, %add3A_625 : i32
        %add3A_627 = arith.constant 6 : i32
        %add3A_628 = arith.addi %add3A_626, %add3A_627 : i32
        %dma_start3A_629 = arith.constant 6 : i32
        %dma_start3A_630 = arith.constant 6 : i32
        %dma_start3A_631 = arith.constant 0 : i32
        %dma_start3A_632 = arith.constant 0 : i32
        %dma_start3A_633 = tpu.memref_slice %arg7[%dma_start3A_629, %dma_start3A_631, %dma_start3A_632] : memref<8x128x32xf32, #tpu.memory_space<vmem>> -> memref<1x128x32xf32, #tpu.memory_space<vmem>>
        %dma_start3A_634 = tpu.memref_squeeze %dma_start3A_633 : memref<1x128x32xf32, #tpu.memory_space<vmem>> -> memref<128x32xf32, #tpu.memory_space<vmem>>
        %dma_start3A_635 = arith.constant 0 : i32
        %dma_start3A_636 = tpu.memref_slice %arg6[%add3A_628, %dma_start3A_635] : memref<104x128xi32, #tpu.memory_space<vmem>> -> memref<1x128xi32, #tpu.memory_space<vmem>>
        %dma_start3A_637 = tpu.memref_squeeze %dma_start3A_636 : memref<1x128xi32, #tpu.memory_space<vmem>> -> memref<128xi32, #tpu.memory_space<vmem>>
        %dma_start3A_638 = arith.constant 0 : i32
        %dma_start3A_639 = arith.constant 0 : i32
        %dma_start3A_640 = tpu.memref_slice %arg2[%dma_start3A_638, %dma_start3A_639] : memref<502528x32xf32, #tpu.memory_space<hbm>> -> memref<502528x32xf32, #tpu.memory_space<hbm>>
        %dma_start3A_641 = tpu.memref_slice %arg8[%dma_start3A_630] : memref<8x!tpu.dma_semaphore, #tpu.memory_space<semaphore_mem>> -> memref<1x!tpu.dma_semaphore, #tpu.memory_space<semaphore_mem>>
        %dma_start3A_642 = tpu.memref_squeeze %dma_start3A_641 : memref<1x!tpu.dma_semaphore, #tpu.memory_space<semaphore_mem>> -> memref<!tpu.dma_semaphore, #tpu.memory_space<semaphore_mem>>
        tpu.enqueue_indirect_dma source(%dma_start3A_640 : memref<502528x32xf32, #tpu.memory_space<hbm>>) target(%dma_start3A_634 : memref<128x32xf32, #tpu.memory_space<vmem>>) offsets(%dma_start3A_637 : memref<128xi32, #tpu.memory_space<vmem>>) semaphore(%dma_start3A_642 : memref<!tpu.dma_semaphore, #tpu.memory_space<semaphore_mem>>)
      } else {
      }
      %lt3A_602 = arith.constant 12 : i32
      %lt3A_603 = arith.cmpi slt, %scan3A_279, %lt3A_602 : i32
      %convert_element_type3A_604 = arith.extui %lt3A_603 : i1 to i32
      %cond3A_605 = arith.constant 0 : i32
      %cond3A_606 = arith.cmpi ne, %convert_element_type3A_604, %cond3A_605 : i32
      scf.if %cond3A_606 {
        %dma_wait3A_607 = arith.constant 7 : i32
        %dma_wait3A_608 = arith.constant 7 : i32
        %dma_wait3A_609 = arith.constant 0 : i32
        %dma_wait3A_610 = arith.constant 0 : i32
        %dma_wait3A_611 = tpu.memref_slice %arg7[%dma_wait3A_607, %dma_wait3A_609, %dma_wait3A_610] : memref<8x128x32xf32, #tpu.memory_space<vmem>> -> memref<1x128x32xf32, #tpu.memory_space<vmem>>
        %dma_wait3A_612 = tpu.memref_squeeze %dma_wait3A_611 : memref<1x128x32xf32, #tpu.memory_space<vmem>> -> memref<128x32xf32, #tpu.memory_space<vmem>>
        %dma_wait3A_613 = arith.constant 0 : i32
        %dma_wait3A_614 = arith.constant 0 : i32
        %dma_wait3A_615 = tpu.memref_slice %arg4[%dma_wait3A_613, %dma_wait3A_614] : memref<425984x32xf32, #tpu.memory_space<hbm>> -> memref<128x32xf32, #tpu.memory_space<hbm>>
        %dma_wait3A_616 = tpu.memref_slice %arg9[%dma_wait3A_608] : memref<8x!tpu.dma_semaphore, #tpu.memory_space<semaphore_mem>> -> memref<1x!tpu.dma_semaphore, #tpu.memory_space<semaphore_mem>>
        %dma_wait3A_617 = tpu.memref_squeeze %dma_wait3A_616 : memref<1x!tpu.dma_semaphore, #tpu.memory_space<semaphore_mem>> -> memref<!tpu.dma_semaphore, #tpu.memory_space<semaphore_mem>>
        %dma_wait3A_618 = arith.constant 0 : i32
        %dma_wait3A_619 = arith.constant 0 : i32
        %dma_wait3A_620 = tpu.memref_slice %arg4[%dma_wait3A_618, %dma_wait3A_619] : memref<425984x32xf32, #tpu.memory_space<hbm>> -> memref<128x32xf32, #tpu.memory_space<hbm>>
        %dma_wait3A_621 = arith.constant 0 : i32
        %dma_wait3A_622 = arith.constant 0 : i32
        %dma_wait3A_623 = tpu.memref_slice %arg7[%dma_wait3A_607, %dma_wait3A_621, %dma_wait3A_622] : memref<8x128x32xf32, #tpu.memory_space<vmem>> -> memref<1x128x32xf32, #tpu.memory_space<vmem>>
        %dma_wait3A_624 = tpu.memref_squeeze %dma_wait3A_623 : memref<1x128x32xf32, #tpu.memory_space<vmem>> -> memref<128x32xf32, #tpu.memory_space<vmem>>
        tpu.wait_dma2 semaphore(%dma_wait3A_617 : memref<!tpu.dma_semaphore, #tpu.memory_space<semaphore_mem>>) src(%dma_wait3A_624 : memref<128x32xf32, #tpu.memory_space<vmem>>) dst(%dma_wait3A_620 : memref<128x32xf32, #tpu.memory_space<hbm>>)
        %add3A_625 = arith.constant 8 : i32
        %add3A_626 = arith.addi %mul3A_281, %add3A_625 : i32
        %add3A_627 = arith.constant 7 : i32
        %add3A_628 = arith.addi %add3A_626, %add3A_627 : i32
        %dma_start3A_629 = arith.constant 7 : i32
        %dma_start3A_630 = arith.constant 7 : i32
        %dma_start3A_631 = arith.constant 0 : i32
        %dma_start3A_632 = arith.constant 0 : i32
        %dma_start3A_633 = tpu.memref_slice %arg7[%dma_start3A_629, %dma_start3A_631, %dma_start3A_632] : memref<8x128x32xf32, #tpu.memory_space<vmem>> -> memref<1x128x32xf32, #tpu.memory_space<vmem>>
        %dma_start3A_634 = tpu.memref_squeeze %dma_start3A_633 : memref<1x128x32xf32, #tpu.memory_space<vmem>> -> memref<128x32xf32, #tpu.memory_space<vmem>>
        %dma_start3A_635 = arith.constant 0 : i32
        %dma_start3A_636 = tpu.memref_slice %arg6[%add3A_628, %dma_start3A_635] : memref<104x128xi32, #tpu.memory_space<vmem>> -> memref<1x128xi32, #tpu.memory_space<vmem>>
        %dma_start3A_637 = tpu.memref_squeeze %dma_start3A_636 : memref<1x128xi32, #tpu.memory_space<vmem>> -> memref<128xi32, #tpu.memory_space<vmem>>
        %dma_start3A_638 = arith.constant 0 : i32
        %dma_start3A_639 = arith.constant 0 : i32
        %dma_start3A_640 = tpu.memref_slice %arg2[%dma_start3A_638, %dma_start3A_639] : memref<502528x32xf32, #tpu.memory_space<hbm>> -> memref<502528x32xf32, #tpu.memory_space<hbm>>
        %dma_start3A_641 = tpu.memref_slice %arg8[%dma_start3A_630] : memref<8x!tpu.dma_semaphore, #tpu.memory_space<semaphore_mem>> -> memref<1x!tpu.dma_semaphore, #tpu.memory_space<semaphore_mem>>
        %dma_start3A_642 = tpu.memref_squeeze %dma_start3A_641 : memref<1x!tpu.dma_semaphore, #tpu.memory_space<semaphore_mem>> -> memref<!tpu.dma_semaphore, #tpu.memory_space<semaphore_mem>>
        tpu.enqueue_indirect_dma source(%dma_start3A_640 : memref<502528x32xf32, #tpu.memory_space<hbm>>) target(%dma_start3A_634 : memref<128x32xf32, #tpu.memory_space<vmem>>) offsets(%dma_start3A_637 : memref<128xi32, #tpu.memory_space<vmem>>) semaphore(%dma_start3A_642 : memref<!tpu.dma_semaphore, #tpu.memory_space<semaphore_mem>>)
      } else {
      }
    }
    %scan3A_135 = arith.constant 13 : i32
    %dma_wait3A = arith.constant 0 : i32
    %dma_wait3A_136 = arith.constant 0 : i32
    %dma_wait3A_137 = arith.constant 0 : i32
    %dma_wait3A_138 = arith.constant 0 : i32
    %dma_wait3A_139 = tpu.memref_slice %arg7[%dma_wait3A, %dma_wait3A_137, %dma_wait3A_138] : memref<8x128x32xf32, #tpu.memory_space<vmem>> -> memref<1x128x32xf32, #tpu.memory_space<vmem>>
    %dma_wait3A_140 = tpu.memref_squeeze %dma_wait3A_139 : memref<1x128x32xf32, #tpu.memory_space<vmem>> -> memref<128x32xf32, #tpu.memory_space<vmem>>
    %dma_wait3A_141 = arith.constant 0 : i32
    %dma_wait3A_142 = arith.constant 0 : i32
    %dma_wait3A_143 = tpu.memref_slice %arg4[%dma_wait3A_141, %dma_wait3A_142] : memref<425984x32xf32, #tpu.memory_space<hbm>> -> memref<128x32xf32, #tpu.memory_space<hbm>>
    %dma_wait3A_144 = tpu.memref_slice %arg9[%dma_wait3A_136] : memref<8x!tpu.dma_semaphore, #tpu.memory_space<semaphore_mem>> -> memref<1x!tpu.dma_semaphore, #tpu.memory_space<semaphore_mem>>
    %dma_wait3A_145 = tpu.memref_squeeze %dma_wait3A_144 : memref<1x!tpu.dma_semaphore, #tpu.memory_space<semaphore_mem>> -> memref<!tpu.dma_semaphore, #tpu.memory_space<semaphore_mem>>
    %dma_wait3A_146 = arith.constant 0 : i32
    %dma_wait3A_147 = arith.constant 0 : i32
    %dma_wait3A_148 = tpu.memref_slice %arg4[%dma_wait3A_146, %dma_wait3A_147] : memref<425984x32xf32, #tpu.memory_space<hbm>> -> memref<128x32xf32, #tpu.memory_space<hbm>>
    %dma_wait3A_149 = arith.constant 0 : i32
    %dma_wait3A_150 = arith.constant 0 : i32
    %dma_wait3A_151 = tpu.memref_slice %arg7[%dma_wait3A, %dma_wait3A_149, %dma_wait3A_150] : memref<8x128x32xf32, #tpu.memory_space<vmem>> -> memref<1x128x32xf32, #tpu.memory_space<vmem>>
    %dma_wait3A_152 = tpu.memref_squeeze %dma_wait3A_151 : memref<1x128x32xf32, #tpu.memory_space<vmem>> -> memref<128x32xf32, #tpu.memory_space<vmem>>
    tpu.wait_dma2 semaphore(%dma_wait3A_145 : memref<!tpu.dma_semaphore, #tpu.memory_space<semaphore_mem>>) src(%dma_wait3A_152 : memref<128x32xf32, #tpu.memory_space<vmem>>) dst(%dma_wait3A_148 : memref<128x32xf32, #tpu.memory_space<hbm>>)
    %dma_wait3A_153 = arith.constant 1 : i32
    %dma_wait3A_154 = arith.constant 1 : i32
    %dma_wait3A_155 = arith.constant 0 : i32
    %dma_wait3A_156 = arith.constant 0 : i32
    %dma_wait3A_157 = tpu.memref_slice %arg7[%dma_wait3A_153, %dma_wait3A_155, %dma_wait3A_156] : memref<8x128x32xf32, #tpu.memory_space<vmem>> -> memref<1x128x32xf32, #tpu.memory_space<vmem>>
    %dma_wait3A_158 = tpu.memref_squeeze %dma_wait3A_157 : memref<1x128x32xf32, #tpu.memory_space<vmem>> -> memref<128x32xf32, #tpu.memory_space<vmem>>
    %dma_wait3A_159 = arith.constant 0 : i32
    %dma_wait3A_160 = arith.constant 0 : i32
    %dma_wait3A_161 = tpu.memref_slice %arg4[%dma_wait3A_159, %dma_wait3A_160] : memref<425984x32xf32, #tpu.memory_space<hbm>> -> memref<128x32xf32, #tpu.memory_space<hbm>>
    %dma_wait3A_162 = tpu.memref_slice %arg9[%dma_wait3A_154] : memref<8x!tpu.dma_semaphore, #tpu.memory_space<semaphore_mem>> -> memref<1x!tpu.dma_semaphore, #tpu.memory_space<semaphore_mem>>
    %dma_wait3A_163 = tpu.memref_squeeze %dma_wait3A_162 : memref<1x!tpu.dma_semaphore, #tpu.memory_space<semaphore_mem>> -> memref<!tpu.dma_semaphore, #tpu.memory_space<semaphore_mem>>
    %dma_wait3A_164 = arith.constant 0 : i32
    %dma_wait3A_165 = arith.constant 0 : i32
    %dma_wait3A_166 = tpu.memref_slice %arg4[%dma_wait3A_164, %dma_wait3A_165] : memref<425984x32xf32, #tpu.memory_space<hbm>> -> memref<128x32xf32, #tpu.memory_space<hbm>>
    %dma_wait3A_167 = arith.constant 0 : i32
    %dma_wait3A_168 = arith.constant 0 : i32
    %dma_wait3A_169 = tpu.memref_slice %arg7[%dma_wait3A_153, %dma_wait3A_167, %dma_wait3A_168] : memref<8x128x32xf32, #tpu.memory_space<vmem>> -> memref<1x128x32xf32, #tpu.memory_space<vmem>>
    %dma_wait3A_170 = tpu.memref_squeeze %dma_wait3A_169 : memref<1x128x32xf32, #tpu.memory_space<vmem>> -> memref<128x32xf32, #tpu.memory_space<vmem>>
    tpu.wait_dma2 semaphore(%dma_wait3A_163 : memref<!tpu.dma_semaphore, #tpu.memory_space<semaphore_mem>>) src(%dma_wait3A_170 : memref<128x32xf32, #tpu.memory_space<vmem>>) dst(%dma_wait3A_166 : memref<128x32xf32, #tpu.memory_space<hbm>>)
    %dma_wait3A_171 = arith.constant 2 : i32
    %dma_wait3A_172 = arith.constant 2 : i32
    %dma_wait3A_173 = arith.constant 0 : i32
    %dma_wait3A_174 = arith.constant 0 : i32
    %dma_wait3A_175 = tpu.memref_slice %arg7[%dma_wait3A_171, %dma_wait3A_173, %dma_wait3A_174] : memref<8x128x32xf32, #tpu.memory_space<vmem>> -> memref<1x128x32xf32, #tpu.memory_space<vmem>>
    %dma_wait3A_176 = tpu.memref_squeeze %dma_wait3A_175 : memref<1x128x32xf32, #tpu.memory_space<vmem>> -> memref<128x32xf32, #tpu.memory_space<vmem>>
    %dma_wait3A_177 = arith.constant 0 : i32
    %dma_wait3A_178 = arith.constant 0 : i32
    %dma_wait3A_179 = tpu.memref_slice %arg4[%dma_wait3A_177, %dma_wait3A_178] : memref<425984x32xf32, #tpu.memory_space<hbm>> -> memref<128x32xf32, #tpu.memory_space<hbm>>
    %dma_wait3A_180 = tpu.memref_slice %arg9[%dma_wait3A_172] : memref<8x!tpu.dma_semaphore, #tpu.memory_space<semaphore_mem>> -> memref<1x!tpu.dma_semaphore, #tpu.memory_space<semaphore_mem>>
    %dma_wait3A_181 = tpu.memref_squeeze %dma_wait3A_180 : memref<1x!tpu.dma_semaphore, #tpu.memory_space<semaphore_mem>> -> memref<!tpu.dma_semaphore, #tpu.memory_space<semaphore_mem>>
    %dma_wait3A_182 = arith.constant 0 : i32
    %dma_wait3A_183 = arith.constant 0 : i32
    %dma_wait3A_184 = tpu.memref_slice %arg4[%dma_wait3A_182, %dma_wait3A_183] : memref<425984x32xf32, #tpu.memory_space<hbm>> -> memref<128x32xf32, #tpu.memory_space<hbm>>
    %dma_wait3A_185 = arith.constant 0 : i32
    %dma_wait3A_186 = arith.constant 0 : i32
    %dma_wait3A_187 = tpu.memref_slice %arg7[%dma_wait3A_171, %dma_wait3A_185, %dma_wait3A_186] : memref<8x128x32xf32, #tpu.memory_space<vmem>> -> memref<1x128x32xf32, #tpu.memory_space<vmem>>
    %dma_wait3A_188 = tpu.memref_squeeze %dma_wait3A_187 : memref<1x128x32xf32, #tpu.memory_space<vmem>> -> memref<128x32xf32, #tpu.memory_space<vmem>>
    tpu.wait_dma2 semaphore(%dma_wait3A_181 : memref<!tpu.dma_semaphore, #tpu.memory_space<semaphore_mem>>) src(%dma_wait3A_188 : memref<128x32xf32, #tpu.memory_space<vmem>>) dst(%dma_wait3A_184 : memref<128x32xf32, #tpu.memory_space<hbm>>)
    %dma_wait3A_189 = arith.constant 3 : i32
    %dma_wait3A_190 = arith.constant 3 : i32
    %dma_wait3A_191 = arith.constant 0 : i32
    %dma_wait3A_192 = arith.constant 0 : i32
    %dma_wait3A_193 = tpu.memref_slice %arg7[%dma_wait3A_189, %dma_wait3A_191, %dma_wait3A_192] : memref<8x128x32xf32, #tpu.memory_space<vmem>> -> memref<1x128x32xf32, #tpu.memory_space<vmem>>
    %dma_wait3A_194 = tpu.memref_squeeze %dma_wait3A_193 : memref<1x128x32xf32, #tpu.memory_space<vmem>> -> memref<128x32xf32, #tpu.memory_space<vmem>>
    %dma_wait3A_195 = arith.constant 0 : i32
    %dma_wait3A_196 = arith.constant 0 : i32
    %dma_wait3A_197 = tpu.memref_slice %arg4[%dma_wait3A_195, %dma_wait3A_196] : memref<425984x32xf32, #tpu.memory_space<hbm>> -> memref<128x32xf32, #tpu.memory_space<hbm>>
    %dma_wait3A_198 = tpu.memref_slice %arg9[%dma_wait3A_190] : memref<8x!tpu.dma_semaphore, #tpu.memory_space<semaphore_mem>> -> memref<1x!tpu.dma_semaphore, #tpu.memory_space<semaphore_mem>>
    %dma_wait3A_199 = tpu.memref_squeeze %dma_wait3A_198 : memref<1x!tpu.dma_semaphore, #tpu.memory_space<semaphore_mem>> -> memref<!tpu.dma_semaphore, #tpu.memory_space<semaphore_mem>>
    %dma_wait3A_200 = arith.constant 0 : i32
    %dma_wait3A_201 = arith.constant 0 : i32
    %dma_wait3A_202 = tpu.memref_slice %arg4[%dma_wait3A_200, %dma_wait3A_201] : memref<425984x32xf32, #tpu.memory_space<hbm>> -> memref<128x32xf32, #tpu.memory_space<hbm>>
    %dma_wait3A_203 = arith.constant 0 : i32
    %dma_wait3A_204 = arith.constant 0 : i32
    %dma_wait3A_205 = tpu.memref_slice %arg7[%dma_wait3A_189, %dma_wait3A_203, %dma_wait3A_204] : memref<8x128x32xf32, #tpu.memory_space<vmem>> -> memref<1x128x32xf32, #tpu.memory_space<vmem>>
    %dma_wait3A_206 = tpu.memref_squeeze %dma_wait3A_205 : memref<1x128x32xf32, #tpu.memory_space<vmem>> -> memref<128x32xf32, #tpu.memory_space<vmem>>
    tpu.wait_dma2 semaphore(%dma_wait3A_199 : memref<!tpu.dma_semaphore, #tpu.memory_space<semaphore_mem>>) src(%dma_wait3A_206 : memref<128x32xf32, #tpu.memory_space<vmem>>) dst(%dma_wait3A_202 : memref<128x32xf32, #tpu.memory_space<hbm>>)
    %dma_wait3A_207 = arith.constant 4 : i32
    %dma_wait3A_208 = arith.constant 4 : i32
    %dma_wait3A_209 = arith.constant 0 : i32
    %dma_wait3A_210 = arith.constant 0 : i32
    %dma_wait3A_211 = tpu.memref_slice %arg7[%dma_wait3A_207, %dma_wait3A_209, %dma_wait3A_210] : memref<8x128x32xf32, #tpu.memory_space<vmem>> -> memref<1x128x32xf32, #tpu.memory_space<vmem>>
    %dma_wait3A_212 = tpu.memref_squeeze %dma_wait3A_211 : memref<1x128x32xf32, #tpu.memory_space<vmem>> -> memref<128x32xf32, #tpu.memory_space<vmem>>
    %dma_wait3A_213 = arith.constant 0 : i32
    %dma_wait3A_214 = arith.constant 0 : i32
    %dma_wait3A_215 = tpu.memref_slice %arg4[%dma_wait3A_213, %dma_wait3A_214] : memref<425984x32xf32, #tpu.memory_space<hbm>> -> memref<128x32xf32, #tpu.memory_space<hbm>>
    %dma_wait3A_216 = tpu.memref_slice %arg9[%dma_wait3A_208] : memref<8x!tpu.dma_semaphore, #tpu.memory_space<semaphore_mem>> -> memref<1x!tpu.dma_semaphore, #tpu.memory_space<semaphore_mem>>
    %dma_wait3A_217 = tpu.memref_squeeze %dma_wait3A_216 : memref<1x!tpu.dma_semaphore, #tpu.memory_space<semaphore_mem>> -> memref<!tpu.dma_semaphore, #tpu.memory_space<semaphore_mem>>
    %dma_wait3A_218 = arith.constant 0 : i32
    %dma_wait3A_219 = arith.constant 0 : i32
    %dma_wait3A_220 = tpu.memref_slice %arg4[%dma_wait3A_218, %dma_wait3A_219] : memref<425984x32xf32, #tpu.memory_space<hbm>> -> memref<128x32xf32, #tpu.memory_space<hbm>>
    %dma_wait3A_221 = arith.constant 0 : i32
    %dma_wait3A_222 = arith.constant 0 : i32
    %dma_wait3A_223 = tpu.memref_slice %arg7[%dma_wait3A_207, %dma_wait3A_221, %dma_wait3A_222] : memref<8x128x32xf32, #tpu.memory_space<vmem>> -> memref<1x128x32xf32, #tpu.memory_space<vmem>>
    %dma_wait3A_224 = tpu.memref_squeeze %dma_wait3A_223 : memref<1x128x32xf32, #tpu.memory_space<vmem>> -> memref<128x32xf32, #tpu.memory_space<vmem>>
    tpu.wait_dma2 semaphore(%dma_wait3A_217 : memref<!tpu.dma_semaphore, #tpu.memory_space<semaphore_mem>>) src(%dma_wait3A_224 : memref<128x32xf32, #tpu.memory_space<vmem>>) dst(%dma_wait3A_220 : memref<128x32xf32, #tpu.memory_space<hbm>>)
    %dma_wait3A_225 = arith.constant 5 : i32
    %dma_wait3A_226 = arith.constant 5 : i32
    %dma_wait3A_227 = arith.constant 0 : i32
    %dma_wait3A_228 = arith.constant 0 : i32
    %dma_wait3A_229 = tpu.memref_slice %arg7[%dma_wait3A_225, %dma_wait3A_227, %dma_wait3A_228] : memref<8x128x32xf32, #tpu.memory_space<vmem>> -> memref<1x128x32xf32, #tpu.memory_space<vmem>>
    %dma_wait3A_230 = tpu.memref_squeeze %dma_wait3A_229 : memref<1x128x32xf32, #tpu.memory_space<vmem>> -> memref<128x32xf32, #tpu.memory_space<vmem>>
    %dma_wait3A_231 = arith.constant 0 : i32
    %dma_wait3A_232 = arith.constant 0 : i32
    %dma_wait3A_233 = tpu.memref_slice %arg4[%dma_wait3A_231, %dma_wait3A_232] : memref<425984x32xf32, #tpu.memory_space<hbm>> -> memref<128x32xf32, #tpu.memory_space<hbm>>
    %dma_wait3A_234 = tpu.memref_slice %arg9[%dma_wait3A_226] : memref<8x!tpu.dma_semaphore, #tpu.memory_space<semaphore_mem>> -> memref<1x!tpu.dma_semaphore, #tpu.memory_space<semaphore_mem>>
    %dma_wait3A_235 = tpu.memref_squeeze %dma_wait3A_234 : memref<1x!tpu.dma_semaphore, #tpu.memory_space<semaphore_mem>> -> memref<!tpu.dma_semaphore, #tpu.memory_space<semaphore_mem>>
    %dma_wait3A_236 = arith.constant 0 : i32
    %dma_wait3A_237 = arith.constant 0 : i32
    %dma_wait3A_238 = tpu.memref_slice %arg4[%dma_wait3A_236, %dma_wait3A_237] : memref<425984x32xf32, #tpu.memory_space<hbm>> -> memref<128x32xf32, #tpu.memory_space<hbm>>
    %dma_wait3A_239 = arith.constant 0 : i32
    %dma_wait3A_240 = arith.constant 0 : i32
    %dma_wait3A_241 = tpu.memref_slice %arg7[%dma_wait3A_225, %dma_wait3A_239, %dma_wait3A_240] : memref<8x128x32xf32, #tpu.memory_space<vmem>> -> memref<1x128x32xf32, #tpu.memory_space<vmem>>
    %dma_wait3A_242 = tpu.memref_squeeze %dma_wait3A_241 : memref<1x128x32xf32, #tpu.memory_space<vmem>> -> memref<128x32xf32, #tpu.memory_space<vmem>>
    tpu.wait_dma2 semaphore(%dma_wait3A_235 : memref<!tpu.dma_semaphore, #tpu.memory_space<semaphore_mem>>) src(%dma_wait3A_242 : memref<128x32xf32, #tpu.memory_space<vmem>>) dst(%dma_wait3A_238 : memref<128x32xf32, #tpu.memory_space<hbm>>)
    %dma_wait3A_243 = arith.constant 6 : i32
    %dma_wait3A_244 = arith.constant 6 : i32
    %dma_wait3A_245 = arith.constant 0 : i32
    %dma_wait3A_246 = arith.constant 0 : i32
    %dma_wait3A_247 = tpu.memref_slice %arg7[%dma_wait3A_243, %dma_wait3A_245, %dma_wait3A_246] : memref<8x128x32xf32, #tpu.memory_space<vmem>> -> memref<1x128x32xf32, #tpu.memory_space<vmem>>
    %dma_wait3A_248 = tpu.memref_squeeze %dma_wait3A_247 : memref<1x128x32xf32, #tpu.memory_space<vmem>> -> memref<128x32xf32, #tpu.memory_space<vmem>>
    %dma_wait3A_249 = arith.constant 0 : i32
    %dma_wait3A_250 = arith.constant 0 : i32
    %dma_wait3A_251 = tpu.memref_slice %arg4[%dma_wait3A_249, %dma_wait3A_250] : memref<425984x32xf32, #tpu.memory_space<hbm>> -> memref<128x32xf32, #tpu.memory_space<hbm>>
    %dma_wait3A_252 = tpu.memref_slice %arg9[%dma_wait3A_244] : memref<8x!tpu.dma_semaphore, #tpu.memory_space<semaphore_mem>> -> memref<1x!tpu.dma_semaphore, #tpu.memory_space<semaphore_mem>>
    %dma_wait3A_253 = tpu.memref_squeeze %dma_wait3A_252 : memref<1x!tpu.dma_semaphore, #tpu.memory_space<semaphore_mem>> -> memref<!tpu.dma_semaphore, #tpu.memory_space<semaphore_mem>>
    %dma_wait3A_254 = arith.constant 0 : i32
    %dma_wait3A_255 = arith.constant 0 : i32
    %dma_wait3A_256 = tpu.memref_slice %arg4[%dma_wait3A_254, %dma_wait3A_255] : memref<425984x32xf32, #tpu.memory_space<hbm>> -> memref<128x32xf32, #tpu.memory_space<hbm>>
    %dma_wait3A_257 = arith.constant 0 : i32
    %dma_wait3A_258 = arith.constant 0 : i32
    %dma_wait3A_259 = tpu.memref_slice %arg7[%dma_wait3A_243, %dma_wait3A_257, %dma_wait3A_258] : memref<8x128x32xf32, #tpu.memory_space<vmem>> -> memref<1x128x32xf32, #tpu.memory_space<vmem>>
    %dma_wait3A_260 = tpu.memref_squeeze %dma_wait3A_259 : memref<1x128x32xf32, #tpu.memory_space<vmem>> -> memref<128x32xf32, #tpu.memory_space<vmem>>
    tpu.wait_dma2 semaphore(%dma_wait3A_253 : memref<!tpu.dma_semaphore, #tpu.memory_space<semaphore_mem>>) src(%dma_wait3A_260 : memref<128x32xf32, #tpu.memory_space<vmem>>) dst(%dma_wait3A_256 : memref<128x32xf32, #tpu.memory_space<hbm>>)
    %dma_wait3A_261 = arith.constant 7 : i32
    %dma_wait3A_262 = arith.constant 7 : i32
    %dma_wait3A_263 = arith.constant 0 : i32
    %dma_wait3A_264 = arith.constant 0 : i32
    %dma_wait3A_265 = tpu.memref_slice %arg7[%dma_wait3A_261, %dma_wait3A_263, %dma_wait3A_264] : memref<8x128x32xf32, #tpu.memory_space<vmem>> -> memref<1x128x32xf32, #tpu.memory_space<vmem>>
    %dma_wait3A_266 = tpu.memref_squeeze %dma_wait3A_265 : memref<1x128x32xf32, #tpu.memory_space<vmem>> -> memref<128x32xf32, #tpu.memory_space<vmem>>
    %dma_wait3A_267 = arith.constant 0 : i32
    %dma_wait3A_268 = arith.constant 0 : i32
    %dma_wait3A_269 = tpu.memref_slice %arg4[%dma_wait3A_267, %dma_wait3A_268] : memref<425984x32xf32, #tpu.memory_space<hbm>> -> memref<128x32xf32, #tpu.memory_space<hbm>>
    %dma_wait3A_270 = tpu.memref_slice %arg9[%dma_wait3A_262] : memref<8x!tpu.dma_semaphore, #tpu.memory_space<semaphore_mem>> -> memref<1x!tpu.dma_semaphore, #tpu.memory_space<semaphore_mem>>
    %dma_wait3A_271 = tpu.memref_squeeze %dma_wait3A_270 : memref<1x!tpu.dma_semaphore, #tpu.memory_space<semaphore_mem>> -> memref<!tpu.dma_semaphore, #tpu.memory_space<semaphore_mem>>
    %dma_wait3A_272 = arith.constant 0 : i32
    %dma_wait3A_273 = arith.constant 0 : i32
    %dma_wait3A_274 = tpu.memref_slice %arg4[%dma_wait3A_272, %dma_wait3A_273] : memref<425984x32xf32, #tpu.memory_space<hbm>> -> memref<128x32xf32, #tpu.memory_space<hbm>>
    %dma_wait3A_275 = arith.constant 0 : i32
    %dma_wait3A_276 = arith.constant 0 : i32
    %dma_wait3A_277 = tpu.memref_slice %arg7[%dma_wait3A_261, %dma_wait3A_275, %dma_wait3A_276] : memref<8x128x32xf32, #tpu.memory_space<vmem>> -> memref<1x128x32xf32, #tpu.memory_space<vmem>>
    %dma_wait3A_278 = tpu.memref_squeeze %dma_wait3A_277 : memref<1x128x32xf32, #tpu.memory_space<vmem>> -> memref<128x32xf32, #tpu.memory_space<vmem>>
    tpu.wait_dma2 semaphore(%dma_wait3A_271 : memref<!tpu.dma_semaphore, #tpu.memory_space<semaphore_mem>>) src(%dma_wait3A_278 : memref<128x32xf32, #tpu.memory_space<vmem>>) dst(%dma_wait3A_274 : memref<128x32xf32, #tpu.memory_space<hbm>>)
    return
  }
}

</mosaic_0001>

<sc_bundles>
// kernel: kernel.4.cloned.1.call-start
scs
__scs_entry_jumppad:
0x0: {  	(pc) =	sbr.rel $0x88, $3  }
0x1: {  	(tag) =	ssettag $0x0;
	lr =	simm.s32 $0x1  }
0x2: {  	[smem:$0x3F9F] =	sst lr;
	_ =	strace $0xD0000000  }
0x3: {  	_ = 	snop  }
0x4: {  	_ = 	snop  }
0x5: {  	_ = 	snop  }
0x6: {  	_ = 	snop  }
0x7: {  	_ = 	snop  }
__scs_overlays_trampoline_lowered:
0x8: {  	[smem:$0x3FAE] =	sst s0  }
0x9: {  	[smem:$0x3FAF] =	sst s1  }
0xa: {  	[smem:$0x3FB0] =	sst s2  }
0xb: {  	[smem:$0x3FB1] =	sst s3  }
0xc: {  	[smem:$0x3FB2] =	sst s4  }
0xd: {  	[smem:$0x3FB3] =	sst s5  }
0xe: {  	[smem:$0x3FB4] =	sst s6  }
0xf: {  	[smem:$0x3FB5] =	sst s7  }
0x10: {  	[smem:$0x3FB6] =	sst s8  }
0x11: {  	[smem:$0x3FB7] =	sst s9;
	s0 =	simm.s32 @!p0 $0x0  }
0x12: {  	s1 =	sld [smem:$0x3F9D];
	s0 =	simm.s32 @p0 $0x1  }
0x13: {  	[smem:$0x3FB8] =	sst s0;
	s0 =	simm.s32 @!p1 $0x0  }
0x14: {  	s2 =	sld [smem:$0x3F9C];
	s0 =	simm.s32 @p1 $0x1  }
0x15: {  	[smem:$0x3FB9] =	sst s0;
	s0 =	simm.s32 @!p2 $0x0  }
0x16: {  	s3 =	sld [smem:$0x3FDB];
	s0 =	simm.s32 @p2 $0x1  }
0x17: {  	s4 =	simm.s32 $0x1BF5;
	[smem:$0x3FBB] =	sst s0  }
0x18: {  	s0 =	sld [smem:$0x3F9E];
	_ =	swait.ge [sflag:s4], $0x0  }
0x19: {  	s7 =	sld [smem:$0x3F9F]  }
0x1a: {  	s8 =	sadd.s32 $0xFFFFE003, lr  }
0x1b: {  	s9 =	sadd.s32 $0xFFFFFEF7, lr;
	s5 =	simm.s32 $0xFFFFFFFF;
	p2 =	slt.u32 s8, $0xFFFFF086  }
0x1c: {  	p1 =	slt.u32 s9, $0xF7A;
	s5 =	simm.s32 @!p2 $0x0  }
0x1d: {  	s5 =	simm.s32 @p1 $0x1;
	p0 =	seq.s32 s7, s2  }
0x1e: {  	s7 =	smul.u32 @!p0 $0xF7A, s2;
	p2 =	seq.s32 @!p0 s5, $0x0  }
0x1f: {  	s9 =	smul.u32 $0xF7A, s1;
	s8 =	simm.s32 @!p0 $0x1BF5;
	p2 =	por !p2, p0  }
0x20: {  	[sflag:s8] =	ssyncset.s32 @!p0 $0xFFFFF086;
	s6 =	sadd.s32 @!p0 s3, s7;
	s7 =	simm.s32 @!p0 $0x108  }
0x21: {  	s3 =	sadd.s32 s3, s9;
	s6 =	sadd.s32 @!p0 $0x88, s6;
	s7 =	simm.s32 @p2 $0x1082  }
0x22: {  	[simem:s7], [sflag:s8] =	dma.local @!p0 [hbm:s6], $0xF7A  }
0x23: {  	s9 =	sor.u32 $0xD0000000, s2;
	s6 =	simm.s32 $0x108;
	_ =	swait.ge @!p0 [sflag:s8], $0x0  }
0x24: {  	s3 =	sadd.s32 $0x88, s3;
	s6 =	simm.s32 @!p1 $0x1082;
	[sflag:s4] =	ssyncset.s32 $0xFFFFF086  }
0x25: {  	[simem:s6], [sflag:s4] =	dma.local [hbm:s3], $0xF7A  }
0x26: {  	[smem:$0x3F9F] =	sst s1;
	(tag) =	ssettag s2;
	_ =	strace s9  }
0x27: {  	s1 =	sld [smem:$0x3FAF]  }
0x28: {  	s2 =	sld [smem:$0x3FB0]  }
0x29: {  	s4 =	sld [smem:$0x3FB2]  }
0x2a: {  	p0 =	seq.s32 s5, $0x0;
	s5 =	sld [smem:$0x3FB3]  }
0x2b: {  	s6 =	sld [smem:$0x3FB4]  }
0x2c: {  	s7 =	sld [smem:$0x3FB5]  }
0x2d: {  	s3 =	simm.s32 $0x108;
	s8 =	sld [smem:$0x3FB6]  }
0x2e: {  	s3 =	simm.s32 @!p0 $0x1082;
	s9 =	sld [smem:$0x3FB7]  }
0x2f: {  	lr =	sadd.s32 s0, s3;
	s0 =	sld [smem:$0x3FAE]  }
0x30: {  	s3 =	sld [smem:$0x3FB1]  }
0x31: {  	[smem:$0x3FBA] =	sst s10  }
0x32: {  	s10 =	sld [smem:$0x3FB8];
	_ =	sdelay $0x3  }
0x33: {  	p0 =	seq.s32 s10, $0x1;
	s10 =	sld [smem:$0x3FBA];
	_ =	sdelay $0x3  }
0x34: {  	[smem:$0x3FBA] =	sst s10  }
0x35: {  	s10 =	sld [smem:$0x3FB9];
	_ =	sdelay $0x3  }
0x36: {  	p1 =	seq.s32 s10, $0x1;
	s10 =	sld [smem:$0x3FBA];
	_ =	sdelay $0x3  }
0x37: {  	[smem:$0x3FBA] =	sst s10  }
0x38: {  	s10 =	sld [smem:$0x3FBB]  }
0x39: {  	_ = 	snop;
	(pc) =	sbr.ind lr, $3  }
0x3a: {  	_ = 	snop  }
0x3b: {  	_ = 	snop  }
0x3c: {  	p2 =	seq.s32 s10, $0x1;
	s10 =	sld [smem:$0x3FBA]  }
0x3d: {  	_ =	shalt  }
0x3e: {  	_ =	shalt  }
0x3f: {  	_ =	shalt  }
0x40: {  	_ =	shalt  }
0x41: {  	_ =	shalt  }
0x42: {  	_ =	shalt  }
0x43: {  	_ =	shalt  }
0x44: {  	_ =	shalt  }
0x45: {  	_ =	shalt  }
0x46: {  	_ =	shalt  }
0x47: {  	_ =	shalt  }
0x48: {  	_ =	shalt  }
0x49: {  	_ =	shalt  }
0x4a: {  	_ =	shalt  }
0x4b: {  	_ =	shalt  }
0x4c: {  	_ =	shalt  }
0x4d: {  	_ =	shalt  }
0x4e: {  	_ =	shalt  }
0x4f: {  	_ =	shalt  }
0x50: {  	_ =	shalt  }
0x51: {  	_ =	shalt  }
0x52: {  	_ =	shalt  }
0x53: {  	_ =	shalt  }
0x54: {  	_ =	shalt  }
0x55: {  	_ =	shalt  }
0x56: {  	_ =	shalt  }
0x57: {  	_ =	shalt  }
0x58: {  	_ =	shalt  }
0x59: {  	_ =	shalt  }
0x5a: {  	_ =	shalt  }
0x5b: {  	_ =	shalt  }
0x5c: {  	_ =	shalt  }
0x5d: {  	_ =	shalt  }
0x5e: {  	_ =	shalt  }
0x5f: {  	_ =	shalt  }
0x60: {  	_ =	shalt  }
0x61: {  	_ =	shalt  }
0x62: {  	_ =	shalt  }
0x63: {  	_ =	shalt  }
0x64: {  	_ =	shalt  }
0x65: {  	_ =	shalt  }
0x66: {  	_ =	shalt  }
0x67: {  	_ =	shalt  }
0x68: {  	_ =	shalt  }
0x69: {  	_ =	shalt  }
0x6a: {  	_ =	shalt  }
0x6b: {  	_ =	shalt  }
0x6c: {  	_ =	shalt  }
0x6d: {  	_ =	shalt  }
0x6e: {  	_ =	shalt  }
0x6f: {  	_ =	shalt  }
0x70: {  	_ =	shalt  }
0x71: {  	_ =	shalt  }
0x72: {  	_ =	shalt  }
0x73: {  	_ =	shalt  }
0x74: {  	_ =	shalt  }
0x75: {  	_ =	shalt  }
0x76: {  	_ =	shalt  }
0x77: {  	_ =	shalt  }
0x78: {  	_ =	shalt  }
0x79: {  	_ =	shalt  }
0x7a: {  	_ =	shalt  }
0x7b: {  	_ =	shalt  }
0x7c: {  	_ =	shalt  }
0x7d: {  	_ =	shalt  }
0x7e: {  	_ =	shalt  }
0x7f: {  	_ =	shalt  }
0x80: {  	_ =	shalt  }
0x81: {  	_ =	shalt  }
0x82: {  	_ =	shalt  }
0x83: {  	_ =	shalt  }
0x84: {  	_ =	shalt  }
0x85: {  	_ =	shalt  }
0x86: {  	_ =	shalt  }
0x87: {  	_ =	shalt  }
.Lfunc_end0:
.L_simem_size_0:
called_computation.1_lowered:
.L_overlay_start_0:
0x88: {  	s2 =	sld [smem:$0x3FD9]  }
0x89: {  	s3 =	sld [smem:$0x3FFE];
	_ =	sdelay $0x1  }
0x8a: {  	s1 =	srdreg.scid  }
0x8b: {  	s0 =	sand.u32 $0x1, s1  }
0x8c: {  	s17 =	sshll.u32 s0, $0xA;
	s2 =	sadd.s32 s3, s2  }
0x8d: {  	s2 =	sadd.s32 s2, s17  }
0x8e: {  	[smem:$0x3FC6] =	sst s2  }
0x8f: {  	_ = 	snop  }
0x90: {  	s2 =	sld [smem:$0x3FC8]  }
0x91: {  	s18 =	sld [smem:$0x3FD0];
	(tm) =	ssettm $0x1  }
0x92: {  	s4 =	sld [smem:$0x3FFB];
	_ =	sdelay $0x3  }
0x93: {  	_ =	strace s4  }
0x94: {  	s4 =	sld [smem:$0x3FFC];
	_ =	sdelay $0x3  }
0x95: {  	_ =	strace s4  }
0x96: {  	s4 =	sld [smem:$0x3FFD];
	_ =	sdelay $0x3  }
0x97: {  	_ =	strace s4  }
0x98: {  	_ =	strace $0x8FFFFFFF  }
0x99: {  	s19 =	sld [smem:$0x3FDB];
	_ =	sdelay $0x1  }
0x9a: {  	s5 =	simm.s32 $_scs_section_size  }
0x9b: {  	s6 =	simm.s32 $_size__tile_overlayer_lowered;
	s7 =	simm.s32 $_tile_overlayer_lowered  }
0x9c: {  	s22 =	simm.s32 $0x1BFF;
	s21 =	sshll.u32 s7, $0x1;
	s4 =	sadd.s32 s5, s19  }
0x9d: {  	s8 =	simm.s32 $0x0;
	s20 =	sshll.u32 s6, $0x1;
	s6 =	sadd.s32 s21, s4  }
0x9e: {  	[timem:s8], [sflag:s22] =	dma.local [hbm:s6], s20  }
0x9f: {  	_ =	swait.ge [sflag:s22], s20  }
0xa0: {  	s5 =	ssub.s32 $0x0, s20;
	[sflag:s22] =	ssyncset.done $0x0  }
0xa1: {  	[sflag:s22] =	ssyncadd.s32 s5;
	_ =	sdelay $0x1  }
0xa2: {  	s23 =	simm.s32 $0x1B8B  }
0xa3: {  	_ =	swait.ge [sflag:s23], $0x1  }
0xa4: {  	[sflag:s23] =	ssyncset.done $0x0  }
0xa5: {  	s25 =	simm.s32 $0x1B8E;
	s24 =	sld [smem:$0x3FFE];
	[sflag:s23] =	ssyncadd.s32 $0xFFFFFFFF  }
0xa6: {  	s26 =	simm.s32 $execute0_lowered;
	[smem:$0x3FD2] =	sst s25  }
0xa7: {  	s6 =	sshll.u32 s26, $0x1;
	_ =	strace $0x80000046;
	[dreg:$0x1] =	wrdreg $0xFFFFFFFF  }
0xa8: {  	s28 =	simm.s32 $_size_execute0_lowered;
	s4 =	sadd.s32 s4, s6;
	[dreg:$0x0] =	wrdreg $0x0  }
0xa9: {  	s6 =	sshll.u32 s28, $0x1;
	[dreg:$0x2] =	wrdreg s4  }
0xaa: {  	[dreg:$0x3] =	wrdreg s6  }
0xab: {  	[dreg:$0x4] =	wrdreg $0xC0  }
0xac: {  	_ =	task [dreg:s8], $0x5FFFF  }
0xad: {  	[dreg:$0x1] =	wrdreg $0xFFFFFFFF  }
0xae: {  	[dreg:$0x0] =	wrdreg $0x60  }
0xaf: {  	[dreg:$0x2] =	wrdreg s2  }
0xb0: {  	[dreg:$0x3] =	wrdreg s18  }
0xb1: {  	[dreg:$0x4] =	wrdreg s24  }
0xb2: {  	[dreg:$0x5] =	wrdreg $0x9  }
0xb3: {  	_ =	task.clear_ibuf [dreg:s8], $0x6FFFF;
	_ =	strace $0x90000046  }
0xb4: {  	s29 =	simm.s32 $0x9;
	_ =	strace $0x80000048  }
0xb5: {  	_ =	swait.ge [sflag:s29], $0x1  }
0xb6: {  	[sflag:s29] =	ssyncadd.s32 $0xFFFFFFFF  }
0xb7: {  	_ =	strace $0x90000048  }
0xb8: {  	_ =	sfence  }
0xb9: {  	s30 =	sld [smem:$0x0];
	_ =	sdelay $0x2  }
0xba: {  	s31 =	sshll.u32 s1, $0xD;
	s1 =	sshrl.u32 s1, $0x2  }
0xbb: {  	s3 =	sand.u32 $0x4000, s31;
	s1 =	sadd.s32 s1, s30  }
0xbc: {  	s0 =	sor.u32 s3, s0;
	s1 =	sshll.u32 s1, $0x11  }
0xbd: {  	s0 =	sor.u32 s1, s0  }
0xbe: {  	s0 =	sadd.s32 $0x8F2B, s0  }
0xbf: {  	[sflag:s0] =	ssyncadd.remote.s32 $0x1  }
0xc0: {  	_ =	sfence.sel $0xFFFF  }
0xc1: {  	[dreg:$0x0] =	wrdreg $0xFFFFFFFF;
	(pc) =	sbr.abs _section_cstart, $3  }
0xc2: {  	[dreg:$0x1] =	wrdreg $0xFFFFFFFF  }
0xc3: {  	_ =	task.clear_ibuf [dreg:s8], $0x2FFFF;
	_ =	strace $0x9FFFFFFF  }
0xc4: {  	(tm) =	ssettm $0x7FFFFFFF  }
0xc5: {  	_ =	shalt  }
tec
execute0_lowered:
.L_overlay_start_1:
0x0: {  	(tag) =	ssettag $0x1  }
0x1: {  	s4 =	stileid.u32  }
0x2: {  	p0 =	sgt.u32 s4, $0xC  }
.Ltmp0:
0x3: {  	_ = 	snop;
	(pc) =	sbr.rel @p0 .LBB2_13-.Ltmp0, $4  }
0x4: {  	s1 =	rddreg [dreg:$0x0]  }
0x5: {  	s0 =	rddreg [dreg:$0x1];
	s3 =	simm.s32 $0x0  }
0x6: {  	[smem:$0x7FF] =	sst s3  }
0x7: {  	s2 =	rddreg [dreg:$0x2];
	_ =	strace $0x80000047  }
0x8: {  	s4 =	srdreg.scid;
	s14 =	stileid.u32  }
0x9: {  	s7 =	sand.u32 $0x1, s4;
	s4 =	sshll.u32 s14, $0x1  }
0xa: {  	s8 =	sor.u32 s7, s4  }
0xb: {  	s4 =	smul.u32 $0x30E000, s8  }
0xc: {  	s10 =	sshll.u32 s8, $0xB  }
0xd: {  	s9 =	sadd.s32 $0x1000, s2;
	s15 =	sadd.s32 s10, s2;
	s6 =	sshrl.u32 s4, $0x3  }
0xe: {  	s5 =	sadd.s32 $0xE000, s2;
	s2 =	sadd.s32 $0x1F8C00, s15;
	s6 =	sadd.s32 s1, s6  }
0xf: {  	[dreg:$0x4] =	wrdreg s2;
	s16 =	sadd.s32 $0x18700, s6  }
0x10: {  	s17 =	sadd.s32 $0x30E00, s6;
	[dreg:$0x5] =	wrdreg s16  }
0x11: {  	s18 =	sadd.s32 $0x49500, s6;
	[dreg:$0x6] =	wrdreg s17  }
0x12: {  	s19 =	sadd.s32 $0x200, s6;
	[dreg:$0x7] =	wrdreg s18  }
0x13: {  	s28 =	simm.s32 $0x4000;
	s20 =	sadd.s32 $0x18900, s6;
	[dreg:$0x8] =	wrdreg s19  }
0x14: {  	s29 =	simm.s32 $0x4100;
	s21 =	sadd.s32 $0x31000, s6;
	[dreg:$0x9] =	wrdreg s20  }
0x15: {  	s30 =	simm.s32 $0x8200;
	s22 =	sadd.s32 $0x49700, s6;
	[dreg:$0xa] =	wrdreg s21  }
0x16: {  	s26 =	ssub.s32 $0x2, s7;
	s23 =	sadd.s32 $0x400, s6;
	[dreg:$0xb] =	wrdreg s22  }
0x17: {  	s11 =	smul.u32 $0x4B80, s8;
	s24 =	sadd.s32 $0x18B00, s6;
	[dreg:$0xc] =	wrdreg s23  }
.Ltmp1:
0x18: {  	v3 =	vlaneseq.u32;
	s25 =	sadd.s32 $0x31200, s6;
	[dreg:$0xd] =	wrdreg s24;
	(pc) =	sbr.rel .LBB2_2-.Ltmp1, $4  }
0x19: {  	v0 =	vand.u32 $0x3, v3;
	s31 =	sshrl.u32 s26, $0x1;
	[dreg:$0xe] =	wrdreg s25;
	s18 =	sadd.s32 s0, s10  }
0x1a: {  	v0 =	vmul.u32 $0x20, v0;
	s19 =	sadd.s32 $0x49900, s6;
	s23 =	smul.u32 $0x97000, s8;
	s0 =	ssub.s32 s26, s31  }
0x1b: {  	v2 =	vimm.s32 $0x0;
	v3 =	vmul.u32 $0x20, v3;
	s24 =	sadd.s32 s9, s10;
	s26 =	simm.s32 $0x7;
	s20 =	sadd.s32 $0x200, s18  }
0x1c: {  	v4 =	vor.u32 $0x1, v0;
	v5 =	vor.u32 $0x2, v0;
	v1 =	vmov s11;
	s21 =	sadd.s32 $0x400, s18;
	s22 =	sadd.s32 $0x600, s18;
	s25 =	smax.u32 s0, $0x1  }
.LBB2_12:
0x1d: {  	s2 =	sshra.s32 s0, $0x7  }
0x1e: {  	s31 =	sand.u32 $0x70, s0;
	p1 =	slt.s32 s2, $0x1  }
0x1f: {  	p0 =	seq.s32 s31, $0x0;
	s7 =	sxor.u32 @!p1 $0xFFFFFFFF, s2  }
0x20: {  	s0 =	sshll.u32 @!p0 s2, $0xC;
	s7 =	sand.u32 @!p1 $0x1, s7  }
0x21: {  	s3 =	sadd.s32 $0x1, s3;
	s2 =	sadd.s32 @!p0 s23, s0;
	s7 =	sadd.s32 @!p1 $0x5, s7  }
0x22: {  	s0 =	sand.u32 @!p0 $0x1000, s0;
	s2 =	sshrl.u32 @!p0 s2, $0x3;
	_ =	swait.ge @!p1 [sflag:s7], $0x1000  }
0x23: {  	s0 =	sor.u32 @!p0 $0x1CD80, s0;
	s2 =	sadd.s32 @!p0 s5, s2;
	[sflag:s7] =	ssyncset.done @!p1 $0x0  }
0x24: {  	[sflag:s7] =	ssyncadd.s32 @!p1 $0xFFFFF000;
	s7 =	simm.s32 @!p0 $0x0;
	p1 =	sne.s32 s3, s25  }
0x25: {  	[hbm4b:s2+s7] =	stream.linear.scatter @!p0 [tilespmem:s0], [sflag:$0x7], $0x1000, $0x38;
	[tilespmem:$0x1ED80] =	vst v63  }
.Ltmp2:
0x26: {  	_ = 	snop;
	(pc) =	sbr.rel @!p1 .LBB2_13-.Ltmp2, $4  }
0x27: {  	s0 =	simm.s32 @!p0 $0x7  }
0x28: {  	_ =	swait.ge @!p0 [sflag:s0], $0x1000  }
0x29: {  	[sflag:s0] =	ssyncset.done @!p0 $0x0  }
0x2a: {  	[sflag:s0] =	ssyncadd.s32 @!p0 $0xFFFFF000  }
.LBB2_2:
0x2b: {  	s0 =	simm.s32 $0x0  }
0x2c: {  	[tilespmem:s0], [sflag:$0x7] =	stream.linear.gather [hbm4b:s24+s0], $0x4000, $0x38;
	[tilespmem:$0x1ED80] =	vst v63  }
0x2d: {  	_ =	swait.ge [sflag:s26], $0x4000  }
0x2e: {  	[sflag:s26] =	ssyncset.done $0x0  }
0x2f: {  	[sflag:s26] =	ssyncadd.s32 $0xFFFFC000  }
0x30: {  	[tilespmem:$0x4000] =	vst v2  }
0x31: {  	[tilespmem:$0x4010] =	vst v2  }
0x32: {  	[tilespmem:$0x4020] =	vst v2  }
0x33: {  	[tilespmem:$0x4030] =	vst v2  }
0x34: {  	[tilespmem:$0x4040] =	vst v2  }
0x35: {  	[tilespmem:$0x4050] =	vst v2  }
0x36: {  	[tilespmem:$0x4060] =	vst v2  }
0x37: {  	[tilespmem:$0x4070] =	vst v2  }
0x38: {  	[tilespmem:$0x4080] =	vst v2  }
0x39: {  	[tilespmem:$0x4090] =	vst v2  }
0x3a: {  	[tilespmem:$0x40A0] =	vst v2  }
0x3b: {  	[tilespmem:$0x40B0] =	vst v2  }
0x3c: {  	[tilespmem:$0x40C0] =	vst v2  }
0x3d: {  	s2 =	sand.u32 $0x3FF0, s0;
	s0 =	simm.s32 $0x10;
	[tilespmem:$0x40D0] =	vst v2  }
.LBB2_3:
0x3e: {  	p0 =	sne.s32 s0, $0x3FF0;
	v6 =	vld [tilespmem:s2+$0x0];
	_ =	sdelay $0x4  }
0x3f: {  	v6 =	vshra.s32 v6, $0x9  }
0x40: {  	(xrf1) =	vunique.msk.u32 $0xffff, v6;
	_ =	sdelay $0xd  }
0x41: {  	_, v7, vm0 =	vpop (xrf1);
	_ =	sdelay $0x1  }
.Ltmp3:
0x42: {  	(pc) =	sbr.rel @p0 .LBB2_3-.Ltmp3, $2  }
0x43: {  	_ =	sdelay $0x2  }
0x44: {  	s2 =	sand.u32 $0x3FF0, s0;
	s0 =	sadd.s32 $0x10, s0;
	[tilespmem:v6+s28+$0x0] =	vst.idx.add.s32.msk vm0, v7  }
0x45: {  	v6 =	vld [tilespmem:s2+$0x0];
	_ =	sdelay $0x4  }
0x46: {  	v6 =	vshra.s32 v6, $0x9  }
0x47: {  	(xrf1) =	vunique.msk.u32 $0xffff, v6;
	_ =	sdelay $0xd  }
0x48: {  	_, v7, vm0 =	vpop (xrf1);
	_ =	sdelay $0x5  }
0x49: {  	[tilespmem:v6+s28+$0x0] =	vst.idx.add.s32.msk vm0, v7  }
0x4a: {  	v6 =	vld [tilespmem:$0x4000];
	_ =	sdelay $0x4  }
0x4b: {  	v6 =	vadd.s32 $0xF, v6  }
0x4c: {  	v6 =	vand.u32 $0xFFFFFFF0, v6  }
0x4d: {  	(xrf0) =	vadd.scan.msk.s32 $0xffff, v6;
	_ =	sdelay $0x1  }
0x4e: {  	v7 =	vld [tilespmem:$0x4010];
	_ =	sdelay $0x3  }
0x4f: {  	v8, _, _ =	vpop (xrf0)  }
0x50: {  	v7 =	vadd.s32 $0xF, v7;
	v9 =	vxor.u32 $0x80000000, v8  }
0x51: {  	v7 =	vand.u32 $0xFFFFFFF0, v7;
	(xrf0) =	vmax.scan.msk.u32 $0xffff, v9  }
0x52: {  	(xrf0) =	vadd.scan.msk.s32 $0xffff, v7;
	_ =	sdelay $0x1  }
0x53: {  	v44 =	vld [tilespmem:$0x4020];
	_ =	sdelay $0x2  }
0x54: {  	v10, _, _ =	vpop (xrf0)  }
0x55: {  	v11, _, _ =	vpop (xrf0)  }
0x56: {  	v9 =	vadd.s32 $0xF, v44;
	v12 =	vxor.u32 $0x80000000, v11  }
0x57: {  	v9 =	vand.u32 $0xFFFFFFF0, v9;
	(xrf0) =	vmax.scan.msk.u32 $0xffff, v12  }
0x58: {  	(xrf0) =	vadd.scan.msk.s32 $0xffff, v9;
	_ =	sdelay $0x1  }
0x59: {  	v45 =	vld [tilespmem:$0x4030];
	_ =	sdelay $0x2  }
0x5a: {  	v13, _, _ =	vpop (xrf0)  }
0x5b: {  	v14, _, _ =	vpop (xrf0)  }
0x5c: {  	v12 =	vadd.s32 $0xF, v45;
	v15 =	vxor.u32 $0x80000000, v14  }
0x5d: {  	v12 =	vand.u32 $0xFFFFFFF0, v12;
	(xrf0) =	vmax.scan.msk.u32 $0xffff, v15  }
0x5e: {  	(xrf0) =	vadd.scan.msk.s32 $0xffff, v12;
	_ =	sdelay $0x1  }
0x5f: {  	v46 =	vld [tilespmem:$0x4040];
	_ =	sdelay $0x2  }
0x60: {  	v16, _, _ =	vpop (xrf0)  }
0x61: {  	v17, _, _ =	vpop (xrf0)  }
0x62: {  	v15 =	vadd.s32 $0xF, v46;
	v18 =	vxor.u32 $0x80000000, v17  }
0x63: {  	v15 =	vand.u32 $0xFFFFFFF0, v15;
	(xrf0) =	vmax.scan.msk.u32 $0xffff, v18  }
0x64: {  	(xrf0) =	vadd.scan.msk.s32 $0xffff, v15;
	_ =	sdelay $0x1  }
0x65: {  	v47 =	vld [tilespmem:$0x4050];
	_ =	sdelay $0x2  }
0x66: {  	v19, _, _ =	vpop (xrf0)  }
0x67: {  	v20, _, _ =	vpop (xrf0)  }
0x68: {  	v18 =	vadd.s32 $0xF, v47;
	v21 =	vxor.u32 $0x80000000, v20  }
0x69: {  	v18 =	vand.u32 $0xFFFFFFF0, v18;
	(xrf0) =	vmax.scan.msk.u32 $0xffff, v21  }
0x6a: {  	(xrf0) =	vadd.scan.msk.s32 $0xffff, v18;
	_ =	sdelay $0x1  }
0x6b: {  	v48 =	vld [tilespmem:$0x4060];
	_ =	sdelay $0x2  }
0x6c: {  	v22, _, _ =	vpop (xrf0)  }
0x6d: {  	v23, _, _ =	vpop (xrf0)  }
0x6e: {  	v21 =	vadd.s32 $0xF, v48;
	v24 =	vxor.u32 $0x80000000, v23  }
0x6f: {  	v21 =	vand.u32 $0xFFFFFFF0, v21;
	(xrf0) =	vmax.scan.msk.u32 $0xffff, v24  }
0x70: {  	(xrf0) =	vadd.scan.msk.s32 $0xffff, v21;
	_ =	sdelay $0x1  }
0x71: {  	v49 =	vld [tilespmem:$0x4070];
	_ =	sdelay $0x2  }
0x72: {  	v25, _, _ =	vpop (xrf0)  }
0x73: {  	v26, _, _ =	vpop (xrf0)  }
0x74: {  	v24 =	vadd.s32 $0xF, v49;
	v27 =	vxor.u32 $0x80000000, v26  }
0x75: {  	v24 =	vand.u32 $0xFFFFFFF0, v24;
	(xrf0) =	vmax.scan.msk.u32 $0xffff, v27  }
0x76: {  	(xrf0) =	vadd.scan.msk.s32 $0xffff, v24;
	_ =	sdelay $0x1  }
0x77: {  	v50 =	vld [tilespmem:$0x4080];
	_ =	sdelay $0x2  }
0x78: {  	v28, _, _ =	vpop (xrf0)  }
0x79: {  	v29, _, _ =	vpop (xrf0)  }
0x7a: {  	v27 =	vadd.s32 $0xF, v50;
	v30 =	vxor.u32 $0x80000000, v29  }
0x7b: {  	v27 =	vand.u32 $0xFFFFFFF0, v27;
	(xrf0) =	vmax.scan.msk.u32 $0xffff, v30  }
0x7c: {  	(xrf0) =	vadd.scan.msk.s32 $0xffff, v27;
	_ =	sdelay $0x1  }
0x7d: {  	v51 =	vld [tilespmem:$0x4090];
	_ =	sdelay $0x2  }
0x7e: {  	v31, _, _ =	vpop (xrf0)  }
0x7f: {  	v32, _, _ =	vpop (xrf0)  }
0x80: {  	v30 =	vadd.s32 $0xF, v51;
	v33 =	vxor.u32 $0x80000000, v32  }
0x81: {  	v30 =	vand.u32 $0xFFFFFFF0, v30;
	(xrf0) =	vmax.scan.msk.u32 $0xffff, v33  }
0x82: {  	(xrf0) =	vadd.scan.msk.s32 $0xffff, v30;
	_ =	sdelay $0x1  }
0x83: {  	v52 =	vld [tilespmem:$0x40A0];
	_ =	sdelay $0x2  }
0x84: {  	v34, _, _ =	vpop (xrf0)  }
0x85: {  	v35, _, _ =	vpop (xrf0)  }
0x86: {  	v33 =	vadd.s32 $0xF, v52;
	v36 =	vxor.u32 $0x80000000, v35  }
0x87: {  	v33 =	vand.u32 $0xFFFFFFF0, v33;
	(xrf0) =	vmax.scan.msk.u32 $0xffff, v36  }
0x88: {  	(xrf0) =	vadd.scan.msk.s32 $0xffff, v33;
	_ =	sdelay $0x1  }
0x89: {  	v53 =	vld [tilespmem:$0x40B0]  }
0x8a: {  	(v2sf) =	vpush v10, $0xF  }
0x8b: {  	(v2sf) =	vpush v13, $0xF  }
0x8c: {  	v54, _, _ =	vpop (xrf0)  }
0x8d: {  	(v2sf) =	vpush v16, $0xF;
	v55, _, _ =	vpop (xrf0)  }
0x8e: {  	v36 =	vadd.s32 $0xF, v53;
	v56 =	vxor.u32 $0x80000000, v55  }
0x8f: {  	(v2sf) =	vpush v19, $0xF;
	v57 =	vand.u32 $0xFFFFFFF0, v36;
	(xrf0) =	vmax.scan.msk.u32 $0xffff, v56  }
0x90: {  	(xrf0) =	vadd.scan.msk.s32 $0xffff, v57  }
0x91: {  	(v2sf) =	vpush v22, $0xF;
	_ =	sdelay $0x1  }
0x92: {  	(v2sf) =	vpush v25, $0xF;
	_ =	sdelay $0x1  }
0x93: {  	(v2sf) =	vpush v28, $0xF;
	v58, _, _ =	vpop (xrf0)  }
0x94: {  	v59, _, _ =	vpop (xrf0)  }
0x95: {  	(v2sf) =	vpush v31, $0xF;
	v60 =	vxor.u32 $0x80000000, v59  }
0x96: {  	(xrf0) =	vmax.scan.msk.u32 $0xffff, v60  }
0x97: {  	s0 =	spop (v2sf);
	(v2sf) =	vpush v34, $0xF  }
0x98: {  	s0 =	sxor.u32 $0x80000000, s0;
	s11 =	spop (v2sf)  }
0x99: {  	s2 =	sadd.s32 s11, s0;
	(v2sf) =	vpush v54, $0xF  }
0x9a: {  	s2 =	sadd.s32 $0x80000000, s2;
	s7 =	spop (v2sf)  }
0x9b: {  	s7 =	sadd.s32 s7, s2;
	(v2sf) =	vpush v58, $0xF  }
0x9c: {  	s7 =	sadd.s32 $0x80000000, s7;
	s8 =	spop (v2sf);
	v61, _, _ =	vpop (xrf0)  }
0x9d: {  	s8 =	sadd.s32 s8, s7;
	(v2sf) =	vpush v61, $0xF  }
0x9e: {  	s8 =	sadd.s32 $0x80000000, s8;
	s9 =	spop (v2sf)  }
0x9f: {  	s9 =	sadd.s32 s9, s8  }
0xa0: {  	v62 =	vld [tilespmem:$0x40C0];
	s9 =	sadd.s32 $0x80000000, s9;
	s10 =	spop (v2sf)  }
0xa1: {  	s10 =	sadd.s32 s10, s9  }
0xa2: {  	s10 =	sadd.s32 $0x80000000, s10;
	s11 =	spop (v2sf)  }
0xa3: {  	v6 =	vsub.s32 v8, v6;
	v7 =	vsub.s32 v11, v7;
	s11 =	sadd.s32 s11, s10  }
0xa4: {  	[tilespmem:$0x4100] =	vst v6;
	v6 =	vsub.s32 v14, v9;
	v7 =	vadd.s32 s0, v7;
	s11 =	sadd.s32 $0x80000000, s11;
	s12 =	spop (v2sf)  }
0xa5: {  	v8 =	vadd.s32 $0xF, v62;
	[tilespmem:$0x4110] =	vst v7;
	v7 =	vsub.s32 v17, v12;
	v6 =	vadd.s32 s2, v6;
	s0 =	sadd.s32 s12, s11  }
0xa6: {  	v8 =	vand.u32 $0xFFFFFFF0, v8;
	[tilespmem:$0x4120] =	vst v6;
	v6 =	vsub.s32 v20, v15;
	v7 =	vadd.s32 s7, v7;
	s0 =	sadd.s32 $0x80000000, s0;
	s13 =	spop (v2sf)  }
0xa7: {  	[tilespmem:$0x4130] =	vst v7;
	v7 =	vsub.s32 v23, v18;
	v6 =	vadd.s32 s8, v6;
	s2 =	sadd.s32 s13, s0;
	(xrf0) =	vadd.scan.msk.s32 $0xffff, v8  }
0xa8: {  	[tilespmem:$0x4140] =	vst v6;
	v6 =	vsub.s32 v26, v21;
	v7 =	vadd.s32 s9, v7;
	s2 =	sadd.s32 $0x80000000, s2;
	s14 =	spop (v2sf)  }
0xa9: {  	[tilespmem:$0x4150] =	vst v7;
	v7 =	vsub.s32 v29, v24;
	v6 =	vadd.s32 s10, v6;
	s7 =	sadd.s32 s14, s2  }
0xaa: {  	[tilespmem:$0x4160] =	vst v6;
	v6 =	vsub.s32 v32, v27;
	v7 =	vadd.s32 s11, v7;
	s7 =	sadd.s32 $0x80000000, s7;
	s15 =	spop (v2sf)  }
0xab: {  	[tilespmem:$0x4170] =	vst v7;
	v7 =	vsub.s32 v35, v30;
	v6 =	vadd.s32 s0, v6;
	s16 =	sadd.s32 s15, s7  }
0xac: {  	[tilespmem:$0x4180] =	vst v6;
	v6 =	vsub.s32 v55, v33;
	v7 =	vadd.s32 s2, v7;
	s0 =	sadd.s32 $0x80000000, s16;
	s17 =	spop (v2sf)  }
0xad: {  	[tilespmem:$0x4190] =	vst v7;
	v7 =	vsub.s32 v59, v57;
	v6 =	vadd.s32 s7, v6;
	v63, _, _ =	vpop (xrf0);
	s2 =	sadd.s32 s17, s0  }
0xae: {  	[tilespmem:$0x41A0] =	vst v6;
	v6 =	vsub.s32 v63, v8;
	v7 =	vadd.s32 s0, v7;
	s31 =	sadd.s32 $0x80000000, s2  }
0xaf: {  	[tilespmem:$0x41B0] =	vst v7;
	v6 =	vadd.s32 s31, v6  }
0xb0: {  	s0 =	simm.s32 $0x0;
	[tilespmem:$0x41C0] =	vst v6  }
0xb1: {  	v6 =	vld [tilespmem:s0+$0x0]  }
0xb2: {  	s2 =	simm.s32 $0x40  }
.LBB2_5:
0xb3: {  	p0 =	sne.s32 s2, $0xFFC0;
	_ =	sdelay $0x2  }
0xb4: {  	v7 =	vshra.s32 v6, $0x9  }
0xb5: {  	(xrf1) =	vunique.msk.u32 $0xffff, v7;
	_ =	sdelay $0x3  }
0xb6: {  	v8 =	vld.idx.msk [tilespmem:v7+s29+$0x0], $0xffff;
	_ =	sdelay $0x9  }
0xb7: {  	_, v9, vm0 =	vpop (xrf1)  }
0xb8: {  	v8 =	vadd.s32 v9, v8  }
0xb9: {  	v8 =	vadd.s32 $0xFFFFFFFF, v8;
	_ =	sdelay $0x4  }
.Ltmp4:
0xba: {  	[tilespmem:v8+s30+$0x0] =	vst.idx.msk $0xffff, v6;
	v6 =	vadd.s32 v1, v8;
	(pc) =	sbr.rel @p0 .LBB2_5-.Ltmp4, $4  }
0xbb: {  	[tilespmem:s0+$0x4200] =	vst v6  }
0xbc: {  	s0 =	sshra.s32 s2, $0x2;
	[tilespmem:v7+s29+$0x0] =	vst.idx.add.s32.msk vm0, v9  }
0xbd: {  	v6 =	vld [tilespmem:s0+$0x0]  }
0xbe: {  	s2 =	sadd.s32 $0x40, s2  }
0xbf: {  	_ =	sdelay $0x2  }
0xc0: {  	v7 =	vshra.s32 v6, $0x9  }
0xc1: {  	(xrf1) =	vunique.msk.u32 $0xffff, v7;
	_ =	sdelay $0x9  }
0xc2: {  	v8 =	vld.idx.msk [tilespmem:v7+s29+$0x0], $0xffff;
	_ =	sdelay $0x3  }
0xc3: {  	_, v9, vm0 =	vpop (xrf1)  }
0xc4: {  	v8 =	vadd.s32 v9, v8  }
0xc5: {  	v8 =	vadd.s32 $0xFFFFFFFF, v8;
	_ =	sdelay $0x4  }
0xc6: {  	[tilespmem:v8+s30+$0x0] =	vst.idx.msk $0xffff, v6;
	v6 =	vadd.s32 v1, v8  }
0xc7: {  	[tilespmem:s0+$0x4200] =	vst v6  }
0xc8: {  	s2 =	rddreg [dreg:$0x4];
	s7 =	simm.s32 $0x4200;
	s0 =	simm.s32 $0x0;
	[tilespmem:v7+s29+$0x0] =	vst.idx.add.s32.msk vm0, v9  }
0xc9: {  	[hbm4b:s2+s0] =	stream.linear.scatter [tilespmem:s7], [sflag:$0x7], $0x4000, $0x38;
	[tilespmem:$0x1ED80] =	vst v63  }
0xca: {  	_ =	swait.ge [sflag:s26], $0x4000  }
0xcb: {  	[sflag:s26] =	ssyncset.done $0x0  }
0xcc: {  	s7 =	simm.s32 $0xCD80;
	[sflag:s26] =	ssyncadd.s32 $0xFFFFC000  }
0xcd: {  	[tilespmem:s7], [sflag:$0x1] =	stream.linear.gather [hbm4b:s6+s0], $0x1000, $0x38;
	[tilespmem:$0x1ED80] =	vst v63  }
0xce: {  	s9 =	simm.s32 $0xDD80;
	s8 =	rddreg [dreg:$0x5]  }
0xcf: {  	[tilespmem:s9], [sflag:$0x1] =	stream.linear.gather [hbm4b:s8+s0], $0x1000, $0x38;
	[tilespmem:$0x1ED80] =	vst v63  }
0xd0: {  	s11 =	simm.s32 $0xED80;
	s10 =	rddreg [dreg:$0x6]  }
0xd1: {  	[tilespmem:s11], [sflag:$0x1] =	stream.linear.gather [hbm4b:s10+s0], $0x1000, $0x38;
	[tilespmem:$0x1ED80] =	vst v63  }
0xd2: {  	s13 =	simm.s32 $0xFD80;
	s12 =	rddreg [dreg:$0x7]  }
0xd3: {  	[tilespmem:s13], [sflag:$0x1] =	stream.linear.gather [hbm4b:s12+s0], $0x1000, $0x38;
	[tilespmem:$0x1ED80] =	vst v63  }
0xd4: {  	s15 =	simm.s32 $0x10D80;
	s14 =	rddreg [dreg:$0x8]  }
0xd5: {  	[tilespmem:s15], [sflag:$0x2] =	stream.linear.gather [hbm4b:s14+s0], $0x1000, $0x38;
	[tilespmem:$0x1ED80] =	vst v63  }
0xd6: {  	s17 =	simm.s32 $0x11D80;
	s16 =	rddreg [dreg:$0x9]  }
0xd7: {  	[tilespmem:s17], [sflag:$0x2] =	stream.linear.gather [hbm4b:s16+s0], $0x1000, $0x38;
	[tilespmem:$0x1ED80] =	vst v63  }
0xd8: {  	s7 =	rddreg [dreg:$0xa];
	s8 =	simm.s32 $0x12D80  }
0xd9: {  	[tilespmem:s8], [sflag:$0x2] =	stream.linear.gather [hbm4b:s7+s0], $0x1000, $0x38;
	[tilespmem:$0x1ED80] =	vst v63  }
0xda: {  	s9 =	rddreg [dreg:$0xb];
	s10 =	simm.s32 $0x13D80  }
0xdb: {  	[tilespmem:s10], [sflag:$0x2] =	stream.linear.gather [hbm4b:s9+s0], $0x1000, $0x38;
	[tilespmem:$0x1ED80] =	vst v63  }
0xdc: {  	s11 =	rddreg [dreg:$0xc];
	s12 =	simm.s32 $0x14D80  }
0xdd: {  	[tilespmem:s12], [sflag:$0x3] =	stream.linear.gather [hbm4b:s11+s0], $0x1000, $0x38;
	[tilespmem:$0x1ED80] =	vst v63  }
0xde: {  	s13 =	rddreg [dreg:$0xd];
	s14 =	simm.s32 $0x15D80  }
0xdf: {  	[tilespmem:s14], [sflag:$0x3] =	stream.linear.gather [hbm4b:s13+s0], $0x1000, $0x38;
	[tilespmem:$0x1ED80] =	vst v63  }
.Ltmp5:
0xe0: {  	_ = 	snop;
	(pc) =	sbr.rel .LBB2_7-.Ltmp5, $4  }
0xe1: {  	s15 =	rddreg [dreg:$0xe];
	s16 =	simm.s32 $0x16D80  }
0xe2: {  	[tilespmem:s16], [sflag:$0x3] =	stream.linear.gather [hbm4b:s15+s0], $0x1000, $0x38;
	[tilespmem:$0x1ED80] =	vst v63  }
0xe3: {  	s31 =	simm.s32 $0x0;
	s2 =	simm.s32 $0x0;
	s17 =	simm.s32 $0x17D80  }
0xe4: {  	[tilespmem:s17], [sflag:$0x3] =	stream.linear.gather [hbm4b:s19+s0], $0x1000, $0x38;
	[tilespmem:$0x1ED80] =	vst v63  }
.LBB2_10:
0xe5: {  	[hbm4b:s13+s16] =	stream.linear.scatter @!p1 [tilespmem:s14], [sflag:s15], $0x1000, $0x38;
	[tilespmem:$0x1ED80] =	vst v63  }
.LBB2_11:
0xe6: {  	s31 =	sadd.s32 $0x1, s31  }
0xe7: {  	p0 =	sne.s32 s31, $0xC4  }
.Ltmp6:
0xe8: {  	_ = 	snop;
	(pc) =	sbr.rel @!p0 .LBB2_12-.Ltmp6, $3  }
0xe9: {  	_ =	sdelay $0x1  }
0xea: {  	s7 =	sand.u32 $0xFFFFFFF0, s7  }
0xeb: {  	s2 =	sadd.s32 s2, s7;
	s0 =	sadd.s32 s0, s7  }
.LBB2_7:
0xec: {  	s8 =	sand.u32 $0x3, s31  }
0xed: {  	s7 =	sadd.s32 $0x1, s8  }
0xee: {  	_ =	swait.ge [sflag:s7], $0x1000  }
0xef: {  	[sflag:s7] =	ssyncset.done $0x0  }
0xf0: {  	[sflag:s7] =	ssyncadd.s32 $0xFFFFF000  }
0xf1: {  	_ =	swait.ge [sflag:s7], $0x1000  }
0xf2: {  	[sflag:s7] =	ssyncset.done $0x0  }
0xf3: {  	[sflag:s7] =	ssyncadd.s32 $0xFFFFF000  }
0xf4: {  	_ =	swait.ge [sflag:s7], $0x1000  }
0xf5: {  	[sflag:s7] =	ssyncset.done $0x0  }
0xf6: {  	s9 =	sadd.s32 $0x3, s31;
	p0 =	sgt.u32 s31, $0xC0;
	[sflag:s7] =	ssyncadd.s32 $0xFFFFF000  }
0xf7: {  	p2 =	seq.s32 @!p0 s9, $0xC3;
	_ =	swait.ge [sflag:s7], $0x1000  }
0xf8: {  	p1 =	por !p2, p0;
	p2 =	por p2, p0;
	[sflag:s7] =	ssyncset.done $0x0  }
0xf9: {  	s11 =	simm.s32 @!p1 $0x0;
	[sflag:s7] =	ssyncadd.s32 $0xFFFFF000;
	s7 =	sand.u32 @!p0 $0x3, s9  }
0xfa: {  	s12 =	simm.s32 @!p1 $0x18D80;
	s9 =	sshll.u32 @!p2 s9, $0xC;
	s10 =	sadd.s32 @!p0 $0x1, s7  }
0xfb: {  	[tilespmem:s12], [sflag:s10] =	stream.linear.gather @!p1 [hbm4b:s18+s11], $0x1000, $0x38;
	[tilespmem:$0x1ED80] =	vst v63  }
0xfc: {  	s9 =	sadd.s32 @!p2 s4, s9;
	s12 =	simm.s32 @!p1 $0x19D80  }
0xfd: {  	[tilespmem:s12], [sflag:s10] =	stream.linear.gather @!p1 [hbm4b:s20+s11], $0x1000, $0x38;
	[tilespmem:$0x1ED80] =	vst v63  }
0xfe: {  	s7 =	sshll.u32 @!p2 s7, $0xE;
	s9 =	sshrl.u32 @!p2 s9, $0x3;
	s12 =	simm.s32 @!p1 $0x1AD80  }
0xff: {  	[tilespmem:s12], [sflag:s10] =	stream.linear.gather @!p1 [hbm4b:s21+s11], $0x1000, $0x38;
	[tilespmem:$0x1ED80] =	vst v63  }
0x100: {  	s9 =	sadd.s32 @!p2 s1, s9;
	s11 =	sadd.s32 @!p2 $0xCD80, s7;
	s12 =	simm.s32 @!p2 $0x0  }
0x101: {  	[tilespmem:s11], [sflag:s10] =	stream.linear.gather @!p2 [hbm4b:s9+s12], $0x1000, $0x38;
	[tilespmem:$0x1ED80] =	vst v63  }
0x102: {  	s13 =	sadd.s32 @!p2 $0x18700, s9;
	s11 =	sadd.s32 @!p2 $0xDD80, s7  }
0x103: {  	[tilespmem:s11], [sflag:s10] =	stream.linear.gather @!p2 [hbm4b:s13+s12], $0x1000, $0x38;
	[tilespmem:$0x1ED80] =	vst v63  }
0x104: {  	s11 =	sadd.s32 @!p2 $0xED80, s7;
	s13 =	sadd.s32 @!p2 $0x30E00, s9  }
0x105: {  	[tilespmem:s11], [sflag:s10] =	stream.linear.gather @!p2 [hbm4b:s13+s12], $0x1000, $0x38;
	[tilespmem:$0x1ED80] =	vst v63  }
0x106: {  	s7 =	sadd.s32 @!p2 $0xFD80, s7;
	s9 =	sadd.s32 @!p2 $0x49500, s9;
	s11 =	smov.u32 s22  }
0x107: {  	s7 =	simm.s32 @!p1 $0x1BD80;
	s11 =	smov.u32 @p1 s9;
	s9 =	simm.s32 @!p0 $0x0  }
0x108: {  	[tilespmem:s7], [sflag:s10] =	stream.linear.gather @!p0 [hbm4b:s11+s9], $0x1000, $0x38;
	[tilespmem:$0x1ED80] =	vst v63  }
0x109: {  	v6 =	vld [tilespmem:s31+$0x4000];
	_ =	sdelay $0x4  }
0x10a: {  	(v2sf) =	vpush v6, $0x0;
	_ =	sdelay $0xe  }
0x10b: {  	s17 =	spop (v2sf)  }
0x10c: {  	s7 =	sadd.s32 $0xF, s17  }
0x10d: {  	s9 =	sshra.s32 s7, $0x4  }
0x10e: {  	p0 =	slt.s32 s9, $0x1  }
.Ltmp7:
0x10f: {  	_ = 	snop;
	(pc) =	sbr.rel @p0 .LBB2_11-.Ltmp7, $1  }
0x110: {  	_ =	sdelay $0x3  }
0x111: {  	s12 =	sadd.s32 $0x8200, s2  }
0x112: {  	v7 =	vld [tilespmem:s12+$0x0];
	_ =	sdelay $0x2  }
0x113: {  	s10 =	sshll.u32 s31, $0x9  }
0x114: {  	v6 =	vmov s10  }
0x115: {  	v7 =	vsub.s32 v7, v6  }
0x116: {  	vm0 =	vgt.s32 v7, $0x0  }
0x117: {  	v7 =	vnsel vm0, $0x0, v7  }
0x118: {  	v7 =	vmin.u32 v7, $0x1FF  }
0x119: {  	s10 =	sadd.s32 $0x10, s0;
	v8 =	vshll.u32 v7, $0x3  }
0x11a: {  	s11 =	sadd.s32 $0xFFFFFFF0, s10;
	v9 =	vand.u32 $0x7F, v7;
	v8 =	vand.u32 $0xC00, v8  }
0x11b: {  	s11 =	sand.u32 $0x70, s11;
	v34 =	vor.u32 v9, v8  }
0x11c: {  	v9 =	vmov s11  }
0x11d: {  	v9 =	vshll.u32 v9, $0x5  }
0x11e: {  	s8 =	sshll.u32 s8, $0xE;
	v9 =	vor.u32 v3, v9  }
0x11f: {  	s8 =	sadd.s32 $0xCD80, s8;
	v36 =	vand.u32 $0xF80, v9  }
0x120: {  	v10 =	vor.u32 v0, v36;
	v9 =	vld.idx.msk [tilespmem:v34+s8+$0x0], $0xffff  }
0x121: {  	v11 =	vor.u32 $0x80, v34  }
0x122: {  	s11 =	sshll.u32 s0, $0x5  }
0x123: {  	s13 =	sand.u32 $0x1000, s11  }
0x124: {  	s13 =	sor.u32 $0x1CD80, s13  }
0x125: {  	[tilespmem:v10+s13+$0x0] =	vst.idx.msk $0xffff, v9  }
0x126: {  	v10 =	vor.u32 v4, v36;
	v9 =	vld.idx.msk [tilespmem:v11+s8+$0x0], $0xffff  }
0x127: {  	v11 =	vor.u32 $0x100, v34;
	_ =	sdelay $0x3  }
0x128: {  	[tilespmem:v10+s13+$0x0] =	vst.idx.msk $0xffff, v9  }
0x129: {  	v35 =	vor.u32 v7, v8;
	v8 =	vor.u32 v5, v36;
	v7 =	vld.idx.msk [tilespmem:v11+s8+$0x0], $0xffff  }
0x12a: {  	v9 =	vor.u32 $0x180, v35;
	_ =	sdelay $0x3  }
0x12b: {  	[tilespmem:v8+s13+$0x0] =	vst.idx.msk $0xffff, v7;
	v7 =	vor.u32 $0x3, v0  }
0x12c: {  	v8 =	vld.idx.msk [tilespmem:v9+s8+$0x0], $0xffff;
	v9 =	vor.u32 v7, v36  }
0x12d: {  	v10 =	vor.u32 $0x200, v34;
	_ =	sdelay $0x3  }
0x12e: {  	[tilespmem:v9+s13+$0x0] =	vst.idx.msk $0xffff, v8;
	v8 =	vor.u32 $0x4, v0  }
0x12f: {  	v9 =	vld.idx.msk [tilespmem:v10+s8+$0x0], $0xffff;
	v10 =	vor.u32 v8, v36  }
0x130: {  	v11 =	vor.u32 $0x280, v34;
	_ =	sdelay $0x3  }
0x131: {  	[tilespmem:v10+s13+$0x0] =	vst.idx.msk $0xffff, v9;
	v9 =	vor.u32 $0x5, v0  }
0x132: {  	v10 =	vld.idx.msk [tilespmem:v11+s8+$0x0], $0xffff;
	v11 =	vor.u32 v9, v36  }
0x133: {  	v12 =	vor.u32 $0x300, v34;
	_ =	sdelay $0x3  }
0x134: {  	[tilespmem:v11+s13+$0x0] =	vst.idx.msk $0xffff, v10;
	v10 =	vor.u32 $0x6, v0  }
0x135: {  	v11 =	vld.idx.msk [tilespmem:v12+s8+$0x0], $0xffff;
	v12 =	vor.u32 v10, v36  }
0x136: {  	v13 =	vor.u32 $0x380, v35;
	_ =	sdelay $0x3  }
0x137: {  	[tilespmem:v12+s13+$0x0] =	vst.idx.msk $0xffff, v11;
	v11 =	vor.u32 $0x7, v0  }
0x138: {  	v12 =	vld.idx.msk [tilespmem:v13+s8+$0x0], $0xffff;
	v13 =	vor.u32 v11, v36  }
0x139: {  	v14 =	vor.u32 $0x1000, v34;
	_ =	sdelay $0x3  }
0x13a: {  	[tilespmem:v13+s13+$0x0] =	vst.idx.msk $0xffff, v12;
	v12 =	vor.u32 $0x8, v0  }
0x13b: {  	v13 =	vld.idx.msk [tilespmem:v14+s8+$0x0], $0xffff;
	v14 =	vor.u32 v12, v36  }
0x13c: {  	v15 =	vor.u32 $0x1080, v34;
	_ =	sdelay $0x3  }
0x13d: {  	[tilespmem:v14+s13+$0x0] =	vst.idx.msk $0xffff, v13;
	v13 =	vor.u32 $0x9, v0  }
0x13e: {  	v14 =	vld.idx.msk [tilespmem:v15+s8+$0x0], $0xffff;
	v15 =	vor.u32 v13, v36  }
0x13f: {  	v16 =	vor.u32 $0x1100, v34;
	_ =	sdelay $0x3  }
0x140: {  	[tilespmem:v15+s13+$0x0] =	vst.idx.msk $0xffff, v14;
	v14 =	vor.u32 $0xA, v0  }
0x141: {  	v15 =	vld.idx.msk [tilespmem:v16+s8+$0x0], $0xffff;
	v16 =	vor.u32 v14, v36  }
0x142: {  	v17 =	vor.u32 $0x1180, v35;
	_ =	sdelay $0x3  }
0x143: {  	[tilespmem:v16+s13+$0x0] =	vst.idx.msk $0xffff, v15;
	v15 =	vor.u32 $0xB, v0  }
0x144: {  	v16 =	vld.idx.msk [tilespmem:v17+s8+$0x0], $0xffff;
	v17 =	vor.u32 v15, v36  }
0x145: {  	v18 =	vor.u32 $0x1200, v34;
	_ =	sdelay $0x3  }
0x146: {  	[tilespmem:v17+s13+$0x0] =	vst.idx.msk $0xffff, v16;
	v16 =	vor.u32 $0xC, v0  }
0x147: {  	v17 =	vld.idx.msk [tilespmem:v18+s8+$0x0], $0xffff;
	v18 =	vor.u32 v16, v36  }
0x148: {  	v19 =	vor.u32 $0x1280, v34;
	_ =	sdelay $0x3  }
0x149: {  	[tilespmem:v18+s13+$0x0] =	vst.idx.msk $0xffff, v17;
	v17 =	vor.u32 $0xD, v0  }
0x14a: {  	v18 =	vld.idx.msk [tilespmem:v19+s8+$0x0], $0xffff;
	v19 =	vor.u32 v17, v36  }
0x14b: {  	v20 =	vor.u32 $0x1300, v34;
	_ =	sdelay $0x3  }
0x14c: {  	[tilespmem:v19+s13+$0x0] =	vst.idx.msk $0xffff, v18;
	v18 =	vor.u32 $0xE, v0  }
0x14d: {  	v19 =	vld.idx.msk [tilespmem:v20+s8+$0x0], $0xffff;
	v20 =	vor.u32 v18, v36  }
0x14e: {  	v21 =	vor.u32 $0x1380, v35;
	_ =	sdelay $0x3  }
0x14f: {  	[tilespmem:v20+s13+$0x0] =	vst.idx.msk $0xffff, v19;
	v19 =	vor.u32 $0xF, v0  }
0x150: {  	v20 =	vld.idx.msk [tilespmem:v21+s8+$0x0], $0xffff;
	v21 =	vor.u32 v19, v36  }
0x151: {  	v22 =	vor.u32 $0x2000, v34;
	_ =	sdelay $0x3  }
0x152: {  	[tilespmem:v21+s13+$0x0] =	vst.idx.msk $0xffff, v20;
	v20 =	vor.u32 $0x10, v0  }
0x153: {  	v21 =	vld.idx.msk [tilespmem:v22+s8+$0x0], $0xffff;
	v22 =	vor.u32 v20, v36  }
0x154: {  	v23 =	vor.u32 $0x2080, v34;
	_ =	sdelay $0x3  }
0x155: {  	[tilespmem:v22+s13+$0x0] =	vst.idx.msk $0xffff, v21;
	v21 =	vor.u32 $0x11, v0  }
0x156: {  	v22 =	vld.idx.msk [tilespmem:v23+s8+$0x0], $0xffff;
	v23 =	vor.u32 v21, v36  }
0x157: {  	v24 =	vor.u32 $0x2100, v34;
	_ =	sdelay $0x3  }
0x158: {  	[tilespmem:v23+s13+$0x0] =	vst.idx.msk $0xffff, v22;
	v22 =	vor.u32 $0x12, v0  }
0x159: {  	v23 =	vld.idx.msk [tilespmem:v24+s8+$0x0], $0xffff;
	v24 =	vor.u32 v22, v36  }
0x15a: {  	v25 =	vor.u32 $0x2180, v35;
	_ =	sdelay $0x3  }
0x15b: {  	[tilespmem:v24+s13+$0x0] =	vst.idx.msk $0xffff, v23;
	v23 =	vor.u32 $0x13, v0  }
0x15c: {  	v24 =	vld.idx.msk [tilespmem:v25+s8+$0x0], $0xffff;
	v25 =	vor.u32 v23, v36  }
0x15d: {  	v26 =	vor.u32 $0x2200, v34;
	_ =	sdelay $0x3  }
0x15e: {  	[tilespmem:v25+s13+$0x0] =	vst.idx.msk $0xffff, v24;
	v24 =	vor.u32 $0x14, v0  }
0x15f: {  	v25 =	vld.idx.msk [tilespmem:v26+s8+$0x0], $0xffff;
	v26 =	vor.u32 v24, v36  }
0x160: {  	v27 =	vor.u32 $0x2280, v34;
	_ =	sdelay $0x3  }
0x161: {  	[tilespmem:v26+s13+$0x0] =	vst.idx.msk $0xffff, v25;
	v25 =	vor.u32 $0x15, v0  }
0x162: {  	v26 =	vld.idx.msk [tilespmem:v27+s8+$0x0], $0xffff;
	v27 =	vor.u32 v25, v36  }
0x163: {  	v28 =	vor.u32 $0x2300, v34;
	_ =	sdelay $0x3  }
0x164: {  	[tilespmem:v27+s13+$0x0] =	vst.idx.msk $0xffff, v26;
	v26 =	vor.u32 $0x16, v0  }
0x165: {  	v27 =	vld.idx.msk [tilespmem:v28+s8+$0x0], $0xffff;
	v28 =	vor.u32 v26, v36  }
0x166: {  	v29 =	vor.u32 $0x2380, v35;
	_ =	sdelay $0x3  }
0x167: {  	[tilespmem:v28+s13+$0x0] =	vst.idx.msk $0xffff, v27;
	v27 =	vor.u32 $0x17, v0  }
0x168: {  	v28 =	vld.idx.msk [tilespmem:v29+s8+$0x0], $0xffff;
	v29 =	vor.u32 v27, v36  }
0x169: {  	v30 =	vor.u32 $0x3000, v34;
	_ =	sdelay $0x3  }
0x16a: {  	[tilespmem:v29+s13+$0x0] =	vst.idx.msk $0xffff, v28;
	v28 =	vor.u32 $0x18, v0  }
0x16b: {  	v29 =	vld.idx.msk [tilespmem:v30+s8+$0x0], $0xffff;
	v30 =	vor.u32 v28, v36  }
0x16c: {  	v31 =	vor.u32 $0x3080, v34;
	_ =	sdelay $0x3  }
0x16d: {  	[tilespmem:v30+s13+$0x0] =	vst.idx.msk $0xffff, v29;
	v29 =	vor.u32 $0x19, v0  }
0x16e: {  	v30 =	vld.idx.msk [tilespmem:v31+s8+$0x0], $0xffff;
	v31 =	vor.u32 v29, v36  }
0x16f: {  	v32 =	vor.u32 $0x3100, v34;
	_ =	sdelay $0x3  }
0x170: {  	[tilespmem:v31+s13+$0x0] =	vst.idx.msk $0xffff, v30;
	v30 =	vor.u32 $0x1A, v0  }
0x171: {  	v31 =	vld.idx.msk [tilespmem:v32+s8+$0x0], $0xffff;
	v58 =	vor.u32 v30, v36  }
0x172: {  	v33 =	vor.u32 $0x3180, v35;
	_ =	sdelay $0x3  }
0x173: {  	[tilespmem:v58+s13+$0x0] =	vst.idx.msk $0xffff, v31;
	v31 =	vor.u32 $0x1B, v0  }
0x174: {  	v32 =	vld.idx.msk [tilespmem:v33+s8+$0x0], $0xffff;
	v59 =	vor.u32 v31, v36  }
0x175: {  	v37 =	vor.u32 $0x3200, v34;
	_ =	sdelay $0x3  }
0x176: {  	[tilespmem:v59+s13+$0x0] =	vst.idx.msk $0xffff, v32;
	v32 =	vor.u32 $0x1C, v0  }
0x177: {  	v33 =	vld.idx.msk [tilespmem:v37+s8+$0x0], $0xffff;
	v60 =	vor.u32 v32, v36  }
0x178: {  	v38 =	vor.u32 $0x3280, v34;
	_ =	sdelay $0x3  }
0x179: {  	[tilespmem:v60+s13+$0x0] =	vst.idx.msk $0xffff, v33;
	v33 =	vor.u32 $0x1D, v0  }
0x17a: {  	v37 =	vld.idx.msk [tilespmem:v38+s8+$0x0], $0xffff;
	v61 =	vor.u32 v33, v36  }
0x17b: {  	v39 =	vor.u32 $0x3300, v34;
	_ =	sdelay $0x3  }
0x17c: {  	v34 =	vor.u32 $0x1E, v0;
	[tilespmem:v61+s13+$0x0] =	vst.idx.msk $0xffff, v37  }
0x17d: {  	v62 =	vor.u32 v34, v36;
	v37 =	vld.idx.msk [tilespmem:v39+s8+$0x0], $0xffff  }
0x17e: {  	v63 =	vor.u32 $0x3380, v35;
	_ =	sdelay $0x3  }
0x17f: {  	s14 =	sand.u32 $0x70, s10;
	v35 =	vor.u32 $0x1F, v0;
	[tilespmem:v62+s13+$0x0] =	vst.idx.msk $0xffff, v37  }
0x180: {  	s9 =	sadd.s32 $0xFFFFFFFF, s9;
	p1 =	sne.s32 s14, $0x0;
	v36 =	vor.u32 v35, v36;
	v37 =	vld.idx.msk [tilespmem:v63+s8+$0x0], $0xffff  }
0x181: {  	p0 =	sne.s32 s9, $0x0;
	s14 =	sshra.s32 @!p1 s10, $0x7  }
0x182: {  	s12 =	sadd.s32 $0x10, s12;
	s15 =	sadd.s32 @!p1 $0xFFFFFFFF, s14;
	p2 =	slt.s32 @!p1 s14, $0x2  }
0x183: {  	s10 =	sadd.s32 $0x10, s10;
	s16 =	sand.u32 @!p1 $0x1, s15;
	p2 =	por p2, p1  }
.Ltmp8:
0x184: {  	s14 =	sshll.u32 @!p1 s15, $0xC;
	s15 =	sxor.u32 @!p2 $0x1, s16;
	(pc) =	sbr.rel @!p0 .LBB2_10-.Ltmp8, $4  }
0x185: {  	s14 =	sadd.s32 @!p1 s23, s14;
	s17 =	sadd.s32 @!p2 $0x5, s15;
	s15 =	sadd.s32 @!p1 $0x5, s16;
	[tilespmem:v36+s13+$0x0] =	vst.idx.msk $0xffff, v37  }
0x186: {  	s11 =	sadd.s32 $0x200, s11;
	s13 =	sshrl.u32 @!p1 s14, $0x3;
	_ =	swait.ge @!p2 [sflag:s17], $0x1000  }
0x187: {  	s14 =	sshll.u32 @!p1 s16, $0xC;
	s16 =	simm.s32 @!p1 $0x0;
	[sflag:s17] =	ssyncset.done @!p2 $0x0  }
0x188: {  	s13 =	sadd.s32 @!p1 s5, s13;
	s14 =	sor.u32 @!p1 $0x1CD80, s14;
	[sflag:s17] =	ssyncadd.s32 @!p2 $0xFFFFF000  }
.LBB2_9:
0x189: {  	[hbm4b:s13+s16] =	stream.linear.scatter @!p1 [tilespmem:s14], [sflag:s15], $0x1000, $0x38;
	[tilespmem:$0x1ED80] =	vst v63  }
0x18a: {  	s9 =	sadd.s32 $0xFFFFFFFF, s9;
	v36 =	vld [tilespmem:s12+$0x0]  }
0x18b: {  	p0 =	sne.s32 s9, $0x0;
	_ =	sdelay $0x3  }
0x18c: {  	v36 =	vsub.s32 v36, v6  }
0x18d: {  	vm0 =	vgt.s32 v36, $0x0  }
0x18e: {  	v36 =	vnsel vm0, $0x0, v36  }
0x18f: {  	v36 =	vmin.u32 v36, $0x1FF  }
0x190: {  	v37 =	vshll.u32 v36, $0x3  }
0x191: {  	v38 =	vand.u32 $0x7F, v36;
	v37 =	vand.u32 $0xC00, v37  }
0x192: {  	s13 =	sadd.s32 $0xFFFFFFF0, s10;
	v38 =	vor.u32 v38, v37;
	v36 =	vor.u32 v36, v37  }
0x193: {  	s13 =	sand.u32 $0x70, s13  }
0x194: {  	v37 =	vmov s13  }
0x195: {  	v37 =	vshll.u32 v37, $0x5  }
0x196: {  	v37 =	vor.u32 v3, v37  }
0x197: {  	v37 =	vand.u32 $0xF80, v37;
	v39 =	vld.idx.msk [tilespmem:v38+s8+$0x0], $0xffff  }
0x198: {  	v40 =	vor.u32 v0, v37  }
0x199: {  	v41 =	vor.u32 $0x80, v38;
	_ =	sdelay $0x1  }
0x19a: {  	s13 =	sand.u32 $0x1000, s11  }
0x19b: {  	s13 =	sor.u32 $0x1CD80, s13  }
0x19c: {  	[tilespmem:v40+s13+$0x0] =	vst.idx.msk $0xffff, v39  }
0x19d: {  	v39 =	vld.idx.msk [tilespmem:v41+s8+$0x0], $0xffff  }
0x19e: {  	v40 =	vor.u32 v4, v37  }
0x19f: {  	v41 =	vor.u32 $0x100, v38;
	_ =	sdelay $0x3  }
0x1a0: {  	[tilespmem:v40+s13+$0x0] =	vst.idx.msk $0xffff, v39  }
0x1a1: {  	v39 =	vld.idx.msk [tilespmem:v41+s8+$0x0], $0xffff  }
0x1a2: {  	v40 =	vor.u32 v5, v37  }
0x1a3: {  	v41 =	vor.u32 $0x180, v36;
	_ =	sdelay $0x3  }
0x1a4: {  	[tilespmem:v40+s13+$0x0] =	vst.idx.msk $0xffff, v39  }
0x1a5: {  	v39 =	vld.idx.msk [tilespmem:v41+s8+$0x0], $0xffff  }
0x1a6: {  	v40 =	vor.u32 v7, v37  }
0x1a7: {  	v41 =	vor.u32 $0x200, v38;
	_ =	sdelay $0x3  }
0x1a8: {  	[tilespmem:v40+s13+$0x0] =	vst.idx.msk $0xffff, v39  }
0x1a9: {  	v39 =	vld.idx.msk [tilespmem:v41+s8+$0x0], $0xffff  }
0x1aa: {  	v40 =	vor.u32 v8, v37  }
0x1ab: {  	v41 =	vor.u32 $0x280, v38;
	_ =	sdelay $0x3  }
0x1ac: {  	[tilespmem:v40+s13+$0x0] =	vst.idx.msk $0xffff, v39  }
0x1ad: {  	v39 =	vld.idx.msk [tilespmem:v41+s8+$0x0], $0xffff  }
0x1ae: {  	v40 =	vor.u32 v9, v37  }
0x1af: {  	v41 =	vor.u32 $0x300, v38;
	_ =	sdelay $0x3  }
0x1b0: {  	[tilespmem:v40+s13+$0x0] =	vst.idx.msk $0xffff, v39  }
0x1b1: {  	v39 =	vld.idx.msk [tilespmem:v41+s8+$0x0], $0xffff  }
0x1b2: {  	v40 =	vor.u32 v10, v37  }
0x1b3: {  	v41 =	vor.u32 $0x380, v36;
	_ =	sdelay $0x3  }
0x1b4: {  	[tilespmem:v40+s13+$0x0] =	vst.idx.msk $0xffff, v39  }
0x1b5: {  	v39 =	vld.idx.msk [tilespmem:v41+s8+$0x0], $0xffff  }
0x1b6: {  	v40 =	vor.u32 v11, v37  }
0x1b7: {  	v41 =	vor.u32 $0x1000, v38;
	_ =	sdelay $0x3  }
0x1b8: {  	[tilespmem:v40+s13+$0x0] =	vst.idx.msk $0xffff, v39  }
0x1b9: {  	v39 =	vld.idx.msk [tilespmem:v41+s8+$0x0], $0xffff  }
0x1ba: {  	v40 =	vor.u32 v12, v37  }
0x1bb: {  	v41 =	vor.u32 $0x1080, v38;
	_ =	sdelay $0x3  }
0x1bc: {  	[tilespmem:v40+s13+$0x0] =	vst.idx.msk $0xffff, v39  }
0x1bd: {  	v39 =	vld.idx.msk [tilespmem:v41+s8+$0x0], $0xffff  }
0x1be: {  	v40 =	vor.u32 v13, v37  }
0x1bf: {  	v41 =	vor.u32 $0x1100, v38;
	_ =	sdelay $0x3  }
0x1c0: {  	[tilespmem:v40+s13+$0x0] =	vst.idx.msk $0xffff, v39  }
0x1c1: {  	v39 =	vld.idx.msk [tilespmem:v41+s8+$0x0], $0xffff  }
0x1c2: {  	v40 =	vor.u32 v14, v37  }
0x1c3: {  	v41 =	vor.u32 $0x1180, v36;
	_ =	sdelay $0x3  }
0x1c4: {  	[tilespmem:v40+s13+$0x0] =	vst.idx.msk $0xffff, v39  }
0x1c5: {  	v39 =	vld.idx.msk [tilespmem:v41+s8+$0x0], $0xffff  }
0x1c6: {  	v40 =	vor.u32 v15, v37  }
0x1c7: {  	v41 =	vor.u32 $0x1200, v38;
	_ =	sdelay $0x3  }
0x1c8: {  	[tilespmem:v40+s13+$0x0] =	vst.idx.msk $0xffff, v39  }
0x1c9: {  	v39 =	vld.idx.msk [tilespmem:v41+s8+$0x0], $0xffff  }
0x1ca: {  	v40 =	vor.u32 v16, v37  }
0x1cb: {  	v41 =	vor.u32 $0x1280, v38;
	_ =	sdelay $0x3  }
0x1cc: {  	[tilespmem:v40+s13+$0x0] =	vst.idx.msk $0xffff, v39  }
0x1cd: {  	v39 =	vld.idx.msk [tilespmem:v41+s8+$0x0], $0xffff  }
0x1ce: {  	v40 =	vor.u32 v17, v37  }
0x1cf: {  	v41 =	vor.u32 $0x1300, v38;
	_ =	sdelay $0x3  }
0x1d0: {  	[tilespmem:v40+s13+$0x0] =	vst.idx.msk $0xffff, v39  }
0x1d1: {  	v39 =	vld.idx.msk [tilespmem:v41+s8+$0x0], $0xffff  }
0x1d2: {  	v40 =	vor.u32 v18, v37  }
0x1d3: {  	v41 =	vor.u32 $0x1380, v36;
	_ =	sdelay $0x3  }
0x1d4: {  	[tilespmem:v40+s13+$0x0] =	vst.idx.msk $0xffff, v39  }
0x1d5: {  	v39 =	vld.idx.msk [tilespmem:v41+s8+$0x0], $0xffff  }
0x1d6: {  	v40 =	vor.u32 v19, v37  }
0x1d7: {  	v41 =	vor.u32 $0x2000, v38;
	_ =	sdelay $0x3  }
0x1d8: {  	[tilespmem:v40+s13+$0x0] =	vst.idx.msk $0xffff, v39  }
0x1d9: {  	v39 =	vld.idx.msk [tilespmem:v41+s8+$0x0], $0xffff  }
0x1da: {  	v40 =	vor.u32 v20, v37  }
0x1db: {  	v41 =	vor.u32 $0x2080, v38;
	_ =	sdelay $0x3  }
0x1dc: {  	[tilespmem:v40+s13+$0x0] =	vst.idx.msk $0xffff, v39  }
0x1dd: {  	v39 =	vld.idx.msk [tilespmem:v41+s8+$0x0], $0xffff  }
0x1de: {  	v40 =	vor.u32 v21, v37  }
0x1df: {  	v41 =	vor.u32 $0x2100, v38;
	_ =	sdelay $0x3  }
0x1e0: {  	[tilespmem:v40+s13+$0x0] =	vst.idx.msk $0xffff, v39  }
0x1e1: {  	v39 =	vld.idx.msk [tilespmem:v41+s8+$0x0], $0xffff  }
0x1e2: {  	v40 =	vor.u32 v22, v37  }
0x1e3: {  	v41 =	vor.u32 $0x2180, v36;
	_ =	sdelay $0x3  }
0x1e4: {  	[tilespmem:v40+s13+$0x0] =	vst.idx.msk $0xffff, v39  }
0x1e5: {  	v39 =	vld.idx.msk [tilespmem:v41+s8+$0x0], $0xffff  }
0x1e6: {  	v40 =	vor.u32 v23, v37  }
0x1e7: {  	v41 =	vor.u32 $0x2200, v38;
	_ =	sdelay $0x3  }
0x1e8: {  	[tilespmem:v40+s13+$0x0] =	vst.idx.msk $0xffff, v39  }
0x1e9: {  	v39 =	vld.idx.msk [tilespmem:v41+s8+$0x0], $0xffff  }
0x1ea: {  	v40 =	vor.u32 v24, v37  }
0x1eb: {  	v41 =	vor.u32 $0x2280, v38;
	_ =	sdelay $0x3  }
0x1ec: {  	[tilespmem:v40+s13+$0x0] =	vst.idx.msk $0xffff, v39  }
0x1ed: {  	v39 =	vld.idx.msk [tilespmem:v41+s8+$0x0], $0xffff  }
0x1ee: {  	v40 =	vor.u32 v25, v37  }
0x1ef: {  	v41 =	vor.u32 $0x2300, v38;
	_ =	sdelay $0x3  }
0x1f0: {  	[tilespmem:v40+s13+$0x0] =	vst.idx.msk $0xffff, v39  }
0x1f1: {  	v39 =	vld.idx.msk [tilespmem:v41+s8+$0x0], $0xffff  }
0x1f2: {  	v40 =	vor.u32 v26, v37  }
0x1f3: {  	v41 =	vor.u32 $0x2380, v36;
	_ =	sdelay $0x3  }
0x1f4: {  	[tilespmem:v40+s13+$0x0] =	vst.idx.msk $0xffff, v39  }
0x1f5: {  	v39 =	vld.idx.msk [tilespmem:v41+s8+$0x0], $0xffff  }
0x1f6: {  	v40 =	vor.u32 v27, v37  }
0x1f7: {  	v41 =	vor.u32 $0x3000, v38;
	_ =	sdelay $0x3  }
0x1f8: {  	[tilespmem:v40+s13+$0x0] =	vst.idx.msk $0xffff, v39  }
0x1f9: {  	v39 =	vld.idx.msk [tilespmem:v41+s8+$0x0], $0xffff  }
0x1fa: {  	v40 =	vor.u32 v28, v37  }
0x1fb: {  	v41 =	vor.u32 $0x3080, v38;
	_ =	sdelay $0x3  }
0x1fc: {  	[tilespmem:v40+s13+$0x0] =	vst.idx.msk $0xffff, v39  }
0x1fd: {  	v39 =	vld.idx.msk [tilespmem:v41+s8+$0x0], $0xffff  }
0x1fe: {  	v40 =	vor.u32 v29, v37  }
0x1ff: {  	v41 =	vor.u32 $0x3100, v38;
	_ =	sdelay $0x3  }
0x200: {  	[tilespmem:v40+s13+$0x0] =	vst.idx.msk $0xffff, v39  }
0x201: {  	v39 =	vld.idx.msk [tilespmem:v41+s8+$0x0], $0xffff  }
0x202: {  	v40 =	vor.u32 v30, v37  }
0x203: {  	v41 =	vor.u32 $0x3180, v36;
	_ =	sdelay $0x3  }
0x204: {  	[tilespmem:v40+s13+$0x0] =	vst.idx.msk $0xffff, v39  }
0x205: {  	v39 =	vld.idx.msk [tilespmem:v41+s8+$0x0], $0xffff  }
0x206: {  	v40 =	vor.u32 v31, v37  }
0x207: {  	v41 =	vor.u32 $0x3200, v38;
	_ =	sdelay $0x3  }
0x208: {  	[tilespmem:v40+s13+$0x0] =	vst.idx.msk $0xffff, v39  }
0x209: {  	v39 =	vld.idx.msk [tilespmem:v41+s8+$0x0], $0xffff  }
0x20a: {  	v40 =	vor.u32 v32, v37  }
0x20b: {  	v41 =	vor.u32 $0x3280, v38;
	_ =	sdelay $0x3  }
0x20c: {  	[tilespmem:v40+s13+$0x0] =	vst.idx.msk $0xffff, v39  }
0x20d: {  	v39 =	vld.idx.msk [tilespmem:v41+s8+$0x0], $0xffff  }
0x20e: {  	v40 =	vor.u32 v33, v37  }
0x20f: {  	v38 =	vor.u32 $0x3300, v38;
	_ =	sdelay $0x3  }
0x210: {  	[tilespmem:v40+s13+$0x0] =	vst.idx.msk $0xffff, v39  }
0x211: {  	v38 =	vld.idx.msk [tilespmem:v38+s8+$0x0], $0xffff  }
0x212: {  	v39 =	vor.u32 v34, v37  }
0x213: {  	v36 =	vor.u32 $0x3380, v36;
	_ =	sdelay $0x3  }
0x214: {  	[tilespmem:v39+s13+$0x0] =	vst.idx.msk $0xffff, v38  }
0x215: {  	s14 =	sand.u32 $0x70, s10;
	v36 =	vld.idx.msk [tilespmem:v36+s8+$0x0], $0xffff  }
0x216: {  	p1 =	sne.s32 s14, $0x0;
	v37 =	vor.u32 v35, v37  }
0x217: {  	s14 =	sshra.s32 @!p1 s10, $0x7  }
0x218: {  	s10 =	sadd.s32 $0x10, s10;
	s15 =	sadd.s32 @!p1 $0xFFFFFFFF, s14;
	p2 =	slt.s32 @!p1 s14, $0x2  }
0x219: {  	s16 =	sand.u32 @!p1 $0x1, s15;
	p2 =	por p2, p1;
	s14 =	sshll.u32 @!p1 s15, $0xC  }
.Ltmp9:
0x21a: {  	s15 =	sxor.u32 @!p2 $0x1, s16;
	s14 =	sadd.s32 @!p1 s23, s14;
	(pc) =	sbr.rel @p0 .LBB2_9-.Ltmp9, $4  }
0x21b: {  	s17 =	sadd.s32 @!p2 $0x5, s15;
	[tilespmem:v37+s13+$0x0] =	vst.idx.msk $0xffff, v36;
	s13 =	sshrl.u32 @!p1 s14, $0x3;
	s14 =	sshll.u32 @!p1 s16, $0xC  }
0x21c: {  	_ =	swait.ge @!p2 [sflag:s17], $0x1000;
	s13 =	sadd.s32 @!p1 s5, s13;
	s14 =	sor.u32 @!p1 $0x1CD80, s14  }
0x21d: {  	s15 =	sadd.s32 @!p1 $0x5, s16;
	s11 =	sadd.s32 $0x200, s11;
	[sflag:s17] =	ssyncset.done @!p2 $0x0  }
0x21e: {  	s12 =	sadd.s32 $0x10, s12;
	s16 =	simm.s32 @!p1 $0x0;
	[sflag:s17] =	ssyncadd.s32 @!p2 $0xFFFFF000  }
.Ltmp10:
0x21f: {  	_ = 	snop;
	(pc) =	sbr.rel .LBB2_10-.Ltmp10, $1  }
0x220: {  	_ =	sdelay $0x3  }
.LBB2_13:
0x221: {  	_ =	sfence.sel $0x180000  }
0x222: {  	[bflag:$0x0] =	sbarrier.arrive $0xFFFF  }
0x223: {  	_ =	strace $0x90000047  }
0x224: {  	s0 =	stileid.u32;
	[bflag:$0x2] =	sbarrier.arrive $0xFFFF  }
0x225: {  	p0 =	sne.s32 s0, $0x0;
	s0 =	rddreg [dreg:$0x3]  }
0x226: {  	s0 =	sadd.s32 @!p0 $0x100000, s0  }
0x227: {  	[sflag:s0] =	ssyncadd.tile.s32 @!p0 $0x1;
	_ =	shalt  }
.Lfunc_end2:
_tile_overlayer_lowered:
.L_overlay_start_2:
0x228: {  	(tag) =	ssettag $0x2  }
0x229: {  	s0 =	rddreg [dreg:$0x0];
	s2 =	stileid.u32  }
0x22a: {  	s1 =	rddreg [dreg:$0x1];
	p0 =	sne.s32 s2, $0x0  }
0x22b: {  	s3 =	rddreg [dreg:$0x2];
	[bflag:$0x3] =	sbarrier.arrive $0xFFFF;
	s2 =	simm.s32 @!p0 $0x1C07  }
0x22c: {  	[timem:s3], [sflag:s2] =	dma.local @!p0 [hbm:s0], s1  }
0x22d: {  	s0 =	simm.s32 @!p0 $0x7  }
0x22e: {  	_ =	swait.ge @!p0 [sflag:s0], s1  }
0x22f: {  	s1 =	ssub.s32 @!p0 $0x0, s1;
	[sflag:s0] =	ssyncset.done @!p0 $0x0  }
0x230: {  	[sflag:s0] =	ssyncadd.s32 @!p0 s1  }
0x231: {  	[bflag:$0x3] =	sbarrier.arrive $0xFFFF  }
0x232: {  	_ =	shalt  }

// kernel: kernel.7.cloned.1.call-start
scs
__scs_entry_jumppad:
0x0: {  	(pc) =	sbr.rel $0x88, $3  }
0x1: {  	(tag) =	ssettag $0x0;
	lr =	simm.s32 $0x1  }
0x2: {  	[smem:$0x3F9F] =	sst lr;
	_ =	strace $0xD0000000  }
0x3: {  	_ = 	snop  }
0x4: {  	_ = 	snop  }
0x5: {  	_ = 	snop  }
0x6: {  	_ = 	snop  }
0x7: {  	_ = 	snop  }
__scs_overlays_trampoline_lowered:
0x8: {  	[smem:$0x3FAE] =	sst s0  }
0x9: {  	[smem:$0x3FAF] =	sst s1  }
0xa: {  	[smem:$0x3FB0] =	sst s2  }
0xb: {  	[smem:$0x3FB1] =	sst s3  }
0xc: {  	[smem:$0x3FB2] =	sst s4  }
0xd: {  	[smem:$0x3FB3] =	sst s5  }
0xe: {  	[smem:$0x3FB4] =	sst s6  }
0xf: {  	[smem:$0x3FB5] =	sst s7  }
0x10: {  	[smem:$0x3FB6] =	sst s8  }
0x11: {  	[smem:$0x3FB7] =	sst s9;
	s0 =	simm.s32 @!p0 $0x0  }
0x12: {  	s1 =	sld [smem:$0x3F9D];
	s0 =	simm.s32 @p0 $0x1  }
0x13: {  	[smem:$0x3FB8] =	sst s0;
	s0 =	simm.s32 @!p1 $0x0  }
0x14: {  	s2 =	sld [smem:$0x3F9C];
	s0 =	simm.s32 @p1 $0x1  }
0x15: {  	[smem:$0x3FB9] =	sst s0;
	s0 =	simm.s32 @!p2 $0x0  }
0x16: {  	s3 =	sld [smem:$0x3FDB];
	s0 =	simm.s32 @p2 $0x1  }
0x17: {  	s4 =	simm.s32 $0x1BF5;
	[smem:$0x3FBB] =	sst s0  }
0x18: {  	s0 =	sld [smem:$0x3F9E];
	_ =	swait.ge [sflag:s4], $0x0  }
0x19: {  	s7 =	sld [smem:$0x3F9F]  }
0x1a: {  	s8 =	sadd.s32 $0xFFFFE003, lr  }
0x1b: {  	s9 =	sadd.s32 $0xFFFFFEF7, lr;
	s5 =	simm.s32 $0xFFFFFFFF;
	p2 =	slt.u32 s8, $0xFFFFF086  }
0x1c: {  	p1 =	slt.u32 s9, $0xF7A;
	s5 =	simm.s32 @!p2 $0x0  }
0x1d: {  	s5 =	simm.s32 @p1 $0x1;
	p0 =	seq.s32 s7, s2  }
0x1e: {  	s7 =	smul.u32 @!p0 $0xF7A, s2;
	p2 =	seq.s32 @!p0 s5, $0x0  }
0x1f: {  	s9 =	smul.u32 $0xF7A, s1;
	s8 =	simm.s32 @!p0 $0x1BF5;
	p2 =	por !p2, p0  }
0x20: {  	[sflag:s8] =	ssyncset.s32 @!p0 $0xFFFFF086;
	s6 =	sadd.s32 @!p0 s3, s7;
	s7 =	simm.s32 @!p0 $0x108  }
0x21: {  	s3 =	sadd.s32 s3, s9;
	s6 =	sadd.s32 @!p0 $0x88, s6;
	s7 =	simm.s32 @p2 $0x1082  }
0x22: {  	[simem:s7], [sflag:s8] =	dma.local @!p0 [hbm:s6], $0xF7A  }
0x23: {  	s9 =	sor.u32 $0xD0000000, s2;
	s6 =	simm.s32 $0x108;
	_ =	swait.ge @!p0 [sflag:s8], $0x0  }
0x24: {  	s3 =	sadd.s32 $0x88, s3;
	s6 =	simm.s32 @!p1 $0x1082;
	[sflag:s4] =	ssyncset.s32 $0xFFFFF086  }
0x25: {  	[simem:s6], [sflag:s4] =	dma.local [hbm:s3], $0xF7A  }
0x26: {  	[smem:$0x3F9F] =	sst s1;
	(tag) =	ssettag s2;
	_ =	strace s9  }
0x27: {  	s1 =	sld [smem:$0x3FAF]  }
0x28: {  	s2 =	sld [smem:$0x3FB0]  }
0x29: {  	s4 =	sld [smem:$0x3FB2]  }
0x2a: {  	p0 =	seq.s32 s5, $0x0;
	s5 =	sld [smem:$0x3FB3]  }
0x2b: {  	s6 =	sld [smem:$0x3FB4]  }
0x2c: {  	s7 =	sld [smem:$0x3FB5]  }
0x2d: {  	s3 =	simm.s32 $0x108;
	s8 =	sld [smem:$0x3FB6]  }
0x2e: {  	s3 =	simm.s32 @!p0 $0x1082;
	s9 =	sld [smem:$0x3FB7]  }
0x2f: {  	lr =	sadd.s32 s0, s3;
	s0 =	sld [smem:$0x3FAE]  }
0x30: {  	s3 =	sld [smem:$0x3FB1]  }
0x31: {  	[smem:$0x3FBA] =	sst s10  }
0x32: {  	s10 =	sld [smem:$0x3FB8];
	_ =	sdelay $0x3  }
0x33: {  	p0 =	seq.s32 s10, $0x1;
	s10 =	sld [smem:$0x3FBA];
	_ =	sdelay $0x3  }
0x34: {  	[smem:$0x3FBA] =	sst s10  }
0x35: {  	s10 =	sld [smem:$0x3FB9];
	_ =	sdelay $0x3  }
0x36: {  	p1 =	seq.s32 s10, $0x1;
	s10 =	sld [smem:$0x3FBA];
	_ =	sdelay $0x3  }
0x37: {  	[smem:$0x3FBA] =	sst s10  }
0x38: {  	s10 =	sld [smem:$0x3FBB]  }
0x39: {  	_ = 	snop;
	(pc) =	sbr.ind lr, $3  }
0x3a: {  	_ = 	snop  }
0x3b: {  	_ = 	snop  }
0x3c: {  	p2 =	seq.s32 s10, $0x1;
	s10 =	sld [smem:$0x3FBA]  }
0x3d: {  	_ =	shalt  }
0x3e: {  	_ =	shalt  }
0x3f: {  	_ =	shalt  }
0x40: {  	_ =	shalt  }
0x41: {  	_ =	shalt  }
0x42: {  	_ =	shalt  }
0x43: {  	_ =	shalt  }
0x44: {  	_ =	shalt  }
0x45: {  	_ =	shalt  }
0x46: {  	_ =	shalt  }
0x47: {  	_ =	shalt  }
0x48: {  	_ =	shalt  }
0x49: {  	_ =	shalt  }
0x4a: {  	_ =	shalt  }
0x4b: {  	_ =	shalt  }
0x4c: {  	_ =	shalt  }
0x4d: {  	_ =	shalt  }
0x4e: {  	_ =	shalt  }
0x4f: {  	_ =	shalt  }
0x50: {  	_ =	shalt  }
0x51: {  	_ =	shalt  }
0x52: {  	_ =	shalt  }
0x53: {  	_ =	shalt  }
0x54: {  	_ =	shalt  }
0x55: {  	_ =	shalt  }
0x56: {  	_ =	shalt  }
0x57: {  	_ =	shalt  }
0x58: {  	_ =	shalt  }
0x59: {  	_ =	shalt  }
0x5a: {  	_ =	shalt  }
0x5b: {  	_ =	shalt  }
0x5c: {  	_ =	shalt  }
0x5d: {  	_ =	shalt  }
0x5e: {  	_ =	shalt  }
0x5f: {  	_ =	shalt  }
0x60: {  	_ =	shalt  }
0x61: {  	_ =	shalt  }
0x62: {  	_ =	shalt  }
0x63: {  	_ =	shalt  }
0x64: {  	_ =	shalt  }
0x65: {  	_ =	shalt  }
0x66: {  	_ =	shalt  }
0x67: {  	_ =	shalt  }
0x68: {  	_ =	shalt  }
0x69: {  	_ =	shalt  }
0x6a: {  	_ =	shalt  }
0x6b: {  	_ =	shalt  }
0x6c: {  	_ =	shalt  }
0x6d: {  	_ =	shalt  }
0x6e: {  	_ =	shalt  }
0x6f: {  	_ =	shalt  }
0x70: {  	_ =	shalt  }
0x71: {  	_ =	shalt  }
0x72: {  	_ =	shalt  }
0x73: {  	_ =	shalt  }
0x74: {  	_ =	shalt  }
0x75: {  	_ =	shalt  }
0x76: {  	_ =	shalt  }
0x77: {  	_ =	shalt  }
0x78: {  	_ =	shalt  }
0x79: {  	_ =	shalt  }
0x7a: {  	_ =	shalt  }
0x7b: {  	_ =	shalt  }
0x7c: {  	_ =	shalt  }
0x7d: {  	_ =	shalt  }
0x7e: {  	_ =	shalt  }
0x7f: {  	_ =	shalt  }
0x80: {  	_ =	shalt  }
0x81: {  	_ =	shalt  }
0x82: {  	_ =	shalt  }
0x83: {  	_ =	shalt  }
0x84: {  	_ =	shalt  }
0x85: {  	_ =	shalt  }
0x86: {  	_ =	shalt  }
0x87: {  	_ =	shalt  }
.Lfunc_end0:
.L_simem_size_0:
called_computation.2_lowered:
.L_overlay_start_0:
0x88: {  	s2 =	sld [smem:$0x3FD9]  }
0x89: {  	s3 =	sld [smem:$0x3FFE];
	_ =	sdelay $0x1  }
0x8a: {  	s1 =	srdreg.scid  }
0x8b: {  	s0 =	sand.u32 $0x1, s1  }
0x8c: {  	s17 =	sshll.u32 s0, $0xA;
	s2 =	sadd.s32 s3, s2  }
0x8d: {  	s2 =	sadd.s32 s2, s17  }
0x8e: {  	[smem:$0x3FC6] =	sst s2  }
0x8f: {  	_ = 	snop  }
0x90: {  	s2 =	sld [smem:$0x3FD0];
	(tm) =	ssettm $0x1  }
0x91: {  	s18 =	sld [smem:$0x3FFB];
	_ =	sdelay $0x3  }
0x92: {  	_ =	strace s18  }
0x93: {  	s3 =	sld [smem:$0x3FFC];
	_ =	sdelay $0x3  }
0x94: {  	_ =	strace s3  }
0x95: {  	s3 =	sld [smem:$0x3FFD];
	_ =	sdelay $0x3  }
0x96: {  	_ =	strace s3  }
0x97: {  	_ =	strace $0x8FFFFFFF  }
0x98: {  	s19 =	sld [smem:$0x3FDB];
	_ =	sdelay $0x1  }
0x99: {  	s4 =	simm.s32 $_scs_section_size  }
0x9a: {  	s5 =	simm.s32 $_size__tile_overlayer_lowered;
	s6 =	simm.s32 $_tile_overlayer_lowered  }
0x9b: {  	s22 =	simm.s32 $0x1BFF;
	s21 =	sshll.u32 s6, $0x1;
	s3 =	sadd.s32 s4, s19  }
0x9c: {  	s7 =	simm.s32 $0x0;
	s20 =	sshll.u32 s5, $0x1;
	s5 =	sadd.s32 s21, s3  }
0x9d: {  	[timem:s7], [sflag:s22] =	dma.local [hbm:s5], s20  }
0x9e: {  	_ =	swait.ge [sflag:s22], s20  }
0x9f: {  	s4 =	ssub.s32 $0x0, s20;
	[sflag:s22] =	ssyncset.done $0x0  }
0xa0: {  	[sflag:s22] =	ssyncadd.s32 s4;
	_ =	sdelay $0x1  }
0xa1: {  	s23 =	simm.s32 $0x1B8B  }
0xa2: {  	_ =	swait.ge [sflag:s23], $0x1  }
0xa3: {  	[sflag:s23] =	ssyncset.done $0x0  }
0xa4: {  	s25 =	simm.s32 $0x1B8E;
	s24 =	sld [smem:$0x3FFE];
	[sflag:s23] =	ssyncadd.s32 $0xFFFFFFFF  }
0xa5: {  	s26 =	simm.s32 $execute0_lowered;
	[smem:$0x3FD2] =	sst s25  }
0xa6: {  	s5 =	sshll.u32 s26, $0x1;
	_ =	strace $0x80000049;
	[dreg:$0x1] =	wrdreg $0xFFFFFFFF  }
0xa7: {  	s28 =	simm.s32 $_size_execute0_lowered;
	s3 =	sadd.s32 s3, s5;
	[dreg:$0x0] =	wrdreg $0x0  }
0xa8: {  	s5 =	sshll.u32 s28, $0x1;
	[dreg:$0x2] =	wrdreg s3  }
0xa9: {  	[dreg:$0x3] =	wrdreg s5  }
0xaa: {  	[dreg:$0x4] =	wrdreg $0xC0  }
0xab: {  	_ =	task [dreg:s7], $0x5FFFF  }
0xac: {  	[dreg:$0x1] =	wrdreg $0xFFFFFFFF  }
0xad: {  	[dreg:$0x0] =	wrdreg $0x60  }
0xae: {  	[dreg:$0x2] =	wrdreg s24  }
0xaf: {  	[dreg:$0x3] =	wrdreg s2  }
0xb0: {  	[dreg:$0x4] =	wrdreg $0x9  }
0xb1: {  	_ =	task.clear_ibuf [dreg:s7], $0x5FFFF;
	_ =	strace $0x90000049  }
0xb2: {  	s29 =	simm.s32 $0x9;
	_ =	strace $0x8000004B  }
0xb3: {  	_ =	swait.ge [sflag:s29], $0x1  }
0xb4: {  	[sflag:s29] =	ssyncadd.s32 $0xFFFFFFFF  }
0xb5: {  	_ =	strace $0x9000004B  }
0xb6: {  	_ =	sfence  }
0xb7: {  	s30 =	sld [smem:$0x0];
	_ =	sdelay $0x2  }
0xb8: {  	s31 =	sshll.u32 s1, $0xD;
	s1 =	sshrl.u32 s1, $0x2  }
0xb9: {  	s3 =	sand.u32 $0x4000, s31;
	s1 =	sadd.s32 s1, s30  }
0xba: {  	s0 =	sor.u32 s3, s0;
	s1 =	sshll.u32 s1, $0x11  }
0xbb: {  	s0 =	sor.u32 s1, s0  }
0xbc: {  	s0 =	sadd.s32 $0x8F2B, s0  }
0xbd: {  	[sflag:s0] =	ssyncadd.remote.s32 $0x1  }
0xbe: {  	_ =	sfence.sel $0xFFFF  }
0xbf: {  	[dreg:$0x0] =	wrdreg $0xFFFFFFFF;
	(pc) =	sbr.abs _section_cstart, $3  }
0xc0: {  	[dreg:$0x1] =	wrdreg $0xFFFFFFFF  }
0xc1: {  	_ =	task.clear_ibuf [dreg:s7], $0x2FFFF;
	_ =	strace $0x9FFFFFFF  }
0xc2: {  	(tm) =	ssettm $0x7FFFFFFF  }
0xc3: {  	_ =	shalt  }
tec
execute0_lowered:
.L_overlay_start_1:
0x0: {  	(tag) =	ssettag $0x1  }
0x1: {  	s0 =	rddreg [dreg:$0x0]  }
0x2: {  	s1 =	rddreg [dreg:$0x1]  }
0x3: {  	s2 =	simm.s32 $0x0;
	s3 =	srdreg.scid;
	s10 =	stileid.u32  }
0x4: {  	s14 =	simm.s32 $0x80;
	s18 =	simm.s32 $0x7800;
	s11 =	simm.s32 $0x3  }
0x5: {  	s12 =	simm.s32 $0x4;
	s15 =	simm.s32 $0x5;
	s17 =	simm.s32 $0x6  }
0x6: {  	s19 =	simm.s32 $0x7;
	s28 =	simm.s32 $0xB;
	s30 =	simm.s32 $0xC  }
0x7: {  	s13 =	simm.s32 $0xF;
	s29 =	simm.s32 $0xB800;
	[smem:$0x7FF] =	sst s2  }
0x8: {  	s4 =	sand.u32 $0x1, s3;
	s5 =	sshll.u32 s10, $0x7;
	s6 =	smul.u32 $0xD0, s10  }
0x9: {  	s3 =	sadd.s32 $0xE000, s0;
	s23 =	smul.u32 $0x1A000, s10;
	_ =	strace $0x8000004A  }
0xa: {  	s7 =	sshll.u32 s4, $0x6;
	s8 =	ssub.s32 $0x2, s4;
	s9 =	smul.u32 $0x68, s4  }
0xb: {  	s25 =	smul.u32 $0xD000, s4;
	s5 =	sor.u32 s7, s5;
	s20 =	sshrl.u32 s8, $0x1  }
0xc: {  	s4 =	simm.s32 $0xD;
	s0 =	sadd.s32 s5, s0;
	s21 =	ssub.s32 s8, s20  }
0xd: {  	s6 =	sadd.s32 s9, s6;
	s20 =	simm.s32 $0x8800;
	s8 =	simm.s32 $0x0  }
0xe: {  	s0 =	sadd.s32 $0x1F8C00, s0;
	s22 =	sshll.u32 s6, $0x9;
	s5 =	smax.u32 s21, $0x1  }
0xf: {  	s21 =	simm.s32 $0x8;
	s6 =	simm.s32 $0x10;
	[dreg:$0x3] =	wrdreg s0  }
0x10: {  	[dreg:$0x4] =	wrdreg s5;
	s24 =	sadd.s32 s22, s1;
	s1 =	sadd.s32 s23, s1  }
0x11: {  	s22 =	simm.s32 $0x9800;
	s23 =	simm.s32 $0x9;
	s5 =	simm.s32 $0xE  }
.Ltmp0:
0x12: {  	s26 =	sadd.s32 $0x800, s24;
	[dreg:$0x5] =	wrdreg s24;
	(pc) =	sbr.rel .LBB2_1-.Ltmp0, $4  }
0x13: {  	s16 =	sadd.s32 $0xC00, s24;
	s31 =	sadd.s32 $0x400, s24;
	[dreg:$0x7] =	wrdreg s26  }
0x14: {  	s0 =	sadd.s32 s25, s1;
	s24 =	simm.s32 $0xA800;
	[dreg:$0x8] =	wrdreg s31  }
0x15: {  	s1 =	simm.s32 $0x2;
	s25 =	simm.s32 $0xA;
	[dreg:$0x9] =	wrdreg s0  }
0x16: {  	v0 =	vlaneseq.u32;
	s26 =	simm.s32 $0xB800;
	s0 =	simm.s32 $0x1;
	[dreg:$0x6] =	wrdreg s16  }
.LBB2_6:
0x17: {  	_ =	swait.ge [sflag:s25], $0x1000  }
0x18: {  	[sflag:s25] =	ssyncset.done $0x0  }
0x19: {  	[sflag:s25] =	ssyncadd.s32 $0xFFFFF000  }
0x1a: {  	_ =	swait.ge [sflag:s28], $0x1000  }
0x1b: {  	[sflag:s28] =	ssyncset.done $0x0  }
0x1c: {  	[sflag:s28] =	ssyncadd.s32 $0xFFFFF000  }
0x1d: {  	_ =	swait.ge [sflag:s30], $0x1000  }
0x1e: {  	[sflag:s30] =	ssyncset.done $0x0  }
0x1f: {  	[sflag:s30] =	ssyncadd.s32 $0xFFFFF000  }
0x20: {  	_ =	swait.ge [sflag:s4], $0x1000  }
0x21: {  	[sflag:s4] =	ssyncset.done $0x0  }
0x22: {  	[sflag:s4] =	ssyncadd.s32 $0xFFFFF000  }
0x23: {  	_ =	swait.ge [sflag:s5], $0x1000  }
0x24: {  	[sflag:s5] =	ssyncset.done $0x0  }
0x25: {  	[sflag:s5] =	ssyncadd.s32 $0xFFFFF000  }
0x26: {  	_ =	swait.ge [sflag:s13], $0x1000  }
0x27: {  	[sflag:s13] =	ssyncset.done $0x0  }
0x28: {  	[sflag:s13] =	ssyncadd.s32 $0xFFFFF000  }
0x29: {  	_ =	swait.ge [sflag:s6], $0x1000  }
0x2a: {  	s8 =	rddreg [dreg:$0xa]  }
0x2b: {  	s7 =	rddreg [dreg:$0x4];
	s8 =	sadd.s32 $0x1, s8  }
0x2c: {  	p0 =	sne.s32 s8, s7  }
.Ltmp1:
0x2d: {  	_ = 	snop;
	(pc) =	sbr.rel @!p0 .LBB2_7-.Ltmp1, $4  }
0x2e: {  	_ = 	snop  }
0x2f: {  	s18 =	simm.s32 $0x7800  }
0x30: {  	s20 =	simm.s32 $0x8800;
	s22 =	simm.s32 $0x9800;
	[sflag:s6] =	ssyncset.done $0x0  }
0x31: {  	s24 =	simm.s32 $0xA800;
	s26 =	simm.s32 $0xB800;
	[sflag:s6] =	ssyncadd.s32 $0xFFFFF000  }
.LBB2_1:
0x32: {  	v1 =	vor.u32 s2, v0  }
0x33: {  	v2 =	vmul.u32 $0x9D8A, v1;
	_ =	sdelay $0x1  }
0x34: {  	v2 =	vshrl.u32 v2, $0x14  }
0x35: {  	v3 =	vmul.u32 $0x7FFFE6, v2;
	_ =	sdelay $0x1  }
0x36: {  	s7 =	simm.s32 $0x10;
	v1 =	vadd.s32 v1, v3  }
0x37: {  	[dreg:$0xa] =	wrdreg s8;
	v4 =	vand.u32 $0x7F8, v2;
	v3 =	vor.u32 s7, v0;
	v1 =	vshll.u32 v1, $0x9  }
0x38: {  	s16 =	rddreg [dreg:$0x3];
	v2 =	vand.u32 $0x7, v2;
	v5 =	vmul.u32 $0x9D8A, v3;
	v1 =	vadd.s32 v4, v1  }
0x39: {  	s9 =	simm.s32 $0x200;
	s10 =	simm.s32 $0x4000;
	s31 =	simm.s32 $0x11;
	v6 =	vor.u32 v2, v1  }
0x3a: {  	[tilespmem:s2], [sflag:$0x11] =	stream.strided.gather [hbm4b:s16+s9], $0x3400, s10, s9, $0x38;
	v2 =	vshrl.u32 v5, $0x14;
	[tilespmem:$0xE800] =	vst v63  }
0x3b: {  	_ =	swait.ge [sflag:s31], $0x3400;
	v1 =	vmul.u32 $0x7FFFE6, v2  }
0x3c: {  	[sflag:s31] =	ssyncset.done $0x0  }
0x3d: {  	s8 =	simm.s32 $0x20;
	[sflag:s31] =	ssyncadd.s32 $0xFFFFCC00;
	v3 =	vadd.s32 v3, v1  }
0x3e: {  	s10 =	simm.s32 $0x30;
	s9 =	simm.s32 $0x0;
	v4 =	vand.u32 $0x7F8, v2;
	v1 =	vor.u32 s8, v0;
	v5 =	vshll.u32 v3, $0x9;
	v3 =	vld.idx.msk [tilespmem:v6+s2+$0x0], $0xffff  }
.LBB2_2:
0x3f: {  	p0 =	sne.s32 s10, $0x33F0;
	v6 =	vmul.u32 $0x9D8A, v1;
	v2 =	vand.u32 $0x7, v2;
	v4 =	vadd.s32 v4, v5  }
0x40: {  	v7 =	vor.u32 v2, v4  }
.Ltmp2:
0x41: {  	v2 =	vshrl.u32 v6, $0x14;
	(pc) =	sbr.rel @p0 .LBB2_2-.Ltmp2, $4  }
0x42: {  	v4 =	vmul.u32 $0x7FFFE6, v2  }
0x43: {  	s16 =	sand.u32 $0x3FF0, s9;
	s9 =	smov.u32 s7;
	s7 =	smov.u32 s8  }
0x44: {  	s8 =	smov.u32 s10;
	v5 =	vadd.s32 v1, v4;
	[tilespmem:s16+$0x3400] =	vst v3  }
0x45: {  	s10 =	sadd.s32 $0x10, s10;
	v1 =	vor.u32 s8, v0;
	v4 =	vand.u32 $0x7F8, v2;
	v5 =	vshll.u32 v5, $0x9;
	v3 =	vld.idx.msk [tilespmem:v7+s2+$0x0], $0xffff  }
0x46: {  	v6 =	vmul.u32 $0x9D8A, v1  }
0x47: {  	v2 =	vand.u32 $0x7, v2;
	v4 =	vadd.s32 v4, v5  }
0x48: {  	v2 =	vor.u32 v2, v4;
	v62 =	vshrl.u32 v6, $0x14  }
0x49: {  	v63 =	vmul.u32 $0x7FFFE6, v62;
	_ =	sdelay $0x1  }
0x4a: {  	s9 =	sand.u32 $0x3FF0, s9;
	v1 =	vadd.s32 v1, v63  }
0x4b: {  	[tilespmem:s9+$0x3400] =	vst v3;
	v3 =	vand.u32 $0x7F8, v62;
	v1 =	vshll.u32 v1, $0x9  }
0x4c: {  	v4 =	vand.u32 $0x7, v62;
	v2 =	vld.idx.msk [tilespmem:v2+s2+$0x0], $0xffff;
	v1 =	vadd.s32 v3, v1  }
0x4d: {  	v1 =	vor.u32 v4, v1;
	_ =	sdelay $0x2  }
0x4e: {  	s7 =	sand.u32 $0x3FF0, s7  }
0x4f: {  	[tilespmem:s7+$0x3400] =	vst v2  }
0x50: {  	v1 =	vld.idx.msk [tilespmem:v1+s2+$0x0], $0xffff;
	_ =	sdelay $0x3  }
0x51: {  	s16 =	sand.u32 $0x3FF0, s8  }
0x52: {  	s8 =	simm.s32 $0x3400;
	s9 =	simm.s32 $0x6800;
	[tilespmem:s16+$0x3400] =	vst v1  }
0x53: {  	[tilespmem:s9], [sflag:$0x1] =	stream.indirect.gather [hbm4b:s3+s14], $0x20, s8, s14, $0xb8;
	[tilespmem:$0xE800] =	vst v63  }
0x54: {  	s10 =	simm.s32 $0x3480  }
0x55: {  	[tilespmem:s18], [sflag:$0x2] =	stream.indirect.gather [hbm4b:s3+s14], $0x20, s10, s14, $0xb8;
	[tilespmem:$0xE800] =	vst v63  }
0x56: {  	s16 =	simm.s32 $0x3500  }
0x57: {  	[tilespmem:s20], [sflag:$0x3] =	stream.indirect.gather [hbm4b:s3+s14], $0x20, s16, s14, $0xb8;
	[tilespmem:$0xE800] =	vst v63  }
0x58: {  	s18 =	simm.s32 $0x3580  }
0x59: {  	[tilespmem:s22], [sflag:$0x4] =	stream.indirect.gather [hbm4b:s3+s14], $0x20, s18, s14, $0xb8;
	[tilespmem:$0xE800] =	vst v63  }
0x5a: {  	s20 =	simm.s32 $0x3600  }
0x5b: {  	[tilespmem:s24], [sflag:$0x5] =	stream.indirect.gather [hbm4b:s3+s14], $0x20, s20, s14, $0xb8;
	[tilespmem:$0xE800] =	vst v63  }
0x5c: {  	s31 =	simm.s32 $0xC800;
	s22 =	simm.s32 $0x3680  }
0x5d: {  	[tilespmem:s26], [sflag:$0x6] =	stream.indirect.gather [hbm4b:s3+s14], $0x20, s22, s14, $0xb8;
	[tilespmem:$0xE800] =	vst v63  }
0x5e: {  	s7 =	simm.s32 $0x0;
	s10 =	simm.s32 $0xD800;
	s24 =	simm.s32 $0x3700  }
0x5f: {  	[tilespmem:s31], [sflag:$0x7] =	stream.indirect.gather [hbm4b:s3+s14], $0x20, s24, s14, $0xb8;
	[tilespmem:$0xE800] =	vst v63  }
0x60: {  	s16 =	rddreg [dreg:$0x6];
	s20 =	simm.s32 $0x7800;
	s26 =	simm.s32 $0x3780  }
0x61: {  	[tilespmem:s10], [sflag:$0x8] =	stream.indirect.gather [hbm4b:s3+s14], $0x20, s26, s14, $0xb8;
	[tilespmem:$0xE800] =	vst v63  }
0x62: {  	s22 =	simm.s32 $0x8800;
	s24 =	simm.s32 $0x9800;
	s26 =	simm.s32 $0xA800  }
.LBB2_4:
0x63: {  	_ =	swait.ge [sflag:s0], $0x1000  }
0x64: {  	[sflag:s0] =	ssyncset.done $0x0;
	s8 =	rddreg [dreg:$0x9]  }
0x65: {  	[sflag:s0] =	ssyncadd.s32 $0xFFFFF000;
	s8 =	sadd.s32 s7, s8  }
0x66: {  	[hbm4b:s8+s2] =	stream.linear.scatter [tilespmem:s9], [sflag:$0x9], $0x1000, $0x38;
	[tilespmem:$0xE800] =	vst v63  }
0x67: {  	_ =	swait.ge [sflag:s1], $0x1000  }
0x68: {  	s18 =	rddreg [dreg:$0x5]  }
0x69: {  	[sflag:s1] =	ssyncset.done $0x0;
	s8 =	sadd.s32 s7, s18  }
0x6a: {  	[sflag:s1] =	ssyncadd.s32 $0xFFFFF000;
	s9 =	sadd.s32 $0x200, s8  }
0x6b: {  	[hbm4b:s9+s2] =	stream.linear.scatter [tilespmem:s20], [sflag:$0xA], $0x1000, $0x38;
	[tilespmem:$0xE800] =	vst v63  }
0x6c: {  	_ =	swait.ge [sflag:s11], $0x1000  }
0x6d: {  	[sflag:s11] =	ssyncset.done $0x0;
	s9 =	rddreg [dreg:$0x8]  }
0x6e: {  	[sflag:s11] =	ssyncadd.s32 $0xFFFFF000;
	s9 =	sadd.s32 s7, s9  }
0x6f: {  	[hbm4b:s9+s2] =	stream.linear.scatter [tilespmem:s22], [sflag:$0xB], $0x1000, $0x38;
	[tilespmem:$0xE800] =	vst v63  }
0x70: {  	_ =	swait.ge [sflag:s12], $0x1000  }
0x71: {  	[sflag:s12] =	ssyncset.done $0x0  }
0x72: {  	s9 =	sadd.s32 $0x600, s8;
	[sflag:s12] =	ssyncadd.s32 $0xFFFFF000  }
0x73: {  	[hbm4b:s9+s2] =	stream.linear.scatter [tilespmem:s24], [sflag:$0xC], $0x1000, $0x38;
	[tilespmem:$0xE800] =	vst v63  }
0x74: {  	_ =	swait.ge [sflag:s15], $0x1000  }
0x75: {  	[sflag:s15] =	ssyncset.done $0x0;
	s9 =	rddreg [dreg:$0x7]  }
0x76: {  	[sflag:s15] =	ssyncadd.s32 $0xFFFFF000;
	s9 =	sadd.s32 s7, s9  }
0x77: {  	[hbm4b:s9+s2] =	stream.linear.scatter [tilespmem:s26], [sflag:$0xD], $0x1000, $0x38;
	[tilespmem:$0xE800] =	vst v63  }
0x78: {  	_ =	swait.ge [sflag:s17], $0x1000  }
0x79: {  	[sflag:s17] =	ssyncset.done $0x0  }
0x7a: {  	s9 =	sadd.s32 $0xA00, s8;
	[sflag:s17] =	ssyncadd.s32 $0xFFFFF000  }
0x7b: {  	[hbm4b:s9+s2] =	stream.linear.scatter [tilespmem:s29], [sflag:$0xE], $0x1000, $0x38;
	[tilespmem:$0xE800] =	vst v63  }
0x7c: {  	_ =	swait.ge [sflag:s19], $0x1000  }
0x7d: {  	[sflag:s19] =	ssyncset.done $0x0  }
0x7e: {  	s9 =	sadd.s32 s7, s16;
	[sflag:s19] =	ssyncadd.s32 $0xFFFFF000  }
0x7f: {  	[hbm4b:s9+s2] =	stream.linear.scatter [tilespmem:s31], [sflag:$0xF], $0x1000, $0x38;
	[tilespmem:$0xE800] =	vst v63  }
0x80: {  	_ =	swait.ge [sflag:s21], $0x1000  }
0x81: {  	p0 =	seq.s32 s7, $0xC000;
	[sflag:s21] =	ssyncset.done $0x0  }
.Ltmp3:
0x82: {  	s8 =	sadd.s32 $0xE00, s8;
	[sflag:s21] =	ssyncadd.s32 $0xFFFFF000;
	(pc) =	sbr.rel @p0 .LBB2_6-.Ltmp3, $4  }
0x83: {  	[hbm4b:s8+s2] =	stream.linear.scatter [tilespmem:s10], [sflag:$0x10], $0x1000, $0x38;
	[tilespmem:$0xE800] =	vst v63  }
0x84: {  	_ =	swait.ge [sflag:s23], $0x1000  }
0x85: {  	[sflag:s23] =	ssyncset.done $0x0  }
0x86: {  	s18 =	simm.s32 $0x6800;
	[sflag:s23] =	ssyncadd.s32 $0xFFFFF000  }
0x87: {  	s8 =	sshra.s32 s7, $0x2  }
0x88: {  	s9 =	sadd.s32 $0x3800, s8  }
0x89: {  	[tilespmem:s18], [sflag:$0x1] =	stream.indirect.gather [hbm4b:s3+s14], $0x20, s9, s14, $0xb8;
	[tilespmem:$0xE800] =	vst v63  }
0x8a: {  	_ =	swait.ge [sflag:s25], $0x1000  }
0x8b: {  	[sflag:s25] =	ssyncset.done $0x0  }
0x8c: {  	s18 =	sadd.s32 $0x3880, s8;
	[sflag:s25] =	ssyncadd.s32 $0xFFFFF000  }
0x8d: {  	[tilespmem:s20], [sflag:$0x2] =	stream.indirect.gather [hbm4b:s3+s14], $0x20, s18, s14, $0xb8;
	[tilespmem:$0xE800] =	vst v63  }
0x8e: {  	_ =	swait.ge [sflag:s28], $0x1000  }
0x8f: {  	[sflag:s28] =	ssyncset.done $0x0  }
0x90: {  	s18 =	sadd.s32 $0x3900, s8;
	[sflag:s28] =	ssyncadd.s32 $0xFFFFF000  }
0x91: {  	[tilespmem:s22], [sflag:$0x3] =	stream.indirect.gather [hbm4b:s3+s14], $0x20, s18, s14, $0xb8;
	[tilespmem:$0xE800] =	vst v63  }
0x92: {  	_ =	swait.ge [sflag:s30], $0x1000  }
0x93: {  	[sflag:s30] =	ssyncset.done $0x0  }
0x94: {  	s18 =	sadd.s32 $0x3980, s8;
	[sflag:s30] =	ssyncadd.s32 $0xFFFFF000  }
0x95: {  	[tilespmem:s24], [sflag:$0x4] =	stream.indirect.gather [hbm4b:s3+s14], $0x20, s18, s14, $0xb8;
	[tilespmem:$0xE800] =	vst v63  }
0x96: {  	_ =	swait.ge [sflag:s4], $0x1000  }
0x97: {  	[sflag:s4] =	ssyncset.done $0x0  }
0x98: {  	s18 =	sadd.s32 $0x3A00, s8;
	[sflag:s4] =	ssyncadd.s32 $0xFFFFF000  }
0x99: {  	[tilespmem:s26], [sflag:$0x5] =	stream.indirect.gather [hbm4b:s3+s14], $0x20, s18, s14, $0xb8;
	[tilespmem:$0xE800] =	vst v63  }
0x9a: {  	_ =	swait.ge [sflag:s5], $0x1000  }
0x9b: {  	[sflag:s5] =	ssyncset.done $0x0  }
0x9c: {  	s18 =	sadd.s32 $0x3A80, s8;
	[sflag:s5] =	ssyncadd.s32 $0xFFFFF000  }
0x9d: {  	[tilespmem:s29], [sflag:$0x6] =	stream.indirect.gather [hbm4b:s3+s14], $0x20, s18, s14, $0xb8;
	[tilespmem:$0xE800] =	vst v63  }
0x9e: {  	_ =	swait.ge [sflag:s13], $0x1000  }
0x9f: {  	[sflag:s13] =	ssyncset.done $0x0  }
0xa0: {  	s31 =	simm.s32 $0xC800;
	s18 =	sadd.s32 $0x3B00, s8;
	[sflag:s13] =	ssyncadd.s32 $0xFFFFF000  }
0xa1: {  	[tilespmem:s31], [sflag:$0x7] =	stream.indirect.gather [hbm4b:s3+s14], $0x20, s18, s14, $0xb8;
	[tilespmem:$0xE800] =	vst v63  }
.Ltmp4:
0xa2: {  	_ = 	snop;
	(pc) =	sbr.rel .LBB2_4-.Ltmp4, $4  }
0xa3: {  	_ =	swait.ge [sflag:s6], $0x1000  }
0xa4: {  	s10 =	simm.s32 $0xD800;
	s7 =	sadd.s32 $0x1000, s7;
	[sflag:s6] =	ssyncset.done $0x0  }
0xa5: {  	s9 =	simm.s32 $0x6800;
	s8 =	sadd.s32 $0x3B80, s8;
	[sflag:s6] =	ssyncadd.s32 $0xFFFFF000  }
0xa6: {  	[tilespmem:s10], [sflag:$0x8] =	stream.indirect.gather [hbm4b:s3+s14], $0x20, s8, s14, $0xb8;
	[tilespmem:$0xE800] =	vst v63  }
.LBB2_7:
0xa7: {  	_ =	sfence.sel $0x180000  }
0xa8: {  	[bflag:$0x0] =	sbarrier.arrive $0xFFFF  }
0xa9: {  	_ =	strace $0x9000004A  }
0xaa: {  	s0 =	stileid.u32;
	[bflag:$0x2] =	sbarrier.arrive $0xFFFF  }
0xab: {  	p0 =	sne.s32 s0, $0x0;
	s0 =	rddreg [dreg:$0x2]  }
0xac: {  	s0 =	sadd.s32 @!p0 $0x100000, s0  }
0xad: {  	[sflag:s0] =	ssyncadd.tile.s32 @!p0 $0x1;
	_ =	shalt  }
.Lfunc_end2:
_tile_overlayer_lowered:
.L_overlay_start_2:
0xae: {  	(tag) =	ssettag $0x2  }
0xaf: {  	s0 =	rddreg [dreg:$0x0];
	s2 =	stileid.u32  }
0xb0: {  	s1 =	rddreg [dreg:$0x1];
	p0 =	sne.s32 s2, $0x0  }
0xb1: {  	s3 =	rddreg [dreg:$0x2];
	[bflag:$0x3] =	sbarrier.arrive $0xFFFF;
	s2 =	simm.s32 @!p0 $0x1C11  }
0xb2: {  	[timem:s3], [sflag:s2] =	dma.local @!p0 [hbm:s0], s1  }
0xb3: {  	s0 =	simm.s32 @!p0 $0x11  }
0xb4: {  	_ =	swait.ge @!p0 [sflag:s0], s1  }
0xb5: {  	s1 =	ssub.s32 @!p0 $0x0, s1;
	[sflag:s0] =	ssyncset.done @!p0 $0x0  }
0xb6: {  	[sflag:s0] =	ssyncadd.s32 @!p0 s1  }
0xb7: {  	[bflag:$0x3] =	sbarrier.arrive $0xFFFF  }
0xb8: {  	_ =	shalt  }

// kernel: sparse-core-data-format-call.cloned.1.call-start
scs
called_computation_lowered:
.L_overlay_start_0:
0x0: {  	s2 =	sld [smem:$0x3FD9]  }
0x1: {  	s3 =	sld [smem:$0x3FFE];
	_ =	sdelay $0x1  }
0x2: {  	s1 =	srdreg.scid  }
0x3: {  	s0 =	sand.u32 $0x1, s1  }
0x4: {  	s18 =	sshll.u32 s0, $0xA;
	s2 =	sadd.s32 s3, s2  }
0x5: {  	s2 =	sadd.s32 s2, s18  }
0x6: {  	[smem:$0x3FC6] =	sst s2  }
0x7: {  	_ = 	snop  }
0x8: {  	s2 =	sld [smem:$0x3FD0];
	(tm) =	ssettm $0x1  }
0x9: {  	s19 =	sld [smem:$0x3FFB];
	_ =	sdelay $0x3  }
0xa: {  	_ =	strace s19  }
0xb: {  	s3 =	sld [smem:$0x3FFC];
	_ =	sdelay $0x3  }
0xc: {  	_ =	strace s3  }
0xd: {  	s3 =	sld [smem:$0x3FFD];
	_ =	sdelay $0x3  }
0xe: {  	_ =	strace s3  }
0xf: {  	_ =	strace $0x8FFFFFFF  }
0x10: {  	s20 =	sld [smem:$0x3FDB];
	_ =	sdelay $0x1  }
0x11: {  	s4 =	simm.s32 $_scs_section_size  }
0x12: {  	s5 =	simm.s32 $_size__tile_overlayer_lowered;
	s6 =	simm.s32 $_tile_overlayer_lowered  }
0x13: {  	s23 =	simm.s32 $0x1BFF;
	s22 =	sshll.u32 s6, $0x1;
	s3 =	sadd.s32 s4, s20  }
0x14: {  	s7 =	simm.s32 $0x0;
	s21 =	sshll.u32 s5, $0x1;
	s5 =	sadd.s32 s22, s3  }
0x15: {  	[timem:s7], [sflag:s23] =	dma.local [hbm:s5], s21  }
0x16: {  	_ =	swait.ge [sflag:s23], s21  }
0x17: {  	s4 =	ssub.s32 $0x0, s21;
	[sflag:s23] =	ssyncset.done $0x0  }
0x18: {  	[sflag:s23] =	ssyncadd.s32 s4;
	_ =	sdelay $0x1  }
0x19: {  	s24 =	simm.s32 $0x1B8B  }
0x1a: {  	_ =	swait.ge [sflag:s24], $0x1  }
0x1b: {  	[sflag:s24] =	ssyncset.done $0x0  }
0x1c: {  	s26 =	simm.s32 $0x1B8E;
	s25 =	sld [smem:$0x3FFE];
	[sflag:s24] =	ssyncadd.s32 $0xFFFFFFFF  }
0x1d: {  	s27 =	simm.s32 $execute0_lowered;
	[smem:$0x3FD2] =	sst s26  }
0x1e: {  	s5 =	sshll.u32 s27, $0x1;
	_ =	strace $0x8000004C;
	[dreg:$0x1] =	wrdreg $0xFFFFFFFF  }
0x1f: {  	s28 =	simm.s32 $_size_execute0_lowered;
	s3 =	sadd.s32 s3, s5;
	[dreg:$0x0] =	wrdreg $0x0  }
0x20: {  	s5 =	sshll.u32 s28, $0x1;
	[dreg:$0x2] =	wrdreg s3  }
0x21: {  	[dreg:$0x3] =	wrdreg s5  }
0x22: {  	[dreg:$0x4] =	wrdreg $0xC0  }
0x23: {  	_ =	task [dreg:s7], $0x5FFFF  }
0x24: {  	[dreg:$0x1] =	wrdreg $0xFFFFFFFF  }
0x25: {  	[dreg:$0x0] =	wrdreg $0x60  }
0x26: {  	[dreg:$0x2] =	wrdreg s25  }
0x27: {  	[dreg:$0x3] =	wrdreg s2  }
0x28: {  	[dreg:$0x4] =	wrdreg $0x9  }
0x29: {  	_ =	task.clear_ibuf [dreg:s7], $0x5FFFF;
	_ =	strace $0x9000004C  }
0x2a: {  	s29 =	simm.s32 $0x9;
	_ =	strace $0x8000004E  }
0x2b: {  	_ =	swait.ge [sflag:s29], $0x1  }
0x2c: {  	[sflag:s29] =	ssyncadd.s32 $0xFFFFFFFF  }
0x2d: {  	_ =	strace $0x9000004E  }
0x2e: {  	_ =	sfence  }
0x2f: {  	s30 =	sld [smem:$0x0];
	_ =	sdelay $0x2  }
0x30: {  	s31 =	sshll.u32 s1, $0xD;
	s1 =	sshrl.u32 s1, $0x2  }
0x31: {  	s3 =	sand.u32 $0x4000, s31;
	s1 =	sadd.s32 s1, s30  }
0x32: {  	s0 =	sor.u32 s3, s0;
	s1 =	sshll.u32 s1, $0x11  }
0x33: {  	s0 =	sor.u32 s1, s0  }
0x34: {  	s0 =	sadd.s32 $0x8F2B, s0  }
0x35: {  	[sflag:s0] =	ssyncadd.remote.s32 $0x1  }
0x36: {  	_ =	sfence.sel $0xFFFF  }
0x37: {  	[dreg:$0x0] =	wrdreg $0xFFFFFFFF;
	(pc) =	sbr.abs _section_cstart, $3  }
0x38: {  	[dreg:$0x1] =	wrdreg $0xFFFFFFFF  }
0x39: {  	_ =	task.clear_ibuf [dreg:s7], $0x2FFFF;
	_ =	strace $0x9FFFFFFF  }
0x3a: {  	(tm) =	ssettm $0x7FFFFFFF  }
0x3b: {  	_ =	shalt  }
tec
execute0_lowered:
.L_overlay_start_1:
0x0: {  	(tag) =	ssettag $0x1  }
0x1: {  	s0 =	srdreg.scid  }
0x2: {  	s1 =	sshll.u32 s0, $0x4  }
0x3: {  	s6 =	rddreg [dreg:$0x0];
	s0 =	stileid.u32;
	s1 =	sand.u32 $0x10, s1  }
0x4: {  	s3 =	rddreg [dreg:$0x1];
	s1 =	sor.u32 s0, s1  }
0x5: {  	s5 =	simm.s32 $0x1;
	s31 =	simm.s32 $0x2;
	s2 =	sshll.u32 s1, $0x7  }
0x6: {  	s15 =	simm.s32 $0x0;
	s8 =	simm.s32 $0x20000;
	s4 =	ssub.s32 $0x4000, s2  }
0x7: {  	s14 =	simm.s32 $0x0;
	s9 =	simm.s32 $0x0;
	s30 =	sand.u32 $0xF80, s4  }
0x8: {  	s10 =	simm.s32 $0x0;
	s11 =	simm.s32 $0x0;
	p0 =	sne.s32 s30, $0x0  }
.Ltmp0:
0x9: {  	s7 =	sshrl.u32 s4, $0xC;
	s5 =	simm.s32 @!p0 $0x0;
	(pc) =	sbr.rel .LBB1_1-.Ltmp0, $4  }
0xa: {  	s13 =	simm.s32 $0x0;
	s1 =	rddreg [dreg:$0x2];
	s5 =	sadd.s32 s5, s7  }
0xb: {  	_ =	strace $0x8000004D;
	s4 =	simm.s32 $0x1;
	s5 =	smul.u32 $0x7, s5  }
0xc: {  	s6 =	sadd.s32 $0x1000, s6;
	s12 =	smov.u32 s2;
	[sflag:s4] =	ssyncpa.u1 $0x0  }
0xd: {  	[sflag:s31] =	ssyncpa.u1 $0x0;
	p0 =	por $0x0, $0x0;
	s7 =	sadd.s32 $0x1, s5  }
.LBB1_4:
0xe: {  	s20 =	sshra.s32 s20, $0x2  }
0xf: {  	s28 =	sand.u32 $0x78, s10;
	s21 =	sshll.u32 s9, $0xE;
	s22 =	sshll.u32 s10, $0x3  }
0x10: {  	s24 =	sshll.u32 s9, $0x7;
	p1 =	sgt.s32 s9, $0x2C0;
	s30 =	sshra.s32 s9, $0x1F  }
0x11: {  	s26 =	sshra.s32 s10, $0x1F;
	s19 =	sadd.s32 s20, s19;
	s21 =	sand.u32 $0xFFFE0000, s21  }
0x12: {  	v5 =	vld [tilespmem:s17+$0xFFFFFFD0];
	[tilespmem:s18+$0x2040 ss:$0x81] =	vst.msk $0xffff, v4;
	s23 =	sand.u32 $0xFFFFFC00, s22;
	s29 =	sand.u32 $0x380, s24;
	s22 =	sand.u32 $0x3C00, s22  }
0x13: {  	v58 =	vld [tilespmem:s17+$0xFFFFFFE0];
	[tilespmem:s18+$0x2850 ss:$0x81] =	vst.msk $0xffff, v3;
	s21 =	sadd.s32 s23, s21;
	s20 =	sor.u32 s28, s22;
	s22 =	smov.u32 s9  }
0x14: {  	v59 =	vld [tilespmem:s17+$0xFFFFFFF0];
	[tilespmem:s18+$0x3060 ss:$0x81] =	vst.msk $0xffff, v2;
	s24 =	sand.u32 s30, s9;
	s21 =	sshrl.u32 s21, $0xE;
	s22 =	simm.s32 @!p1 $0x2C0  }
0x15: {  	v60 =	vld [tilespmem:s17+$0x0];
	[tilespmem:s18+$0x0 ss:$0x81] =	vst.msk $0xffff, v1;
	p1 =	sgt.s32 s10, $0x3F80;
	s31 =	ssub.s32 s22, s24;
	s22 =	smov.u32 s10  }
0x16: {  	v61 =	vld [tilespmem:s17+$0x10];
	[tilespmem:s19+$0x3870 ss:$0x81] =	vst.msk $0xffff, v0;
	s25 =	smulhi.u32 $0x4EC4ED, s21;
	s24 =	sand.u32 s26, s10;
	s22 =	simm.s32 @!p1 $0x3F80  }
0x17: {  	v62 =	vld [tilespmem:s17+$0x20];
	s20 =	sor.u32 s29, s20;
	[tilespmem:s19+$0x810 ss:$0x81] =	vst.msk $0xffff, v5;
	s27 =	sadd.s32 $0xFFFFFD40, s31;
	s22 =	ssub.s32 s22, s24  }
0x18: {  	v63 =	vld [tilespmem:s17+$0xFFFFFFC0];
	[tilespmem:s19+$0x1020 ss:$0x81] =	vst.msk $0xffff, v58;
	s18 =	ssub.s32 $0x340, s31;
	s28 =	smul.u32 $0x340, s25;
	s29 =	sadd.s32 $0xFFFFC080, s22  }
0x19: {  	[tilespmem:s19+$0x1830 ss:$0x81] =	vst.msk $0xffff, v59;
	p1 =	sgt.s32 s27, $0x7F;
	s22 =	ssub.s32 $0x4000, s22;
	p2 =	sgt.s32 s29, $0x7F  }
0x1a: {  	s30 =	sand.u32 $0x7, s10;
	[tilespmem:s19+$0x2040 ss:$0x81] =	vst.msk $0xffff, v60;
	s18 =	simm.s32 @p1 $0x0;
	s22 =	simm.s32 @p2 $0x0  }
0x1b: {  	s20 =	sshrl.u32 s20, $0x3;
	[tilespmem:s19+$0x2850 ss:$0x81] =	vst.msk $0xffff, v61;
	s17 =	ssub.s32 s21, s28;
	s18 =	smul.u32 s22, s18  }
0x1c: {  	[tilespmem:s19+$0x3060 ss:$0x81] =	vst.msk $0xffff, v62;
	s20 =	sadd.s32 s3, s20;
	s21 =	sshll.u32 s30, $0x12;
	s17 =	sshll.u32 s17, $0xB  }
0x1d: {  	[tilespmem:s19+$0x0 ss:$0x81] =	vst.msk $0xffff, v63;
	s31 =	sor.u32 $0x400, s21;
	s17 =	sadd.s32 s17, s20;
	s18 =	sand.u32 $0x3FFFFFFF, s18  }
0x1e: {  	[hbm4b:s17+s31] =	stream.strided.scatter [tilespmem:s16], [sflag:$0x2], s18, s8, s31, $0x20;
	[tilespmem:$0x10100] =	vst v63  }
.LBB1_5:
0x1f: {  	p1 =	slt.u32 s13, $0x2  }
0x20: {  	s17 =	smov.u32 s15;
	p2 =	sgt.s32 @!p1 s15, $0x2C0;
	s16 =	sshra.s32 @!p1 s15, $0x1F  }
0x21: {  	p3 =	sgt.s32 @!p1 s14, $0x3F80;
	s18 =	sshra.s32 @!p1 s14, $0x1F;
	p2 =	por !p2, p1  }
0x22: {  	s15 =	sand.u32 @!p1 s16, s15;
	p3 =	por !p3, p1;
	s16 =	smov.u32 s14  }
0x23: {  	s14 =	sand.u32 @!p1 s18, s14;
	s17 =	simm.s32 @p2 $0x2C0;
	s16 =	simm.s32 @p3 $0x3F80  }
0x24: {  	s15 =	ssub.s32 @!p1 s17, s15;
	s14 =	ssub.s32 @!p1 s16, s14  }
0x25: {  	s18 =	smov.u32 s12;
	s16 =	sadd.s32 @!p1 $0xFFFFFD40, s15;
	s17 =	sadd.s32 @!p1 $0xFFFFC080, s14  }
0x26: {  	s15 =	ssub.s32 @!p1 $0x340, s15;
	p2 =	sgt.s32 @!p1 s16, $0x7F;
	p3 =	sgt.s32 @!p1 s17, $0x7F  }
0x27: {  	s14 =	ssub.s32 @!p1 $0x4000, s14;
	p2 =	por !p2, p1;
	p3 =	por !p3, p1  }
0x28: {  	s16 =	sadd.s32 $0x80, s11;
	s15 =	simm.s32 @!p2 $0x0;
	s14 =	simm.s32 @!p3 $0x0  }
0x29: {  	p2 =	sgt.s32 s16, $0x33F;
	s14 =	smul.u32 @!p1 s14, s15;
	s15 =	sadd.s32 $0x1000, s12  }
0x2a: {  	s18 =	smov.u32 @p2 s15  }
0x2b: {  	s16 =	simm.s32 @p2 $0x0;
	p2 =	sgt.s32 s18, $0x3FFF  }
0x2c: {  	s18 =	smov.u32 @p2 s2;
	p2 =	sne.s32 s13, s7  }
.Ltmp1:
0x2d: {  	p0 =	por !p0, !p0;
	s17 =	simm.s32 @!p1 $0x2;
	(pc) =	sbr.rel @!p2 .LBB1_6-.Ltmp1, $4  }
0x2e: {  	s15 =	smov.u32 s9;
	s9 =	smov.u32 s11;
	s14 =	sand.u32 @!p1 $0x3FFFFFFF, s14  }
0x2f: {  	s11 =	smov.u32 s16;
	_ =	swait.ge @!p1 [sflag:s17], s14;
	s19 =	ssub.s32 @!p1 $0x0, s14  }
0x30: {  	s14 =	smov.u32 s10;
	s13 =	sadd.s32 $0x1, s13;
	[sflag:s17] =	ssyncset.done @!p1 $0x0  }
0x31: {  	s10 =	smov.u32 s12;
	s12 =	smov.u32 s18;
	[sflag:s17] =	ssyncadd.s32 @!p1 s19  }
.LBB1_1:
0x32: {  	p1 =	sge.u32 s13, s5  }
0x33: {  	s16 =	sshrl.u32 @!p1 s12, $0x3  }
0x34: {  	s17 =	sshll.u32 @!p1 s11, $0x3;
	s16 =	smul.u32 @!p1 $0x1C00, s16  }
0x35: {  	s18 =	sshll.u32 @!p1 s12, $0x7;
	s17 =	sand.u32 @!p1 $0xFFFFFC00, s17  }
0x36: {  	s16 =	sadd.s32 @!p1 s16, s17;
	s17 =	sand.u32 @!p1 $0x380, s18  }
0x37: {  	s16 =	sor.u32 @!p1 s17, s16  }
0x38: {  	s17 =	sshrl.u32 @!p1 s16, $0x7  }
0x39: {  	s17 =	smulhi.u32 @!p1 $0x24924925, s17;
	_ =	sdelay $0x1  }
0x3a: {  	s18 =	sand.u32 @!p1 $0x7F, s11;
	s19 =	smul.u32 @!p1 $0x380, s17  }
0x3b: {  	s31 =	sadd.s32 $0xFFFFFFFF, s13;
	s16 =	sor.u32 @!p1 s18, s16;
	s18 =	sxor.u32 @!p1 $0xFFFFFFFF, s13  }
0x3c: {  	s18 =	sshll.u32 @!p1 s18, $0xE;
	s17 =	sand.u32 @!p1 $0x3FFF, s17;
	s16 =	ssub.s32 @!p1 s16, s19  }
0x3d: {  	s17 =	smul.u32 @!p1 $0x70, s17;
	s19 =	sshrl.u32 @!p1 s16, $0x3;
	s16 =	sand.u32 @!p1 $0x7, s16  }
0x3e: {  	s18 =	sand.u32 @!p1 $0x4000, s18;
	s19 =	sadd.s32 @!p1 s6, s19;
	s16 =	sshll.u32 @!p1 s16, $0x12  }
0x3f: {  	s17 =	sadd.s32 @!p1 s17, s19;
	s16 =	sor.u32 @!p1 $0x400, s16;
	s19 =	simm.s32 @!p1 $0x1C00  }
0x40: {  	[tilespmem:s18], [sflag:$0x1] =	stream.strided.gather @!p1 [hbm4b:s17+s16], $0x4000, s19, s16, $0x38;
	[tilespmem:$0x10100] =	vst v63  }
0x41: {  	p1 =	sge.u32 s31, s5  }
.Ltmp2:
0x42: {  	_ = 	snop;
	(pc) =	sbr.rel @p1 .LBB1_5-.Ltmp2, $1  }
0x43: {  	_ =	sdelay $0x3  }
0x44: {  	s16 =	simm.s32 $0x1  }
0x45: {  	_ =	swait.ge [sflag:s4], $0x4000;
	s16 =	simm.s32 @!p0 $0x0  }
0x46: {  	[sflag:s4] =	ssyncset.done $0x0;
	s17 =	sshll.u32 s16, $0xE  }
0x47: {  	[sflag:s4] =	ssyncadd.s32 $0xFFFFC000;
	s17 =	sor.u32 $0x40, s17  }
0x48: {  	s16 =	smul.u32 $0x10200, s16;
	v0 =	vld [tilespmem:s17+$0x30]  }
0x49: {  	v1 =	vld [tilespmem:s17+$0xFFFFFFD0]  }
0x4a: {  	s16 =	sshrl.u32 s16, $0x2;
	v5 =	vld [tilespmem:s17+$0xFFFFFFE0]  }
0x4b: {  	v6 =	vld [tilespmem:s17+$0xFFFFFFF0];
	s19 =	sor.u32 $0x8000, s16  }
0x4c: {  	s31 =	sand.u32 $0x1, s13;
	v4 =	vld [tilespmem:s17+$0x0];
	s18 =	sadd.s32 $0x0, s19  }
0x4d: {  	v3 =	vld [tilespmem:s17+$0x10];
	s16 =	smul.u32 $0x10200, s31;
	[tilespmem:s18+$0x3870 ss:$0x81] =	vst.msk $0xffff, v0  }
0x4e: {  	v2 =	vld [tilespmem:s17+$0x20];
	[tilespmem:s18+$0x810 ss:$0x81] =	vst.msk $0xffff, v1  }
0x4f: {  	s16 =	sshrl.u32 s16, $0x2;
	v1 =	vld [tilespmem:s17+$0xFFFFFFC0];
	[tilespmem:s18+$0x1020 ss:$0x81] =	vst.msk $0xffff, v5;
	s17 =	sadd.s32 $0x80, s17  }
0x50: {  	s20 =	simm.s32 $0x4;
	s21 =	simm.s32 $0x8;
	s16 =	sor.u32 $0x8000, s16;
	[tilespmem:s18+$0x1830 ss:$0x81] =	vst.msk $0xffff, v6;
	v0 =	vld [tilespmem:s17+$0x30]  }
.LBB1_3:
0x51: {  	p1 =	sne.s32 s21, $0x1FC;
	v5 =	vld [tilespmem:s17+$0xFFFFFFD0];
	[tilespmem:s18+$0x2040 ss:$0x81] =	vst.msk $0xffff, v4  }
0x52: {  	v6 =	vld [tilespmem:s17+$0xFFFFFFE0];
	[tilespmem:s18+$0x2850 ss:$0x81] =	vst.msk $0xffff, v3  }
0x53: {  	s22 =	sshra.s32 s20, $0x2;
	s20 =	smov.u32 s21;
	v7 =	vld [tilespmem:s17+$0xFFFFFFF0];
	[tilespmem:s18+$0x3060 ss:$0x81] =	vst.msk $0xffff, v2  }
.Ltmp3:
0x54: {  	v4 =	vld [tilespmem:s17+$0x0];
	[tilespmem:s18+$0x0 ss:$0x81] =	vst.msk $0xffff, v1;
	s18 =	sadd.s32 s22, s19;
	(pc) =	sbr.rel @p1 .LBB1_3-.Ltmp3, $4  }
0x55: {  	v3 =	vld [tilespmem:s17+$0x10];
	[tilespmem:s18+$0x3870 ss:$0x81] =	vst.msk $0xffff, v0  }
0x56: {  	[tilespmem:s18+$0x810 ss:$0x81] =	vst.msk $0xffff, v5;
	v2 =	vld [tilespmem:s17+$0x20]  }
0x57: {  	v1 =	vld [tilespmem:s17+$0xFFFFFFC0];
	[tilespmem:s18+$0x1020 ss:$0x81] =	vst.msk $0xffff, v6;
	s17 =	sadd.s32 $0x80, s17  }
0x58: {  	s21 =	sadd.s32 $0x4, s21;
	v0 =	vld [tilespmem:s17+$0x30];
	[tilespmem:s18+$0x1830 ss:$0x81] =	vst.msk $0xffff, v7  }
.Ltmp4:
0x59: {  	_ = 	snop;
	(pc) =	sbr.rel .LBB1_4-.Ltmp4, $1  }
0x5a: {  	_ =	sdelay $0x3  }
.LBB1_6:
0x5b: {  	_ =	sfence.sel $0x180000  }
0x5c: {  	s2 =	simm.s32 $0x1;
	[bflag:$0x0] =	sbarrier.arrive $0xFFFF  }
0x5d: {  	s31 =	simm.s32 $0x2;
	[sflag:s2] =	ssyncpa.u1 $0x1  }
0x5e: {  	[sflag:s31] =	ssyncpa.u1 $0x1  }
0x5f: {  	p0 =	sne.s32 s0, $0x0;
	_ =	strace $0x9000004D  }
0x60: {  	s0 =	sadd.s32 @!p0 $0x100000, s1;
	[bflag:$0x2] =	sbarrier.arrive $0xFFFF  }
0x61: {  	[sflag:s0] =	ssyncadd.tile.s32 @!p0 $0x1;
	_ =	shalt  }
.Lfunc_end1:
_tile_overlayer_lowered:
.L_overlay_start_2:
0x62: {  	(tag) =	ssettag $0x2  }
0x63: {  	s0 =	rddreg [dreg:$0x0];
	s2 =	stileid.u32  }
0x64: {  	s1 =	rddreg [dreg:$0x1];
	p0 =	sne.s32 s2, $0x0  }
0x65: {  	s3 =	rddreg [dreg:$0x2];
	[bflag:$0x3] =	sbarrier.arrive $0xFFFF;
	s2 =	simm.s32 @!p0 $0x1C01  }
0x66: {  	[timem:s3], [sflag:s2] =	dma.local @!p0 [hbm:s0], s1  }
0x67: {  	s0 =	simm.s32 @!p0 $0x1  }
0x68: {  	_ =	swait.ge @!p0 [sflag:s0], s1  }
0x69: {  	s1 =	ssub.s32 @!p0 $0x0, s1;
	[sflag:s0] =	ssyncset.done @!p0 $0x0  }
0x6a: {  	[sflag:s0] =	ssyncadd.s32 @!p0 s1  }
0x6b: {  	[bflag:$0x3] =	sbarrier.arrive $0xFFFF  }
0x6c: {  	_ =	shalt  }

</sc_bundles>
